<compile_context>
chip_gen: v7x
topology: tpu7x:2x2x1
jax: 0.10.2.dev20260603
libtpu: 0.0.44.dev20260713+nightly
codegen_flags: <defaults>
</compile_context>

<pallas_src>
import functools

import jax
import jax.numpy as jnp
from jax import lax
from jax.experimental import pallas as pl
from jax.experimental.pallas import tpu as pltpu
from jax.experimental.pallas import tpu_sc as plsc

_NW = 32

_TC_ROWS = 4096


def _rsqrt_approx(x):
    i = lax.bitcast_convert_type(x, jnp.int32)
    y = lax.bitcast_convert_type(jnp.int32(0x5F3759DF) - (i >> 1), jnp.float32)
    for _ in range(4):
        y = y * (1.5 - 0.5 * x * y * y)
    return y


def _sc_renew_body(dlat, steps_hbm, done_hbm, newsteps_hbm, lat_hbm, newlat_hbm,
                   latout_hbm, stepsout_hbm,
                   buf, nlbuf, steps_v, done_v, newsteps_v, stepsout_v):
    rpw = steps_v.shape[0]
    w = lax.axis_index("s") * 2 + lax.axis_index("c")
    base = w * rpw
    nq = dlat // 16

    pltpu.sync_copy(steps_hbm.at[pl.ds(base, rpw)], steps_v)
    pltpu.sync_copy(done_hbm.at[pl.ds(base, rpw)], done_v)
    pltpu.sync_copy(newsteps_hbm.at[pl.ds(base, rpw)], newsteps_v)
    pltpu.sync_copy(lat_hbm.at[pl.ds(base * dlat, rpw * dlat)], buf)
    pltpu.sync_copy(newlat_hbm.at[pl.ds(base * dlat, rpw * dlat)], nlbuf)

    def renew_row(r):
        off = r * dlat
        chunks = [nlbuf[pl.ds(off + q * 16, 16)] for q in range(nq)]
        acc = chunks[0] * chunks[0]
        for q in range(1, nq):
            acc = acc + chunks[q] * chunks[q]
        ssq = acc[0]
        for l in range(1, 16):
            ssq = ssq + acc[l]
        ssc = jnp.maximum(jnp.full((16,), ssq, jnp.float32), 1e-12)
        y = _rsqrt_approx(ssc)
        nrm = ssc * y
        inv = 1.0 / jnp.maximum(nrm, 1e-6)
        for q in range(nq):
            buf[pl.ds(off + q * 16, 16)] = chunks[q] * inv

    def group(g, carry):
        sv = steps_v[pl.ds(g * 16, 16)]
        dv = done_v[pl.ds(g * 16, 16)]
        nv = newsteps_v[pl.ds(g * 16, 16)]
        renew = (dv != 0) | (sv <= 0)
        stepsout_v[pl.ds(g * 16, 16)] = jnp.where(renew, nv, sv) - 1
        renew_i = jnp.where(renew, 1, 0)
        for j in range(16):
            def do(c, j=j):
                renew_row(g * 16 + j)
                return c
            carry = lax.cond(renew_i[j] != 0, do, lambda c: c, carry)
        return carry

    lax.fori_loop(0, rpw // 16, group, 0)

    pltpu.sync_copy(buf, latout_hbm.at[pl.ds(base * dlat, rpw * dlat)])
    pltpu.sync_copy(stepsout_v, stepsout_hbm.at[pl.ds(base, rpw)])


def _tc_obs_body(obs_ref, w_ref, z_ref):
    z_ref[...] = jnp.dot(obs_ref[...], w_ref[...],
                         preferred_element_type=jnp.float32)


def _tc_fin_body(z_ref, latout_ref, w_ref, b_ref, act_ref):
    z = z_ref[...] + jnp.dot(latout_ref[...], w_ref[...],
                             preferred_element_type=jnp.float32)
    act_ref[...] = jnp.tanh(z + b_ref[...])


def kernel(latents, obs, new_latents, W, b, latent_steps, done_mask, new_steps):
    n, d_lat = latents.shape
    d_obs = obs.shape[1]
    d_act = W.shape[1]
    rpw = n // _NW

    done_i = done_mask.astype(jnp.int32)
    mesh = plsc.VectorSubcoreMesh(core_axis_name="c", subcore_axis_name="s")

    renew = functools.partial(
        pl.kernel,
        mesh=mesh,
        out_type=[
            jax.ShapeDtypeStruct((n * d_lat,), jnp.float32),
            jax.ShapeDtypeStruct((n,), jnp.int32),
        ],
        scratch_types=[
            pltpu.VMEM((rpw * d_lat,), jnp.float32),
            pltpu.VMEM((rpw * d_lat,), jnp.float32),
            pltpu.VMEM((rpw,), jnp.int32),
            pltpu.VMEM((rpw,), jnp.int32),
            pltpu.VMEM((rpw,), jnp.int32),
            pltpu.VMEM((rpw,), jnp.int32),
        ],
    )(functools.partial(_sc_renew_body, d_lat))
    latflat_out, steps_out = renew(latent_steps, done_i, new_steps,
                                   latents.reshape(-1), new_latents.reshape(-1))
    latents_out = latflat_out.reshape(n, d_lat)

    r = _TC_ROWS
    z = pl.pallas_call(
        _tc_obs_body,
        grid=(n // r,),
        in_specs=[
            pl.BlockSpec((r, d_obs), lambda i: (i, 0)),
            pl.BlockSpec((d_obs, d_act), lambda i: (0, 0)),
        ],
        out_specs=pl.BlockSpec((r, d_act), lambda i: (i, 0)),
        out_shape=jax.ShapeDtypeStruct((n, d_act), jnp.float32),
    )(obs, W[:d_obs])

    action = pl.pallas_call(
        _tc_fin_body,
        grid=(n // r,),
        in_specs=[
            pl.BlockSpec((r, d_act), lambda i: (i, 0)),
            pl.BlockSpec((r, d_lat), lambda i: (i, 0)),
            pl.BlockSpec((d_lat, d_act), lambda i: (0, 0)),
            pl.BlockSpec((1, d_act), lambda i: (0, 0)),
        ],
        out_specs=pl.BlockSpec((r, d_act), lambda i: (i, 0)),
        out_shape=jax.ShapeDtypeStruct((n, d_act), jnp.float32),
    )(z, latents_out, W[d_obs:], b.reshape(1, d_act))

    return action, latents_out, steps_out

# --- scband reference (transcript-rebuilt; emitter-appended) ---
"""Pipeline reference for scband-latent-skill-collector-policy-83777632075929 (READ-ONLY COPY).

The authoritative reference and input builder live on the scoring server;
editing this copy changes nothing except your own understanding.
"""

import jax, jax.numpy as jnp
import numpy as np

B = 16384
LATENT_DIM = 64
OBS_DIM = 512
ACT_DIM = 64
STEPS_MAX = 200


def setup_inputs(seed: int = 0) -> dict:
    key = jax.random.key(seed)
    k1, k2, k3, k4, k5, k6, k7 = jax.random.split(key, 7)
    latents = jax.random.normal(k1, (B, LATENT_DIM), dtype=jnp.float32)
    # stored latents are unit-normalized (F.normalize semantics)
    latents = latents / jnp.maximum(jnp.linalg.norm(latents, axis=-1, keepdims=True), 1e-6)
    obs = jax.random.normal(k2, (B, OBS_DIM), dtype=jnp.float32)
    new_latents = jax.random.normal(k3, (B, LATENT_DIM), dtype=jnp.float32)
    W = jax.random.normal(k4, (OBS_DIM + LATENT_DIM, ACT_DIM), dtype=jnp.float32) * 0.02
    b = jnp.zeros((ACT_DIM,), dtype=jnp.float32)
    latent_steps = jax.random.randint(k5, (B,), 0, STEPS_MAX, dtype=jnp.int32)
    done_mask = jax.random.bernoulli(k6, 0.05, (B,))
    new_steps = jax.random.randint(k7, (B,), 50, STEPS_MAX + 1, dtype=jnp.int32)
    return {
        'latents': latents,
        'obs': obs,
        'new_latents': new_latents,
        'W': W,
        'b': b,
        'latent_steps': latent_steps,
        'done_mask': done_mask,
        'new_steps': new_steps,
    }


def reference(latents, obs, new_latents, W, b, latent_steps, done_mask, new_steps):
    # _inject_collector_latents: renew latent memory rows where env is done or
    # the per-env latent step budget is exhausted (scatter-overwrite into memory).
    renew_mask = done_mask | (latent_steps <= 0)
    # _sample_collector_latents -> F.normalize(randn, dim=-1, eps=1e-6)
    nrm = jnp.linalg.norm(new_latents, axis=-1, keepdims=True)
    unit_new = new_latents / jnp.maximum(nrm, 1e-6)
    # scatter-overwrite: latents[renew_mask] = unit_new[renew_mask]
    latents_out = jnp.where(renew_mask[:, None], unit_new, latents)
    # latent_steps[renew_mask] = new_steps[renew_mask]; then decrement all
    steps_out = jnp.where(renew_mask, new_steps, latent_steps) - 1
    # stamp latent into the tensordict and run the wrapped policy module
    # (policy modeled as a single tanh MLP layer on [obs, latent])
    feat = jnp.concatenate([obs, latents_out], axis=-1)
    action = jnp.tanh(feat @ W + b)
    return action, latents_out, steps_out

if __name__ == "__main__":
    import jax
    _d = setup_inputs()
    print(jax.jit(kernel)(*tuple(_d.values())))

</pallas_src>

<mosaic_0001>
#map = affine_map<(d0, d1) -> (0)>
module attributes {stable_mosaic.version = 14 : i64} {
  func.func @_sc_renew_body(%arg0: i32, %arg1: i32, %arg2: memref<16384xi32, #tpu.memory_space<hbm>>, %arg3: memref<16384xi32, #tpu.memory_space<hbm>>, %arg4: memref<16384xi32, #tpu.memory_space<hbm>>, %arg5: memref<1048576xf32, #tpu.memory_space<hbm>>, %arg6: memref<1048576xf32, #tpu.memory_space<hbm>>, %arg7: memref<1048576xf32, #tpu.memory_space<hbm>>, %arg8: memref<16384xi32, #tpu.memory_space<hbm>>, %arg9: memref<32768xf32, #tpu.memory_space<vmem>>, %arg10: memref<32768xf32, #tpu.memory_space<vmem>>, %arg11: memref<512xi32, #tpu.memory_space<vmem>>, %arg12: memref<512xi32, #tpu.memory_space<vmem>>, %arg13: memref<512xi32, #tpu.memory_space<vmem>>, %arg14: memref<512xi32, #tpu.memory_space<vmem>>) attributes {dimension_semantics = [#tpu.dimension_semantics<core_parallel>, #tpu.dimension_semantics<subcore_parallel>], iteration_bounds = array<i64: 2, 16>, scalar_prefetch = 0 : i64, scratch_operands = 6 : i64, tpu.core_type = #tpu.core_type<sc_vector_subcore>, window_params = [{transform_indices = #map}, {transform_indices = #map}, {transform_indices = #map}, {transform_indices = #map}, {transform_indices = #map}, {transform_indices = #map}, {transform_indices = #map}]} {
    %mul3A = arith.constant 2 : i32
    %mul3A_0 = arith.muli %arg1, %mul3A : i32
    %add3A = arith.addi %mul3A_0, %arg0 : i32
    %mul3A_1 = arith.constant 512 : i32
    %mul3A_2 = arith.muli %add3A, %mul3A_1 : i32
    "tpu.region"() ({
      %run_scoped3A = tpu.sem_alloc : memref<!tpu.dma_semaphore, #tpu.memory_space<semaphore_mem>>
      %dma_start3A = tpu.memref_slice %arg2[%mul3A_2] : memref<16384xi32, #tpu.memory_space<hbm>> -> memref<512xi32, #tpu.memory_space<hbm>>
      %dma_start3A_14 = tpu.memref_slice %arg2[%mul3A_2] : memref<16384xi32, #tpu.memory_space<hbm>> -> memref<512xi32, #tpu.memory_space<hbm>>
      tpu.enqueue_dma source(%dma_start3A_14 : memref<512xi32, #tpu.memory_space<hbm>>) target(%arg11 : memref<512xi32, #tpu.memory_space<vmem>>) target_semaphore(%run_scoped3A : memref<!tpu.dma_semaphore, #tpu.memory_space<semaphore_mem>>)
      %dma_wait3A = tpu.memref_slice %arg2[%mul3A_2] : memref<16384xi32, #tpu.memory_space<hbm>> -> memref<512xi32, #tpu.memory_space<hbm>>
      %dma_wait3A_15 = tpu.memref_slice %arg2[%mul3A_2] : memref<16384xi32, #tpu.memory_space<hbm>> -> memref<512xi32, #tpu.memory_space<hbm>>
      tpu.wait_dma2 semaphore(%run_scoped3A : memref<!tpu.dma_semaphore, #tpu.memory_space<semaphore_mem>>) src(%dma_wait3A_15 : memref<512xi32, #tpu.memory_space<hbm>>) dst(%arg11 : memref<512xi32, #tpu.memory_space<vmem>>)
      tpu.yield
    }) : () -> ()
    "tpu.region"() ({
      %run_scoped3A = tpu.sem_alloc : memref<!tpu.dma_semaphore, #tpu.memory_space<semaphore_mem>>
      %dma_start3A = tpu.memref_slice %arg3[%mul3A_2] : memref<16384xi32, #tpu.memory_space<hbm>> -> memref<512xi32, #tpu.memory_space<hbm>>
      %dma_start3A_14 = tpu.memref_slice %arg3[%mul3A_2] : memref<16384xi32, #tpu.memory_space<hbm>> -> memref<512xi32, #tpu.memory_space<hbm>>
      tpu.enqueue_dma source(%dma_start3A_14 : memref<512xi32, #tpu.memory_space<hbm>>) target(%arg12 : memref<512xi32, #tpu.memory_space<vmem>>) target_semaphore(%run_scoped3A : memref<!tpu.dma_semaphore, #tpu.memory_space<semaphore_mem>>)
      %dma_wait3A = tpu.memref_slice %arg3[%mul3A_2] : memref<16384xi32, #tpu.memory_space<hbm>> -> memref<512xi32, #tpu.memory_space<hbm>>
      %dma_wait3A_15 = tpu.memref_slice %arg3[%mul3A_2] : memref<16384xi32, #tpu.memory_space<hbm>> -> memref<512xi32, #tpu.memory_space<hbm>>
      tpu.wait_dma2 semaphore(%run_scoped3A : memref<!tpu.dma_semaphore, #tpu.memory_space<semaphore_mem>>) src(%dma_wait3A_15 : memref<512xi32, #tpu.memory_space<hbm>>) dst(%arg12 : memref<512xi32, #tpu.memory_space<vmem>>)
      tpu.yield
    }) : () -> ()
    "tpu.region"() ({
      %run_scoped3A = tpu.sem_alloc : memref<!tpu.dma_semaphore, #tpu.memory_space<semaphore_mem>>
      %dma_start3A = tpu.memref_slice %arg4[%mul3A_2] : memref<16384xi32, #tpu.memory_space<hbm>> -> memref<512xi32, #tpu.memory_space<hbm>>
      %dma_start3A_14 = tpu.memref_slice %arg4[%mul3A_2] : memref<16384xi32, #tpu.memory_space<hbm>> -> memref<512xi32, #tpu.memory_space<hbm>>
      tpu.enqueue_dma source(%dma_start3A_14 : memref<512xi32, #tpu.memory_space<hbm>>) target(%arg13 : memref<512xi32, #tpu.memory_space<vmem>>) target_semaphore(%run_scoped3A : memref<!tpu.dma_semaphore, #tpu.memory_space<semaphore_mem>>)
      %dma_wait3A = tpu.memref_slice %arg4[%mul3A_2] : memref<16384xi32, #tpu.memory_space<hbm>> -> memref<512xi32, #tpu.memory_space<hbm>>
      %dma_wait3A_15 = tpu.memref_slice %arg4[%mul3A_2] : memref<16384xi32, #tpu.memory_space<hbm>> -> memref<512xi32, #tpu.memory_space<hbm>>
      tpu.wait_dma2 semaphore(%run_scoped3A : memref<!tpu.dma_semaphore, #tpu.memory_space<semaphore_mem>>) src(%dma_wait3A_15 : memref<512xi32, #tpu.memory_space<hbm>>) dst(%arg13 : memref<512xi32, #tpu.memory_space<vmem>>)
      tpu.yield
    }) : () -> ()
    %mul3A_3 = arith.constant 64 : i32
    %mul3A_4 = arith.muli %mul3A_2, %mul3A_3 : i32
    "tpu.region"() ({
      %run_scoped3A = tpu.sem_alloc : memref<!tpu.dma_semaphore, #tpu.memory_space<semaphore_mem>>
      %dma_start3A = tpu.memref_slice %arg5[%mul3A_4] : memref<1048576xf32, #tpu.memory_space<hbm>> -> memref<32768xf32, #tpu.memory_space<hbm>>
      %dma_start3A_14 = tpu.memref_slice %arg5[%mul3A_4] : memref<1048576xf32, #tpu.memory_space<hbm>> -> memref<32768xf32, #tpu.memory_space<hbm>>
      tpu.enqueue_dma source(%dma_start3A_14 : memref<32768xf32, #tpu.memory_space<hbm>>) target(%arg9 : memref<32768xf32, #tpu.memory_space<vmem>>) target_semaphore(%run_scoped3A : memref<!tpu.dma_semaphore, #tpu.memory_space<semaphore_mem>>)
      %dma_wait3A = tpu.memref_slice %arg5[%mul3A_4] : memref<1048576xf32, #tpu.memory_space<hbm>> -> memref<32768xf32, #tpu.memory_space<hbm>>
      %dma_wait3A_15 = tpu.memref_slice %arg5[%mul3A_4] : memref<1048576xf32, #tpu.memory_space<hbm>> -> memref<32768xf32, #tpu.memory_space<hbm>>
      tpu.wait_dma2 semaphore(%run_scoped3A : memref<!tpu.dma_semaphore, #tpu.memory_space<semaphore_mem>>) src(%dma_wait3A_15 : memref<32768xf32, #tpu.memory_space<hbm>>) dst(%arg9 : memref<32768xf32, #tpu.memory_space<vmem>>)
      tpu.yield
    }) : () -> ()
    %mul3A_5 = arith.constant 64 : i32
    %mul3A_6 = arith.muli %mul3A_2, %mul3A_5 : i32
    "tpu.region"() ({
      %run_scoped3A = tpu.sem_alloc : memref<!tpu.dma_semaphore, #tpu.memory_space<semaphore_mem>>
      %dma_start3A = tpu.memref_slice %arg6[%mul3A_6] : memref<1048576xf32, #tpu.memory_space<hbm>> -> memref<32768xf32, #tpu.memory_space<hbm>>
      %dma_start3A_14 = tpu.memref_slice %arg6[%mul3A_6] : memref<1048576xf32, #tpu.memory_space<hbm>> -> memref<32768xf32, #tpu.memory_space<hbm>>
      tpu.enqueue_dma source(%dma_start3A_14 : memref<32768xf32, #tpu.memory_space<hbm>>) target(%arg10 : memref<32768xf32, #tpu.memory_space<vmem>>) target_semaphore(%run_scoped3A : memref<!tpu.dma_semaphore, #tpu.memory_space<semaphore_mem>>)
      %dma_wait3A = tpu.memref_slice %arg6[%mul3A_6] : memref<1048576xf32, #tpu.memory_space<hbm>> -> memref<32768xf32, #tpu.memory_space<hbm>>
      %dma_wait3A_15 = tpu.memref_slice %arg6[%mul3A_6] : memref<1048576xf32, #tpu.memory_space<hbm>> -> memref<32768xf32, #tpu.memory_space<hbm>>
      tpu.wait_dma2 semaphore(%run_scoped3A : memref<!tpu.dma_semaphore, #tpu.memory_space<semaphore_mem>>) src(%dma_wait3A_15 : memref<32768xf32, #tpu.memory_space<hbm>>) dst(%arg10 : memref<32768xf32, #tpu.memory_space<vmem>>)
      tpu.yield
    }) : () -> ()
    %scan3A = arith.constant 0 : i32
    %scan3A_7 = arith.constant 0 : i32
    %scan3A_8 = arith.constant 32 : i32
    %scan3A_9 = arith.addi %scan3A_7, %scan3A_8 : i32
    %scan3A_10 = arith.constant 1 : i32
    scf.for %scan3A_14 = %scan3A_7 to %scan3A_9 step %scan3A_10  : i32 {
      %mul3A_15 = arith.constant 16 : i32
      %mul3A_16 = arith.muli %scan3A_14, %mul3A_15 : i32
      %get3A = arith.index_cast %mul3A_16 : i32 to index
      %get3A_17 = tpu.vector_load %arg11[%get3A] {strides = array<i32>} : memref<512xi32, #tpu.memory_space<vmem>>, vector<16xi32>,
      %get3A_18 = vector.shape_cast %get3A_17 : vector<16xi32> to vector<16xi32>
      %mul3A_19 = arith.constant 16 : i32
      %mul3A_20 = arith.muli %scan3A_14, %mul3A_19 : i32
      %get3A_21 = arith.index_cast %mul3A_20 : i32 to index
      %get3A_22 = tpu.vector_load %arg12[%get3A_21] {strides = array<i32>} : memref<512xi32, #tpu.memory_space<vmem>>, vector<16xi32>,
      %get3A_23 = vector.shape_cast %get3A_22 : vector<16xi32> to vector<16xi32>
      %mul3A_24 = arith.constant 16 : i32
      %mul3A_25 = arith.muli %scan3A_14, %mul3A_24 : i32
      %get3A_26 = arith.index_cast %mul3A_25 : i32 to index
      %get3A_27 = tpu.vector_load %arg13[%get3A_26] {strides = array<i32>} : memref<512xi32, #tpu.memory_space<vmem>>, vector<16xi32>,
      %get3A_28 = vector.shape_cast %get3A_27 : vector<16xi32> to vector<16xi32>
      %ne3A = arith.constant 0 : i32
      %ne3A_29 = vector.broadcast %ne3A : i32 to vector<16xi32>
      %ne3A_30 = arith.cmpi ne, %get3A_23, %ne3A_29 : vector<16xi32>
      %le3A = arith.constant 0 : i32
      %le3A_31 = vector.broadcast %le3A : i32 to vector<16xi32>
      %le3A_32 = arith.cmpi sle, %get3A_18, %le3A_31 : vector<16xi32>
      %or3A = arith.ori %ne3A_30, %le3A_32 : vector<16xi1>
      %select_n3A = arith.select %or3A, %get3A_28, %get3A_18 : vector<16xi1>, vector<16xi32>
      %sub3A = arith.constant 1 : i32
      %sub3A_33 = vector.broadcast %sub3A : i32 to vector<16xi32>
      %sub3A_34 = arith.subi %select_n3A, %sub3A_33 : vector<16xi32>
      %mul3A_35 = arith.constant 16 : i32
      %mul3A_36 = arith.muli %scan3A_14, %mul3A_35 : i32
      %swap3A = arith.index_cast %mul3A_36 : i32 to index
      %swap3A_37 = tpu.vector_load %arg14[%swap3A] {strides = array<i32>} : memref<512xi32, #tpu.memory_space<vmem>>, vector<16xi32>,
      %swap3A_38 = vector.shape_cast %swap3A_37 : vector<16xi32> to vector<16xi32>
      %swap3A_39 = vector.shape_cast %sub3A_34 : vector<16xi32> to vector<16xi32>
      tpu.vector_store %arg14[%swap3A], %swap3A_39 {strides = array<i32>} : memref<512xi32, #tpu.memory_space<vmem>>, vector<16xi32>,
      %jit3A = arith.constant 1 : i32
      %jit3A_40 = arith.constant 0 : i32
      %broadcast_in_dim3A = vector.broadcast %jit3A : i32 to vector<16xi32>
      %broadcast_in_dim3A_41 = vector.broadcast %jit3A_40 : i32 to vector<16xi32>
      %select_n3A_42 = arith.select %or3A, %broadcast_in_dim3A, %broadcast_in_dim3A_41 : vector<16xi1>, vector<16xi32>
      %slice3A = vector.extract_strided_slice %select_n3A_42 {offsets = [0], sizes = [1], strides = [1]} : vector<16xi32> to vector<1xi32>
      %squeeze3A = vector.extract %slice3A[0] : i32 from vector<1xi32>
      %ne3A_43 = arith.constant 0 : i32
      %ne3A_44 = arith.cmpi ne, %squeeze3A, %ne3A_43 : i32
      %convert_element_type3A = arith.extui %ne3A_44 : i1 to i32
      %cond3A = arith.constant 0 : i32
      %cond3A_45 = arith.cmpi ne, %convert_element_type3A, %cond3A : i32
      scf.if %cond3A_45 {
        %mul3A_151 = arith.constant 16 : i32
        %mul3A_152 = arith.muli %scan3A_14, %mul3A_151 : i32
        %add3A_153 = arith.constant 0 : i32
        %add3A_154 = arith.addi %mul3A_152, %add3A_153 : i32
        %mul3A_155 = arith.constant 64 : i32
        %mul3A_156 = arith.muli %add3A_154, %mul3A_155 : i32
        %add3A_157 = arith.constant 0 : i32
        %add3A_158 = arith.addi %mul3A_156, %add3A_157 : i32
        %get3A_159 = arith.index_cast %add3A_158 : i32 to index
        %get3A_160 = tpu.vector_load %arg10[%get3A_159] {strides = array<i32>} : memref<32768xf32, #tpu.memory_space<vmem>>, vector<16xf32>,
        %get3A_161 = vector.shape_cast %get3A_160 : vector<16xf32> to vector<16xf32>
        %add3A_162 = arith.constant 16 : i32
        %add3A_163 = arith.addi %mul3A_156, %add3A_162 : i32
        %get3A_164 = arith.index_cast %add3A_163 : i32 to index
        %get3A_165 = tpu.vector_load %arg10[%get3A_164] {strides = array<i32>} : memref<32768xf32, #tpu.memory_space<vmem>>, vector<16xf32>,
        %get3A_166 = vector.shape_cast %get3A_165 : vector<16xf32> to vector<16xf32>
        %add3A_167 = arith.constant 32 : i32
        %add3A_168 = arith.addi %mul3A_156, %add3A_167 : i32
        %get3A_169 = arith.index_cast %add3A_168 : i32 to index
        %get3A_170 = tpu.vector_load %arg10[%get3A_169] {strides = array<i32>} : memref<32768xf32, #tpu.memory_space<vmem>>, vector<16xf32>,
        %get3A_171 = vector.shape_cast %get3A_170 : vector<16xf32> to vector<16xf32>
        %add3A_172 = arith.constant 48 : i32
        %add3A_173 = arith.addi %mul3A_156, %add3A_172 : i32
        %get3A_174 = arith.index_cast %add3A_173 : i32 to index
        %get3A_175 = tpu.vector_load %arg10[%get3A_174] {strides = array<i32>} : memref<32768xf32, #tpu.memory_space<vmem>>, vector<16xf32>,
        %get3A_176 = vector.shape_cast %get3A_175 : vector<16xf32> to vector<16xf32>
        %mul3A_177 = arith.mulf %get3A_161, %get3A_161 : vector<16xf32>
        %mul3A_178 = arith.mulf %get3A_166, %get3A_166 : vector<16xf32>
        %add3A_179 = arith.addf %mul3A_177, %mul3A_178 : vector<16xf32>
        %mul3A_180 = arith.mulf %get3A_171, %get3A_171 : vector<16xf32>
        %add3A_181 = arith.addf %add3A_179, %mul3A_180 : vector<16xf32>
        %mul3A_182 = arith.mulf %get3A_176, %get3A_176 : vector<16xf32>
        %add3A_183 = arith.addf %add3A_181, %mul3A_182 : vector<16xf32>
        %slice3A_184 = vector.extract_strided_slice %add3A_183 {offsets = [0], sizes = [1], strides = [1]} : vector<16xf32> to vector<1xf32>
        %squeeze3A_185 = vector.extract %slice3A_184[0] : f32 from vector<1xf32>
        %slice3A_186 = vector.extract_strided_slice %add3A_183 {offsets = [1], sizes = [1], strides = [1]} : vector<16xf32> to vector<1xf32>
        %squeeze3A_187 = vector.extract %slice3A_186[0] : f32 from vector<1xf32>
        %add3A_188 = arith.addf %squeeze3A_185, %squeeze3A_187 : f32
        %slice3A_189 = vector.extract_strided_slice %add3A_183 {offsets = [2], sizes = [1], strides = [1]} : vector<16xf32> to vector<1xf32>
        %squeeze3A_190 = vector.extract %slice3A_189[0] : f32 from vector<1xf32>
        %add3A_191 = arith.addf %add3A_188, %squeeze3A_190 : f32
        %slice3A_192 = vector.extract_strided_slice %add3A_183 {offsets = [3], sizes = [1], strides = [1]} : vector<16xf32> to vector<1xf32>
        %squeeze3A_193 = vector.extract %slice3A_192[0] : f32 from vector<1xf32>
        %add3A_194 = arith.addf %add3A_191, %squeeze3A_193 : f32
        %slice3A_195 = vector.extract_strided_slice %add3A_183 {offsets = [4], sizes = [1], strides = [1]} : vector<16xf32> to vector<1xf32>
        %squeeze3A_196 = vector.extract %slice3A_195[0] : f32 from vector<1xf32>
        %add3A_197 = arith.addf %add3A_194, %squeeze3A_196 : f32
        %slice3A_198 = vector.extract_strided_slice %add3A_183 {offsets = [5], sizes = [1], strides = [1]} : vector<16xf32> to vector<1xf32>
        %squeeze3A_199 = vector.extract %slice3A_198[0] : f32 from vector<1xf32>
        %add3A_200 = arith.addf %add3A_197, %squeeze3A_199 : f32
        %slice3A_201 = vector.extract_strided_slice %add3A_183 {offsets = [6], sizes = [1], strides = [1]} : vector<16xf32> to vector<1xf32>
        %squeeze3A_202 = vector.extract %slice3A_201[0] : f32 from vector<1xf32>
        %add3A_203 = arith.addf %add3A_200, %squeeze3A_202 : f32
        %slice3A_204 = vector.extract_strided_slice %add3A_183 {offsets = [7], sizes = [1], strides = [1]} : vector<16xf32> to vector<1xf32>
        %squeeze3A_205 = vector.extract %slice3A_204[0] : f32 from vector<1xf32>
        %add3A_206 = arith.addf %add3A_203, %squeeze3A_205 : f32
        %slice3A_207 = vector.extract_strided_slice %add3A_183 {offsets = [8], sizes = [1], strides = [1]} : vector<16xf32> to vector<1xf32>
        %squeeze3A_208 = vector.extract %slice3A_207[0] : f32 from vector<1xf32>
        %add3A_209 = arith.addf %add3A_206, %squeeze3A_208 : f32
        %slice3A_210 = vector.extract_strided_slice %add3A_183 {offsets = [9], sizes = [1], strides = [1]} : vector<16xf32> to vector<1xf32>
        %squeeze3A_211 = vector.extract %slice3A_210[0] : f32 from vector<1xf32>
        %add3A_212 = arith.addf %add3A_209, %squeeze3A_211 : f32
        %slice3A_213 = vector.extract_strided_slice %add3A_183 {offsets = [10], sizes = [1], strides = [1]} : vector<16xf32> to vector<1xf32>
        %squeeze3A_214 = vector.extract %slice3A_213[0] : f32 from vector<1xf32>
        %add3A_215 = arith.addf %add3A_212, %squeeze3A_214 : f32
        %slice3A_216 = vector.extract_strided_slice %add3A_183 {offsets = [11], sizes = [1], strides = [1]} : vector<16xf32> to vector<1xf32>
        %squeeze3A_217 = vector.extract %slice3A_216[0] : f32 from vector<1xf32>
        %add3A_218 = arith.addf %add3A_215, %squeeze3A_217 : f32
        %slice3A_219 = vector.extract_strided_slice %add3A_183 {offsets = [12], sizes = [1], strides = [1]} : vector<16xf32> to vector<1xf32>
        %squeeze3A_220 = vector.extract %slice3A_219[0] : f32 from vector<1xf32>
        %add3A_221 = arith.addf %add3A_218, %squeeze3A_220 : f32
        %slice3A_222 = vector.extract_strided_slice %add3A_183 {offsets = [13], sizes = [1], strides = [1]} : vector<16xf32> to vector<1xf32>
        %squeeze3A_223 = vector.extract %slice3A_222[0] : f32 from vector<1xf32>
        %add3A_224 = arith.addf %add3A_221, %squeeze3A_223 : f32
        %slice3A_225 = vector.extract_strided_slice %add3A_183 {offsets = [14], sizes = [1], strides = [1]} : vector<16xf32> to vector<1xf32>
        %squeeze3A_226 = vector.extract %slice3A_225[0] : f32 from vector<1xf32>
        %add3A_227 = arith.addf %add3A_224, %squeeze3A_226 : f32
        %slice3A_228 = vector.extract_strided_slice %add3A_183 {offsets = [15], sizes = [1], strides = [1]} : vector<16xf32> to vector<1xf32>
        %squeeze3A_229 = vector.extract %slice3A_228[0] : f32 from vector<1xf32>
        %add3A_230 = arith.addf %add3A_227, %squeeze3A_229 : f32
        %broadcast_in_dim3A_231 = vector.broadcast %add3A_230 : f32 to vector<16xf32>
        %max3A = arith.constant 9.99999996E-13 : f32
        %max3A_232 = vector.broadcast %max3A : f32 to vector<16xf32>
        %max3A_233 = arith.maximumf %broadcast_in_dim3A_231, %max3A_232 : vector<16xf32>
        %bitcast_convert_type3A = tpu.bitcast %max3A_233 : vector<16xf32> -> vector<16xi32>
        %shift_right_arithmetic3A = arith.constant 1 : i32
        %shift_right_arithmetic3A_234 = vector.broadcast %shift_right_arithmetic3A : i32 to vector<16xi32>
        %shift_right_arithmetic3A_235 = arith.shrsi %bitcast_convert_type3A, %shift_right_arithmetic3A_234 : vector<16xi32>
        %sub3A_236 = arith.constant 1597463007 : i32
        %sub3A_237 = vector.broadcast %sub3A_236 : i32 to vector<16xi32>
        %sub3A_238 = arith.subi %sub3A_237, %shift_right_arithmetic3A_235 : vector<16xi32>
        %bitcast_convert_type3A_239 = tpu.bitcast %sub3A_238 : vector<16xi32> -> vector<16xf32>
        %mul3A_240 = arith.constant 5.000000e-01 : f32
        %mul3A_241 = vector.broadcast %mul3A_240 : f32 to vector<16xf32>
        %mul3A_242 = arith.mulf %mul3A_241, %max3A_233 : vector<16xf32>
        %mul3A_243 = arith.mulf %mul3A_242, %bitcast_convert_type3A_239 : vector<16xf32>
        %mul3A_244 = arith.mulf %mul3A_243, %bitcast_convert_type3A_239 : vector<16xf32>
        %sub3A_245 = arith.constant 1.500000e+00 : f32
        %sub3A_246 = vector.broadcast %sub3A_245 : f32 to vector<16xf32>
        %sub3A_247 = arith.subf %sub3A_246, %mul3A_244 : vector<16xf32>
        %mul3A_248 = arith.mulf %bitcast_convert_type3A_239, %sub3A_247 : vector<16xf32>
        %mul3A_249 = arith.constant 5.000000e-01 : f32
        %mul3A_250 = vector.broadcast %mul3A_249 : f32 to vector<16xf32>
        %mul3A_251 = arith.mulf %mul3A_250, %max3A_233 : vector<16xf32>
        %mul3A_252 = arith.mulf %mul3A_251, %mul3A_248 : vector<16xf32>
        %mul3A_253 = arith.mulf %mul3A_252, %mul3A_248 : vector<16xf32>
        %sub3A_254 = arith.constant 1.500000e+00 : f32
        %sub3A_255 = vector.broadcast %sub3A_254 : f32 to vector<16xf32>
        %sub3A_256 = arith.subf %sub3A_255, %mul3A_253 : vector<16xf32>
        %mul3A_257 = arith.mulf %mul3A_248, %sub3A_256 : vector<16xf32>
        %mul3A_258 = arith.constant 5.000000e-01 : f32
        %mul3A_259 = vector.broadcast %mul3A_258 : f32 to vector<16xf32>
        %mul3A_260 = arith.mulf %mul3A_259, %max3A_233 : vector<16xf32>
        %mul3A_261 = arith.mulf %mul3A_260, %mul3A_257 : vector<16xf32>
        %mul3A_262 = arith.mulf %mul3A_261, %mul3A_257 : vector<16xf32>
        %sub3A_263 = arith.constant 1.500000e+00 : f32
        %sub3A_264 = vector.broadcast %sub3A_263 : f32 to vector<16xf32>
        %sub3A_265 = arith.subf %sub3A_264, %mul3A_262 : vector<16xf32>
        %mul3A_266 = arith.mulf %mul3A_257, %sub3A_265 : vector<16xf32>
        %mul3A_267 = arith.constant 5.000000e-01 : f32
        %mul3A_268 = vector.broadcast %mul3A_267 : f32 to vector<16xf32>
        %mul3A_269 = arith.mulf %mul3A_268, %max3A_233 : vector<16xf32>
        %mul3A_270 = arith.mulf %mul3A_269, %mul3A_266 : vector<16xf32>
        %mul3A_271 = arith.mulf %mul3A_270, %mul3A_266 : vector<16xf32>
        %sub3A_272 = arith.constant 1.500000e+00 : f32
        %sub3A_273 = vector.broadcast %sub3A_272 : f32 to vector<16xf32>
        %sub3A_274 = arith.subf %sub3A_273, %mul3A_271 : vector<16xf32>
        %mul3A_275 = arith.mulf %mul3A_266, %sub3A_274 : vector<16xf32>
        %mul3A_276 = arith.mulf %max3A_233, %mul3A_275 : vector<16xf32>
        %max3A_277 = arith.constant 9.99999997E-7 : f32
        %max3A_278 = vector.broadcast %max3A_277 : f32 to vector<16xf32>
        %max3A_279 = arith.maximumf %mul3A_276, %max3A_278 : vector<16xf32>
        %div3A = arith.constant 1.000000e+00 : f32
        %div3A_280 = vector.broadcast %div3A : f32 to vector<16xf32>
        %div3A_281 = arith.divf %div3A_280, %max3A_279 : vector<16xf32>
        %mul3A_282 = arith.mulf %get3A_161, %div3A_281 : vector<16xf32>
        %add3A_283 = arith.constant 0 : i32
        %add3A_284 = arith.addi %mul3A_156, %add3A_283 : i32
        %swap3A_285 = arith.index_cast %add3A_284 : i32 to index
        %swap3A_286 = tpu.vector_load %arg9[%swap3A_285] {strides = array<i32>} : memref<32768xf32, #tpu.memory_space<vmem>>, vector<16xf32>,
        %swap3A_287 = vector.shape_cast %swap3A_286 : vector<16xf32> to vector<16xf32>
        %swap3A_288 = vector.shape_cast %mul3A_282 : vector<16xf32> to vector<16xf32>
        tpu.vector_store %arg9[%swap3A_285], %swap3A_288 {strides = array<i32>} : memref<32768xf32, #tpu.memory_space<vmem>>, vector<16xf32>,
        %mul3A_289 = arith.mulf %get3A_166, %div3A_281 : vector<16xf32>
        %add3A_290 = arith.constant 16 : i32
        %add3A_291 = arith.addi %mul3A_156, %add3A_290 : i32
        %swap3A_292 = arith.index_cast %add3A_291 : i32 to index
        %swap3A_293 = tpu.vector_load %arg9[%swap3A_292] {strides = array<i32>} : memref<32768xf32, #tpu.memory_space<vmem>>, vector<16xf32>,
        %swap3A_294 = vector.shape_cast %swap3A_293 : vector<16xf32> to vector<16xf32>
        %swap3A_295 = vector.shape_cast %mul3A_289 : vector<16xf32> to vector<16xf32>
        tpu.vector_store %arg9[%swap3A_292], %swap3A_295 {strides = array<i32>} : memref<32768xf32, #tpu.memory_space<vmem>>, vector<16xf32>,
        %mul3A_296 = arith.mulf %get3A_171, %div3A_281 : vector<16xf32>
        %add3A_297 = arith.constant 32 : i32
        %add3A_298 = arith.addi %mul3A_156, %add3A_297 : i32
        %swap3A_299 = arith.index_cast %add3A_298 : i32 to index
        %swap3A_300 = tpu.vector_load %arg9[%swap3A_299] {strides = array<i32>} : memref<32768xf32, #tpu.memory_space<vmem>>, vector<16xf32>,
        %swap3A_301 = vector.shape_cast %swap3A_300 : vector<16xf32> to vector<16xf32>
        %swap3A_302 = vector.shape_cast %mul3A_296 : vector<16xf32> to vector<16xf32>
        tpu.vector_store %arg9[%swap3A_299], %swap3A_302 {strides = array<i32>} : memref<32768xf32, #tpu.memory_space<vmem>>, vector<16xf32>,
        %mul3A_303 = arith.mulf %get3A_176, %div3A_281 : vector<16xf32>
        %add3A_304 = arith.constant 48 : i32
        %add3A_305 = arith.addi %mul3A_156, %add3A_304 : i32
        %swap3A_306 = arith.index_cast %add3A_305 : i32 to index
        %swap3A_307 = tpu.vector_load %arg9[%swap3A_306] {strides = array<i32>} : memref<32768xf32, #tpu.memory_space<vmem>>, vector<16xf32>,
        %swap3A_308 = vector.shape_cast %swap3A_307 : vector<16xf32> to vector<16xf32>
        %swap3A_309 = vector.shape_cast %mul3A_303 : vector<16xf32> to vector<16xf32>
        tpu.vector_store %arg9[%swap3A_306], %swap3A_309 {strides = array<i32>} : memref<32768xf32, #tpu.memory_space<vmem>>, vector<16xf32>,
      } else {
      }
      %slice3A_46 = vector.extract_strided_slice %select_n3A_42 {offsets = [1], sizes = [1], strides = [1]} : vector<16xi32> to vector<1xi32>
      %squeeze3A_47 = vector.extract %slice3A_46[0] : i32 from vector<1xi32>
      %ne3A_48 = arith.constant 0 : i32
      %ne3A_49 = arith.cmpi ne, %squeeze3A_47, %ne3A_48 : i32
      %convert_element_type3A_50 = arith.extui %ne3A_49 : i1 to i32
      %cond3A_51 = arith.constant 0 : i32
      %cond3A_52 = arith.cmpi ne, %convert_element_type3A_50, %cond3A_51 : i32
      scf.if %cond3A_52 {
        %mul3A_151 = arith.constant 16 : i32
        %mul3A_152 = arith.muli %scan3A_14, %mul3A_151 : i32
        %add3A_153 = arith.constant 1 : i32
        %add3A_154 = arith.addi %mul3A_152, %add3A_153 : i32
        %mul3A_155 = arith.constant 64 : i32
        %mul3A_156 = arith.muli %add3A_154, %mul3A_155 : i32
        %add3A_157 = arith.constant 0 : i32
        %add3A_158 = arith.addi %mul3A_156, %add3A_157 : i32
        %get3A_159 = arith.index_cast %add3A_158 : i32 to index
        %get3A_160 = tpu.vector_load %arg10[%get3A_159] {strides = array<i32>} : memref<32768xf32, #tpu.memory_space<vmem>>, vector<16xf32>,
        %get3A_161 = vector.shape_cast %get3A_160 : vector<16xf32> to vector<16xf32>
        %add3A_162 = arith.constant 16 : i32
        %add3A_163 = arith.addi %mul3A_156, %add3A_162 : i32
        %get3A_164 = arith.index_cast %add3A_163 : i32 to index
        %get3A_165 = tpu.vector_load %arg10[%get3A_164] {strides = array<i32>} : memref<32768xf32, #tpu.memory_space<vmem>>, vector<16xf32>,
        %get3A_166 = vector.shape_cast %get3A_165 : vector<16xf32> to vector<16xf32>
        %add3A_167 = arith.constant 32 : i32
        %add3A_168 = arith.addi %mul3A_156, %add3A_167 : i32
        %get3A_169 = arith.index_cast %add3A_168 : i32 to index
        %get3A_170 = tpu.vector_load %arg10[%get3A_169] {strides = array<i32>} : memref<32768xf32, #tpu.memory_space<vmem>>, vector<16xf32>,
        %get3A_171 = vector.shape_cast %get3A_170 : vector<16xf32> to vector<16xf32>
        %add3A_172 = arith.constant 48 : i32
        %add3A_173 = arith.addi %mul3A_156, %add3A_172 : i32
        %get3A_174 = arith.index_cast %add3A_173 : i32 to index
        %get3A_175 = tpu.vector_load %arg10[%get3A_174] {strides = array<i32>} : memref<32768xf32, #tpu.memory_space<vmem>>, vector<16xf32>,
        %get3A_176 = vector.shape_cast %get3A_175 : vector<16xf32> to vector<16xf32>
        %mul3A_177 = arith.mulf %get3A_161, %get3A_161 : vector<16xf32>
        %mul3A_178 = arith.mulf %get3A_166, %get3A_166 : vector<16xf32>
        %add3A_179 = arith.addf %mul3A_177, %mul3A_178 : vector<16xf32>
        %mul3A_180 = arith.mulf %get3A_171, %get3A_171 : vector<16xf32>
        %add3A_181 = arith.addf %add3A_179, %mul3A_180 : vector<16xf32>
        %mul3A_182 = arith.mulf %get3A_176, %get3A_176 : vector<16xf32>
        %add3A_183 = arith.addf %add3A_181, %mul3A_182 : vector<16xf32>
        %slice3A_184 = vector.extract_strided_slice %add3A_183 {offsets = [0], sizes = [1], strides = [1]} : vector<16xf32> to vector<1xf32>
        %squeeze3A_185 = vector.extract %slice3A_184[0] : f32 from vector<1xf32>
        %slice3A_186 = vector.extract_strided_slice %add3A_183 {offsets = [1], sizes = [1], strides = [1]} : vector<16xf32> to vector<1xf32>
        %squeeze3A_187 = vector.extract %slice3A_186[0] : f32 from vector<1xf32>
        %add3A_188 = arith.addf %squeeze3A_185, %squeeze3A_187 : f32
        %slice3A_189 = vector.extract_strided_slice %add3A_183 {offsets = [2], sizes = [1], strides = [1]} : vector<16xf32> to vector<1xf32>
        %squeeze3A_190 = vector.extract %slice3A_189[0] : f32 from vector<1xf32>
        %add3A_191 = arith.addf %add3A_188, %squeeze3A_190 : f32
        %slice3A_192 = vector.extract_strided_slice %add3A_183 {offsets = [3], sizes = [1], strides = [1]} : vector<16xf32> to vector<1xf32>
        %squeeze3A_193 = vector.extract %slice3A_192[0] : f32 from vector<1xf32>
        %add3A_194 = arith.addf %add3A_191, %squeeze3A_193 : f32
        %slice3A_195 = vector.extract_strided_slice %add3A_183 {offsets = [4], sizes = [1], strides = [1]} : vector<16xf32> to vector<1xf32>
        %squeeze3A_196 = vector.extract %slice3A_195[0] : f32 from vector<1xf32>
        %add3A_197 = arith.addf %add3A_194, %squeeze3A_196 : f32
        %slice3A_198 = vector.extract_strided_slice %add3A_183 {offsets = [5], sizes = [1], strides = [1]} : vector<16xf32> to vector<1xf32>
        %squeeze3A_199 = vector.extract %slice3A_198[0] : f32 from vector<1xf32>
        %add3A_200 = arith.addf %add3A_197, %squeeze3A_199 : f32
        %slice3A_201 = vector.extract_strided_slice %add3A_183 {offsets = [6], sizes = [1], strides = [1]} : vector<16xf32> to vector<1xf32>
        %squeeze3A_202 = vector.extract %slice3A_201[0] : f32 from vector<1xf32>
        %add3A_203 = arith.addf %add3A_200, %squeeze3A_202 : f32
        %slice3A_204 = vector.extract_strided_slice %add3A_183 {offsets = [7], sizes = [1], strides = [1]} : vector<16xf32> to vector<1xf32>
        %squeeze3A_205 = vector.extract %slice3A_204[0] : f32 from vector<1xf32>
        %add3A_206 = arith.addf %add3A_203, %squeeze3A_205 : f32
        %slice3A_207 = vector.extract_strided_slice %add3A_183 {offsets = [8], sizes = [1], strides = [1]} : vector<16xf32> to vector<1xf32>
        %squeeze3A_208 = vector.extract %slice3A_207[0] : f32 from vector<1xf32>
        %add3A_209 = arith.addf %add3A_206, %squeeze3A_208 : f32
        %slice3A_210 = vector.extract_strided_slice %add3A_183 {offsets = [9], sizes = [1], strides = [1]} : vector<16xf32> to vector<1xf32>
        %squeeze3A_211 = vector.extract %slice3A_210[0] : f32 from vector<1xf32>
        %add3A_212 = arith.addf %add3A_209, %squeeze3A_211 : f32
        %slice3A_213 = vector.extract_strided_slice %add3A_183 {offsets = [10], sizes = [1], strides = [1]} : vector<16xf32> to vector<1xf32>
        %squeeze3A_214 = vector.extract %slice3A_213[0] : f32 from vector<1xf32>
        %add3A_215 = arith.addf %add3A_212, %squeeze3A_214 : f32
        %slice3A_216 = vector.extract_strided_slice %add3A_183 {offsets = [11], sizes = [1], strides = [1]} : vector<16xf32> to vector<1xf32>
        %squeeze3A_217 = vector.extract %slice3A_216[0] : f32 from vector<1xf32>
        %add3A_218 = arith.addf %add3A_215, %squeeze3A_217 : f32
        %slice3A_219 = vector.extract_strided_slice %add3A_183 {offsets = [12], sizes = [1], strides = [1]} : vector<16xf32> to vector<1xf32>
        %squeeze3A_220 = vector.extract %slice3A_219[0] : f32 from vector<1xf32>
        %add3A_221 = arith.addf %add3A_218, %squeeze3A_220 : f32
        %slice3A_222 = vector.extract_strided_slice %add3A_183 {offsets = [13], sizes = [1], strides = [1]} : vector<16xf32> to vector<1xf32>
        %squeeze3A_223 = vector.extract %slice3A_222[0] : f32 from vector<1xf32>
        %add3A_224 = arith.addf %add3A_221, %squeeze3A_223 : f32
        %slice3A_225 = vector.extract_strided_slice %add3A_183 {offsets = [14], sizes = [1], strides = [1]} : vector<16xf32> to vector<1xf32>
        %squeeze3A_226 = vector.extract %slice3A_225[0] : f32 from vector<1xf32>
        %add3A_227 = arith.addf %add3A_224, %squeeze3A_226 : f32
        %slice3A_228 = vector.extract_strided_slice %add3A_183 {offsets = [15], sizes = [1], strides = [1]} : vector<16xf32> to vector<1xf32>
        %squeeze3A_229 = vector.extract %slice3A_228[0] : f32 from vector<1xf32>
        %add3A_230 = arith.addf %add3A_227, %squeeze3A_229 : f32
        %broadcast_in_dim3A_231 = vector.broadcast %add3A_230 : f32 to vector<16xf32>
        %max3A = arith.constant 9.99999996E-13 : f32
        %max3A_232 = vector.broadcast %max3A : f32 to vector<16xf32>
        %max3A_233 = arith.maximumf %broadcast_in_dim3A_231, %max3A_232 : vector<16xf32>
        %bitcast_convert_type3A = tpu.bitcast %max3A_233 : vector<16xf32> -> vector<16xi32>
        %shift_right_arithmetic3A = arith.constant 1 : i32
        %shift_right_arithmetic3A_234 = vector.broadcast %shift_right_arithmetic3A : i32 to vector<16xi32>
        %shift_right_arithmetic3A_235 = arith.shrsi %bitcast_convert_type3A, %shift_right_arithmetic3A_234 : vector<16xi32>
        %sub3A_236 = arith.constant 1597463007 : i32
        %sub3A_237 = vector.broadcast %sub3A_236 : i32 to vector<16xi32>
        %sub3A_238 = arith.subi %sub3A_237, %shift_right_arithmetic3A_235 : vector<16xi32>
        %bitcast_convert_type3A_239 = tpu.bitcast %sub3A_238 : vector<16xi32> -> vector<16xf32>
        %mul3A_240 = arith.constant 5.000000e-01 : f32
        %mul3A_241 = vector.broadcast %mul3A_240 : f32 to vector<16xf32>
        %mul3A_242 = arith.mulf %mul3A_241, %max3A_233 : vector<16xf32>
        %mul3A_243 = arith.mulf %mul3A_242, %bitcast_convert_type3A_239 : vector<16xf32>
        %mul3A_244 = arith.mulf %mul3A_243, %bitcast_convert_type3A_239 : vector<16xf32>
        %sub3A_245 = arith.constant 1.500000e+00 : f32
        %sub3A_246 = vector.broadcast %sub3A_245 : f32 to vector<16xf32>
        %sub3A_247 = arith.subf %sub3A_246, %mul3A_244 : vector<16xf32>
        %mul3A_248 = arith.mulf %bitcast_convert_type3A_239, %sub3A_247 : vector<16xf32>
        %mul3A_249 = arith.constant 5.000000e-01 : f32
        %mul3A_250 = vector.broadcast %mul3A_249 : f32 to vector<16xf32>
        %mul3A_251 = arith.mulf %mul3A_250, %max3A_233 : vector<16xf32>
        %mul3A_252 = arith.mulf %mul3A_251, %mul3A_248 : vector<16xf32>
        %mul3A_253 = arith.mulf %mul3A_252, %mul3A_248 : vector<16xf32>
        %sub3A_254 = arith.constant 1.500000e+00 : f32
        %sub3A_255 = vector.broadcast %sub3A_254 : f32 to vector<16xf32>
        %sub3A_256 = arith.subf %sub3A_255, %mul3A_253 : vector<16xf32>
        %mul3A_257 = arith.mulf %mul3A_248, %sub3A_256 : vector<16xf32>
        %mul3A_258 = arith.constant 5.000000e-01 : f32
        %mul3A_259 = vector.broadcast %mul3A_258 : f32 to vector<16xf32>
        %mul3A_260 = arith.mulf %mul3A_259, %max3A_233 : vector<16xf32>
        %mul3A_261 = arith.mulf %mul3A_260, %mul3A_257 : vector<16xf32>
        %mul3A_262 = arith.mulf %mul3A_261, %mul3A_257 : vector<16xf32>
        %sub3A_263 = arith.constant 1.500000e+00 : f32
        %sub3A_264 = vector.broadcast %sub3A_263 : f32 to vector<16xf32>
        %sub3A_265 = arith.subf %sub3A_264, %mul3A_262 : vector<16xf32>
        %mul3A_266 = arith.mulf %mul3A_257, %sub3A_265 : vector<16xf32>
        %mul3A_267 = arith.constant 5.000000e-01 : f32
        %mul3A_268 = vector.broadcast %mul3A_267 : f32 to vector<16xf32>
        %mul3A_269 = arith.mulf %mul3A_268, %max3A_233 : vector<16xf32>
        %mul3A_270 = arith.mulf %mul3A_269, %mul3A_266 : vector<16xf32>
        %mul3A_271 = arith.mulf %mul3A_270, %mul3A_266 : vector<16xf32>
        %sub3A_272 = arith.constant 1.500000e+00 : f32
        %sub3A_273 = vector.broadcast %sub3A_272 : f32 to vector<16xf32>
        %sub3A_274 = arith.subf %sub3A_273, %mul3A_271 : vector<16xf32>
        %mul3A_275 = arith.mulf %mul3A_266, %sub3A_274 : vector<16xf32>
        %mul3A_276 = arith.mulf %max3A_233, %mul3A_275 : vector<16xf32>
        %max3A_277 = arith.constant 9.99999997E-7 : f32
        %max3A_278 = vector.broadcast %max3A_277 : f32 to vector<16xf32>
        %max3A_279 = arith.maximumf %mul3A_276, %max3A_278 : vector<16xf32>
        %div3A = arith.constant 1.000000e+00 : f32
        %div3A_280 = vector.broadcast %div3A : f32 to vector<16xf32>
        %div3A_281 = arith.divf %div3A_280, %max3A_279 : vector<16xf32>
        %mul3A_282 = arith.mulf %get3A_161, %div3A_281 : vector<16xf32>
        %add3A_283 = arith.constant 0 : i32
        %add3A_284 = arith.addi %mul3A_156, %add3A_283 : i32
        %swap3A_285 = arith.index_cast %add3A_284 : i32 to index
        %swap3A_286 = tpu.vector_load %arg9[%swap3A_285] {strides = array<i32>} : memref<32768xf32, #tpu.memory_space<vmem>>, vector<16xf32>,
        %swap3A_287 = vector.shape_cast %swap3A_286 : vector<16xf32> to vector<16xf32>
        %swap3A_288 = vector.shape_cast %mul3A_282 : vector<16xf32> to vector<16xf32>
        tpu.vector_store %arg9[%swap3A_285], %swap3A_288 {strides = array<i32>} : memref<32768xf32, #tpu.memory_space<vmem>>, vector<16xf32>,
        %mul3A_289 = arith.mulf %get3A_166, %div3A_281 : vector<16xf32>
        %add3A_290 = arith.constant 16 : i32
        %add3A_291 = arith.addi %mul3A_156, %add3A_290 : i32
        %swap3A_292 = arith.index_cast %add3A_291 : i32 to index
        %swap3A_293 = tpu.vector_load %arg9[%swap3A_292] {strides = array<i32>} : memref<32768xf32, #tpu.memory_space<vmem>>, vector<16xf32>,
        %swap3A_294 = vector.shape_cast %swap3A_293 : vector<16xf32> to vector<16xf32>
        %swap3A_295 = vector.shape_cast %mul3A_289 : vector<16xf32> to vector<16xf32>
        tpu.vector_store %arg9[%swap3A_292], %swap3A_295 {strides = array<i32>} : memref<32768xf32, #tpu.memory_space<vmem>>, vector<16xf32>,
        %mul3A_296 = arith.mulf %get3A_171, %div3A_281 : vector<16xf32>
        %add3A_297 = arith.constant 32 : i32
        %add3A_298 = arith.addi %mul3A_156, %add3A_297 : i32
        %swap3A_299 = arith.index_cast %add3A_298 : i32 to index
        %swap3A_300 = tpu.vector_load %arg9[%swap3A_299] {strides = array<i32>} : memref<32768xf32, #tpu.memory_space<vmem>>, vector<16xf32>,
        %swap3A_301 = vector.shape_cast %swap3A_300 : vector<16xf32> to vector<16xf32>
        %swap3A_302 = vector.shape_cast %mul3A_296 : vector<16xf32> to vector<16xf32>
        tpu.vector_store %arg9[%swap3A_299], %swap3A_302 {strides = array<i32>} : memref<32768xf32, #tpu.memory_space<vmem>>, vector<16xf32>,
        %mul3A_303 = arith.mulf %get3A_176, %div3A_281 : vector<16xf32>
        %add3A_304 = arith.constant 48 : i32
        %add3A_305 = arith.addi %mul3A_156, %add3A_304 : i32
        %swap3A_306 = arith.index_cast %add3A_305 : i32 to index
        %swap3A_307 = tpu.vector_load %arg9[%swap3A_306] {strides = array<i32>} : memref<32768xf32, #tpu.memory_space<vmem>>, vector<16xf32>,
        %swap3A_308 = vector.shape_cast %swap3A_307 : vector<16xf32> to vector<16xf32>
        %swap3A_309 = vector.shape_cast %mul3A_303 : vector<16xf32> to vector<16xf32>
        tpu.vector_store %arg9[%swap3A_306], %swap3A_309 {strides = array<i32>} : memref<32768xf32, #tpu.memory_space<vmem>>, vector<16xf32>,
      } else {
      }
      %slice3A_53 = vector.extract_strided_slice %select_n3A_42 {offsets = [2], sizes = [1], strides = [1]} : vector<16xi32> to vector<1xi32>
      %squeeze3A_54 = vector.extract %slice3A_53[0] : i32 from vector<1xi32>
      %ne3A_55 = arith.constant 0 : i32
      %ne3A_56 = arith.cmpi ne, %squeeze3A_54, %ne3A_55 : i32
      %convert_element_type3A_57 = arith.extui %ne3A_56 : i1 to i32
      %cond3A_58 = arith.constant 0 : i32
      %cond3A_59 = arith.cmpi ne, %convert_element_type3A_57, %cond3A_58 : i32
      scf.if %cond3A_59 {
        %mul3A_151 = arith.constant 16 : i32
        %mul3A_152 = arith.muli %scan3A_14, %mul3A_151 : i32
        %add3A_153 = arith.constant 2 : i32
        %add3A_154 = arith.addi %mul3A_152, %add3A_153 : i32
        %mul3A_155 = arith.constant 64 : i32
        %mul3A_156 = arith.muli %add3A_154, %mul3A_155 : i32
        %add3A_157 = arith.constant 0 : i32
        %add3A_158 = arith.addi %mul3A_156, %add3A_157 : i32
        %get3A_159 = arith.index_cast %add3A_158 : i32 to index
        %get3A_160 = tpu.vector_load %arg10[%get3A_159] {strides = array<i32>} : memref<32768xf32, #tpu.memory_space<vmem>>, vector<16xf32>,
        %get3A_161 = vector.shape_cast %get3A_160 : vector<16xf32> to vector<16xf32>
        %add3A_162 = arith.constant 16 : i32
        %add3A_163 = arith.addi %mul3A_156, %add3A_162 : i32
        %get3A_164 = arith.index_cast %add3A_163 : i32 to index
        %get3A_165 = tpu.vector_load %arg10[%get3A_164] {strides = array<i32>} : memref<32768xf32, #tpu.memory_space<vmem>>, vector<16xf32>,
        %get3A_166 = vector.shape_cast %get3A_165 : vector<16xf32> to vector<16xf32>
        %add3A_167 = arith.constant 32 : i32
        %add3A_168 = arith.addi %mul3A_156, %add3A_167 : i32
        %get3A_169 = arith.index_cast %add3A_168 : i32 to index
        %get3A_170 = tpu.vector_load %arg10[%get3A_169] {strides = array<i32>} : memref<32768xf32, #tpu.memory_space<vmem>>, vector<16xf32>,
        %get3A_171 = vector.shape_cast %get3A_170 : vector<16xf32> to vector<16xf32>
        %add3A_172 = arith.constant 48 : i32
        %add3A_173 = arith.addi %mul3A_156, %add3A_172 : i32
        %get3A_174 = arith.index_cast %add3A_173 : i32 to index
        %get3A_175 = tpu.vector_load %arg10[%get3A_174] {strides = array<i32>} : memref<32768xf32, #tpu.memory_space<vmem>>, vector<16xf32>,
        %get3A_176 = vector.shape_cast %get3A_175 : vector<16xf32> to vector<16xf32>
        %mul3A_177 = arith.mulf %get3A_161, %get3A_161 : vector<16xf32>
        %mul3A_178 = arith.mulf %get3A_166, %get3A_166 : vector<16xf32>
        %add3A_179 = arith.addf %mul3A_177, %mul3A_178 : vector<16xf32>
        %mul3A_180 = arith.mulf %get3A_171, %get3A_171 : vector<16xf32>
        %add3A_181 = arith.addf %add3A_179, %mul3A_180 : vector<16xf32>
        %mul3A_182 = arith.mulf %get3A_176, %get3A_176 : vector<16xf32>
        %add3A_183 = arith.addf %add3A_181, %mul3A_182 : vector<16xf32>
        %slice3A_184 = vector.extract_strided_slice %add3A_183 {offsets = [0], sizes = [1], strides = [1]} : vector<16xf32> to vector<1xf32>
        %squeeze3A_185 = vector.extract %slice3A_184[0] : f32 from vector<1xf32>
        %slice3A_186 = vector.extract_strided_slice %add3A_183 {offsets = [1], sizes = [1], strides = [1]} : vector<16xf32> to vector<1xf32>
        %squeeze3A_187 = vector.extract %slice3A_186[0] : f32 from vector<1xf32>
        %add3A_188 = arith.addf %squeeze3A_185, %squeeze3A_187 : f32
        %slice3A_189 = vector.extract_strided_slice %add3A_183 {offsets = [2], sizes = [1], strides = [1]} : vector<16xf32> to vector<1xf32>
        %squeeze3A_190 = vector.extract %slice3A_189[0] : f32 from vector<1xf32>
        %add3A_191 = arith.addf %add3A_188, %squeeze3A_190 : f32
        %slice3A_192 = vector.extract_strided_slice %add3A_183 {offsets = [3], sizes = [1], strides = [1]} : vector<16xf32> to vector<1xf32>
        %squeeze3A_193 = vector.extract %slice3A_192[0] : f32 from vector<1xf32>
        %add3A_194 = arith.addf %add3A_191, %squeeze3A_193 : f32
        %slice3A_195 = vector.extract_strided_slice %add3A_183 {offsets = [4], sizes = [1], strides = [1]} : vector<16xf32> to vector<1xf32>
        %squeeze3A_196 = vector.extract %slice3A_195[0] : f32 from vector<1xf32>
        %add3A_197 = arith.addf %add3A_194, %squeeze3A_196 : f32
        %slice3A_198 = vector.extract_strided_slice %add3A_183 {offsets = [5], sizes = [1], strides = [1]} : vector<16xf32> to vector<1xf32>
        %squeeze3A_199 = vector.extract %slice3A_198[0] : f32 from vector<1xf32>
        %add3A_200 = arith.addf %add3A_197, %squeeze3A_199 : f32
        %slice3A_201 = vector.extract_strided_slice %add3A_183 {offsets = [6], sizes = [1], strides = [1]} : vector<16xf32> to vector<1xf32>
        %squeeze3A_202 = vector.extract %slice3A_201[0] : f32 from vector<1xf32>
        %add3A_203 = arith.addf %add3A_200, %squeeze3A_202 : f32
        %slice3A_204 = vector.extract_strided_slice %add3A_183 {offsets = [7], sizes = [1], strides = [1]} : vector<16xf32> to vector<1xf32>
        %squeeze3A_205 = vector.extract %slice3A_204[0] : f32 from vector<1xf32>
        %add3A_206 = arith.addf %add3A_203, %squeeze3A_205 : f32
        %slice3A_207 = vector.extract_strided_slice %add3A_183 {offsets = [8], sizes = [1], strides = [1]} : vector<16xf32> to vector<1xf32>
        %squeeze3A_208 = vector.extract %slice3A_207[0] : f32 from vector<1xf32>
        %add3A_209 = arith.addf %add3A_206, %squeeze3A_208 : f32
        %slice3A_210 = vector.extract_strided_slice %add3A_183 {offsets = [9], sizes = [1], strides = [1]} : vector<16xf32> to vector<1xf32>
        %squeeze3A_211 = vector.extract %slice3A_210[0] : f32 from vector<1xf32>
        %add3A_212 = arith.addf %add3A_209, %squeeze3A_211 : f32
        %slice3A_213 = vector.extract_strided_slice %add3A_183 {offsets = [10], sizes = [1], strides = [1]} : vector<16xf32> to vector<1xf32>
        %squeeze3A_214 = vector.extract %slice3A_213[0] : f32 from vector<1xf32>
        %add3A_215 = arith.addf %add3A_212, %squeeze3A_214 : f32
        %slice3A_216 = vector.extract_strided_slice %add3A_183 {offsets = [11], sizes = [1], strides = [1]} : vector<16xf32> to vector<1xf32>
        %squeeze3A_217 = vector.extract %slice3A_216[0] : f32 from vector<1xf32>
        %add3A_218 = arith.addf %add3A_215, %squeeze3A_217 : f32
        %slice3A_219 = vector.extract_strided_slice %add3A_183 {offsets = [12], sizes = [1], strides = [1]} : vector<16xf32> to vector<1xf32>
        %squeeze3A_220 = vector.extract %slice3A_219[0] : f32 from vector<1xf32>
        %add3A_221 = arith.addf %add3A_218, %squeeze3A_220 : f32
        %slice3A_222 = vector.extract_strided_slice %add3A_183 {offsets = [13], sizes = [1], strides = [1]} : vector<16xf32> to vector<1xf32>
        %squeeze3A_223 = vector.extract %slice3A_222[0] : f32 from vector<1xf32>
        %add3A_224 = arith.addf %add3A_221, %squeeze3A_223 : f32
        %slice3A_225 = vector.extract_strided_slice %add3A_183 {offsets = [14], sizes = [1], strides = [1]} : vector<16xf32> to vector<1xf32>
        %squeeze3A_226 = vector.extract %slice3A_225[0] : f32 from vector<1xf32>
        %add3A_227 = arith.addf %add3A_224, %squeeze3A_226 : f32
        %slice3A_228 = vector.extract_strided_slice %add3A_183 {offsets = [15], sizes = [1], strides = [1]} : vector<16xf32> to vector<1xf32>
        %squeeze3A_229 = vector.extract %slice3A_228[0] : f32 from vector<1xf32>
        %add3A_230 = arith.addf %add3A_227, %squeeze3A_229 : f32
        %broadcast_in_dim3A_231 = vector.broadcast %add3A_230 : f32 to vector<16xf32>
        %max3A = arith.constant 9.99999996E-13 : f32
        %max3A_232 = vector.broadcast %max3A : f32 to vector<16xf32>
        %max3A_233 = arith.maximumf %broadcast_in_dim3A_231, %max3A_232 : vector<16xf32>
        %bitcast_convert_type3A = tpu.bitcast %max3A_233 : vector<16xf32> -> vector<16xi32>
        %shift_right_arithmetic3A = arith.constant 1 : i32
        %shift_right_arithmetic3A_234 = vector.broadcast %shift_right_arithmetic3A : i32 to vector<16xi32>
        %shift_right_arithmetic3A_235 = arith.shrsi %bitcast_convert_type3A, %shift_right_arithmetic3A_234 : vector<16xi32>
        %sub3A_236 = arith.constant 1597463007 : i32
        %sub3A_237 = vector.broadcast %sub3A_236 : i32 to vector<16xi32>
        %sub3A_238 = arith.subi %sub3A_237, %shift_right_arithmetic3A_235 : vector<16xi32>
        %bitcast_convert_type3A_239 = tpu.bitcast %sub3A_238 : vector<16xi32> -> vector<16xf32>
        %mul3A_240 = arith.constant 5.000000e-01 : f32
        %mul3A_241 = vector.broadcast %mul3A_240 : f32 to vector<16xf32>
        %mul3A_242 = arith.mulf %mul3A_241, %max3A_233 : vector<16xf32>
        %mul3A_243 = arith.mulf %mul3A_242, %bitcast_convert_type3A_239 : vector<16xf32>
        %mul3A_244 = arith.mulf %mul3A_243, %bitcast_convert_type3A_239 : vector<16xf32>
        %sub3A_245 = arith.constant 1.500000e+00 : f32
        %sub3A_246 = vector.broadcast %sub3A_245 : f32 to vector<16xf32>
        %sub3A_247 = arith.subf %sub3A_246, %mul3A_244 : vector<16xf32>
        %mul3A_248 = arith.mulf %bitcast_convert_type3A_239, %sub3A_247 : vector<16xf32>
        %mul3A_249 = arith.constant 5.000000e-01 : f32
        %mul3A_250 = vector.broadcast %mul3A_249 : f32 to vector<16xf32>
        %mul3A_251 = arith.mulf %mul3A_250, %max3A_233 : vector<16xf32>
        %mul3A_252 = arith.mulf %mul3A_251, %mul3A_248 : vector<16xf32>
        %mul3A_253 = arith.mulf %mul3A_252, %mul3A_248 : vector<16xf32>
        %sub3A_254 = arith.constant 1.500000e+00 : f32
        %sub3A_255 = vector.broadcast %sub3A_254 : f32 to vector<16xf32>
        %sub3A_256 = arith.subf %sub3A_255, %mul3A_253 : vector<16xf32>
        %mul3A_257 = arith.mulf %mul3A_248, %sub3A_256 : vector<16xf32>
        %mul3A_258 = arith.constant 5.000000e-01 : f32
        %mul3A_259 = vector.broadcast %mul3A_258 : f32 to vector<16xf32>
        %mul3A_260 = arith.mulf %mul3A_259, %max3A_233 : vector<16xf32>
        %mul3A_261 = arith.mulf %mul3A_260, %mul3A_257 : vector<16xf32>
        %mul3A_262 = arith.mulf %mul3A_261, %mul3A_257 : vector<16xf32>
        %sub3A_263 = arith.constant 1.500000e+00 : f32
        %sub3A_264 = vector.broadcast %sub3A_263 : f32 to vector<16xf32>
        %sub3A_265 = arith.subf %sub3A_264, %mul3A_262 : vector<16xf32>
        %mul3A_266 = arith.mulf %mul3A_257, %sub3A_265 : vector<16xf32>
        %mul3A_267 = arith.constant 5.000000e-01 : f32
        %mul3A_268 = vector.broadcast %mul3A_267 : f32 to vector<16xf32>
        %mul3A_269 = arith.mulf %mul3A_268, %max3A_233 : vector<16xf32>
        %mul3A_270 = arith.mulf %mul3A_269, %mul3A_266 : vector<16xf32>
        %mul3A_271 = arith.mulf %mul3A_270, %mul3A_266 : vector<16xf32>
        %sub3A_272 = arith.constant 1.500000e+00 : f32
        %sub3A_273 = vector.broadcast %sub3A_272 : f32 to vector<16xf32>
        %sub3A_274 = arith.subf %sub3A_273, %mul3A_271 : vector<16xf32>
        %mul3A_275 = arith.mulf %mul3A_266, %sub3A_274 : vector<16xf32>
        %mul3A_276 = arith.mulf %max3A_233, %mul3A_275 : vector<16xf32>
        %max3A_277 = arith.constant 9.99999997E-7 : f32
        %max3A_278 = vector.broadcast %max3A_277 : f32 to vector<16xf32>
        %max3A_279 = arith.maximumf %mul3A_276, %max3A_278 : vector<16xf32>
        %div3A = arith.constant 1.000000e+00 : f32
        %div3A_280 = vector.broadcast %div3A : f32 to vector<16xf32>
        %div3A_281 = arith.divf %div3A_280, %max3A_279 : vector<16xf32>
        %mul3A_282 = arith.mulf %get3A_161, %div3A_281 : vector<16xf32>
        %add3A_283 = arith.constant 0 : i32
        %add3A_284 = arith.addi %mul3A_156, %add3A_283 : i32
        %swap3A_285 = arith.index_cast %add3A_284 : i32 to index
        %swap3A_286 = tpu.vector_load %arg9[%swap3A_285] {strides = array<i32>} : memref<32768xf32, #tpu.memory_space<vmem>>, vector<16xf32>,
        %swap3A_287 = vector.shape_cast %swap3A_286 : vector<16xf32> to vector<16xf32>
        %swap3A_288 = vector.shape_cast %mul3A_282 : vector<16xf32> to vector<16xf32>
        tpu.vector_store %arg9[%swap3A_285], %swap3A_288 {strides = array<i32>} : memref<32768xf32, #tpu.memory_space<vmem>>, vector<16xf32>,
        %mul3A_289 = arith.mulf %get3A_166, %div3A_281 : vector<16xf32>
        %add3A_290 = arith.constant 16 : i32
        %add3A_291 = arith.addi %mul3A_156, %add3A_290 : i32
        %swap3A_292 = arith.index_cast %add3A_291 : i32 to index
        %swap3A_293 = tpu.vector_load %arg9[%swap3A_292] {strides = array<i32>} : memref<32768xf32, #tpu.memory_space<vmem>>, vector<16xf32>,
        %swap3A_294 = vector.shape_cast %swap3A_293 : vector<16xf32> to vector<16xf32>
        %swap3A_295 = vector.shape_cast %mul3A_289 : vector<16xf32> to vector<16xf32>
        tpu.vector_store %arg9[%swap3A_292], %swap3A_295 {strides = array<i32>} : memref<32768xf32, #tpu.memory_space<vmem>>, vector<16xf32>,
        %mul3A_296 = arith.mulf %get3A_171, %div3A_281 : vector<16xf32>
        %add3A_297 = arith.constant 32 : i32
        %add3A_298 = arith.addi %mul3A_156, %add3A_297 : i32
        %swap3A_299 = arith.index_cast %add3A_298 : i32 to index
        %swap3A_300 = tpu.vector_load %arg9[%swap3A_299] {strides = array<i32>} : memref<32768xf32, #tpu.memory_space<vmem>>, vector<16xf32>,
        %swap3A_301 = vector.shape_cast %swap3A_300 : vector<16xf32> to vector<16xf32>
        %swap3A_302 = vector.shape_cast %mul3A_296 : vector<16xf32> to vector<16xf32>
        tpu.vector_store %arg9[%swap3A_299], %swap3A_302 {strides = array<i32>} : memref<32768xf32, #tpu.memory_space<vmem>>, vector<16xf32>,
        %mul3A_303 = arith.mulf %get3A_176, %div3A_281 : vector<16xf32>
        %add3A_304 = arith.constant 48 : i32
        %add3A_305 = arith.addi %mul3A_156, %add3A_304 : i32
        %swap3A_306 = arith.index_cast %add3A_305 : i32 to index
        %swap3A_307 = tpu.vector_load %arg9[%swap3A_306] {strides = array<i32>} : memref<32768xf32, #tpu.memory_space<vmem>>, vector<16xf32>,
        %swap3A_308 = vector.shape_cast %swap3A_307 : vector<16xf32> to vector<16xf32>
        %swap3A_309 = vector.shape_cast %mul3A_303 : vector<16xf32> to vector<16xf32>
        tpu.vector_store %arg9[%swap3A_306], %swap3A_309 {strides = array<i32>} : memref<32768xf32, #tpu.memory_space<vmem>>, vector<16xf32>,
      } else {
      }
      %slice3A_60 = vector.extract_strided_slice %select_n3A_42 {offsets = [3], sizes = [1], strides = [1]} : vector<16xi32> to vector<1xi32>
      %squeeze3A_61 = vector.extract %slice3A_60[0] : i32 from vector<1xi32>
      %ne3A_62 = arith.constant 0 : i32
      %ne3A_63 = arith.cmpi ne, %squeeze3A_61, %ne3A_62 : i32
      %convert_element_type3A_64 = arith.extui %ne3A_63 : i1 to i32
      %cond3A_65 = arith.constant 0 : i32
      %cond3A_66 = arith.cmpi ne, %convert_element_type3A_64, %cond3A_65 : i32
      scf.if %cond3A_66 {
        %mul3A_151 = arith.constant 16 : i32
        %mul3A_152 = arith.muli %scan3A_14, %mul3A_151 : i32
        %add3A_153 = arith.constant 3 : i32
        %add3A_154 = arith.addi %mul3A_152, %add3A_153 : i32
        %mul3A_155 = arith.constant 64 : i32
        %mul3A_156 = arith.muli %add3A_154, %mul3A_155 : i32
        %add3A_157 = arith.constant 0 : i32
        %add3A_158 = arith.addi %mul3A_156, %add3A_157 : i32
        %get3A_159 = arith.index_cast %add3A_158 : i32 to index
        %get3A_160 = tpu.vector_load %arg10[%get3A_159] {strides = array<i32>} : memref<32768xf32, #tpu.memory_space<vmem>>, vector<16xf32>,
        %get3A_161 = vector.shape_cast %get3A_160 : vector<16xf32> to vector<16xf32>
        %add3A_162 = arith.constant 16 : i32
        %add3A_163 = arith.addi %mul3A_156, %add3A_162 : i32
        %get3A_164 = arith.index_cast %add3A_163 : i32 to index
        %get3A_165 = tpu.vector_load %arg10[%get3A_164] {strides = array<i32>} : memref<32768xf32, #tpu.memory_space<vmem>>, vector<16xf32>,
        %get3A_166 = vector.shape_cast %get3A_165 : vector<16xf32> to vector<16xf32>
        %add3A_167 = arith.constant 32 : i32
        %add3A_168 = arith.addi %mul3A_156, %add3A_167 : i32
        %get3A_169 = arith.index_cast %add3A_168 : i32 to index
        %get3A_170 = tpu.vector_load %arg10[%get3A_169] {strides = array<i32>} : memref<32768xf32, #tpu.memory_space<vmem>>, vector<16xf32>,
        %get3A_171 = vector.shape_cast %get3A_170 : vector<16xf32> to vector<16xf32>
        %add3A_172 = arith.constant 48 : i32
        %add3A_173 = arith.addi %mul3A_156, %add3A_172 : i32
        %get3A_174 = arith.index_cast %add3A_173 : i32 to index
        %get3A_175 = tpu.vector_load %arg10[%get3A_174] {strides = array<i32>} : memref<32768xf32, #tpu.memory_space<vmem>>, vector<16xf32>,
        %get3A_176 = vector.shape_cast %get3A_175 : vector<16xf32> to vector<16xf32>
        %mul3A_177 = arith.mulf %get3A_161, %get3A_161 : vector<16xf32>
        %mul3A_178 = arith.mulf %get3A_166, %get3A_166 : vector<16xf32>
        %add3A_179 = arith.addf %mul3A_177, %mul3A_178 : vector<16xf32>
        %mul3A_180 = arith.mulf %get3A_171, %get3A_171 : vector<16xf32>
        %add3A_181 = arith.addf %add3A_179, %mul3A_180 : vector<16xf32>
        %mul3A_182 = arith.mulf %get3A_176, %get3A_176 : vector<16xf32>
        %add3A_183 = arith.addf %add3A_181, %mul3A_182 : vector<16xf32>
        %slice3A_184 = vector.extract_strided_slice %add3A_183 {offsets = [0], sizes = [1], strides = [1]} : vector<16xf32> to vector<1xf32>
        %squeeze3A_185 = vector.extract %slice3A_184[0] : f32 from vector<1xf32>
        %slice3A_186 = vector.extract_strided_slice %add3A_183 {offsets = [1], sizes = [1], strides = [1]} : vector<16xf32> to vector<1xf32>
        %squeeze3A_187 = vector.extract %slice3A_186[0] : f32 from vector<1xf32>
        %add3A_188 = arith.addf %squeeze3A_185, %squeeze3A_187 : f32
        %slice3A_189 = vector.extract_strided_slice %add3A_183 {offsets = [2], sizes = [1], strides = [1]} : vector<16xf32> to vector<1xf32>
        %squeeze3A_190 = vector.extract %slice3A_189[0] : f32 from vector<1xf32>
        %add3A_191 = arith.addf %add3A_188, %squeeze3A_190 : f32
        %slice3A_192 = vector.extract_strided_slice %add3A_183 {offsets = [3], sizes = [1], strides = [1]} : vector<16xf32> to vector<1xf32>
        %squeeze3A_193 = vector.extract %slice3A_192[0] : f32 from vector<1xf32>
        %add3A_194 = arith.addf %add3A_191, %squeeze3A_193 : f32
        %slice3A_195 = vector.extract_strided_slice %add3A_183 {offsets = [4], sizes = [1], strides = [1]} : vector<16xf32> to vector<1xf32>
        %squeeze3A_196 = vector.extract %slice3A_195[0] : f32 from vector<1xf32>
        %add3A_197 = arith.addf %add3A_194, %squeeze3A_196 : f32
        %slice3A_198 = vector.extract_strided_slice %add3A_183 {offsets = [5], sizes = [1], strides = [1]} : vector<16xf32> to vector<1xf32>
        %squeeze3A_199 = vector.extract %slice3A_198[0] : f32 from vector<1xf32>
        %add3A_200 = arith.addf %add3A_197, %squeeze3A_199 : f32
        %slice3A_201 = vector.extract_strided_slice %add3A_183 {offsets = [6], sizes = [1], strides = [1]} : vector<16xf32> to vector<1xf32>
        %squeeze3A_202 = vector.extract %slice3A_201[0] : f32 from vector<1xf32>
        %add3A_203 = arith.addf %add3A_200, %squeeze3A_202 : f32
        %slice3A_204 = vector.extract_strided_slice %add3A_183 {offsets = [7], sizes = [1], strides = [1]} : vector<16xf32> to vector<1xf32>
        %squeeze3A_205 = vector.extract %slice3A_204[0] : f32 from vector<1xf32>
        %add3A_206 = arith.addf %add3A_203, %squeeze3A_205 : f32
        %slice3A_207 = vector.extract_strided_slice %add3A_183 {offsets = [8], sizes = [1], strides = [1]} : vector<16xf32> to vector<1xf32>
        %squeeze3A_208 = vector.extract %slice3A_207[0] : f32 from vector<1xf32>
        %add3A_209 = arith.addf %add3A_206, %squeeze3A_208 : f32
        %slice3A_210 = vector.extract_strided_slice %add3A_183 {offsets = [9], sizes = [1], strides = [1]} : vector<16xf32> to vector<1xf32>
        %squeeze3A_211 = vector.extract %slice3A_210[0] : f32 from vector<1xf32>
        %add3A_212 = arith.addf %add3A_209, %squeeze3A_211 : f32
        %slice3A_213 = vector.extract_strided_slice %add3A_183 {offsets = [10], sizes = [1], strides = [1]} : vector<16xf32> to vector<1xf32>
        %squeeze3A_214 = vector.extract %slice3A_213[0] : f32 from vector<1xf32>
        %add3A_215 = arith.addf %add3A_212, %squeeze3A_214 : f32
        %slice3A_216 = vector.extract_strided_slice %add3A_183 {offsets = [11], sizes = [1], strides = [1]} : vector<16xf32> to vector<1xf32>
        %squeeze3A_217 = vector.extract %slice3A_216[0] : f32 from vector<1xf32>
        %add3A_218 = arith.addf %add3A_215, %squeeze3A_217 : f32
        %slice3A_219 = vector.extract_strided_slice %add3A_183 {offsets = [12], sizes = [1], strides = [1]} : vector<16xf32> to vector<1xf32>
        %squeeze3A_220 = vector.extract %slice3A_219[0] : f32 from vector<1xf32>
        %add3A_221 = arith.addf %add3A_218, %squeeze3A_220 : f32
        %slice3A_222 = vector.extract_strided_slice %add3A_183 {offsets = [13], sizes = [1], strides = [1]} : vector<16xf32> to vector<1xf32>
        %squeeze3A_223 = vector.extract %slice3A_222[0] : f32 from vector<1xf32>
        %add3A_224 = arith.addf %add3A_221, %squeeze3A_223 : f32
        %slice3A_225 = vector.extract_strided_slice %add3A_183 {offsets = [14], sizes = [1], strides = [1]} : vector<16xf32> to vector<1xf32>
        %squeeze3A_226 = vector.extract %slice3A_225[0] : f32 from vector<1xf32>
        %add3A_227 = arith.addf %add3A_224, %squeeze3A_226 : f32
        %slice3A_228 = vector.extract_strided_slice %add3A_183 {offsets = [15], sizes = [1], strides = [1]} : vector<16xf32> to vector<1xf32>
        %squeeze3A_229 = vector.extract %slice3A_228[0] : f32 from vector<1xf32>
        %add3A_230 = arith.addf %add3A_227, %squeeze3A_229 : f32
        %broadcast_in_dim3A_231 = vector.broadcast %add3A_230 : f32 to vector<16xf32>
        %max3A = arith.constant 9.99999996E-13 : f32
        %max3A_232 = vector.broadcast %max3A : f32 to vector<16xf32>
        %max3A_233 = arith.maximumf %broadcast_in_dim3A_231, %max3A_232 : vector<16xf32>
        %bitcast_convert_type3A = tpu.bitcast %max3A_233 : vector<16xf32> -> vector<16xi32>
        %shift_right_arithmetic3A = arith.constant 1 : i32
        %shift_right_arithmetic3A_234 = vector.broadcast %shift_right_arithmetic3A : i32 to vector<16xi32>
        %shift_right_arithmetic3A_235 = arith.shrsi %bitcast_convert_type3A, %shift_right_arithmetic3A_234 : vector<16xi32>
        %sub3A_236 = arith.constant 1597463007 : i32
        %sub3A_237 = vector.broadcast %sub3A_236 : i32 to vector<16xi32>
        %sub3A_238 = arith.subi %sub3A_237, %shift_right_arithmetic3A_235 : vector<16xi32>
        %bitcast_convert_type3A_239 = tpu.bitcast %sub3A_238 : vector<16xi32> -> vector<16xf32>
        %mul3A_240 = arith.constant 5.000000e-01 : f32
        %mul3A_241 = vector.broadcast %mul3A_240 : f32 to vector<16xf32>
        %mul3A_242 = arith.mulf %mul3A_241, %max3A_233 : vector<16xf32>
        %mul3A_243 = arith.mulf %mul3A_242, %bitcast_convert_type3A_239 : vector<16xf32>
        %mul3A_244 = arith.mulf %mul3A_243, %bitcast_convert_type3A_239 : vector<16xf32>
        %sub3A_245 = arith.constant 1.500000e+00 : f32
        %sub3A_246 = vector.broadcast %sub3A_245 : f32 to vector<16xf32>
        %sub3A_247 = arith.subf %sub3A_246, %mul3A_244 : vector<16xf32>
        %mul3A_248 = arith.mulf %bitcast_convert_type3A_239, %sub3A_247 : vector<16xf32>
        %mul3A_249 = arith.constant 5.000000e-01 : f32
        %mul3A_250 = vector.broadcast %mul3A_249 : f32 to vector<16xf32>
        %mul3A_251 = arith.mulf %mul3A_250, %max3A_233 : vector<16xf32>
        %mul3A_252 = arith.mulf %mul3A_251, %mul3A_248 : vector<16xf32>
        %mul3A_253 = arith.mulf %mul3A_252, %mul3A_248 : vector<16xf32>
        %sub3A_254 = arith.constant 1.500000e+00 : f32
        %sub3A_255 = vector.broadcast %sub3A_254 : f32 to vector<16xf32>
        %sub3A_256 = arith.subf %sub3A_255, %mul3A_253 : vector<16xf32>
        %mul3A_257 = arith.mulf %mul3A_248, %sub3A_256 : vector<16xf32>
        %mul3A_258 = arith.constant 5.000000e-01 : f32
        %mul3A_259 = vector.broadcast %mul3A_258 : f32 to vector<16xf32>
        %mul3A_260 = arith.mulf %mul3A_259, %max3A_233 : vector<16xf32>
        %mul3A_261 = arith.mulf %mul3A_260, %mul3A_257 : vector<16xf32>
        %mul3A_262 = arith.mulf %mul3A_261, %mul3A_257 : vector<16xf32>
        %sub3A_263 = arith.constant 1.500000e+00 : f32
        %sub3A_264 = vector.broadcast %sub3A_263 : f32 to vector<16xf32>
        %sub3A_265 = arith.subf %sub3A_264, %mul3A_262 : vector<16xf32>
        %mul3A_266 = arith.mulf %mul3A_257, %sub3A_265 : vector<16xf32>
        %mul3A_267 = arith.constant 5.000000e-01 : f32
        %mul3A_268 = vector.broadcast %mul3A_267 : f32 to vector<16xf32>
        %mul3A_269 = arith.mulf %mul3A_268, %max3A_233 : vector<16xf32>
        %mul3A_270 = arith.mulf %mul3A_269, %mul3A_266 : vector<16xf32>
        %mul3A_271 = arith.mulf %mul3A_270, %mul3A_266 : vector<16xf32>
        %sub3A_272 = arith.constant 1.500000e+00 : f32
        %sub3A_273 = vector.broadcast %sub3A_272 : f32 to vector<16xf32>
        %sub3A_274 = arith.subf %sub3A_273, %mul3A_271 : vector<16xf32>
        %mul3A_275 = arith.mulf %mul3A_266, %sub3A_274 : vector<16xf32>
        %mul3A_276 = arith.mulf %max3A_233, %mul3A_275 : vector<16xf32>
        %max3A_277 = arith.constant 9.99999997E-7 : f32
        %max3A_278 = vector.broadcast %max3A_277 : f32 to vector<16xf32>
        %max3A_279 = arith.maximumf %mul3A_276, %max3A_278 : vector<16xf32>
        %div3A = arith.constant 1.000000e+00 : f32
        %div3A_280 = vector.broadcast %div3A : f32 to vector<16xf32>
        %div3A_281 = arith.divf %div3A_280, %max3A_279 : vector<16xf32>
        %mul3A_282 = arith.mulf %get3A_161, %div3A_281 : vector<16xf32>
        %add3A_283 = arith.constant 0 : i32
        %add3A_284 = arith.addi %mul3A_156, %add3A_283 : i32
        %swap3A_285 = arith.index_cast %add3A_284 : i32 to index
        %swap3A_286 = tpu.vector_load %arg9[%swap3A_285] {strides = array<i32>} : memref<32768xf32, #tpu.memory_space<vmem>>, vector<16xf32>,
        %swap3A_287 = vector.shape_cast %swap3A_286 : vector<16xf32> to vector<16xf32>
        %swap3A_288 = vector.shape_cast %mul3A_282 : vector<16xf32> to vector<16xf32>
        tpu.vector_store %arg9[%swap3A_285], %swap3A_288 {strides = array<i32>} : memref<32768xf32, #tpu.memory_space<vmem>>, vector<16xf32>,
        %mul3A_289 = arith.mulf %get3A_166, %div3A_281 : vector<16xf32>
        %add3A_290 = arith.constant 16 : i32
        %add3A_291 = arith.addi %mul3A_156, %add3A_290 : i32
        %swap3A_292 = arith.index_cast %add3A_291 : i32 to index
        %swap3A_293 = tpu.vector_load %arg9[%swap3A_292] {strides = array<i32>} : memref<32768xf32, #tpu.memory_space<vmem>>, vector<16xf32>,
        %swap3A_294 = vector.shape_cast %swap3A_293 : vector<16xf32> to vector<16xf32>
        %swap3A_295 = vector.shape_cast %mul3A_289 : vector<16xf32> to vector<16xf32>
        tpu.vector_store %arg9[%swap3A_292], %swap3A_295 {strides = array<i32>} : memref<32768xf32, #tpu.memory_space<vmem>>, vector<16xf32>,
        %mul3A_296 = arith.mulf %get3A_171, %div3A_281 : vector<16xf32>
        %add3A_297 = arith.constant 32 : i32
        %add3A_298 = arith.addi %mul3A_156, %add3A_297 : i32
        %swap3A_299 = arith.index_cast %add3A_298 : i32 to index
        %swap3A_300 = tpu.vector_load %arg9[%swap3A_299] {strides = array<i32>} : memref<32768xf32, #tpu.memory_space<vmem>>, vector<16xf32>,
        %swap3A_301 = vector.shape_cast %swap3A_300 : vector<16xf32> to vector<16xf32>
        %swap3A_302 = vector.shape_cast %mul3A_296 : vector<16xf32> to vector<16xf32>
        tpu.vector_store %arg9[%swap3A_299], %swap3A_302 {strides = array<i32>} : memref<32768xf32, #tpu.memory_space<vmem>>, vector<16xf32>,
        %mul3A_303 = arith.mulf %get3A_176, %div3A_281 : vector<16xf32>
        %add3A_304 = arith.constant 48 : i32
        %add3A_305 = arith.addi %mul3A_156, %add3A_304 : i32
        %swap3A_306 = arith.index_cast %add3A_305 : i32 to index
        %swap3A_307 = tpu.vector_load %arg9[%swap3A_306] {strides = array<i32>} : memref<32768xf32, #tpu.memory_space<vmem>>, vector<16xf32>,
        %swap3A_308 = vector.shape_cast %swap3A_307 : vector<16xf32> to vector<16xf32>
        %swap3A_309 = vector.shape_cast %mul3A_303 : vector<16xf32> to vector<16xf32>
        tpu.vector_store %arg9[%swap3A_306], %swap3A_309 {strides = array<i32>} : memref<32768xf32, #tpu.memory_space<vmem>>, vector<16xf32>,
      } else {
      }
      %slice3A_67 = vector.extract_strided_slice %select_n3A_42 {offsets = [4], sizes = [1], strides = [1]} : vector<16xi32> to vector<1xi32>
      %squeeze3A_68 = vector.extract %slice3A_67[0] : i32 from vector<1xi32>
      %ne3A_69 = arith.constant 0 : i32
      %ne3A_70 = arith.cmpi ne, %squeeze3A_68, %ne3A_69 : i32
      %convert_element_type3A_71 = arith.extui %ne3A_70 : i1 to i32
      %cond3A_72 = arith.constant 0 : i32
      %cond3A_73 = arith.cmpi ne, %convert_element_type3A_71, %cond3A_72 : i32
      scf.if %cond3A_73 {
        %mul3A_151 = arith.constant 16 : i32
        %mul3A_152 = arith.muli %scan3A_14, %mul3A_151 : i32
        %add3A_153 = arith.constant 4 : i32
        %add3A_154 = arith.addi %mul3A_152, %add3A_153 : i32
        %mul3A_155 = arith.constant 64 : i32
        %mul3A_156 = arith.muli %add3A_154, %mul3A_155 : i32
        %add3A_157 = arith.constant 0 : i32
        %add3A_158 = arith.addi %mul3A_156, %add3A_157 : i32
        %get3A_159 = arith.index_cast %add3A_158 : i32 to index
        %get3A_160 = tpu.vector_load %arg10[%get3A_159] {strides = array<i32>} : memref<32768xf32, #tpu.memory_space<vmem>>, vector<16xf32>,
        %get3A_161 = vector.shape_cast %get3A_160 : vector<16xf32> to vector<16xf32>
        %add3A_162 = arith.constant 16 : i32
        %add3A_163 = arith.addi %mul3A_156, %add3A_162 : i32
        %get3A_164 = arith.index_cast %add3A_163 : i32 to index
        %get3A_165 = tpu.vector_load %arg10[%get3A_164] {strides = array<i32>} : memref<32768xf32, #tpu.memory_space<vmem>>, vector<16xf32>,
        %get3A_166 = vector.shape_cast %get3A_165 : vector<16xf32> to vector<16xf32>
        %add3A_167 = arith.constant 32 : i32
        %add3A_168 = arith.addi %mul3A_156, %add3A_167 : i32
        %get3A_169 = arith.index_cast %add3A_168 : i32 to index
        %get3A_170 = tpu.vector_load %arg10[%get3A_169] {strides = array<i32>} : memref<32768xf32, #tpu.memory_space<vmem>>, vector<16xf32>,
        %get3A_171 = vector.shape_cast %get3A_170 : vector<16xf32> to vector<16xf32>
        %add3A_172 = arith.constant 48 : i32
        %add3A_173 = arith.addi %mul3A_156, %add3A_172 : i32
        %get3A_174 = arith.index_cast %add3A_173 : i32 to index
        %get3A_175 = tpu.vector_load %arg10[%get3A_174] {strides = array<i32>} : memref<32768xf32, #tpu.memory_space<vmem>>, vector<16xf32>,
        %get3A_176 = vector.shape_cast %get3A_175 : vector<16xf32> to vector<16xf32>
        %mul3A_177 = arith.mulf %get3A_161, %get3A_161 : vector<16xf32>
        %mul3A_178 = arith.mulf %get3A_166, %get3A_166 : vector<16xf32>
        %add3A_179 = arith.addf %mul3A_177, %mul3A_178 : vector<16xf32>
        %mul3A_180 = arith.mulf %get3A_171, %get3A_171 : vector<16xf32>
        %add3A_181 = arith.addf %add3A_179, %mul3A_180 : vector<16xf32>
        %mul3A_182 = arith.mulf %get3A_176, %get3A_176 : vector<16xf32>
        %add3A_183 = arith.addf %add3A_181, %mul3A_182 : vector<16xf32>
        %slice3A_184 = vector.extract_strided_slice %add3A_183 {offsets = [0], sizes = [1], strides = [1]} : vector<16xf32> to vector<1xf32>
        %squeeze3A_185 = vector.extract %slice3A_184[0] : f32 from vector<1xf32>
        %slice3A_186 = vector.extract_strided_slice %add3A_183 {offsets = [1], sizes = [1], strides = [1]} : vector<16xf32> to vector<1xf32>
        %squeeze3A_187 = vector.extract %slice3A_186[0] : f32 from vector<1xf32>
        %add3A_188 = arith.addf %squeeze3A_185, %squeeze3A_187 : f32
        %slice3A_189 = vector.extract_strided_slice %add3A_183 {offsets = [2], sizes = [1], strides = [1]} : vector<16xf32> to vector<1xf32>
        %squeeze3A_190 = vector.extract %slice3A_189[0] : f32 from vector<1xf32>
        %add3A_191 = arith.addf %add3A_188, %squeeze3A_190 : f32
        %slice3A_192 = vector.extract_strided_slice %add3A_183 {offsets = [3], sizes = [1], strides = [1]} : vector<16xf32> to vector<1xf32>
        %squeeze3A_193 = vector.extract %slice3A_192[0] : f32 from vector<1xf32>
        %add3A_194 = arith.addf %add3A_191, %squeeze3A_193 : f32
        %slice3A_195 = vector.extract_strided_slice %add3A_183 {offsets = [4], sizes = [1], strides = [1]} : vector<16xf32> to vector<1xf32>
        %squeeze3A_196 = vector.extract %slice3A_195[0] : f32 from vector<1xf32>
        %add3A_197 = arith.addf %add3A_194, %squeeze3A_196 : f32
        %slice3A_198 = vector.extract_strided_slice %add3A_183 {offsets = [5], sizes = [1], strides = [1]} : vector<16xf32> to vector<1xf32>
        %squeeze3A_199 = vector.extract %slice3A_198[0] : f32 from vector<1xf32>
        %add3A_200 = arith.addf %add3A_197, %squeeze3A_199 : f32
        %slice3A_201 = vector.extract_strided_slice %add3A_183 {offsets = [6], sizes = [1], strides = [1]} : vector<16xf32> to vector<1xf32>
        %squeeze3A_202 = vector.extract %slice3A_201[0] : f32 from vector<1xf32>
        %add3A_203 = arith.addf %add3A_200, %squeeze3A_202 : f32
        %slice3A_204 = vector.extract_strided_slice %add3A_183 {offsets = [7], sizes = [1], strides = [1]} : vector<16xf32> to vector<1xf32>
        %squeeze3A_205 = vector.extract %slice3A_204[0] : f32 from vector<1xf32>
        %add3A_206 = arith.addf %add3A_203, %squeeze3A_205 : f32
        %slice3A_207 = vector.extract_strided_slice %add3A_183 {offsets = [8], sizes = [1], strides = [1]} : vector<16xf32> to vector<1xf32>
        %squeeze3A_208 = vector.extract %slice3A_207[0] : f32 from vector<1xf32>
        %add3A_209 = arith.addf %add3A_206, %squeeze3A_208 : f32
        %slice3A_210 = vector.extract_strided_slice %add3A_183 {offsets = [9], sizes = [1], strides = [1]} : vector<16xf32> to vector<1xf32>
        %squeeze3A_211 = vector.extract %slice3A_210[0] : f32 from vector<1xf32>
        %add3A_212 = arith.addf %add3A_209, %squeeze3A_211 : f32
        %slice3A_213 = vector.extract_strided_slice %add3A_183 {offsets = [10], sizes = [1], strides = [1]} : vector<16xf32> to vector<1xf32>
        %squeeze3A_214 = vector.extract %slice3A_213[0] : f32 from vector<1xf32>
        %add3A_215 = arith.addf %add3A_212, %squeeze3A_214 : f32
        %slice3A_216 = vector.extract_strided_slice %add3A_183 {offsets = [11], sizes = [1], strides = [1]} : vector<16xf32> to vector<1xf32>
        %squeeze3A_217 = vector.extract %slice3A_216[0] : f32 from vector<1xf32>
        %add3A_218 = arith.addf %add3A_215, %squeeze3A_217 : f32
        %slice3A_219 = vector.extract_strided_slice %add3A_183 {offsets = [12], sizes = [1], strides = [1]} : vector<16xf32> to vector<1xf32>
        %squeeze3A_220 = vector.extract %slice3A_219[0] : f32 from vector<1xf32>
        %add3A_221 = arith.addf %add3A_218, %squeeze3A_220 : f32
        %slice3A_222 = vector.extract_strided_slice %add3A_183 {offsets = [13], sizes = [1], strides = [1]} : vector<16xf32> to vector<1xf32>
        %squeeze3A_223 = vector.extract %slice3A_222[0] : f32 from vector<1xf32>
        %add3A_224 = arith.addf %add3A_221, %squeeze3A_223 : f32
        %slice3A_225 = vector.extract_strided_slice %add3A_183 {offsets = [14], sizes = [1], strides = [1]} : vector<16xf32> to vector<1xf32>
        %squeeze3A_226 = vector.extract %slice3A_225[0] : f32 from vector<1xf32>
        %add3A_227 = arith.addf %add3A_224, %squeeze3A_226 : f32
        %slice3A_228 = vector.extract_strided_slice %add3A_183 {offsets = [15], sizes = [1], strides = [1]} : vector<16xf32> to vector<1xf32>
        %squeeze3A_229 = vector.extract %slice3A_228[0] : f32 from vector<1xf32>
        %add3A_230 = arith.addf %add3A_227, %squeeze3A_229 : f32
        %broadcast_in_dim3A_231 = vector.broadcast %add3A_230 : f32 to vector<16xf32>
        %max3A = arith.constant 9.99999996E-13 : f32
        %max3A_232 = vector.broadcast %max3A : f32 to vector<16xf32>
        %max3A_233 = arith.maximumf %broadcast_in_dim3A_231, %max3A_232 : vector<16xf32>
        %bitcast_convert_type3A = tpu.bitcast %max3A_233 : vector<16xf32> -> vector<16xi32>
        %shift_right_arithmetic3A = arith.constant 1 : i32
        %shift_right_arithmetic3A_234 = vector.broadcast %shift_right_arithmetic3A : i32 to vector<16xi32>
        %shift_right_arithmetic3A_235 = arith.shrsi %bitcast_convert_type3A, %shift_right_arithmetic3A_234 : vector<16xi32>
        %sub3A_236 = arith.constant 1597463007 : i32
        %sub3A_237 = vector.broadcast %sub3A_236 : i32 to vector<16xi32>
        %sub3A_238 = arith.subi %sub3A_237, %shift_right_arithmetic3A_235 : vector<16xi32>
        %bitcast_convert_type3A_239 = tpu.bitcast %sub3A_238 : vector<16xi32> -> vector<16xf32>
        %mul3A_240 = arith.constant 5.000000e-01 : f32
        %mul3A_241 = vector.broadcast %mul3A_240 : f32 to vector<16xf32>
        %mul3A_242 = arith.mulf %mul3A_241, %max3A_233 : vector<16xf32>
        %mul3A_243 = arith.mulf %mul3A_242, %bitcast_convert_type3A_239 : vector<16xf32>
        %mul3A_244 = arith.mulf %mul3A_243, %bitcast_convert_type3A_239 : vector<16xf32>
        %sub3A_245 = arith.constant 1.500000e+00 : f32
        %sub3A_246 = vector.broadcast %sub3A_245 : f32 to vector<16xf32>
        %sub3A_247 = arith.subf %sub3A_246, %mul3A_244 : vector<16xf32>
        %mul3A_248 = arith.mulf %bitcast_convert_type3A_239, %sub3A_247 : vector<16xf32>
        %mul3A_249 = arith.constant 5.000000e-01 : f32
        %mul3A_250 = vector.broadcast %mul3A_249 : f32 to vector<16xf32>
        %mul3A_251 = arith.mulf %mul3A_250, %max3A_233 : vector<16xf32>
        %mul3A_252 = arith.mulf %mul3A_251, %mul3A_248 : vector<16xf32>
        %mul3A_253 = arith.mulf %mul3A_252, %mul3A_248 : vector<16xf32>
        %sub3A_254 = arith.constant 1.500000e+00 : f32
        %sub3A_255 = vector.broadcast %sub3A_254 : f32 to vector<16xf32>
        %sub3A_256 = arith.subf %sub3A_255, %mul3A_253 : vector<16xf32>
        %mul3A_257 = arith.mulf %mul3A_248, %sub3A_256 : vector<16xf32>
        %mul3A_258 = arith.constant 5.000000e-01 : f32
        %mul3A_259 = vector.broadcast %mul3A_258 : f32 to vector<16xf32>
        %mul3A_260 = arith.mulf %mul3A_259, %max3A_233 : vector<16xf32>
        %mul3A_261 = arith.mulf %mul3A_260, %mul3A_257 : vector<16xf32>
        %mul3A_262 = arith.mulf %mul3A_261, %mul3A_257 : vector<16xf32>
        %sub3A_263 = arith.constant 1.500000e+00 : f32
        %sub3A_264 = vector.broadcast %sub3A_263 : f32 to vector<16xf32>
        %sub3A_265 = arith.subf %sub3A_264, %mul3A_262 : vector<16xf32>
        %mul3A_266 = arith.mulf %mul3A_257, %sub3A_265 : vector<16xf32>
        %mul3A_267 = arith.constant 5.000000e-01 : f32
        %mul3A_268 = vector.broadcast %mul3A_267 : f32 to vector<16xf32>
        %mul3A_269 = arith.mulf %mul3A_268, %max3A_233 : vector<16xf32>
        %mul3A_270 = arith.mulf %mul3A_269, %mul3A_266 : vector<16xf32>
        %mul3A_271 = arith.mulf %mul3A_270, %mul3A_266 : vector<16xf32>
        %sub3A_272 = arith.constant 1.500000e+00 : f32
        %sub3A_273 = vector.broadcast %sub3A_272 : f32 to vector<16xf32>
        %sub3A_274 = arith.subf %sub3A_273, %mul3A_271 : vector<16xf32>
        %mul3A_275 = arith.mulf %mul3A_266, %sub3A_274 : vector<16xf32>
        %mul3A_276 = arith.mulf %max3A_233, %mul3A_275 : vector<16xf32>
        %max3A_277 = arith.constant 9.99999997E-7 : f32
        %max3A_278 = vector.broadcast %max3A_277 : f32 to vector<16xf32>
        %max3A_279 = arith.maximumf %mul3A_276, %max3A_278 : vector<16xf32>
        %div3A = arith.constant 1.000000e+00 : f32
        %div3A_280 = vector.broadcast %div3A : f32 to vector<16xf32>
        %div3A_281 = arith.divf %div3A_280, %max3A_279 : vector<16xf32>
        %mul3A_282 = arith.mulf %get3A_161, %div3A_281 : vector<16xf32>
        %add3A_283 = arith.constant 0 : i32
        %add3A_284 = arith.addi %mul3A_156, %add3A_283 : i32
        %swap3A_285 = arith.index_cast %add3A_284 : i32 to index
        %swap3A_286 = tpu.vector_load %arg9[%swap3A_285] {strides = array<i32>} : memref<32768xf32, #tpu.memory_space<vmem>>, vector<16xf32>,
        %swap3A_287 = vector.shape_cast %swap3A_286 : vector<16xf32> to vector<16xf32>
        %swap3A_288 = vector.shape_cast %mul3A_282 : vector<16xf32> to vector<16xf32>
        tpu.vector_store %arg9[%swap3A_285], %swap3A_288 {strides = array<i32>} : memref<32768xf32, #tpu.memory_space<vmem>>, vector<16xf32>,
        %mul3A_289 = arith.mulf %get3A_166, %div3A_281 : vector<16xf32>
        %add3A_290 = arith.constant 16 : i32
        %add3A_291 = arith.addi %mul3A_156, %add3A_290 : i32
        %swap3A_292 = arith.index_cast %add3A_291 : i32 to index
        %swap3A_293 = tpu.vector_load %arg9[%swap3A_292] {strides = array<i32>} : memref<32768xf32, #tpu.memory_space<vmem>>, vector<16xf32>,
        %swap3A_294 = vector.shape_cast %swap3A_293 : vector<16xf32> to vector<16xf32>
        %swap3A_295 = vector.shape_cast %mul3A_289 : vector<16xf32> to vector<16xf32>
        tpu.vector_store %arg9[%swap3A_292], %swap3A_295 {strides = array<i32>} : memref<32768xf32, #tpu.memory_space<vmem>>, vector<16xf32>,
        %mul3A_296 = arith.mulf %get3A_171, %div3A_281 : vector<16xf32>
        %add3A_297 = arith.constant 32 : i32
        %add3A_298 = arith.addi %mul3A_156, %add3A_297 : i32
        %swap3A_299 = arith.index_cast %add3A_298 : i32 to index
        %swap3A_300 = tpu.vector_load %arg9[%swap3A_299] {strides = array<i32>} : memref<32768xf32, #tpu.memory_space<vmem>>, vector<16xf32>,
        %swap3A_301 = vector.shape_cast %swap3A_300 : vector<16xf32> to vector<16xf32>
        %swap3A_302 = vector.shape_cast %mul3A_296 : vector<16xf32> to vector<16xf32>
        tpu.vector_store %arg9[%swap3A_299], %swap3A_302 {strides = array<i32>} : memref<32768xf32, #tpu.memory_space<vmem>>, vector<16xf32>,
        %mul3A_303 = arith.mulf %get3A_176, %div3A_281 : vector<16xf32>
        %add3A_304 = arith.constant 48 : i32
        %add3A_305 = arith.addi %mul3A_156, %add3A_304 : i32
        %swap3A_306 = arith.index_cast %add3A_305 : i32 to index
        %swap3A_307 = tpu.vector_load %arg9[%swap3A_306] {strides = array<i32>} : memref<32768xf32, #tpu.memory_space<vmem>>, vector<16xf32>,
        %swap3A_308 = vector.shape_cast %swap3A_307 : vector<16xf32> to vector<16xf32>
        %swap3A_309 = vector.shape_cast %mul3A_303 : vector<16xf32> to vector<16xf32>
        tpu.vector_store %arg9[%swap3A_306], %swap3A_309 {strides = array<i32>} : memref<32768xf32, #tpu.memory_space<vmem>>, vector<16xf32>,
      } else {
      }
      %slice3A_74 = vector.extract_strided_slice %select_n3A_42 {offsets = [5], sizes = [1], strides = [1]} : vector<16xi32> to vector<1xi32>
      %squeeze3A_75 = vector.extract %slice3A_74[0] : i32 from vector<1xi32>
      %ne3A_76 = arith.constant 0 : i32
      %ne3A_77 = arith.cmpi ne, %squeeze3A_75, %ne3A_76 : i32
      %convert_element_type3A_78 = arith.extui %ne3A_77 : i1 to i32
      %cond3A_79 = arith.constant 0 : i32
      %cond3A_80 = arith.cmpi ne, %convert_element_type3A_78, %cond3A_79 : i32
      scf.if %cond3A_80 {
        %mul3A_151 = arith.constant 16 : i32
        %mul3A_152 = arith.muli %scan3A_14, %mul3A_151 : i32
        %add3A_153 = arith.constant 5 : i32
        %add3A_154 = arith.addi %mul3A_152, %add3A_153 : i32
        %mul3A_155 = arith.constant 64 : i32
        %mul3A_156 = arith.muli %add3A_154, %mul3A_155 : i32
        %add3A_157 = arith.constant 0 : i32
        %add3A_158 = arith.addi %mul3A_156, %add3A_157 : i32
        %get3A_159 = arith.index_cast %add3A_158 : i32 to index
        %get3A_160 = tpu.vector_load %arg10[%get3A_159] {strides = array<i32>} : memref<32768xf32, #tpu.memory_space<vmem>>, vector<16xf32>,
        %get3A_161 = vector.shape_cast %get3A_160 : vector<16xf32> to vector<16xf32>
        %add3A_162 = arith.constant 16 : i32
        %add3A_163 = arith.addi %mul3A_156, %add3A_162 : i32
        %get3A_164 = arith.index_cast %add3A_163 : i32 to index
        %get3A_165 = tpu.vector_load %arg10[%get3A_164] {strides = array<i32>} : memref<32768xf32, #tpu.memory_space<vmem>>, vector<16xf32>,
        %get3A_166 = vector.shape_cast %get3A_165 : vector<16xf32> to vector<16xf32>
        %add3A_167 = arith.constant 32 : i32
        %add3A_168 = arith.addi %mul3A_156, %add3A_167 : i32
        %get3A_169 = arith.index_cast %add3A_168 : i32 to index
        %get3A_170 = tpu.vector_load %arg10[%get3A_169] {strides = array<i32>} : memref<32768xf32, #tpu.memory_space<vmem>>, vector<16xf32>,
        %get3A_171 = vector.shape_cast %get3A_170 : vector<16xf32> to vector<16xf32>
        %add3A_172 = arith.constant 48 : i32
        %add3A_173 = arith.addi %mul3A_156, %add3A_172 : i32
        %get3A_174 = arith.index_cast %add3A_173 : i32 to index
        %get3A_175 = tpu.vector_load %arg10[%get3A_174] {strides = array<i32>} : memref<32768xf32, #tpu.memory_space<vmem>>, vector<16xf32>,
        %get3A_176 = vector.shape_cast %get3A_175 : vector<16xf32> to vector<16xf32>
        %mul3A_177 = arith.mulf %get3A_161, %get3A_161 : vector<16xf32>
        %mul3A_178 = arith.mulf %get3A_166, %get3A_166 : vector<16xf32>
        %add3A_179 = arith.addf %mul3A_177, %mul3A_178 : vector<16xf32>
        %mul3A_180 = arith.mulf %get3A_171, %get3A_171 : vector<16xf32>
        %add3A_181 = arith.addf %add3A_179, %mul3A_180 : vector<16xf32>
        %mul3A_182 = arith.mulf %get3A_176, %get3A_176 : vector<16xf32>
        %add3A_183 = arith.addf %add3A_181, %mul3A_182 : vector<16xf32>
        %slice3A_184 = vector.extract_strided_slice %add3A_183 {offsets = [0], sizes = [1], strides = [1]} : vector<16xf32> to vector<1xf32>
        %squeeze3A_185 = vector.extract %slice3A_184[0] : f32 from vector<1xf32>
        %slice3A_186 = vector.extract_strided_slice %add3A_183 {offsets = [1], sizes = [1], strides = [1]} : vector<16xf32> to vector<1xf32>
        %squeeze3A_187 = vector.extract %slice3A_186[0] : f32 from vector<1xf32>
        %add3A_188 = arith.addf %squeeze3A_185, %squeeze3A_187 : f32
        %slice3A_189 = vector.extract_strided_slice %add3A_183 {offsets = [2], sizes = [1], strides = [1]} : vector<16xf32> to vector<1xf32>
        %squeeze3A_190 = vector.extract %slice3A_189[0] : f32 from vector<1xf32>
        %add3A_191 = arith.addf %add3A_188, %squeeze3A_190 : f32
        %slice3A_192 = vector.extract_strided_slice %add3A_183 {offsets = [3], sizes = [1], strides = [1]} : vector<16xf32> to vector<1xf32>
        %squeeze3A_193 = vector.extract %slice3A_192[0] : f32 from vector<1xf32>
        %add3A_194 = arith.addf %add3A_191, %squeeze3A_193 : f32
        %slice3A_195 = vector.extract_strided_slice %add3A_183 {offsets = [4], sizes = [1], strides = [1]} : vector<16xf32> to vector<1xf32>
        %squeeze3A_196 = vector.extract %slice3A_195[0] : f32 from vector<1xf32>
        %add3A_197 = arith.addf %add3A_194, %squeeze3A_196 : f32
        %slice3A_198 = vector.extract_strided_slice %add3A_183 {offsets = [5], sizes = [1], strides = [1]} : vector<16xf32> to vector<1xf32>
        %squeeze3A_199 = vector.extract %slice3A_198[0] : f32 from vector<1xf32>
        %add3A_200 = arith.addf %add3A_197, %squeeze3A_199 : f32
        %slice3A_201 = vector.extract_strided_slice %add3A_183 {offsets = [6], sizes = [1], strides = [1]} : vector<16xf32> to vector<1xf32>
        %squeeze3A_202 = vector.extract %slice3A_201[0] : f32 from vector<1xf32>
        %add3A_203 = arith.addf %add3A_200, %squeeze3A_202 : f32
        %slice3A_204 = vector.extract_strided_slice %add3A_183 {offsets = [7], sizes = [1], strides = [1]} : vector<16xf32> to vector<1xf32>
        %squeeze3A_205 = vector.extract %slice3A_204[0] : f32 from vector<1xf32>
        %add3A_206 = arith.addf %add3A_203, %squeeze3A_205 : f32
        %slice3A_207 = vector.extract_strided_slice %add3A_183 {offsets = [8], sizes = [1], strides = [1]} : vector<16xf32> to vector<1xf32>
        %squeeze3A_208 = vector.extract %slice3A_207[0] : f32 from vector<1xf32>
        %add3A_209 = arith.addf %add3A_206, %squeeze3A_208 : f32
        %slice3A_210 = vector.extract_strided_slice %add3A_183 {offsets = [9], sizes = [1], strides = [1]} : vector<16xf32> to vector<1xf32>
        %squeeze3A_211 = vector.extract %slice3A_210[0] : f32 from vector<1xf32>
        %add3A_212 = arith.addf %add3A_209, %squeeze3A_211 : f32
        %slice3A_213 = vector.extract_strided_slice %add3A_183 {offsets = [10], sizes = [1], strides = [1]} : vector<16xf32> to vector<1xf32>
        %squeeze3A_214 = vector.extract %slice3A_213[0] : f32 from vector<1xf32>
        %add3A_215 = arith.addf %add3A_212, %squeeze3A_214 : f32
        %slice3A_216 = vector.extract_strided_slice %add3A_183 {offsets = [11], sizes = [1], strides = [1]} : vector<16xf32> to vector<1xf32>
        %squeeze3A_217 = vector.extract %slice3A_216[0] : f32 from vector<1xf32>
        %add3A_218 = arith.addf %add3A_215, %squeeze3A_217 : f32
        %slice3A_219 = vector.extract_strided_slice %add3A_183 {offsets = [12], sizes = [1], strides = [1]} : vector<16xf32> to vector<1xf32>
        %squeeze3A_220 = vector.extract %slice3A_219[0] : f32 from vector<1xf32>
        %add3A_221 = arith.addf %add3A_218, %squeeze3A_220 : f32
        %slice3A_222 = vector.extract_strided_slice %add3A_183 {offsets = [13], sizes = [1], strides = [1]} : vector<16xf32> to vector<1xf32>
        %squeeze3A_223 = vector.extract %slice3A_222[0] : f32 from vector<1xf32>
        %add3A_224 = arith.addf %add3A_221, %squeeze3A_223 : f32
        %slice3A_225 = vector.extract_strided_slice %add3A_183 {offsets = [14], sizes = [1], strides = [1]} : vector<16xf32> to vector<1xf32>
        %squeeze3A_226 = vector.extract %slice3A_225[0] : f32 from vector<1xf32>
        %add3A_227 = arith.addf %add3A_224, %squeeze3A_226 : f32
        %slice3A_228 = vector.extract_strided_slice %add3A_183 {offsets = [15], sizes = [1], strides = [1]} : vector<16xf32> to vector<1xf32>
        %squeeze3A_229 = vector.extract %slice3A_228[0] : f32 from vector<1xf32>
        %add3A_230 = arith.addf %add3A_227, %squeeze3A_229 : f32
        %broadcast_in_dim3A_231 = vector.broadcast %add3A_230 : f32 to vector<16xf32>
        %max3A = arith.constant 9.99999996E-13 : f32
        %max3A_232 = vector.broadcast %max3A : f32 to vector<16xf32>
        %max3A_233 = arith.maximumf %broadcast_in_dim3A_231, %max3A_232 : vector<16xf32>
        %bitcast_convert_type3A = tpu.bitcast %max3A_233 : vector<16xf32> -> vector<16xi32>
        %shift_right_arithmetic3A = arith.constant 1 : i32
        %shift_right_arithmetic3A_234 = vector.broadcast %shift_right_arithmetic3A : i32 to vector<16xi32>
        %shift_right_arithmetic3A_235 = arith.shrsi %bitcast_convert_type3A, %shift_right_arithmetic3A_234 : vector<16xi32>
        %sub3A_236 = arith.constant 1597463007 : i32
        %sub3A_237 = vector.broadcast %sub3A_236 : i32 to vector<16xi32>
        %sub3A_238 = arith.subi %sub3A_237, %shift_right_arithmetic3A_235 : vector<16xi32>
        %bitcast_convert_type3A_239 = tpu.bitcast %sub3A_238 : vector<16xi32> -> vector<16xf32>
        %mul3A_240 = arith.constant 5.000000e-01 : f32
        %mul3A_241 = vector.broadcast %mul3A_240 : f32 to vector<16xf32>
        %mul3A_242 = arith.mulf %mul3A_241, %max3A_233 : vector<16xf32>
        %mul3A_243 = arith.mulf %mul3A_242, %bitcast_convert_type3A_239 : vector<16xf32>
        %mul3A_244 = arith.mulf %mul3A_243, %bitcast_convert_type3A_239 : vector<16xf32>
        %sub3A_245 = arith.constant 1.500000e+00 : f32
        %sub3A_246 = vector.broadcast %sub3A_245 : f32 to vector<16xf32>
        %sub3A_247 = arith.subf %sub3A_246, %mul3A_244 : vector<16xf32>
        %mul3A_248 = arith.mulf %bitcast_convert_type3A_239, %sub3A_247 : vector<16xf32>
        %mul3A_249 = arith.constant 5.000000e-01 : f32
        %mul3A_250 = vector.broadcast %mul3A_249 : f32 to vector<16xf32>
        %mul3A_251 = arith.mulf %mul3A_250, %max3A_233 : vector<16xf32>
        %mul3A_252 = arith.mulf %mul3A_251, %mul3A_248 : vector<16xf32>
        %mul3A_253 = arith.mulf %mul3A_252, %mul3A_248 : vector<16xf32>
        %sub3A_254 = arith.constant 1.500000e+00 : f32
        %sub3A_255 = vector.broadcast %sub3A_254 : f32 to vector<16xf32>
        %sub3A_256 = arith.subf %sub3A_255, %mul3A_253 : vector<16xf32>
        %mul3A_257 = arith.mulf %mul3A_248, %sub3A_256 : vector<16xf32>
        %mul3A_258 = arith.constant 5.000000e-01 : f32
        %mul3A_259 = vector.broadcast %mul3A_258 : f32 to vector<16xf32>
        %mul3A_260 = arith.mulf %mul3A_259, %max3A_233 : vector<16xf32>
        %mul3A_261 = arith.mulf %mul3A_260, %mul3A_257 : vector<16xf32>
        %mul3A_262 = arith.mulf %mul3A_261, %mul3A_257 : vector<16xf32>
        %sub3A_263 = arith.constant 1.500000e+00 : f32
        %sub3A_264 = vector.broadcast %sub3A_263 : f32 to vector<16xf32>
        %sub3A_265 = arith.subf %sub3A_264, %mul3A_262 : vector<16xf32>
        %mul3A_266 = arith.mulf %mul3A_257, %sub3A_265 : vector<16xf32>
        %mul3A_267 = arith.constant 5.000000e-01 : f32
        %mul3A_268 = vector.broadcast %mul3A_267 : f32 to vector<16xf32>
        %mul3A_269 = arith.mulf %mul3A_268, %max3A_233 : vector<16xf32>
        %mul3A_270 = arith.mulf %mul3A_269, %mul3A_266 : vector<16xf32>
        %mul3A_271 = arith.mulf %mul3A_270, %mul3A_266 : vector<16xf32>
        %sub3A_272 = arith.constant 1.500000e+00 : f32
        %sub3A_273 = vector.broadcast %sub3A_272 : f32 to vector<16xf32>
        %sub3A_274 = arith.subf %sub3A_273, %mul3A_271 : vector<16xf32>
        %mul3A_275 = arith.mulf %mul3A_266, %sub3A_274 : vector<16xf32>
        %mul3A_276 = arith.mulf %max3A_233, %mul3A_275 : vector<16xf32>
        %max3A_277 = arith.constant 9.99999997E-7 : f32
        %max3A_278 = vector.broadcast %max3A_277 : f32 to vector<16xf32>
        %max3A_279 = arith.maximumf %mul3A_276, %max3A_278 : vector<16xf32>
        %div3A = arith.constant 1.000000e+00 : f32
        %div3A_280 = vector.broadcast %div3A : f32 to vector<16xf32>
        %div3A_281 = arith.divf %div3A_280, %max3A_279 : vector<16xf32>
        %mul3A_282 = arith.mulf %get3A_161, %div3A_281 : vector<16xf32>
        %add3A_283 = arith.constant 0 : i32
        %add3A_284 = arith.addi %mul3A_156, %add3A_283 : i32
        %swap3A_285 = arith.index_cast %add3A_284 : i32 to index
        %swap3A_286 = tpu.vector_load %arg9[%swap3A_285] {strides = array<i32>} : memref<32768xf32, #tpu.memory_space<vmem>>, vector<16xf32>,
        %swap3A_287 = vector.shape_cast %swap3A_286 : vector<16xf32> to vector<16xf32>
        %swap3A_288 = vector.shape_cast %mul3A_282 : vector<16xf32> to vector<16xf32>
        tpu.vector_store %arg9[%swap3A_285], %swap3A_288 {strides = array<i32>} : memref<32768xf32, #tpu.memory_space<vmem>>, vector<16xf32>,
        %mul3A_289 = arith.mulf %get3A_166, %div3A_281 : vector<16xf32>
        %add3A_290 = arith.constant 16 : i32
        %add3A_291 = arith.addi %mul3A_156, %add3A_290 : i32
        %swap3A_292 = arith.index_cast %add3A_291 : i32 to index
        %swap3A_293 = tpu.vector_load %arg9[%swap3A_292] {strides = array<i32>} : memref<32768xf32, #tpu.memory_space<vmem>>, vector<16xf32>,
        %swap3A_294 = vector.shape_cast %swap3A_293 : vector<16xf32> to vector<16xf32>
        %swap3A_295 = vector.shape_cast %mul3A_289 : vector<16xf32> to vector<16xf32>
        tpu.vector_store %arg9[%swap3A_292], %swap3A_295 {strides = array<i32>} : memref<32768xf32, #tpu.memory_space<vmem>>, vector<16xf32>,
        %mul3A_296 = arith.mulf %get3A_171, %div3A_281 : vector<16xf32>
        %add3A_297 = arith.constant 32 : i32
        %add3A_298 = arith.addi %mul3A_156, %add3A_297 : i32
        %swap3A_299 = arith.index_cast %add3A_298 : i32 to index
        %swap3A_300 = tpu.vector_load %arg9[%swap3A_299] {strides = array<i32>} : memref<32768xf32, #tpu.memory_space<vmem>>, vector<16xf32>,
        %swap3A_301 = vector.shape_cast %swap3A_300 : vector<16xf32> to vector<16xf32>
        %swap3A_302 = vector.shape_cast %mul3A_296 : vector<16xf32> to vector<16xf32>
        tpu.vector_store %arg9[%swap3A_299], %swap3A_302 {strides = array<i32>} : memref<32768xf32, #tpu.memory_space<vmem>>, vector<16xf32>,
        %mul3A_303 = arith.mulf %get3A_176, %div3A_281 : vector<16xf32>
        %add3A_304 = arith.constant 48 : i32
        %add3A_305 = arith.addi %mul3A_156, %add3A_304 : i32
        %swap3A_306 = arith.index_cast %add3A_305 : i32 to index
        %swap3A_307 = tpu.vector_load %arg9[%swap3A_306] {strides = array<i32>} : memref<32768xf32, #tpu.memory_space<vmem>>, vector<16xf32>,
        %swap3A_308 = vector.shape_cast %swap3A_307 : vector<16xf32> to vector<16xf32>
        %swap3A_309 = vector.shape_cast %mul3A_303 : vector<16xf32> to vector<16xf32>
        tpu.vector_store %arg9[%swap3A_306], %swap3A_309 {strides = array<i32>} : memref<32768xf32, #tpu.memory_space<vmem>>, vector<16xf32>,
      } else {
      }
      %slice3A_81 = vector.extract_strided_slice %select_n3A_42 {offsets = [6], sizes = [1], strides = [1]} : vector<16xi32> to vector<1xi32>
      %squeeze3A_82 = vector.extract %slice3A_81[0] : i32 from vector<1xi32>
      %ne3A_83 = arith.constant 0 : i32
      %ne3A_84 = arith.cmpi ne, %squeeze3A_82, %ne3A_83 : i32
      %convert_element_type3A_85 = arith.extui %ne3A_84 : i1 to i32
      %cond3A_86 = arith.constant 0 : i32
      %cond3A_87 = arith.cmpi ne, %convert_element_type3A_85, %cond3A_86 : i32
      scf.if %cond3A_87 {
        %mul3A_151 = arith.constant 16 : i32
        %mul3A_152 = arith.muli %scan3A_14, %mul3A_151 : i32
        %add3A_153 = arith.constant 6 : i32
        %add3A_154 = arith.addi %mul3A_152, %add3A_153 : i32
        %mul3A_155 = arith.constant 64 : i32
        %mul3A_156 = arith.muli %add3A_154, %mul3A_155 : i32
        %add3A_157 = arith.constant 0 : i32
        %add3A_158 = arith.addi %mul3A_156, %add3A_157 : i32
        %get3A_159 = arith.index_cast %add3A_158 : i32 to index
        %get3A_160 = tpu.vector_load %arg10[%get3A_159] {strides = array<i32>} : memref<32768xf32, #tpu.memory_space<vmem>>, vector<16xf32>,
        %get3A_161 = vector.shape_cast %get3A_160 : vector<16xf32> to vector<16xf32>
        %add3A_162 = arith.constant 16 : i32
        %add3A_163 = arith.addi %mul3A_156, %add3A_162 : i32
        %get3A_164 = arith.index_cast %add3A_163 : i32 to index
        %get3A_165 = tpu.vector_load %arg10[%get3A_164] {strides = array<i32>} : memref<32768xf32, #tpu.memory_space<vmem>>, vector<16xf32>,
        %get3A_166 = vector.shape_cast %get3A_165 : vector<16xf32> to vector<16xf32>
        %add3A_167 = arith.constant 32 : i32
        %add3A_168 = arith.addi %mul3A_156, %add3A_167 : i32
        %get3A_169 = arith.index_cast %add3A_168 : i32 to index
        %get3A_170 = tpu.vector_load %arg10[%get3A_169] {strides = array<i32>} : memref<32768xf32, #tpu.memory_space<vmem>>, vector<16xf32>,
        %get3A_171 = vector.shape_cast %get3A_170 : vector<16xf32> to vector<16xf32>
        %add3A_172 = arith.constant 48 : i32
        %add3A_173 = arith.addi %mul3A_156, %add3A_172 : i32
        %get3A_174 = arith.index_cast %add3A_173 : i32 to index
        %get3A_175 = tpu.vector_load %arg10[%get3A_174] {strides = array<i32>} : memref<32768xf32, #tpu.memory_space<vmem>>, vector<16xf32>,
        %get3A_176 = vector.shape_cast %get3A_175 : vector<16xf32> to vector<16xf32>
        %mul3A_177 = arith.mulf %get3A_161, %get3A_161 : vector<16xf32>
        %mul3A_178 = arith.mulf %get3A_166, %get3A_166 : vector<16xf32>
        %add3A_179 = arith.addf %mul3A_177, %mul3A_178 : vector<16xf32>
        %mul3A_180 = arith.mulf %get3A_171, %get3A_171 : vector<16xf32>
        %add3A_181 = arith.addf %add3A_179, %mul3A_180 : vector<16xf32>
        %mul3A_182 = arith.mulf %get3A_176, %get3A_176 : vector<16xf32>
        %add3A_183 = arith.addf %add3A_181, %mul3A_182 : vector<16xf32>
        %slice3A_184 = vector.extract_strided_slice %add3A_183 {offsets = [0], sizes = [1], strides = [1]} : vector<16xf32> to vector<1xf32>
        %squeeze3A_185 = vector.extract %slice3A_184[0] : f32 from vector<1xf32>
        %slice3A_186 = vector.extract_strided_slice %add3A_183 {offsets = [1], sizes = [1], strides = [1]} : vector<16xf32> to vector<1xf32>
        %squeeze3A_187 = vector.extract %slice3A_186[0] : f32 from vector<1xf32>
        %add3A_188 = arith.addf %squeeze3A_185, %squeeze3A_187 : f32
        %slice3A_189 = vector.extract_strided_slice %add3A_183 {offsets = [2], sizes = [1], strides = [1]} : vector<16xf32> to vector<1xf32>
        %squeeze3A_190 = vector.extract %slice3A_189[0] : f32 from vector<1xf32>
        %add3A_191 = arith.addf %add3A_188, %squeeze3A_190 : f32
        %slice3A_192 = vector.extract_strided_slice %add3A_183 {offsets = [3], sizes = [1], strides = [1]} : vector<16xf32> to vector<1xf32>
        %squeeze3A_193 = vector.extract %slice3A_192[0] : f32 from vector<1xf32>
        %add3A_194 = arith.addf %add3A_191, %squeeze3A_193 : f32
        %slice3A_195 = vector.extract_strided_slice %add3A_183 {offsets = [4], sizes = [1], strides = [1]} : vector<16xf32> to vector<1xf32>
        %squeeze3A_196 = vector.extract %slice3A_195[0] : f32 from vector<1xf32>
        %add3A_197 = arith.addf %add3A_194, %squeeze3A_196 : f32
        %slice3A_198 = vector.extract_strided_slice %add3A_183 {offsets = [5], sizes = [1], strides = [1]} : vector<16xf32> to vector<1xf32>
        %squeeze3A_199 = vector.extract %slice3A_198[0] : f32 from vector<1xf32>
        %add3A_200 = arith.addf %add3A_197, %squeeze3A_199 : f32
        %slice3A_201 = vector.extract_strided_slice %add3A_183 {offsets = [6], sizes = [1], strides = [1]} : vector<16xf32> to vector<1xf32>
        %squeeze3A_202 = vector.extract %slice3A_201[0] : f32 from vector<1xf32>
        %add3A_203 = arith.addf %add3A_200, %squeeze3A_202 : f32
        %slice3A_204 = vector.extract_strided_slice %add3A_183 {offsets = [7], sizes = [1], strides = [1]} : vector<16xf32> to vector<1xf32>
        %squeeze3A_205 = vector.extract %slice3A_204[0] : f32 from vector<1xf32>
        %add3A_206 = arith.addf %add3A_203, %squeeze3A_205 : f32
        %slice3A_207 = vector.extract_strided_slice %add3A_183 {offsets = [8], sizes = [1], strides = [1]} : vector<16xf32> to vector<1xf32>
        %squeeze3A_208 = vector.extract %slice3A_207[0] : f32 from vector<1xf32>
        %add3A_209 = arith.addf %add3A_206, %squeeze3A_208 : f32
        %slice3A_210 = vector.extract_strided_slice %add3A_183 {offsets = [9], sizes = [1], strides = [1]} : vector<16xf32> to vector<1xf32>
        %squeeze3A_211 = vector.extract %slice3A_210[0] : f32 from vector<1xf32>
        %add3A_212 = arith.addf %add3A_209, %squeeze3A_211 : f32
        %slice3A_213 = vector.extract_strided_slice %add3A_183 {offsets = [10], sizes = [1], strides = [1]} : vector<16xf32> to vector<1xf32>
        %squeeze3A_214 = vector.extract %slice3A_213[0] : f32 from vector<1xf32>
        %add3A_215 = arith.addf %add3A_212, %squeeze3A_214 : f32
        %slice3A_216 = vector.extract_strided_slice %add3A_183 {offsets = [11], sizes = [1], strides = [1]} : vector<16xf32> to vector<1xf32>
        %squeeze3A_217 = vector.extract %slice3A_216[0] : f32 from vector<1xf32>
        %add3A_218 = arith.addf %add3A_215, %squeeze3A_217 : f32
        %slice3A_219 = vector.extract_strided_slice %add3A_183 {offsets = [12], sizes = [1], strides = [1]} : vector<16xf32> to vector<1xf32>
        %squeeze3A_220 = vector.extract %slice3A_219[0] : f32 from vector<1xf32>
        %add3A_221 = arith.addf %add3A_218, %squeeze3A_220 : f32
        %slice3A_222 = vector.extract_strided_slice %add3A_183 {offsets = [13], sizes = [1], strides = [1]} : vector<16xf32> to vector<1xf32>
        %squeeze3A_223 = vector.extract %slice3A_222[0] : f32 from vector<1xf32>
        %add3A_224 = arith.addf %add3A_221, %squeeze3A_223 : f32
        %slice3A_225 = vector.extract_strided_slice %add3A_183 {offsets = [14], sizes = [1], strides = [1]} : vector<16xf32> to vector<1xf32>
        %squeeze3A_226 = vector.extract %slice3A_225[0] : f32 from vector<1xf32>
        %add3A_227 = arith.addf %add3A_224, %squeeze3A_226 : f32
        %slice3A_228 = vector.extract_strided_slice %add3A_183 {offsets = [15], sizes = [1], strides = [1]} : vector<16xf32> to vector<1xf32>
        %squeeze3A_229 = vector.extract %slice3A_228[0] : f32 from vector<1xf32>
        %add3A_230 = arith.addf %add3A_227, %squeeze3A_229 : f32
        %broadcast_in_dim3A_231 = vector.broadcast %add3A_230 : f32 to vector<16xf32>
        %max3A = arith.constant 9.99999996E-13 : f32
        %max3A_232 = vector.broadcast %max3A : f32 to vector<16xf32>
        %max3A_233 = arith.maximumf %broadcast_in_dim3A_231, %max3A_232 : vector<16xf32>
        %bitcast_convert_type3A = tpu.bitcast %max3A_233 : vector<16xf32> -> vector<16xi32>
        %shift_right_arithmetic3A = arith.constant 1 : i32
        %shift_right_arithmetic3A_234 = vector.broadcast %shift_right_arithmetic3A : i32 to vector<16xi32>
        %shift_right_arithmetic3A_235 = arith.shrsi %bitcast_convert_type3A, %shift_right_arithmetic3A_234 : vector<16xi32>
        %sub3A_236 = arith.constant 1597463007 : i32
        %sub3A_237 = vector.broadcast %sub3A_236 : i32 to vector<16xi32>
        %sub3A_238 = arith.subi %sub3A_237, %shift_right_arithmetic3A_235 : vector<16xi32>
        %bitcast_convert_type3A_239 = tpu.bitcast %sub3A_238 : vector<16xi32> -> vector<16xf32>
        %mul3A_240 = arith.constant 5.000000e-01 : f32
        %mul3A_241 = vector.broadcast %mul3A_240 : f32 to vector<16xf32>
        %mul3A_242 = arith.mulf %mul3A_241, %max3A_233 : vector<16xf32>
        %mul3A_243 = arith.mulf %mul3A_242, %bitcast_convert_type3A_239 : vector<16xf32>
        %mul3A_244 = arith.mulf %mul3A_243, %bitcast_convert_type3A_239 : vector<16xf32>
        %sub3A_245 = arith.constant 1.500000e+00 : f32
        %sub3A_246 = vector.broadcast %sub3A_245 : f32 to vector<16xf32>
        %sub3A_247 = arith.subf %sub3A_246, %mul3A_244 : vector<16xf32>
        %mul3A_248 = arith.mulf %bitcast_convert_type3A_239, %sub3A_247 : vector<16xf32>
        %mul3A_249 = arith.constant 5.000000e-01 : f32
        %mul3A_250 = vector.broadcast %mul3A_249 : f32 to vector<16xf32>
        %mul3A_251 = arith.mulf %mul3A_250, %max3A_233 : vector<16xf32>
        %mul3A_252 = arith.mulf %mul3A_251, %mul3A_248 : vector<16xf32>
        %mul3A_253 = arith.mulf %mul3A_252, %mul3A_248 : vector<16xf32>
        %sub3A_254 = arith.constant 1.500000e+00 : f32
        %sub3A_255 = vector.broadcast %sub3A_254 : f32 to vector<16xf32>
        %sub3A_256 = arith.subf %sub3A_255, %mul3A_253 : vector<16xf32>
        %mul3A_257 = arith.mulf %mul3A_248, %sub3A_256 : vector<16xf32>
        %mul3A_258 = arith.constant 5.000000e-01 : f32
        %mul3A_259 = vector.broadcast %mul3A_258 : f32 to vector<16xf32>
        %mul3A_260 = arith.mulf %mul3A_259, %max3A_233 : vector<16xf32>
        %mul3A_261 = arith.mulf %mul3A_260, %mul3A_257 : vector<16xf32>
        %mul3A_262 = arith.mulf %mul3A_261, %mul3A_257 : vector<16xf32>
        %sub3A_263 = arith.constant 1.500000e+00 : f32
        %sub3A_264 = vector.broadcast %sub3A_263 : f32 to vector<16xf32>
        %sub3A_265 = arith.subf %sub3A_264, %mul3A_262 : vector<16xf32>
        %mul3A_266 = arith.mulf %mul3A_257, %sub3A_265 : vector<16xf32>
        %mul3A_267 = arith.constant 5.000000e-01 : f32
        %mul3A_268 = vector.broadcast %mul3A_267 : f32 to vector<16xf32>
        %mul3A_269 = arith.mulf %mul3A_268, %max3A_233 : vector<16xf32>
        %mul3A_270 = arith.mulf %mul3A_269, %mul3A_266 : vector<16xf32>
        %mul3A_271 = arith.mulf %mul3A_270, %mul3A_266 : vector<16xf32>
        %sub3A_272 = arith.constant 1.500000e+00 : f32
        %sub3A_273 = vector.broadcast %sub3A_272 : f32 to vector<16xf32>
        %sub3A_274 = arith.subf %sub3A_273, %mul3A_271 : vector<16xf32>
        %mul3A_275 = arith.mulf %mul3A_266, %sub3A_274 : vector<16xf32>
        %mul3A_276 = arith.mulf %max3A_233, %mul3A_275 : vector<16xf32>
        %max3A_277 = arith.constant 9.99999997E-7 : f32
        %max3A_278 = vector.broadcast %max3A_277 : f32 to vector<16xf32>
        %max3A_279 = arith.maximumf %mul3A_276, %max3A_278 : vector<16xf32>
        %div3A = arith.constant 1.000000e+00 : f32
        %div3A_280 = vector.broadcast %div3A : f32 to vector<16xf32>
        %div3A_281 = arith.divf %div3A_280, %max3A_279 : vector<16xf32>
        %mul3A_282 = arith.mulf %get3A_161, %div3A_281 : vector<16xf32>
        %add3A_283 = arith.constant 0 : i32
        %add3A_284 = arith.addi %mul3A_156, %add3A_283 : i32
        %swap3A_285 = arith.index_cast %add3A_284 : i32 to index
        %swap3A_286 = tpu.vector_load %arg9[%swap3A_285] {strides = array<i32>} : memref<32768xf32, #tpu.memory_space<vmem>>, vector<16xf32>,
        %swap3A_287 = vector.shape_cast %swap3A_286 : vector<16xf32> to vector<16xf32>
        %swap3A_288 = vector.shape_cast %mul3A_282 : vector<16xf32> to vector<16xf32>
        tpu.vector_store %arg9[%swap3A_285], %swap3A_288 {strides = array<i32>} : memref<32768xf32, #tpu.memory_space<vmem>>, vector<16xf32>,
        %mul3A_289 = arith.mulf %get3A_166, %div3A_281 : vector<16xf32>
        %add3A_290 = arith.constant 16 : i32
        %add3A_291 = arith.addi %mul3A_156, %add3A_290 : i32
        %swap3A_292 = arith.index_cast %add3A_291 : i32 to index
        %swap3A_293 = tpu.vector_load %arg9[%swap3A_292] {strides = array<i32>} : memref<32768xf32, #tpu.memory_space<vmem>>, vector<16xf32>,
        %swap3A_294 = vector.shape_cast %swap3A_293 : vector<16xf32> to vector<16xf32>
        %swap3A_295 = vector.shape_cast %mul3A_289 : vector<16xf32> to vector<16xf32>
        tpu.vector_store %arg9[%swap3A_292], %swap3A_295 {strides = array<i32>} : memref<32768xf32, #tpu.memory_space<vmem>>, vector<16xf32>,
        %mul3A_296 = arith.mulf %get3A_171, %div3A_281 : vector<16xf32>
        %add3A_297 = arith.constant 32 : i32
        %add3A_298 = arith.addi %mul3A_156, %add3A_297 : i32
        %swap3A_299 = arith.index_cast %add3A_298 : i32 to index
        %swap3A_300 = tpu.vector_load %arg9[%swap3A_299] {strides = array<i32>} : memref<32768xf32, #tpu.memory_space<vmem>>, vector<16xf32>,
        %swap3A_301 = vector.shape_cast %swap3A_300 : vector<16xf32> to vector<16xf32>
        %swap3A_302 = vector.shape_cast %mul3A_296 : vector<16xf32> to vector<16xf32>
        tpu.vector_store %arg9[%swap3A_299], %swap3A_302 {strides = array<i32>} : memref<32768xf32, #tpu.memory_space<vmem>>, vector<16xf32>,
        %mul3A_303 = arith.mulf %get3A_176, %div3A_281 : vector<16xf32>
        %add3A_304 = arith.constant 48 : i32
        %add3A_305 = arith.addi %mul3A_156, %add3A_304 : i32
        %swap3A_306 = arith.index_cast %add3A_305 : i32 to index
        %swap3A_307 = tpu.vector_load %arg9[%swap3A_306] {strides = array<i32>} : memref<32768xf32, #tpu.memory_space<vmem>>, vector<16xf32>,
        %swap3A_308 = vector.shape_cast %swap3A_307 : vector<16xf32> to vector<16xf32>
        %swap3A_309 = vector.shape_cast %mul3A_303 : vector<16xf32> to vector<16xf32>
        tpu.vector_store %arg9[%swap3A_306], %swap3A_309 {strides = array<i32>} : memref<32768xf32, #tpu.memory_space<vmem>>, vector<16xf32>,
      } else {
      }
      %slice3A_88 = vector.extract_strided_slice %select_n3A_42 {offsets = [7], sizes = [1], strides = [1]} : vector<16xi32> to vector<1xi32>
      %squeeze3A_89 = vector.extract %slice3A_88[0] : i32 from vector<1xi32>
      %ne3A_90 = arith.constant 0 : i32
      %ne3A_91 = arith.cmpi ne, %squeeze3A_89, %ne3A_90 : i32
      %convert_element_type3A_92 = arith.extui %ne3A_91 : i1 to i32
      %cond3A_93 = arith.constant 0 : i32
      %cond3A_94 = arith.cmpi ne, %convert_element_type3A_92, %cond3A_93 : i32
      scf.if %cond3A_94 {
        %mul3A_151 = arith.constant 16 : i32
        %mul3A_152 = arith.muli %scan3A_14, %mul3A_151 : i32
        %add3A_153 = arith.constant 7 : i32
        %add3A_154 = arith.addi %mul3A_152, %add3A_153 : i32
        %mul3A_155 = arith.constant 64 : i32
        %mul3A_156 = arith.muli %add3A_154, %mul3A_155 : i32
        %add3A_157 = arith.constant 0 : i32
        %add3A_158 = arith.addi %mul3A_156, %add3A_157 : i32
        %get3A_159 = arith.index_cast %add3A_158 : i32 to index
        %get3A_160 = tpu.vector_load %arg10[%get3A_159] {strides = array<i32>} : memref<32768xf32, #tpu.memory_space<vmem>>, vector<16xf32>,
        %get3A_161 = vector.shape_cast %get3A_160 : vector<16xf32> to vector<16xf32>
        %add3A_162 = arith.constant 16 : i32
        %add3A_163 = arith.addi %mul3A_156, %add3A_162 : i32
        %get3A_164 = arith.index_cast %add3A_163 : i32 to index
        %get3A_165 = tpu.vector_load %arg10[%get3A_164] {strides = array<i32>} : memref<32768xf32, #tpu.memory_space<vmem>>, vector<16xf32>,
        %get3A_166 = vector.shape_cast %get3A_165 : vector<16xf32> to vector<16xf32>
        %add3A_167 = arith.constant 32 : i32
        %add3A_168 = arith.addi %mul3A_156, %add3A_167 : i32
        %get3A_169 = arith.index_cast %add3A_168 : i32 to index
        %get3A_170 = tpu.vector_load %arg10[%get3A_169] {strides = array<i32>} : memref<32768xf32, #tpu.memory_space<vmem>>, vector<16xf32>,
        %get3A_171 = vector.shape_cast %get3A_170 : vector<16xf32> to vector<16xf32>
        %add3A_172 = arith.constant 48 : i32
        %add3A_173 = arith.addi %mul3A_156, %add3A_172 : i32
        %get3A_174 = arith.index_cast %add3A_173 : i32 to index
        %get3A_175 = tpu.vector_load %arg10[%get3A_174] {strides = array<i32>} : memref<32768xf32, #tpu.memory_space<vmem>>, vector<16xf32>,
        %get3A_176 = vector.shape_cast %get3A_175 : vector<16xf32> to vector<16xf32>
        %mul3A_177 = arith.mulf %get3A_161, %get3A_161 : vector<16xf32>
        %mul3A_178 = arith.mulf %get3A_166, %get3A_166 : vector<16xf32>
        %add3A_179 = arith.addf %mul3A_177, %mul3A_178 : vector<16xf32>
        %mul3A_180 = arith.mulf %get3A_171, %get3A_171 : vector<16xf32>
        %add3A_181 = arith.addf %add3A_179, %mul3A_180 : vector<16xf32>
        %mul3A_182 = arith.mulf %get3A_176, %get3A_176 : vector<16xf32>
        %add3A_183 = arith.addf %add3A_181, %mul3A_182 : vector<16xf32>
        %slice3A_184 = vector.extract_strided_slice %add3A_183 {offsets = [0], sizes = [1], strides = [1]} : vector<16xf32> to vector<1xf32>
        %squeeze3A_185 = vector.extract %slice3A_184[0] : f32 from vector<1xf32>
        %slice3A_186 = vector.extract_strided_slice %add3A_183 {offsets = [1], sizes = [1], strides = [1]} : vector<16xf32> to vector<1xf32>
        %squeeze3A_187 = vector.extract %slice3A_186[0] : f32 from vector<1xf32>
        %add3A_188 = arith.addf %squeeze3A_185, %squeeze3A_187 : f32
        %slice3A_189 = vector.extract_strided_slice %add3A_183 {offsets = [2], sizes = [1], strides = [1]} : vector<16xf32> to vector<1xf32>
        %squeeze3A_190 = vector.extract %slice3A_189[0] : f32 from vector<1xf32>
        %add3A_191 = arith.addf %add3A_188, %squeeze3A_190 : f32
        %slice3A_192 = vector.extract_strided_slice %add3A_183 {offsets = [3], sizes = [1], strides = [1]} : vector<16xf32> to vector<1xf32>
        %squeeze3A_193 = vector.extract %slice3A_192[0] : f32 from vector<1xf32>
        %add3A_194 = arith.addf %add3A_191, %squeeze3A_193 : f32
        %slice3A_195 = vector.extract_strided_slice %add3A_183 {offsets = [4], sizes = [1], strides = [1]} : vector<16xf32> to vector<1xf32>
        %squeeze3A_196 = vector.extract %slice3A_195[0] : f32 from vector<1xf32>
        %add3A_197 = arith.addf %add3A_194, %squeeze3A_196 : f32
        %slice3A_198 = vector.extract_strided_slice %add3A_183 {offsets = [5], sizes = [1], strides = [1]} : vector<16xf32> to vector<1xf32>
        %squeeze3A_199 = vector.extract %slice3A_198[0] : f32 from vector<1xf32>
        %add3A_200 = arith.addf %add3A_197, %squeeze3A_199 : f32
        %slice3A_201 = vector.extract_strided_slice %add3A_183 {offsets = [6], sizes = [1], strides = [1]} : vector<16xf32> to vector<1xf32>
        %squeeze3A_202 = vector.extract %slice3A_201[0] : f32 from vector<1xf32>
        %add3A_203 = arith.addf %add3A_200, %squeeze3A_202 : f32
        %slice3A_204 = vector.extract_strided_slice %add3A_183 {offsets = [7], sizes = [1], strides = [1]} : vector<16xf32> to vector<1xf32>
        %squeeze3A_205 = vector.extract %slice3A_204[0] : f32 from vector<1xf32>
        %add3A_206 = arith.addf %add3A_203, %squeeze3A_205 : f32
        %slice3A_207 = vector.extract_strided_slice %add3A_183 {offsets = [8], sizes = [1], strides = [1]} : vector<16xf32> to vector<1xf32>
        %squeeze3A_208 = vector.extract %slice3A_207[0] : f32 from vector<1xf32>
        %add3A_209 = arith.addf %add3A_206, %squeeze3A_208 : f32
        %slice3A_210 = vector.extract_strided_slice %add3A_183 {offsets = [9], sizes = [1], strides = [1]} : vector<16xf32> to vector<1xf32>
        %squeeze3A_211 = vector.extract %slice3A_210[0] : f32 from vector<1xf32>
        %add3A_212 = arith.addf %add3A_209, %squeeze3A_211 : f32
        %slice3A_213 = vector.extract_strided_slice %add3A_183 {offsets = [10], sizes = [1], strides = [1]} : vector<16xf32> to vector<1xf32>
        %squeeze3A_214 = vector.extract %slice3A_213[0] : f32 from vector<1xf32>
        %add3A_215 = arith.addf %add3A_212, %squeeze3A_214 : f32
        %slice3A_216 = vector.extract_strided_slice %add3A_183 {offsets = [11], sizes = [1], strides = [1]} : vector<16xf32> to vector<1xf32>
        %squeeze3A_217 = vector.extract %slice3A_216[0] : f32 from vector<1xf32>
        %add3A_218 = arith.addf %add3A_215, %squeeze3A_217 : f32
        %slice3A_219 = vector.extract_strided_slice %add3A_183 {offsets = [12], sizes = [1], strides = [1]} : vector<16xf32> to vector<1xf32>
        %squeeze3A_220 = vector.extract %slice3A_219[0] : f32 from vector<1xf32>
        %add3A_221 = arith.addf %add3A_218, %squeeze3A_220 : f32
        %slice3A_222 = vector.extract_strided_slice %add3A_183 {offsets = [13], sizes = [1], strides = [1]} : vector<16xf32> to vector<1xf32>
        %squeeze3A_223 = vector.extract %slice3A_222[0] : f32 from vector<1xf32>
        %add3A_224 = arith.addf %add3A_221, %squeeze3A_223 : f32
        %slice3A_225 = vector.extract_strided_slice %add3A_183 {offsets = [14], sizes = [1], strides = [1]} : vector<16xf32> to vector<1xf32>
        %squeeze3A_226 = vector.extract %slice3A_225[0] : f32 from vector<1xf32>
        %add3A_227 = arith.addf %add3A_224, %squeeze3A_226 : f32
        %slice3A_228 = vector.extract_strided_slice %add3A_183 {offsets = [15], sizes = [1], strides = [1]} : vector<16xf32> to vector<1xf32>
        %squeeze3A_229 = vector.extract %slice3A_228[0] : f32 from vector<1xf32>
        %add3A_230 = arith.addf %add3A_227, %squeeze3A_229 : f32
        %broadcast_in_dim3A_231 = vector.broadcast %add3A_230 : f32 to vector<16xf32>
        %max3A = arith.constant 9.99999996E-13 : f32
        %max3A_232 = vector.broadcast %max3A : f32 to vector<16xf32>
        %max3A_233 = arith.maximumf %broadcast_in_dim3A_231, %max3A_232 : vector<16xf32>
        %bitcast_convert_type3A = tpu.bitcast %max3A_233 : vector<16xf32> -> vector<16xi32>
        %shift_right_arithmetic3A = arith.constant 1 : i32
        %shift_right_arithmetic3A_234 = vector.broadcast %shift_right_arithmetic3A : i32 to vector<16xi32>
        %shift_right_arithmetic3A_235 = arith.shrsi %bitcast_convert_type3A, %shift_right_arithmetic3A_234 : vector<16xi32>
        %sub3A_236 = arith.constant 1597463007 : i32
        %sub3A_237 = vector.broadcast %sub3A_236 : i32 to vector<16xi32>
        %sub3A_238 = arith.subi %sub3A_237, %shift_right_arithmetic3A_235 : vector<16xi32>
        %bitcast_convert_type3A_239 = tpu.bitcast %sub3A_238 : vector<16xi32> -> vector<16xf32>
        %mul3A_240 = arith.constant 5.000000e-01 : f32
        %mul3A_241 = vector.broadcast %mul3A_240 : f32 to vector<16xf32>
        %mul3A_242 = arith.mulf %mul3A_241, %max3A_233 : vector<16xf32>
        %mul3A_243 = arith.mulf %mul3A_242, %bitcast_convert_type3A_239 : vector<16xf32>
        %mul3A_244 = arith.mulf %mul3A_243, %bitcast_convert_type3A_239 : vector<16xf32>
        %sub3A_245 = arith.constant 1.500000e+00 : f32
        %sub3A_246 = vector.broadcast %sub3A_245 : f32 to vector<16xf32>
        %sub3A_247 = arith.subf %sub3A_246, %mul3A_244 : vector<16xf32>
        %mul3A_248 = arith.mulf %bitcast_convert_type3A_239, %sub3A_247 : vector<16xf32>
        %mul3A_249 = arith.constant 5.000000e-01 : f32
        %mul3A_250 = vector.broadcast %mul3A_249 : f32 to vector<16xf32>
        %mul3A_251 = arith.mulf %mul3A_250, %max3A_233 : vector<16xf32>
        %mul3A_252 = arith.mulf %mul3A_251, %mul3A_248 : vector<16xf32>
        %mul3A_253 = arith.mulf %mul3A_252, %mul3A_248 : vector<16xf32>
        %sub3A_254 = arith.constant 1.500000e+00 : f32
        %sub3A_255 = vector.broadcast %sub3A_254 : f32 to vector<16xf32>
        %sub3A_256 = arith.subf %sub3A_255, %mul3A_253 : vector<16xf32>
        %mul3A_257 = arith.mulf %mul3A_248, %sub3A_256 : vector<16xf32>
        %mul3A_258 = arith.constant 5.000000e-01 : f32
        %mul3A_259 = vector.broadcast %mul3A_258 : f32 to vector<16xf32>
        %mul3A_260 = arith.mulf %mul3A_259, %max3A_233 : vector<16xf32>
        %mul3A_261 = arith.mulf %mul3A_260, %mul3A_257 : vector<16xf32>
        %mul3A_262 = arith.mulf %mul3A_261, %mul3A_257 : vector<16xf32>
        %sub3A_263 = arith.constant 1.500000e+00 : f32
        %sub3A_264 = vector.broadcast %sub3A_263 : f32 to vector<16xf32>
        %sub3A_265 = arith.subf %sub3A_264, %mul3A_262 : vector<16xf32>
        %mul3A_266 = arith.mulf %mul3A_257, %sub3A_265 : vector<16xf32>
        %mul3A_267 = arith.constant 5.000000e-01 : f32
        %mul3A_268 = vector.broadcast %mul3A_267 : f32 to vector<16xf32>
        %mul3A_269 = arith.mulf %mul3A_268, %max3A_233 : vector<16xf32>
        %mul3A_270 = arith.mulf %mul3A_269, %mul3A_266 : vector<16xf32>
        %mul3A_271 = arith.mulf %mul3A_270, %mul3A_266 : vector<16xf32>
        %sub3A_272 = arith.constant 1.500000e+00 : f32
        %sub3A_273 = vector.broadcast %sub3A_272 : f32 to vector<16xf32>
        %sub3A_274 = arith.subf %sub3A_273, %mul3A_271 : vector<16xf32>
        %mul3A_275 = arith.mulf %mul3A_266, %sub3A_274 : vector<16xf32>
        %mul3A_276 = arith.mulf %max3A_233, %mul3A_275 : vector<16xf32>
        %max3A_277 = arith.constant 9.99999997E-7 : f32
        %max3A_278 = vector.broadcast %max3A_277 : f32 to vector<16xf32>
        %max3A_279 = arith.maximumf %mul3A_276, %max3A_278 : vector<16xf32>
        %div3A = arith.constant 1.000000e+00 : f32
        %div3A_280 = vector.broadcast %div3A : f32 to vector<16xf32>
        %div3A_281 = arith.divf %div3A_280, %max3A_279 : vector<16xf32>
        %mul3A_282 = arith.mulf %get3A_161, %div3A_281 : vector<16xf32>
        %add3A_283 = arith.constant 0 : i32
        %add3A_284 = arith.addi %mul3A_156, %add3A_283 : i32
        %swap3A_285 = arith.index_cast %add3A_284 : i32 to index
        %swap3A_286 = tpu.vector_load %arg9[%swap3A_285] {strides = array<i32>} : memref<32768xf32, #tpu.memory_space<vmem>>, vector<16xf32>,
        %swap3A_287 = vector.shape_cast %swap3A_286 : vector<16xf32> to vector<16xf32>
        %swap3A_288 = vector.shape_cast %mul3A_282 : vector<16xf32> to vector<16xf32>
        tpu.vector_store %arg9[%swap3A_285], %swap3A_288 {strides = array<i32>} : memref<32768xf32, #tpu.memory_space<vmem>>, vector<16xf32>,
        %mul3A_289 = arith.mulf %get3A_166, %div3A_281 : vector<16xf32>
        %add3A_290 = arith.constant 16 : i32
        %add3A_291 = arith.addi %mul3A_156, %add3A_290 : i32
        %swap3A_292 = arith.index_cast %add3A_291 : i32 to index
        %swap3A_293 = tpu.vector_load %arg9[%swap3A_292] {strides = array<i32>} : memref<32768xf32, #tpu.memory_space<vmem>>, vector<16xf32>,
        %swap3A_294 = vector.shape_cast %swap3A_293 : vector<16xf32> to vector<16xf32>
        %swap3A_295 = vector.shape_cast %mul3A_289 : vector<16xf32> to vector<16xf32>
        tpu.vector_store %arg9[%swap3A_292], %swap3A_295 {strides = array<i32>} : memref<32768xf32, #tpu.memory_space<vmem>>, vector<16xf32>,
        %mul3A_296 = arith.mulf %get3A_171, %div3A_281 : vector<16xf32>
        %add3A_297 = arith.constant 32 : i32
        %add3A_298 = arith.addi %mul3A_156, %add3A_297 : i32
        %swap3A_299 = arith.index_cast %add3A_298 : i32 to index
        %swap3A_300 = tpu.vector_load %arg9[%swap3A_299] {strides = array<i32>} : memref<32768xf32, #tpu.memory_space<vmem>>, vector<16xf32>,
        %swap3A_301 = vector.shape_cast %swap3A_300 : vector<16xf32> to vector<16xf32>
        %swap3A_302 = vector.shape_cast %mul3A_296 : vector<16xf32> to vector<16xf32>
        tpu.vector_store %arg9[%swap3A_299], %swap3A_302 {strides = array<i32>} : memref<32768xf32, #tpu.memory_space<vmem>>, vector<16xf32>,
        %mul3A_303 = arith.mulf %get3A_176, %div3A_281 : vector<16xf32>
        %add3A_304 = arith.constant 48 : i32
        %add3A_305 = arith.addi %mul3A_156, %add3A_304 : i32
        %swap3A_306 = arith.index_cast %add3A_305 : i32 to index
        %swap3A_307 = tpu.vector_load %arg9[%swap3A_306] {strides = array<i32>} : memref<32768xf32, #tpu.memory_space<vmem>>, vector<16xf32>,
        %swap3A_308 = vector.shape_cast %swap3A_307 : vector<16xf32> to vector<16xf32>
        %swap3A_309 = vector.shape_cast %mul3A_303 : vector<16xf32> to vector<16xf32>
        tpu.vector_store %arg9[%swap3A_306], %swap3A_309 {strides = array<i32>} : memref<32768xf32, #tpu.memory_space<vmem>>, vector<16xf32>,
      } else {
      }
      %slice3A_95 = vector.extract_strided_slice %select_n3A_42 {offsets = [8], sizes = [1], strides = [1]} : vector<16xi32> to vector<1xi32>
      %squeeze3A_96 = vector.extract %slice3A_95[0] : i32 from vector<1xi32>
      %ne3A_97 = arith.constant 0 : i32
      %ne3A_98 = arith.cmpi ne, %squeeze3A_96, %ne3A_97 : i32
      %convert_element_type3A_99 = arith.extui %ne3A_98 : i1 to i32
      %cond3A_100 = arith.constant 0 : i32
      %cond3A_101 = arith.cmpi ne, %convert_element_type3A_99, %cond3A_100 : i32
      scf.if %cond3A_101 {
        %mul3A_151 = arith.constant 16 : i32
        %mul3A_152 = arith.muli %scan3A_14, %mul3A_151 : i32
        %add3A_153 = arith.constant 8 : i32
        %add3A_154 = arith.addi %mul3A_152, %add3A_153 : i32
        %mul3A_155 = arith.constant 64 : i32
        %mul3A_156 = arith.muli %add3A_154, %mul3A_155 : i32
        %add3A_157 = arith.constant 0 : i32
        %add3A_158 = arith.addi %mul3A_156, %add3A_157 : i32
        %get3A_159 = arith.index_cast %add3A_158 : i32 to index
        %get3A_160 = tpu.vector_load %arg10[%get3A_159] {strides = array<i32>} : memref<32768xf32, #tpu.memory_space<vmem>>, vector<16xf32>,
        %get3A_161 = vector.shape_cast %get3A_160 : vector<16xf32> to vector<16xf32>
        %add3A_162 = arith.constant 16 : i32
        %add3A_163 = arith.addi %mul3A_156, %add3A_162 : i32
        %get3A_164 = arith.index_cast %add3A_163 : i32 to index
        %get3A_165 = tpu.vector_load %arg10[%get3A_164] {strides = array<i32>} : memref<32768xf32, #tpu.memory_space<vmem>>, vector<16xf32>,
        %get3A_166 = vector.shape_cast %get3A_165 : vector<16xf32> to vector<16xf32>
        %add3A_167 = arith.constant 32 : i32
        %add3A_168 = arith.addi %mul3A_156, %add3A_167 : i32
        %get3A_169 = arith.index_cast %add3A_168 : i32 to index
        %get3A_170 = tpu.vector_load %arg10[%get3A_169] {strides = array<i32>} : memref<32768xf32, #tpu.memory_space<vmem>>, vector<16xf32>,
        %get3A_171 = vector.shape_cast %get3A_170 : vector<16xf32> to vector<16xf32>
        %add3A_172 = arith.constant 48 : i32
        %add3A_173 = arith.addi %mul3A_156, %add3A_172 : i32
        %get3A_174 = arith.index_cast %add3A_173 : i32 to index
        %get3A_175 = tpu.vector_load %arg10[%get3A_174] {strides = array<i32>} : memref<32768xf32, #tpu.memory_space<vmem>>, vector<16xf32>,
        %get3A_176 = vector.shape_cast %get3A_175 : vector<16xf32> to vector<16xf32>
        %mul3A_177 = arith.mulf %get3A_161, %get3A_161 : vector<16xf32>
        %mul3A_178 = arith.mulf %get3A_166, %get3A_166 : vector<16xf32>
        %add3A_179 = arith.addf %mul3A_177, %mul3A_178 : vector<16xf32>
        %mul3A_180 = arith.mulf %get3A_171, %get3A_171 : vector<16xf32>
        %add3A_181 = arith.addf %add3A_179, %mul3A_180 : vector<16xf32>
        %mul3A_182 = arith.mulf %get3A_176, %get3A_176 : vector<16xf32>
        %add3A_183 = arith.addf %add3A_181, %mul3A_182 : vector<16xf32>
        %slice3A_184 = vector.extract_strided_slice %add3A_183 {offsets = [0], sizes = [1], strides = [1]} : vector<16xf32> to vector<1xf32>
        %squeeze3A_185 = vector.extract %slice3A_184[0] : f32 from vector<1xf32>
        %slice3A_186 = vector.extract_strided_slice %add3A_183 {offsets = [1], sizes = [1], strides = [1]} : vector<16xf32> to vector<1xf32>
        %squeeze3A_187 = vector.extract %slice3A_186[0] : f32 from vector<1xf32>
        %add3A_188 = arith.addf %squeeze3A_185, %squeeze3A_187 : f32
        %slice3A_189 = vector.extract_strided_slice %add3A_183 {offsets = [2], sizes = [1], strides = [1]} : vector<16xf32> to vector<1xf32>
        %squeeze3A_190 = vector.extract %slice3A_189[0] : f32 from vector<1xf32>
        %add3A_191 = arith.addf %add3A_188, %squeeze3A_190 : f32
        %slice3A_192 = vector.extract_strided_slice %add3A_183 {offsets = [3], sizes = [1], strides = [1]} : vector<16xf32> to vector<1xf32>
        %squeeze3A_193 = vector.extract %slice3A_192[0] : f32 from vector<1xf32>
        %add3A_194 = arith.addf %add3A_191, %squeeze3A_193 : f32
        %slice3A_195 = vector.extract_strided_slice %add3A_183 {offsets = [4], sizes = [1], strides = [1]} : vector<16xf32> to vector<1xf32>
        %squeeze3A_196 = vector.extract %slice3A_195[0] : f32 from vector<1xf32>
        %add3A_197 = arith.addf %add3A_194, %squeeze3A_196 : f32
        %slice3A_198 = vector.extract_strided_slice %add3A_183 {offsets = [5], sizes = [1], strides = [1]} : vector<16xf32> to vector<1xf32>
        %squeeze3A_199 = vector.extract %slice3A_198[0] : f32 from vector<1xf32>
        %add3A_200 = arith.addf %add3A_197, %squeeze3A_199 : f32
        %slice3A_201 = vector.extract_strided_slice %add3A_183 {offsets = [6], sizes = [1], strides = [1]} : vector<16xf32> to vector<1xf32>
        %squeeze3A_202 = vector.extract %slice3A_201[0] : f32 from vector<1xf32>
        %add3A_203 = arith.addf %add3A_200, %squeeze3A_202 : f32
        %slice3A_204 = vector.extract_strided_slice %add3A_183 {offsets = [7], sizes = [1], strides = [1]} : vector<16xf32> to vector<1xf32>
        %squeeze3A_205 = vector.extract %slice3A_204[0] : f32 from vector<1xf32>
        %add3A_206 = arith.addf %add3A_203, %squeeze3A_205 : f32
        %slice3A_207 = vector.extract_strided_slice %add3A_183 {offsets = [8], sizes = [1], strides = [1]} : vector<16xf32> to vector<1xf32>
        %squeeze3A_208 = vector.extract %slice3A_207[0] : f32 from vector<1xf32>
        %add3A_209 = arith.addf %add3A_206, %squeeze3A_208 : f32
        %slice3A_210 = vector.extract_strided_slice %add3A_183 {offsets = [9], sizes = [1], strides = [1]} : vector<16xf32> to vector<1xf32>
        %squeeze3A_211 = vector.extract %slice3A_210[0] : f32 from vector<1xf32>
        %add3A_212 = arith.addf %add3A_209, %squeeze3A_211 : f32
        %slice3A_213 = vector.extract_strided_slice %add3A_183 {offsets = [10], sizes = [1], strides = [1]} : vector<16xf32> to vector<1xf32>
        %squeeze3A_214 = vector.extract %slice3A_213[0] : f32 from vector<1xf32>
        %add3A_215 = arith.addf %add3A_212, %squeeze3A_214 : f32
        %slice3A_216 = vector.extract_strided_slice %add3A_183 {offsets = [11], sizes = [1], strides = [1]} : vector<16xf32> to vector<1xf32>
        %squeeze3A_217 = vector.extract %slice3A_216[0] : f32 from vector<1xf32>
        %add3A_218 = arith.addf %add3A_215, %squeeze3A_217 : f32
        %slice3A_219 = vector.extract_strided_slice %add3A_183 {offsets = [12], sizes = [1], strides = [1]} : vector<16xf32> to vector<1xf32>
        %squeeze3A_220 = vector.extract %slice3A_219[0] : f32 from vector<1xf32>
        %add3A_221 = arith.addf %add3A_218, %squeeze3A_220 : f32
        %slice3A_222 = vector.extract_strided_slice %add3A_183 {offsets = [13], sizes = [1], strides = [1]} : vector<16xf32> to vector<1xf32>
        %squeeze3A_223 = vector.extract %slice3A_222[0] : f32 from vector<1xf32>
        %add3A_224 = arith.addf %add3A_221, %squeeze3A_223 : f32
        %slice3A_225 = vector.extract_strided_slice %add3A_183 {offsets = [14], sizes = [1], strides = [1]} : vector<16xf32> to vector<1xf32>
        %squeeze3A_226 = vector.extract %slice3A_225[0] : f32 from vector<1xf32>
        %add3A_227 = arith.addf %add3A_224, %squeeze3A_226 : f32
        %slice3A_228 = vector.extract_strided_slice %add3A_183 {offsets = [15], sizes = [1], strides = [1]} : vector<16xf32> to vector<1xf32>
        %squeeze3A_229 = vector.extract %slice3A_228[0] : f32 from vector<1xf32>
        %add3A_230 = arith.addf %add3A_227, %squeeze3A_229 : f32
        %broadcast_in_dim3A_231 = vector.broadcast %add3A_230 : f32 to vector<16xf32>
        %max3A = arith.constant 9.99999996E-13 : f32
        %max3A_232 = vector.broadcast %max3A : f32 to vector<16xf32>
        %max3A_233 = arith.maximumf %broadcast_in_dim3A_231, %max3A_232 : vector<16xf32>
        %bitcast_convert_type3A = tpu.bitcast %max3A_233 : vector<16xf32> -> vector<16xi32>
        %shift_right_arithmetic3A = arith.constant 1 : i32
        %shift_right_arithmetic3A_234 = vector.broadcast %shift_right_arithmetic3A : i32 to vector<16xi32>
        %shift_right_arithmetic3A_235 = arith.shrsi %bitcast_convert_type3A, %shift_right_arithmetic3A_234 : vector<16xi32>
        %sub3A_236 = arith.constant 1597463007 : i32
        %sub3A_237 = vector.broadcast %sub3A_236 : i32 to vector<16xi32>
        %sub3A_238 = arith.subi %sub3A_237, %shift_right_arithmetic3A_235 : vector<16xi32>
        %bitcast_convert_type3A_239 = tpu.bitcast %sub3A_238 : vector<16xi32> -> vector<16xf32>
        %mul3A_240 = arith.constant 5.000000e-01 : f32
        %mul3A_241 = vector.broadcast %mul3A_240 : f32 to vector<16xf32>
        %mul3A_242 = arith.mulf %mul3A_241, %max3A_233 : vector<16xf32>
        %mul3A_243 = arith.mulf %mul3A_242, %bitcast_convert_type3A_239 : vector<16xf32>
        %mul3A_244 = arith.mulf %mul3A_243, %bitcast_convert_type3A_239 : vector<16xf32>
        %sub3A_245 = arith.constant 1.500000e+00 : f32
        %sub3A_246 = vector.broadcast %sub3A_245 : f32 to vector<16xf32>
        %sub3A_247 = arith.subf %sub3A_246, %mul3A_244 : vector<16xf32>
        %mul3A_248 = arith.mulf %bitcast_convert_type3A_239, %sub3A_247 : vector<16xf32>
        %mul3A_249 = arith.constant 5.000000e-01 : f32
        %mul3A_250 = vector.broadcast %mul3A_249 : f32 to vector<16xf32>
        %mul3A_251 = arith.mulf %mul3A_250, %max3A_233 : vector<16xf32>
        %mul3A_252 = arith.mulf %mul3A_251, %mul3A_248 : vector<16xf32>
        %mul3A_253 = arith.mulf %mul3A_252, %mul3A_248 : vector<16xf32>
        %sub3A_254 = arith.constant 1.500000e+00 : f32
        %sub3A_255 = vector.broadcast %sub3A_254 : f32 to vector<16xf32>
        %sub3A_256 = arith.subf %sub3A_255, %mul3A_253 : vector<16xf32>
        %mul3A_257 = arith.mulf %mul3A_248, %sub3A_256 : vector<16xf32>
        %mul3A_258 = arith.constant 5.000000e-01 : f32
        %mul3A_259 = vector.broadcast %mul3A_258 : f32 to vector<16xf32>
        %mul3A_260 = arith.mulf %mul3A_259, %max3A_233 : vector<16xf32>
        %mul3A_261 = arith.mulf %mul3A_260, %mul3A_257 : vector<16xf32>
        %mul3A_262 = arith.mulf %mul3A_261, %mul3A_257 : vector<16xf32>
        %sub3A_263 = arith.constant 1.500000e+00 : f32
        %sub3A_264 = vector.broadcast %sub3A_263 : f32 to vector<16xf32>
        %sub3A_265 = arith.subf %sub3A_264, %mul3A_262 : vector<16xf32>
        %mul3A_266 = arith.mulf %mul3A_257, %sub3A_265 : vector<16xf32>
        %mul3A_267 = arith.constant 5.000000e-01 : f32
        %mul3A_268 = vector.broadcast %mul3A_267 : f32 to vector<16xf32>
        %mul3A_269 = arith.mulf %mul3A_268, %max3A_233 : vector<16xf32>
        %mul3A_270 = arith.mulf %mul3A_269, %mul3A_266 : vector<16xf32>
        %mul3A_271 = arith.mulf %mul3A_270, %mul3A_266 : vector<16xf32>
        %sub3A_272 = arith.constant 1.500000e+00 : f32
        %sub3A_273 = vector.broadcast %sub3A_272 : f32 to vector<16xf32>
        %sub3A_274 = arith.subf %sub3A_273, %mul3A_271 : vector<16xf32>
        %mul3A_275 = arith.mulf %mul3A_266, %sub3A_274 : vector<16xf32>
        %mul3A_276 = arith.mulf %max3A_233, %mul3A_275 : vector<16xf32>
        %max3A_277 = arith.constant 9.99999997E-7 : f32
        %max3A_278 = vector.broadcast %max3A_277 : f32 to vector<16xf32>
        %max3A_279 = arith.maximumf %mul3A_276, %max3A_278 : vector<16xf32>
        %div3A = arith.constant 1.000000e+00 : f32
        %div3A_280 = vector.broadcast %div3A : f32 to vector<16xf32>
        %div3A_281 = arith.divf %div3A_280, %max3A_279 : vector<16xf32>
        %mul3A_282 = arith.mulf %get3A_161, %div3A_281 : vector<16xf32>
        %add3A_283 = arith.constant 0 : i32
        %add3A_284 = arith.addi %mul3A_156, %add3A_283 : i32
        %swap3A_285 = arith.index_cast %add3A_284 : i32 to index
        %swap3A_286 = tpu.vector_load %arg9[%swap3A_285] {strides = array<i32>} : memref<32768xf32, #tpu.memory_space<vmem>>, vector<16xf32>,
        %swap3A_287 = vector.shape_cast %swap3A_286 : vector<16xf32> to vector<16xf32>
        %swap3A_288 = vector.shape_cast %mul3A_282 : vector<16xf32> to vector<16xf32>
        tpu.vector_store %arg9[%swap3A_285], %swap3A_288 {strides = array<i32>} : memref<32768xf32, #tpu.memory_space<vmem>>, vector<16xf32>,
        %mul3A_289 = arith.mulf %get3A_166, %div3A_281 : vector<16xf32>
        %add3A_290 = arith.constant 16 : i32
        %add3A_291 = arith.addi %mul3A_156, %add3A_290 : i32
        %swap3A_292 = arith.index_cast %add3A_291 : i32 to index
        %swap3A_293 = tpu.vector_load %arg9[%swap3A_292] {strides = array<i32>} : memref<32768xf32, #tpu.memory_space<vmem>>, vector<16xf32>,
        %swap3A_294 = vector.shape_cast %swap3A_293 : vector<16xf32> to vector<16xf32>
        %swap3A_295 = vector.shape_cast %mul3A_289 : vector<16xf32> to vector<16xf32>
        tpu.vector_store %arg9[%swap3A_292], %swap3A_295 {strides = array<i32>} : memref<32768xf32, #tpu.memory_space<vmem>>, vector<16xf32>,
        %mul3A_296 = arith.mulf %get3A_171, %div3A_281 : vector<16xf32>
        %add3A_297 = arith.constant 32 : i32
        %add3A_298 = arith.addi %mul3A_156, %add3A_297 : i32
        %swap3A_299 = arith.index_cast %add3A_298 : i32 to index
        %swap3A_300 = tpu.vector_load %arg9[%swap3A_299] {strides = array<i32>} : memref<32768xf32, #tpu.memory_space<vmem>>, vector<16xf32>,
        %swap3A_301 = vector.shape_cast %swap3A_300 : vector<16xf32> to vector<16xf32>
        %swap3A_302 = vector.shape_cast %mul3A_296 : vector<16xf32> to vector<16xf32>
        tpu.vector_store %arg9[%swap3A_299], %swap3A_302 {strides = array<i32>} : memref<32768xf32, #tpu.memory_space<vmem>>, vector<16xf32>,
        %mul3A_303 = arith.mulf %get3A_176, %div3A_281 : vector<16xf32>
        %add3A_304 = arith.constant 48 : i32
        %add3A_305 = arith.addi %mul3A_156, %add3A_304 : i32
        %swap3A_306 = arith.index_cast %add3A_305 : i32 to index
        %swap3A_307 = tpu.vector_load %arg9[%swap3A_306] {strides = array<i32>} : memref<32768xf32, #tpu.memory_space<vmem>>, vector<16xf32>,
        %swap3A_308 = vector.shape_cast %swap3A_307 : vector<16xf32> to vector<16xf32>
        %swap3A_309 = vector.shape_cast %mul3A_303 : vector<16xf32> to vector<16xf32>
        tpu.vector_store %arg9[%swap3A_306], %swap3A_309 {strides = array<i32>} : memref<32768xf32, #tpu.memory_space<vmem>>, vector<16xf32>,
      } else {
      }
      %slice3A_102 = vector.extract_strided_slice %select_n3A_42 {offsets = [9], sizes = [1], strides = [1]} : vector<16xi32> to vector<1xi32>
      %squeeze3A_103 = vector.extract %slice3A_102[0] : i32 from vector<1xi32>
      %ne3A_104 = arith.constant 0 : i32
      %ne3A_105 = arith.cmpi ne, %squeeze3A_103, %ne3A_104 : i32
      %convert_element_type3A_106 = arith.extui %ne3A_105 : i1 to i32
      %cond3A_107 = arith.constant 0 : i32
      %cond3A_108 = arith.cmpi ne, %convert_element_type3A_106, %cond3A_107 : i32
      scf.if %cond3A_108 {
        %mul3A_151 = arith.constant 16 : i32
        %mul3A_152 = arith.muli %scan3A_14, %mul3A_151 : i32
        %add3A_153 = arith.constant 9 : i32
        %add3A_154 = arith.addi %mul3A_152, %add3A_153 : i32
        %mul3A_155 = arith.constant 64 : i32
        %mul3A_156 = arith.muli %add3A_154, %mul3A_155 : i32
        %add3A_157 = arith.constant 0 : i32
        %add3A_158 = arith.addi %mul3A_156, %add3A_157 : i32
        %get3A_159 = arith.index_cast %add3A_158 : i32 to index
        %get3A_160 = tpu.vector_load %arg10[%get3A_159] {strides = array<i32>} : memref<32768xf32, #tpu.memory_space<vmem>>, vector<16xf32>,
        %get3A_161 = vector.shape_cast %get3A_160 : vector<16xf32> to vector<16xf32>
        %add3A_162 = arith.constant 16 : i32
        %add3A_163 = arith.addi %mul3A_156, %add3A_162 : i32
        %get3A_164 = arith.index_cast %add3A_163 : i32 to index
        %get3A_165 = tpu.vector_load %arg10[%get3A_164] {strides = array<i32>} : memref<32768xf32, #tpu.memory_space<vmem>>, vector<16xf32>,
        %get3A_166 = vector.shape_cast %get3A_165 : vector<16xf32> to vector<16xf32>
        %add3A_167 = arith.constant 32 : i32
        %add3A_168 = arith.addi %mul3A_156, %add3A_167 : i32
        %get3A_169 = arith.index_cast %add3A_168 : i32 to index
        %get3A_170 = tpu.vector_load %arg10[%get3A_169] {strides = array<i32>} : memref<32768xf32, #tpu.memory_space<vmem>>, vector<16xf32>,
        %get3A_171 = vector.shape_cast %get3A_170 : vector<16xf32> to vector<16xf32>
        %add3A_172 = arith.constant 48 : i32
        %add3A_173 = arith.addi %mul3A_156, %add3A_172 : i32
        %get3A_174 = arith.index_cast %add3A_173 : i32 to index
        %get3A_175 = tpu.vector_load %arg10[%get3A_174] {strides = array<i32>} : memref<32768xf32, #tpu.memory_space<vmem>>, vector<16xf32>,
        %get3A_176 = vector.shape_cast %get3A_175 : vector<16xf32> to vector<16xf32>
        %mul3A_177 = arith.mulf %get3A_161, %get3A_161 : vector<16xf32>
        %mul3A_178 = arith.mulf %get3A_166, %get3A_166 : vector<16xf32>
        %add3A_179 = arith.addf %mul3A_177, %mul3A_178 : vector<16xf32>
        %mul3A_180 = arith.mulf %get3A_171, %get3A_171 : vector<16xf32>
        %add3A_181 = arith.addf %add3A_179, %mul3A_180 : vector<16xf32>
        %mul3A_182 = arith.mulf %get3A_176, %get3A_176 : vector<16xf32>
        %add3A_183 = arith.addf %add3A_181, %mul3A_182 : vector<16xf32>
        %slice3A_184 = vector.extract_strided_slice %add3A_183 {offsets = [0], sizes = [1], strides = [1]} : vector<16xf32> to vector<1xf32>
        %squeeze3A_185 = vector.extract %slice3A_184[0] : f32 from vector<1xf32>
        %slice3A_186 = vector.extract_strided_slice %add3A_183 {offsets = [1], sizes = [1], strides = [1]} : vector<16xf32> to vector<1xf32>
        %squeeze3A_187 = vector.extract %slice3A_186[0] : f32 from vector<1xf32>
        %add3A_188 = arith.addf %squeeze3A_185, %squeeze3A_187 : f32
        %slice3A_189 = vector.extract_strided_slice %add3A_183 {offsets = [2], sizes = [1], strides = [1]} : vector<16xf32> to vector<1xf32>
        %squeeze3A_190 = vector.extract %slice3A_189[0] : f32 from vector<1xf32>
        %add3A_191 = arith.addf %add3A_188, %squeeze3A_190 : f32
        %slice3A_192 = vector.extract_strided_slice %add3A_183 {offsets = [3], sizes = [1], strides = [1]} : vector<16xf32> to vector<1xf32>
        %squeeze3A_193 = vector.extract %slice3A_192[0] : f32 from vector<1xf32>
        %add3A_194 = arith.addf %add3A_191, %squeeze3A_193 : f32
        %slice3A_195 = vector.extract_strided_slice %add3A_183 {offsets = [4], sizes = [1], strides = [1]} : vector<16xf32> to vector<1xf32>
        %squeeze3A_196 = vector.extract %slice3A_195[0] : f32 from vector<1xf32>
        %add3A_197 = arith.addf %add3A_194, %squeeze3A_196 : f32
        %slice3A_198 = vector.extract_strided_slice %add3A_183 {offsets = [5], sizes = [1], strides = [1]} : vector<16xf32> to vector<1xf32>
        %squeeze3A_199 = vector.extract %slice3A_198[0] : f32 from vector<1xf32>
        %add3A_200 = arith.addf %add3A_197, %squeeze3A_199 : f32
        %slice3A_201 = vector.extract_strided_slice %add3A_183 {offsets = [6], sizes = [1], strides = [1]} : vector<16xf32> to vector<1xf32>
        %squeeze3A_202 = vector.extract %slice3A_201[0] : f32 from vector<1xf32>
        %add3A_203 = arith.addf %add3A_200, %squeeze3A_202 : f32
        %slice3A_204 = vector.extract_strided_slice %add3A_183 {offsets = [7], sizes = [1], strides = [1]} : vector<16xf32> to vector<1xf32>
        %squeeze3A_205 = vector.extract %slice3A_204[0] : f32 from vector<1xf32>
        %add3A_206 = arith.addf %add3A_203, %squeeze3A_205 : f32
        %slice3A_207 = vector.extract_strided_slice %add3A_183 {offsets = [8], sizes = [1], strides = [1]} : vector<16xf32> to vector<1xf32>
        %squeeze3A_208 = vector.extract %slice3A_207[0] : f32 from vector<1xf32>
        %add3A_209 = arith.addf %add3A_206, %squeeze3A_208 : f32
        %slice3A_210 = vector.extract_strided_slice %add3A_183 {offsets = [9], sizes = [1], strides = [1]} : vector<16xf32> to vector<1xf32>
        %squeeze3A_211 = vector.extract %slice3A_210[0] : f32 from vector<1xf32>
        %add3A_212 = arith.addf %add3A_209, %squeeze3A_211 : f32
        %slice3A_213 = vector.extract_strided_slice %add3A_183 {offsets = [10], sizes = [1], strides = [1]} : vector<16xf32> to vector<1xf32>
        %squeeze3A_214 = vector.extract %slice3A_213[0] : f32 from vector<1xf32>
        %add3A_215 = arith.addf %add3A_212, %squeeze3A_214 : f32
        %slice3A_216 = vector.extract_strided_slice %add3A_183 {offsets = [11], sizes = [1], strides = [1]} : vector<16xf32> to vector<1xf32>
        %squeeze3A_217 = vector.extract %slice3A_216[0] : f32 from vector<1xf32>
        %add3A_218 = arith.addf %add3A_215, %squeeze3A_217 : f32
        %slice3A_219 = vector.extract_strided_slice %add3A_183 {offsets = [12], sizes = [1], strides = [1]} : vector<16xf32> to vector<1xf32>
        %squeeze3A_220 = vector.extract %slice3A_219[0] : f32 from vector<1xf32>
        %add3A_221 = arith.addf %add3A_218, %squeeze3A_220 : f32
        %slice3A_222 = vector.extract_strided_slice %add3A_183 {offsets = [13], sizes = [1], strides = [1]} : vector<16xf32> to vector<1xf32>
        %squeeze3A_223 = vector.extract %slice3A_222[0] : f32 from vector<1xf32>
        %add3A_224 = arith.addf %add3A_221, %squeeze3A_223 : f32
        %slice3A_225 = vector.extract_strided_slice %add3A_183 {offsets = [14], sizes = [1], strides = [1]} : vector<16xf32> to vector<1xf32>
        %squeeze3A_226 = vector.extract %slice3A_225[0] : f32 from vector<1xf32>
        %add3A_227 = arith.addf %add3A_224, %squeeze3A_226 : f32
        %slice3A_228 = vector.extract_strided_slice %add3A_183 {offsets = [15], sizes = [1], strides = [1]} : vector<16xf32> to vector<1xf32>
        %squeeze3A_229 = vector.extract %slice3A_228[0] : f32 from vector<1xf32>
        %add3A_230 = arith.addf %add3A_227, %squeeze3A_229 : f32
        %broadcast_in_dim3A_231 = vector.broadcast %add3A_230 : f32 to vector<16xf32>
        %max3A = arith.constant 9.99999996E-13 : f32
        %max3A_232 = vector.broadcast %max3A : f32 to vector<16xf32>
        %max3A_233 = arith.maximumf %broadcast_in_dim3A_231, %max3A_232 : vector<16xf32>
        %bitcast_convert_type3A = tpu.bitcast %max3A_233 : vector<16xf32> -> vector<16xi32>
        %shift_right_arithmetic3A = arith.constant 1 : i32
        %shift_right_arithmetic3A_234 = vector.broadcast %shift_right_arithmetic3A : i32 to vector<16xi32>
        %shift_right_arithmetic3A_235 = arith.shrsi %bitcast_convert_type3A, %shift_right_arithmetic3A_234 : vector<16xi32>
        %sub3A_236 = arith.constant 1597463007 : i32
        %sub3A_237 = vector.broadcast %sub3A_236 : i32 to vector<16xi32>
        %sub3A_238 = arith.subi %sub3A_237, %shift_right_arithmetic3A_235 : vector<16xi32>
        %bitcast_convert_type3A_239 = tpu.bitcast %sub3A_238 : vector<16xi32> -> vector<16xf32>
        %mul3A_240 = arith.constant 5.000000e-01 : f32
        %mul3A_241 = vector.broadcast %mul3A_240 : f32 to vector<16xf32>
        %mul3A_242 = arith.mulf %mul3A_241, %max3A_233 : vector<16xf32>
        %mul3A_243 = arith.mulf %mul3A_242, %bitcast_convert_type3A_239 : vector<16xf32>
        %mul3A_244 = arith.mulf %mul3A_243, %bitcast_convert_type3A_239 : vector<16xf32>
        %sub3A_245 = arith.constant 1.500000e+00 : f32
        %sub3A_246 = vector.broadcast %sub3A_245 : f32 to vector<16xf32>
        %sub3A_247 = arith.subf %sub3A_246, %mul3A_244 : vector<16xf32>
        %mul3A_248 = arith.mulf %bitcast_convert_type3A_239, %sub3A_247 : vector<16xf32>
        %mul3A_249 = arith.constant 5.000000e-01 : f32
        %mul3A_250 = vector.broadcast %mul3A_249 : f32 to vector<16xf32>
        %mul3A_251 = arith.mulf %mul3A_250, %max3A_233 : vector<16xf32>
        %mul3A_252 = arith.mulf %mul3A_251, %mul3A_248 : vector<16xf32>
        %mul3A_253 = arith.mulf %mul3A_252, %mul3A_248 : vector<16xf32>
        %sub3A_254 = arith.constant 1.500000e+00 : f32
        %sub3A_255 = vector.broadcast %sub3A_254 : f32 to vector<16xf32>
        %sub3A_256 = arith.subf %sub3A_255, %mul3A_253 : vector<16xf32>
        %mul3A_257 = arith.mulf %mul3A_248, %sub3A_256 : vector<16xf32>
        %mul3A_258 = arith.constant 5.000000e-01 : f32
        %mul3A_259 = vector.broadcast %mul3A_258 : f32 to vector<16xf32>
        %mul3A_260 = arith.mulf %mul3A_259, %max3A_233 : vector<16xf32>
        %mul3A_261 = arith.mulf %mul3A_260, %mul3A_257 : vector<16xf32>
        %mul3A_262 = arith.mulf %mul3A_261, %mul3A_257 : vector<16xf32>
        %sub3A_263 = arith.constant 1.500000e+00 : f32
        %sub3A_264 = vector.broadcast %sub3A_263 : f32 to vector<16xf32>
        %sub3A_265 = arith.subf %sub3A_264, %mul3A_262 : vector<16xf32>
        %mul3A_266 = arith.mulf %mul3A_257, %sub3A_265 : vector<16xf32>
        %mul3A_267 = arith.constant 5.000000e-01 : f32
        %mul3A_268 = vector.broadcast %mul3A_267 : f32 to vector<16xf32>
        %mul3A_269 = arith.mulf %mul3A_268, %max3A_233 : vector<16xf32>
        %mul3A_270 = arith.mulf %mul3A_269, %mul3A_266 : vector<16xf32>
        %mul3A_271 = arith.mulf %mul3A_270, %mul3A_266 : vector<16xf32>
        %sub3A_272 = arith.constant 1.500000e+00 : f32
        %sub3A_273 = vector.broadcast %sub3A_272 : f32 to vector<16xf32>
        %sub3A_274 = arith.subf %sub3A_273, %mul3A_271 : vector<16xf32>
        %mul3A_275 = arith.mulf %mul3A_266, %sub3A_274 : vector<16xf32>
        %mul3A_276 = arith.mulf %max3A_233, %mul3A_275 : vector<16xf32>
        %max3A_277 = arith.constant 9.99999997E-7 : f32
        %max3A_278 = vector.broadcast %max3A_277 : f32 to vector<16xf32>
        %max3A_279 = arith.maximumf %mul3A_276, %max3A_278 : vector<16xf32>
        %div3A = arith.constant 1.000000e+00 : f32
        %div3A_280 = vector.broadcast %div3A : f32 to vector<16xf32>
        %div3A_281 = arith.divf %div3A_280, %max3A_279 : vector<16xf32>
        %mul3A_282 = arith.mulf %get3A_161, %div3A_281 : vector<16xf32>
        %add3A_283 = arith.constant 0 : i32
        %add3A_284 = arith.addi %mul3A_156, %add3A_283 : i32
        %swap3A_285 = arith.index_cast %add3A_284 : i32 to index
        %swap3A_286 = tpu.vector_load %arg9[%swap3A_285] {strides = array<i32>} : memref<32768xf32, #tpu.memory_space<vmem>>, vector<16xf32>,
        %swap3A_287 = vector.shape_cast %swap3A_286 : vector<16xf32> to vector<16xf32>
        %swap3A_288 = vector.shape_cast %mul3A_282 : vector<16xf32> to vector<16xf32>
        tpu.vector_store %arg9[%swap3A_285], %swap3A_288 {strides = array<i32>} : memref<32768xf32, #tpu.memory_space<vmem>>, vector<16xf32>,
        %mul3A_289 = arith.mulf %get3A_166, %div3A_281 : vector<16xf32>
        %add3A_290 = arith.constant 16 : i32
        %add3A_291 = arith.addi %mul3A_156, %add3A_290 : i32
        %swap3A_292 = arith.index_cast %add3A_291 : i32 to index
        %swap3A_293 = tpu.vector_load %arg9[%swap3A_292] {strides = array<i32>} : memref<32768xf32, #tpu.memory_space<vmem>>, vector<16xf32>,
        %swap3A_294 = vector.shape_cast %swap3A_293 : vector<16xf32> to vector<16xf32>
        %swap3A_295 = vector.shape_cast %mul3A_289 : vector<16xf32> to vector<16xf32>
        tpu.vector_store %arg9[%swap3A_292], %swap3A_295 {strides = array<i32>} : memref<32768xf32, #tpu.memory_space<vmem>>, vector<16xf32>,
        %mul3A_296 = arith.mulf %get3A_171, %div3A_281 : vector<16xf32>
        %add3A_297 = arith.constant 32 : i32
        %add3A_298 = arith.addi %mul3A_156, %add3A_297 : i32
        %swap3A_299 = arith.index_cast %add3A_298 : i32 to index
        %swap3A_300 = tpu.vector_load %arg9[%swap3A_299] {strides = array<i32>} : memref<32768xf32, #tpu.memory_space<vmem>>, vector<16xf32>,
        %swap3A_301 = vector.shape_cast %swap3A_300 : vector<16xf32> to vector<16xf32>
        %swap3A_302 = vector.shape_cast %mul3A_296 : vector<16xf32> to vector<16xf32>
        tpu.vector_store %arg9[%swap3A_299], %swap3A_302 {strides = array<i32>} : memref<32768xf32, #tpu.memory_space<vmem>>, vector<16xf32>,
        %mul3A_303 = arith.mulf %get3A_176, %div3A_281 : vector<16xf32>
        %add3A_304 = arith.constant 48 : i32
        %add3A_305 = arith.addi %mul3A_156, %add3A_304 : i32
        %swap3A_306 = arith.index_cast %add3A_305 : i32 to index
        %swap3A_307 = tpu.vector_load %arg9[%swap3A_306] {strides = array<i32>} : memref<32768xf32, #tpu.memory_space<vmem>>, vector<16xf32>,
        %swap3A_308 = vector.shape_cast %swap3A_307 : vector<16xf32> to vector<16xf32>
        %swap3A_309 = vector.shape_cast %mul3A_303 : vector<16xf32> to vector<16xf32>
        tpu.vector_store %arg9[%swap3A_306], %swap3A_309 {strides = array<i32>} : memref<32768xf32, #tpu.memory_space<vmem>>, vector<16xf32>,
      } else {
      }
      %slice3A_109 = vector.extract_strided_slice %select_n3A_42 {offsets = [10], sizes = [1], strides = [1]} : vector<16xi32> to vector<1xi32>
      %squeeze3A_110 = vector.extract %slice3A_109[0] : i32 from vector<1xi32>
      %ne3A_111 = arith.constant 0 : i32
      %ne3A_112 = arith.cmpi ne, %squeeze3A_110, %ne3A_111 : i32
      %convert_element_type3A_113 = arith.extui %ne3A_112 : i1 to i32
      %cond3A_114 = arith.constant 0 : i32
      %cond3A_115 = arith.cmpi ne, %convert_element_type3A_113, %cond3A_114 : i32
      scf.if %cond3A_115 {
        %mul3A_151 = arith.constant 16 : i32
        %mul3A_152 = arith.muli %scan3A_14, %mul3A_151 : i32
        %add3A_153 = arith.constant 10 : i32
        %add3A_154 = arith.addi %mul3A_152, %add3A_153 : i32
        %mul3A_155 = arith.constant 64 : i32
        %mul3A_156 = arith.muli %add3A_154, %mul3A_155 : i32
        %add3A_157 = arith.constant 0 : i32
        %add3A_158 = arith.addi %mul3A_156, %add3A_157 : i32
        %get3A_159 = arith.index_cast %add3A_158 : i32 to index
        %get3A_160 = tpu.vector_load %arg10[%get3A_159] {strides = array<i32>} : memref<32768xf32, #tpu.memory_space<vmem>>, vector<16xf32>,
        %get3A_161 = vector.shape_cast %get3A_160 : vector<16xf32> to vector<16xf32>
        %add3A_162 = arith.constant 16 : i32
        %add3A_163 = arith.addi %mul3A_156, %add3A_162 : i32
        %get3A_164 = arith.index_cast %add3A_163 : i32 to index
        %get3A_165 = tpu.vector_load %arg10[%get3A_164] {strides = array<i32>} : memref<32768xf32, #tpu.memory_space<vmem>>, vector<16xf32>,
        %get3A_166 = vector.shape_cast %get3A_165 : vector<16xf32> to vector<16xf32>
        %add3A_167 = arith.constant 32 : i32
        %add3A_168 = arith.addi %mul3A_156, %add3A_167 : i32
        %get3A_169 = arith.index_cast %add3A_168 : i32 to index
        %get3A_170 = tpu.vector_load %arg10[%get3A_169] {strides = array<i32>} : memref<32768xf32, #tpu.memory_space<vmem>>, vector<16xf32>,
        %get3A_171 = vector.shape_cast %get3A_170 : vector<16xf32> to vector<16xf32>
        %add3A_172 = arith.constant 48 : i32
        %add3A_173 = arith.addi %mul3A_156, %add3A_172 : i32
        %get3A_174 = arith.index_cast %add3A_173 : i32 to index
        %get3A_175 = tpu.vector_load %arg10[%get3A_174] {strides = array<i32>} : memref<32768xf32, #tpu.memory_space<vmem>>, vector<16xf32>,
        %get3A_176 = vector.shape_cast %get3A_175 : vector<16xf32> to vector<16xf32>
        %mul3A_177 = arith.mulf %get3A_161, %get3A_161 : vector<16xf32>
        %mul3A_178 = arith.mulf %get3A_166, %get3A_166 : vector<16xf32>
        %add3A_179 = arith.addf %mul3A_177, %mul3A_178 : vector<16xf32>
        %mul3A_180 = arith.mulf %get3A_171, %get3A_171 : vector<16xf32>
        %add3A_181 = arith.addf %add3A_179, %mul3A_180 : vector<16xf32>
        %mul3A_182 = arith.mulf %get3A_176, %get3A_176 : vector<16xf32>
        %add3A_183 = arith.addf %add3A_181, %mul3A_182 : vector<16xf32>
        %slice3A_184 = vector.extract_strided_slice %add3A_183 {offsets = [0], sizes = [1], strides = [1]} : vector<16xf32> to vector<1xf32>
        %squeeze3A_185 = vector.extract %slice3A_184[0] : f32 from vector<1xf32>
        %slice3A_186 = vector.extract_strided_slice %add3A_183 {offsets = [1], sizes = [1], strides = [1]} : vector<16xf32> to vector<1xf32>
        %squeeze3A_187 = vector.extract %slice3A_186[0] : f32 from vector<1xf32>
        %add3A_188 = arith.addf %squeeze3A_185, %squeeze3A_187 : f32
        %slice3A_189 = vector.extract_strided_slice %add3A_183 {offsets = [2], sizes = [1], strides = [1]} : vector<16xf32> to vector<1xf32>
        %squeeze3A_190 = vector.extract %slice3A_189[0] : f32 from vector<1xf32>
        %add3A_191 = arith.addf %add3A_188, %squeeze3A_190 : f32
        %slice3A_192 = vector.extract_strided_slice %add3A_183 {offsets = [3], sizes = [1], strides = [1]} : vector<16xf32> to vector<1xf32>
        %squeeze3A_193 = vector.extract %slice3A_192[0] : f32 from vector<1xf32>
        %add3A_194 = arith.addf %add3A_191, %squeeze3A_193 : f32
        %slice3A_195 = vector.extract_strided_slice %add3A_183 {offsets = [4], sizes = [1], strides = [1]} : vector<16xf32> to vector<1xf32>
        %squeeze3A_196 = vector.extract %slice3A_195[0] : f32 from vector<1xf32>
        %add3A_197 = arith.addf %add3A_194, %squeeze3A_196 : f32
        %slice3A_198 = vector.extract_strided_slice %add3A_183 {offsets = [5], sizes = [1], strides = [1]} : vector<16xf32> to vector<1xf32>
        %squeeze3A_199 = vector.extract %slice3A_198[0] : f32 from vector<1xf32>
        %add3A_200 = arith.addf %add3A_197, %squeeze3A_199 : f32
        %slice3A_201 = vector.extract_strided_slice %add3A_183 {offsets = [6], sizes = [1], strides = [1]} : vector<16xf32> to vector<1xf32>
        %squeeze3A_202 = vector.extract %slice3A_201[0] : f32 from vector<1xf32>
        %add3A_203 = arith.addf %add3A_200, %squeeze3A_202 : f32
        %slice3A_204 = vector.extract_strided_slice %add3A_183 {offsets = [7], sizes = [1], strides = [1]} : vector<16xf32> to vector<1xf32>
        %squeeze3A_205 = vector.extract %slice3A_204[0] : f32 from vector<1xf32>
        %add3A_206 = arith.addf %add3A_203, %squeeze3A_205 : f32
        %slice3A_207 = vector.extract_strided_slice %add3A_183 {offsets = [8], sizes = [1], strides = [1]} : vector<16xf32> to vector<1xf32>
        %squeeze3A_208 = vector.extract %slice3A_207[0] : f32 from vector<1xf32>
        %add3A_209 = arith.addf %add3A_206, %squeeze3A_208 : f32
        %slice3A_210 = vector.extract_strided_slice %add3A_183 {offsets = [9], sizes = [1], strides = [1]} : vector<16xf32> to vector<1xf32>
        %squeeze3A_211 = vector.extract %slice3A_210[0] : f32 from vector<1xf32>
        %add3A_212 = arith.addf %add3A_209, %squeeze3A_211 : f32
        %slice3A_213 = vector.extract_strided_slice %add3A_183 {offsets = [10], sizes = [1], strides = [1]} : vector<16xf32> to vector<1xf32>
        %squeeze3A_214 = vector.extract %slice3A_213[0] : f32 from vector<1xf32>
        %add3A_215 = arith.addf %add3A_212, %squeeze3A_214 : f32
        %slice3A_216 = vector.extract_strided_slice %add3A_183 {offsets = [11], sizes = [1], strides = [1]} : vector<16xf32> to vector<1xf32>
        %squeeze3A_217 = vector.extract %slice3A_216[0] : f32 from vector<1xf32>
        %add3A_218 = arith.addf %add3A_215, %squeeze3A_217 : f32
        %slice3A_219 = vector.extract_strided_slice %add3A_183 {offsets = [12], sizes = [1], strides = [1]} : vector<16xf32> to vector<1xf32>
        %squeeze3A_220 = vector.extract %slice3A_219[0] : f32 from vector<1xf32>
        %add3A_221 = arith.addf %add3A_218, %squeeze3A_220 : f32
        %slice3A_222 = vector.extract_strided_slice %add3A_183 {offsets = [13], sizes = [1], strides = [1]} : vector<16xf32> to vector<1xf32>
        %squeeze3A_223 = vector.extract %slice3A_222[0] : f32 from vector<1xf32>
        %add3A_224 = arith.addf %add3A_221, %squeeze3A_223 : f32
        %slice3A_225 = vector.extract_strided_slice %add3A_183 {offsets = [14], sizes = [1], strides = [1]} : vector<16xf32> to vector<1xf32>
        %squeeze3A_226 = vector.extract %slice3A_225[0] : f32 from vector<1xf32>
        %add3A_227 = arith.addf %add3A_224, %squeeze3A_226 : f32
        %slice3A_228 = vector.extract_strided_slice %add3A_183 {offsets = [15], sizes = [1], strides = [1]} : vector<16xf32> to vector<1xf32>
        %squeeze3A_229 = vector.extract %slice3A_228[0] : f32 from vector<1xf32>
        %add3A_230 = arith.addf %add3A_227, %squeeze3A_229 : f32
        %broadcast_in_dim3A_231 = vector.broadcast %add3A_230 : f32 to vector<16xf32>
        %max3A = arith.constant 9.99999996E-13 : f32
        %max3A_232 = vector.broadcast %max3A : f32 to vector<16xf32>
        %max3A_233 = arith.maximumf %broadcast_in_dim3A_231, %max3A_232 : vector<16xf32>
        %bitcast_convert_type3A = tpu.bitcast %max3A_233 : vector<16xf32> -> vector<16xi32>
        %shift_right_arithmetic3A = arith.constant 1 : i32
        %shift_right_arithmetic3A_234 = vector.broadcast %shift_right_arithmetic3A : i32 to vector<16xi32>
        %shift_right_arithmetic3A_235 = arith.shrsi %bitcast_convert_type3A, %shift_right_arithmetic3A_234 : vector<16xi32>
        %sub3A_236 = arith.constant 1597463007 : i32
        %sub3A_237 = vector.broadcast %sub3A_236 : i32 to vector<16xi32>
        %sub3A_238 = arith.subi %sub3A_237, %shift_right_arithmetic3A_235 : vector<16xi32>
        %bitcast_convert_type3A_239 = tpu.bitcast %sub3A_238 : vector<16xi32> -> vector<16xf32>
        %mul3A_240 = arith.constant 5.000000e-01 : f32
        %mul3A_241 = vector.broadcast %mul3A_240 : f32 to vector<16xf32>
        %mul3A_242 = arith.mulf %mul3A_241, %max3A_233 : vector<16xf32>
        %mul3A_243 = arith.mulf %mul3A_242, %bitcast_convert_type3A_239 : vector<16xf32>
        %mul3A_244 = arith.mulf %mul3A_243, %bitcast_convert_type3A_239 : vector<16xf32>
        %sub3A_245 = arith.constant 1.500000e+00 : f32
        %sub3A_246 = vector.broadcast %sub3A_245 : f32 to vector<16xf32>
        %sub3A_247 = arith.subf %sub3A_246, %mul3A_244 : vector<16xf32>
        %mul3A_248 = arith.mulf %bitcast_convert_type3A_239, %sub3A_247 : vector<16xf32>
        %mul3A_249 = arith.constant 5.000000e-01 : f32
        %mul3A_250 = vector.broadcast %mul3A_249 : f32 to vector<16xf32>
        %mul3A_251 = arith.mulf %mul3A_250, %max3A_233 : vector<16xf32>
        %mul3A_252 = arith.mulf %mul3A_251, %mul3A_248 : vector<16xf32>
        %mul3A_253 = arith.mulf %mul3A_252, %mul3A_248 : vector<16xf32>
        %sub3A_254 = arith.constant 1.500000e+00 : f32
        %sub3A_255 = vector.broadcast %sub3A_254 : f32 to vector<16xf32>
        %sub3A_256 = arith.subf %sub3A_255, %mul3A_253 : vector<16xf32>
        %mul3A_257 = arith.mulf %mul3A_248, %sub3A_256 : vector<16xf32>
        %mul3A_258 = arith.constant 5.000000e-01 : f32
        %mul3A_259 = vector.broadcast %mul3A_258 : f32 to vector<16xf32>
        %mul3A_260 = arith.mulf %mul3A_259, %max3A_233 : vector<16xf32>
        %mul3A_261 = arith.mulf %mul3A_260, %mul3A_257 : vector<16xf32>
        %mul3A_262 = arith.mulf %mul3A_261, %mul3A_257 : vector<16xf32>
        %sub3A_263 = arith.constant 1.500000e+00 : f32
        %sub3A_264 = vector.broadcast %sub3A_263 : f32 to vector<16xf32>
        %sub3A_265 = arith.subf %sub3A_264, %mul3A_262 : vector<16xf32>
        %mul3A_266 = arith.mulf %mul3A_257, %sub3A_265 : vector<16xf32>
        %mul3A_267 = arith.constant 5.000000e-01 : f32
        %mul3A_268 = vector.broadcast %mul3A_267 : f32 to vector<16xf32>
        %mul3A_269 = arith.mulf %mul3A_268, %max3A_233 : vector<16xf32>
        %mul3A_270 = arith.mulf %mul3A_269, %mul3A_266 : vector<16xf32>
        %mul3A_271 = arith.mulf %mul3A_270, %mul3A_266 : vector<16xf32>
        %sub3A_272 = arith.constant 1.500000e+00 : f32
        %sub3A_273 = vector.broadcast %sub3A_272 : f32 to vector<16xf32>
        %sub3A_274 = arith.subf %sub3A_273, %mul3A_271 : vector<16xf32>
        %mul3A_275 = arith.mulf %mul3A_266, %sub3A_274 : vector<16xf32>
        %mul3A_276 = arith.mulf %max3A_233, %mul3A_275 : vector<16xf32>
        %max3A_277 = arith.constant 9.99999997E-7 : f32
        %max3A_278 = vector.broadcast %max3A_277 : f32 to vector<16xf32>
        %max3A_279 = arith.maximumf %mul3A_276, %max3A_278 : vector<16xf32>
        %div3A = arith.constant 1.000000e+00 : f32
        %div3A_280 = vector.broadcast %div3A : f32 to vector<16xf32>
        %div3A_281 = arith.divf %div3A_280, %max3A_279 : vector<16xf32>
        %mul3A_282 = arith.mulf %get3A_161, %div3A_281 : vector<16xf32>
        %add3A_283 = arith.constant 0 : i32
        %add3A_284 = arith.addi %mul3A_156, %add3A_283 : i32
        %swap3A_285 = arith.index_cast %add3A_284 : i32 to index
        %swap3A_286 = tpu.vector_load %arg9[%swap3A_285] {strides = array<i32>} : memref<32768xf32, #tpu.memory_space<vmem>>, vector<16xf32>,
        %swap3A_287 = vector.shape_cast %swap3A_286 : vector<16xf32> to vector<16xf32>
        %swap3A_288 = vector.shape_cast %mul3A_282 : vector<16xf32> to vector<16xf32>
        tpu.vector_store %arg9[%swap3A_285], %swap3A_288 {strides = array<i32>} : memref<32768xf32, #tpu.memory_space<vmem>>, vector<16xf32>,
        %mul3A_289 = arith.mulf %get3A_166, %div3A_281 : vector<16xf32>
        %add3A_290 = arith.constant 16 : i32
        %add3A_291 = arith.addi %mul3A_156, %add3A_290 : i32
        %swap3A_292 = arith.index_cast %add3A_291 : i32 to index
        %swap3A_293 = tpu.vector_load %arg9[%swap3A_292] {strides = array<i32>} : memref<32768xf32, #tpu.memory_space<vmem>>, vector<16xf32>,
        %swap3A_294 = vector.shape_cast %swap3A_293 : vector<16xf32> to vector<16xf32>
        %swap3A_295 = vector.shape_cast %mul3A_289 : vector<16xf32> to vector<16xf32>
        tpu.vector_store %arg9[%swap3A_292], %swap3A_295 {strides = array<i32>} : memref<32768xf32, #tpu.memory_space<vmem>>, vector<16xf32>,
        %mul3A_296 = arith.mulf %get3A_171, %div3A_281 : vector<16xf32>
        %add3A_297 = arith.constant 32 : i32
        %add3A_298 = arith.addi %mul3A_156, %add3A_297 : i32
        %swap3A_299 = arith.index_cast %add3A_298 : i32 to index
        %swap3A_300 = tpu.vector_load %arg9[%swap3A_299] {strides = array<i32>} : memref<32768xf32, #tpu.memory_space<vmem>>, vector<16xf32>,
        %swap3A_301 = vector.shape_cast %swap3A_300 : vector<16xf32> to vector<16xf32>
        %swap3A_302 = vector.shape_cast %mul3A_296 : vector<16xf32> to vector<16xf32>
        tpu.vector_store %arg9[%swap3A_299], %swap3A_302 {strides = array<i32>} : memref<32768xf32, #tpu.memory_space<vmem>>, vector<16xf32>,
        %mul3A_303 = arith.mulf %get3A_176, %div3A_281 : vector<16xf32>
        %add3A_304 = arith.constant 48 : i32
        %add3A_305 = arith.addi %mul3A_156, %add3A_304 : i32
        %swap3A_306 = arith.index_cast %add3A_305 : i32 to index
        %swap3A_307 = tpu.vector_load %arg9[%swap3A_306] {strides = array<i32>} : memref<32768xf32, #tpu.memory_space<vmem>>, vector<16xf32>,
        %swap3A_308 = vector.shape_cast %swap3A_307 : vector<16xf32> to vector<16xf32>
        %swap3A_309 = vector.shape_cast %mul3A_303 : vector<16xf32> to vector<16xf32>
        tpu.vector_store %arg9[%swap3A_306], %swap3A_309 {strides = array<i32>} : memref<32768xf32, #tpu.memory_space<vmem>>, vector<16xf32>,
      } else {
      }
      %slice3A_116 = vector.extract_strided_slice %select_n3A_42 {offsets = [11], sizes = [1], strides = [1]} : vector<16xi32> to vector<1xi32>
      %squeeze3A_117 = vector.extract %slice3A_116[0] : i32 from vector<1xi32>
      %ne3A_118 = arith.constant 0 : i32
      %ne3A_119 = arith.cmpi ne, %squeeze3A_117, %ne3A_118 : i32
      %convert_element_type3A_120 = arith.extui %ne3A_119 : i1 to i32
      %cond3A_121 = arith.constant 0 : i32
      %cond3A_122 = arith.cmpi ne, %convert_element_type3A_120, %cond3A_121 : i32
      scf.if %cond3A_122 {
        %mul3A_151 = arith.constant 16 : i32
        %mul3A_152 = arith.muli %scan3A_14, %mul3A_151 : i32
        %add3A_153 = arith.constant 11 : i32
        %add3A_154 = arith.addi %mul3A_152, %add3A_153 : i32
        %mul3A_155 = arith.constant 64 : i32
        %mul3A_156 = arith.muli %add3A_154, %mul3A_155 : i32
        %add3A_157 = arith.constant 0 : i32
        %add3A_158 = arith.addi %mul3A_156, %add3A_157 : i32
        %get3A_159 = arith.index_cast %add3A_158 : i32 to index
        %get3A_160 = tpu.vector_load %arg10[%get3A_159] {strides = array<i32>} : memref<32768xf32, #tpu.memory_space<vmem>>, vector<16xf32>,
        %get3A_161 = vector.shape_cast %get3A_160 : vector<16xf32> to vector<16xf32>
        %add3A_162 = arith.constant 16 : i32
        %add3A_163 = arith.addi %mul3A_156, %add3A_162 : i32
        %get3A_164 = arith.index_cast %add3A_163 : i32 to index
        %get3A_165 = tpu.vector_load %arg10[%get3A_164] {strides = array<i32>} : memref<32768xf32, #tpu.memory_space<vmem>>, vector<16xf32>,
        %get3A_166 = vector.shape_cast %get3A_165 : vector<16xf32> to vector<16xf32>
        %add3A_167 = arith.constant 32 : i32
        %add3A_168 = arith.addi %mul3A_156, %add3A_167 : i32
        %get3A_169 = arith.index_cast %add3A_168 : i32 to index
        %get3A_170 = tpu.vector_load %arg10[%get3A_169] {strides = array<i32>} : memref<32768xf32, #tpu.memory_space<vmem>>, vector<16xf32>,
        %get3A_171 = vector.shape_cast %get3A_170 : vector<16xf32> to vector<16xf32>
        %add3A_172 = arith.constant 48 : i32
        %add3A_173 = arith.addi %mul3A_156, %add3A_172 : i32
        %get3A_174 = arith.index_cast %add3A_173 : i32 to index
        %get3A_175 = tpu.vector_load %arg10[%get3A_174] {strides = array<i32>} : memref<32768xf32, #tpu.memory_space<vmem>>, vector<16xf32>,
        %get3A_176 = vector.shape_cast %get3A_175 : vector<16xf32> to vector<16xf32>
        %mul3A_177 = arith.mulf %get3A_161, %get3A_161 : vector<16xf32>
        %mul3A_178 = arith.mulf %get3A_166, %get3A_166 : vector<16xf32>
        %add3A_179 = arith.addf %mul3A_177, %mul3A_178 : vector<16xf32>
        %mul3A_180 = arith.mulf %get3A_171, %get3A_171 : vector<16xf32>
        %add3A_181 = arith.addf %add3A_179, %mul3A_180 : vector<16xf32>
        %mul3A_182 = arith.mulf %get3A_176, %get3A_176 : vector<16xf32>
        %add3A_183 = arith.addf %add3A_181, %mul3A_182 : vector<16xf32>
        %slice3A_184 = vector.extract_strided_slice %add3A_183 {offsets = [0], sizes = [1], strides = [1]} : vector<16xf32> to vector<1xf32>
        %squeeze3A_185 = vector.extract %slice3A_184[0] : f32 from vector<1xf32>
        %slice3A_186 = vector.extract_strided_slice %add3A_183 {offsets = [1], sizes = [1], strides = [1]} : vector<16xf32> to vector<1xf32>
        %squeeze3A_187 = vector.extract %slice3A_186[0] : f32 from vector<1xf32>
        %add3A_188 = arith.addf %squeeze3A_185, %squeeze3A_187 : f32
        %slice3A_189 = vector.extract_strided_slice %add3A_183 {offsets = [2], sizes = [1], strides = [1]} : vector<16xf32> to vector<1xf32>
        %squeeze3A_190 = vector.extract %slice3A_189[0] : f32 from vector<1xf32>
        %add3A_191 = arith.addf %add3A_188, %squeeze3A_190 : f32
        %slice3A_192 = vector.extract_strided_slice %add3A_183 {offsets = [3], sizes = [1], strides = [1]} : vector<16xf32> to vector<1xf32>
        %squeeze3A_193 = vector.extract %slice3A_192[0] : f32 from vector<1xf32>
        %add3A_194 = arith.addf %add3A_191, %squeeze3A_193 : f32
        %slice3A_195 = vector.extract_strided_slice %add3A_183 {offsets = [4], sizes = [1], strides = [1]} : vector<16xf32> to vector<1xf32>
        %squeeze3A_196 = vector.extract %slice3A_195[0] : f32 from vector<1xf32>
        %add3A_197 = arith.addf %add3A_194, %squeeze3A_196 : f32
        %slice3A_198 = vector.extract_strided_slice %add3A_183 {offsets = [5], sizes = [1], strides = [1]} : vector<16xf32> to vector<1xf32>
        %squeeze3A_199 = vector.extract %slice3A_198[0] : f32 from vector<1xf32>
        %add3A_200 = arith.addf %add3A_197, %squeeze3A_199 : f32
        %slice3A_201 = vector.extract_strided_slice %add3A_183 {offsets = [6], sizes = [1], strides = [1]} : vector<16xf32> to vector<1xf32>
        %squeeze3A_202 = vector.extract %slice3A_201[0] : f32 from vector<1xf32>
        %add3A_203 = arith.addf %add3A_200, %squeeze3A_202 : f32
        %slice3A_204 = vector.extract_strided_slice %add3A_183 {offsets = [7], sizes = [1], strides = [1]} : vector<16xf32> to vector<1xf32>
        %squeeze3A_205 = vector.extract %slice3A_204[0] : f32 from vector<1xf32>
        %add3A_206 = arith.addf %add3A_203, %squeeze3A_205 : f32
        %slice3A_207 = vector.extract_strided_slice %add3A_183 {offsets = [8], sizes = [1], strides = [1]} : vector<16xf32> to vector<1xf32>
        %squeeze3A_208 = vector.extract %slice3A_207[0] : f32 from vector<1xf32>
        %add3A_209 = arith.addf %add3A_206, %squeeze3A_208 : f32
        %slice3A_210 = vector.extract_strided_slice %add3A_183 {offsets = [9], sizes = [1], strides = [1]} : vector<16xf32> to vector<1xf32>
        %squeeze3A_211 = vector.extract %slice3A_210[0] : f32 from vector<1xf32>
        %add3A_212 = arith.addf %add3A_209, %squeeze3A_211 : f32
        %slice3A_213 = vector.extract_strided_slice %add3A_183 {offsets = [10], sizes = [1], strides = [1]} : vector<16xf32> to vector<1xf32>
        %squeeze3A_214 = vector.extract %slice3A_213[0] : f32 from vector<1xf32>
        %add3A_215 = arith.addf %add3A_212, %squeeze3A_214 : f32
        %slice3A_216 = vector.extract_strided_slice %add3A_183 {offsets = [11], sizes = [1], strides = [1]} : vector<16xf32> to vector<1xf32>
        %squeeze3A_217 = vector.extract %slice3A_216[0] : f32 from vector<1xf32>
        %add3A_218 = arith.addf %add3A_215, %squeeze3A_217 : f32
        %slice3A_219 = vector.extract_strided_slice %add3A_183 {offsets = [12], sizes = [1], strides = [1]} : vector<16xf32> to vector<1xf32>
        %squeeze3A_220 = vector.extract %slice3A_219[0] : f32 from vector<1xf32>
        %add3A_221 = arith.addf %add3A_218, %squeeze3A_220 : f32
        %slice3A_222 = vector.extract_strided_slice %add3A_183 {offsets = [13], sizes = [1], strides = [1]} : vector<16xf32> to vector<1xf32>
        %squeeze3A_223 = vector.extract %slice3A_222[0] : f32 from vector<1xf32>
        %add3A_224 = arith.addf %add3A_221, %squeeze3A_223 : f32
        %slice3A_225 = vector.extract_strided_slice %add3A_183 {offsets = [14], sizes = [1], strides = [1]} : vector<16xf32> to vector<1xf32>
        %squeeze3A_226 = vector.extract %slice3A_225[0] : f32 from vector<1xf32>
        %add3A_227 = arith.addf %add3A_224, %squeeze3A_226 : f32
        %slice3A_228 = vector.extract_strided_slice %add3A_183 {offsets = [15], sizes = [1], strides = [1]} : vector<16xf32> to vector<1xf32>
        %squeeze3A_229 = vector.extract %slice3A_228[0] : f32 from vector<1xf32>
        %add3A_230 = arith.addf %add3A_227, %squeeze3A_229 : f32
        %broadcast_in_dim3A_231 = vector.broadcast %add3A_230 : f32 to vector<16xf32>
        %max3A = arith.constant 9.99999996E-13 : f32
        %max3A_232 = vector.broadcast %max3A : f32 to vector<16xf32>
        %max3A_233 = arith.maximumf %broadcast_in_dim3A_231, %max3A_232 : vector<16xf32>
        %bitcast_convert_type3A = tpu.bitcast %max3A_233 : vector<16xf32> -> vector<16xi32>
        %shift_right_arithmetic3A = arith.constant 1 : i32
        %shift_right_arithmetic3A_234 = vector.broadcast %shift_right_arithmetic3A : i32 to vector<16xi32>
        %shift_right_arithmetic3A_235 = arith.shrsi %bitcast_convert_type3A, %shift_right_arithmetic3A_234 : vector<16xi32>
        %sub3A_236 = arith.constant 1597463007 : i32
        %sub3A_237 = vector.broadcast %sub3A_236 : i32 to vector<16xi32>
        %sub3A_238 = arith.subi %sub3A_237, %shift_right_arithmetic3A_235 : vector<16xi32>
        %bitcast_convert_type3A_239 = tpu.bitcast %sub3A_238 : vector<16xi32> -> vector<16xf32>
        %mul3A_240 = arith.constant 5.000000e-01 : f32
        %mul3A_241 = vector.broadcast %mul3A_240 : f32 to vector<16xf32>
        %mul3A_242 = arith.mulf %mul3A_241, %max3A_233 : vector<16xf32>
        %mul3A_243 = arith.mulf %mul3A_242, %bitcast_convert_type3A_239 : vector<16xf32>
        %mul3A_244 = arith.mulf %mul3A_243, %bitcast_convert_type3A_239 : vector<16xf32>
        %sub3A_245 = arith.constant 1.500000e+00 : f32
        %sub3A_246 = vector.broadcast %sub3A_245 : f32 to vector<16xf32>
        %sub3A_247 = arith.subf %sub3A_246, %mul3A_244 : vector<16xf32>
        %mul3A_248 = arith.mulf %bitcast_convert_type3A_239, %sub3A_247 : vector<16xf32>
        %mul3A_249 = arith.constant 5.000000e-01 : f32
        %mul3A_250 = vector.broadcast %mul3A_249 : f32 to vector<16xf32>
        %mul3A_251 = arith.mulf %mul3A_250, %max3A_233 : vector<16xf32>
        %mul3A_252 = arith.mulf %mul3A_251, %mul3A_248 : vector<16xf32>
        %mul3A_253 = arith.mulf %mul3A_252, %mul3A_248 : vector<16xf32>
        %sub3A_254 = arith.constant 1.500000e+00 : f32
        %sub3A_255 = vector.broadcast %sub3A_254 : f32 to vector<16xf32>
        %sub3A_256 = arith.subf %sub3A_255, %mul3A_253 : vector<16xf32>
        %mul3A_257 = arith.mulf %mul3A_248, %sub3A_256 : vector<16xf32>
        %mul3A_258 = arith.constant 5.000000e-01 : f32
        %mul3A_259 = vector.broadcast %mul3A_258 : f32 to vector<16xf32>
        %mul3A_260 = arith.mulf %mul3A_259, %max3A_233 : vector<16xf32>
        %mul3A_261 = arith.mulf %mul3A_260, %mul3A_257 : vector<16xf32>
        %mul3A_262 = arith.mulf %mul3A_261, %mul3A_257 : vector<16xf32>
        %sub3A_263 = arith.constant 1.500000e+00 : f32
        %sub3A_264 = vector.broadcast %sub3A_263 : f32 to vector<16xf32>
        %sub3A_265 = arith.subf %sub3A_264, %mul3A_262 : vector<16xf32>
        %mul3A_266 = arith.mulf %mul3A_257, %sub3A_265 : vector<16xf32>
        %mul3A_267 = arith.constant 5.000000e-01 : f32
        %mul3A_268 = vector.broadcast %mul3A_267 : f32 to vector<16xf32>
        %mul3A_269 = arith.mulf %mul3A_268, %max3A_233 : vector<16xf32>
        %mul3A_270 = arith.mulf %mul3A_269, %mul3A_266 : vector<16xf32>
        %mul3A_271 = arith.mulf %mul3A_270, %mul3A_266 : vector<16xf32>
        %sub3A_272 = arith.constant 1.500000e+00 : f32
        %sub3A_273 = vector.broadcast %sub3A_272 : f32 to vector<16xf32>
        %sub3A_274 = arith.subf %sub3A_273, %mul3A_271 : vector<16xf32>
        %mul3A_275 = arith.mulf %mul3A_266, %sub3A_274 : vector<16xf32>
        %mul3A_276 = arith.mulf %max3A_233, %mul3A_275 : vector<16xf32>
        %max3A_277 = arith.constant 9.99999997E-7 : f32
        %max3A_278 = vector.broadcast %max3A_277 : f32 to vector<16xf32>
        %max3A_279 = arith.maximumf %mul3A_276, %max3A_278 : vector<16xf32>
        %div3A = arith.constant 1.000000e+00 : f32
        %div3A_280 = vector.broadcast %div3A : f32 to vector<16xf32>
        %div3A_281 = arith.divf %div3A_280, %max3A_279 : vector<16xf32>
        %mul3A_282 = arith.mulf %get3A_161, %div3A_281 : vector<16xf32>
        %add3A_283 = arith.constant 0 : i32
        %add3A_284 = arith.addi %mul3A_156, %add3A_283 : i32
        %swap3A_285 = arith.index_cast %add3A_284 : i32 to index
        %swap3A_286 = tpu.vector_load %arg9[%swap3A_285] {strides = array<i32>} : memref<32768xf32, #tpu.memory_space<vmem>>, vector<16xf32>,
        %swap3A_287 = vector.shape_cast %swap3A_286 : vector<16xf32> to vector<16xf32>
        %swap3A_288 = vector.shape_cast %mul3A_282 : vector<16xf32> to vector<16xf32>
        tpu.vector_store %arg9[%swap3A_285], %swap3A_288 {strides = array<i32>} : memref<32768xf32, #tpu.memory_space<vmem>>, vector<16xf32>,
        %mul3A_289 = arith.mulf %get3A_166, %div3A_281 : vector<16xf32>
        %add3A_290 = arith.constant 16 : i32
        %add3A_291 = arith.addi %mul3A_156, %add3A_290 : i32
        %swap3A_292 = arith.index_cast %add3A_291 : i32 to index
        %swap3A_293 = tpu.vector_load %arg9[%swap3A_292] {strides = array<i32>} : memref<32768xf32, #tpu.memory_space<vmem>>, vector<16xf32>,
        %swap3A_294 = vector.shape_cast %swap3A_293 : vector<16xf32> to vector<16xf32>
        %swap3A_295 = vector.shape_cast %mul3A_289 : vector<16xf32> to vector<16xf32>
        tpu.vector_store %arg9[%swap3A_292], %swap3A_295 {strides = array<i32>} : memref<32768xf32, #tpu.memory_space<vmem>>, vector<16xf32>,
        %mul3A_296 = arith.mulf %get3A_171, %div3A_281 : vector<16xf32>
        %add3A_297 = arith.constant 32 : i32
        %add3A_298 = arith.addi %mul3A_156, %add3A_297 : i32
        %swap3A_299 = arith.index_cast %add3A_298 : i32 to index
        %swap3A_300 = tpu.vector_load %arg9[%swap3A_299] {strides = array<i32>} : memref<32768xf32, #tpu.memory_space<vmem>>, vector<16xf32>,
        %swap3A_301 = vector.shape_cast %swap3A_300 : vector<16xf32> to vector<16xf32>
        %swap3A_302 = vector.shape_cast %mul3A_296 : vector<16xf32> to vector<16xf32>
        tpu.vector_store %arg9[%swap3A_299], %swap3A_302 {strides = array<i32>} : memref<32768xf32, #tpu.memory_space<vmem>>, vector<16xf32>,
        %mul3A_303 = arith.mulf %get3A_176, %div3A_281 : vector<16xf32>
        %add3A_304 = arith.constant 48 : i32
        %add3A_305 = arith.addi %mul3A_156, %add3A_304 : i32
        %swap3A_306 = arith.index_cast %add3A_305 : i32 to index
        %swap3A_307 = tpu.vector_load %arg9[%swap3A_306] {strides = array<i32>} : memref<32768xf32, #tpu.memory_space<vmem>>, vector<16xf32>,
        %swap3A_308 = vector.shape_cast %swap3A_307 : vector<16xf32> to vector<16xf32>
        %swap3A_309 = vector.shape_cast %mul3A_303 : vector<16xf32> to vector<16xf32>
        tpu.vector_store %arg9[%swap3A_306], %swap3A_309 {strides = array<i32>} : memref<32768xf32, #tpu.memory_space<vmem>>, vector<16xf32>,
      } else {
      }
      %slice3A_123 = vector.extract_strided_slice %select_n3A_42 {offsets = [12], sizes = [1], strides = [1]} : vector<16xi32> to vector<1xi32>
      %squeeze3A_124 = vector.extract %slice3A_123[0] : i32 from vector<1xi32>
      %ne3A_125 = arith.constant 0 : i32
      %ne3A_126 = arith.cmpi ne, %squeeze3A_124, %ne3A_125 : i32
      %convert_element_type3A_127 = arith.extui %ne3A_126 : i1 to i32
      %cond3A_128 = arith.constant 0 : i32
      %cond3A_129 = arith.cmpi ne, %convert_element_type3A_127, %cond3A_128 : i32
      scf.if %cond3A_129 {
        %mul3A_151 = arith.constant 16 : i32
        %mul3A_152 = arith.muli %scan3A_14, %mul3A_151 : i32
        %add3A_153 = arith.constant 12 : i32
        %add3A_154 = arith.addi %mul3A_152, %add3A_153 : i32
        %mul3A_155 = arith.constant 64 : i32
        %mul3A_156 = arith.muli %add3A_154, %mul3A_155 : i32
        %add3A_157 = arith.constant 0 : i32
        %add3A_158 = arith.addi %mul3A_156, %add3A_157 : i32
        %get3A_159 = arith.index_cast %add3A_158 : i32 to index
        %get3A_160 = tpu.vector_load %arg10[%get3A_159] {strides = array<i32>} : memref<32768xf32, #tpu.memory_space<vmem>>, vector<16xf32>,
        %get3A_161 = vector.shape_cast %get3A_160 : vector<16xf32> to vector<16xf32>
        %add3A_162 = arith.constant 16 : i32
        %add3A_163 = arith.addi %mul3A_156, %add3A_162 : i32
        %get3A_164 = arith.index_cast %add3A_163 : i32 to index
        %get3A_165 = tpu.vector_load %arg10[%get3A_164] {strides = array<i32>} : memref<32768xf32, #tpu.memory_space<vmem>>, vector<16xf32>,
        %get3A_166 = vector.shape_cast %get3A_165 : vector<16xf32> to vector<16xf32>
        %add3A_167 = arith.constant 32 : i32
        %add3A_168 = arith.addi %mul3A_156, %add3A_167 : i32
        %get3A_169 = arith.index_cast %add3A_168 : i32 to index
        %get3A_170 = tpu.vector_load %arg10[%get3A_169] {strides = array<i32>} : memref<32768xf32, #tpu.memory_space<vmem>>, vector<16xf32>,
        %get3A_171 = vector.shape_cast %get3A_170 : vector<16xf32> to vector<16xf32>
        %add3A_172 = arith.constant 48 : i32
        %add3A_173 = arith.addi %mul3A_156, %add3A_172 : i32
        %get3A_174 = arith.index_cast %add3A_173 : i32 to index
        %get3A_175 = tpu.vector_load %arg10[%get3A_174] {strides = array<i32>} : memref<32768xf32, #tpu.memory_space<vmem>>, vector<16xf32>,
        %get3A_176 = vector.shape_cast %get3A_175 : vector<16xf32> to vector<16xf32>
        %mul3A_177 = arith.mulf %get3A_161, %get3A_161 : vector<16xf32>
        %mul3A_178 = arith.mulf %get3A_166, %get3A_166 : vector<16xf32>
        %add3A_179 = arith.addf %mul3A_177, %mul3A_178 : vector<16xf32>
        %mul3A_180 = arith.mulf %get3A_171, %get3A_171 : vector<16xf32>
        %add3A_181 = arith.addf %add3A_179, %mul3A_180 : vector<16xf32>
        %mul3A_182 = arith.mulf %get3A_176, %get3A_176 : vector<16xf32>
        %add3A_183 = arith.addf %add3A_181, %mul3A_182 : vector<16xf32>
        %slice3A_184 = vector.extract_strided_slice %add3A_183 {offsets = [0], sizes = [1], strides = [1]} : vector<16xf32> to vector<1xf32>
        %squeeze3A_185 = vector.extract %slice3A_184[0] : f32 from vector<1xf32>
        %slice3A_186 = vector.extract_strided_slice %add3A_183 {offsets = [1], sizes = [1], strides = [1]} : vector<16xf32> to vector<1xf32>
        %squeeze3A_187 = vector.extract %slice3A_186[0] : f32 from vector<1xf32>
        %add3A_188 = arith.addf %squeeze3A_185, %squeeze3A_187 : f32
        %slice3A_189 = vector.extract_strided_slice %add3A_183 {offsets = [2], sizes = [1], strides = [1]} : vector<16xf32> to vector<1xf32>
        %squeeze3A_190 = vector.extract %slice3A_189[0] : f32 from vector<1xf32>
        %add3A_191 = arith.addf %add3A_188, %squeeze3A_190 : f32
        %slice3A_192 = vector.extract_strided_slice %add3A_183 {offsets = [3], sizes = [1], strides = [1]} : vector<16xf32> to vector<1xf32>
        %squeeze3A_193 = vector.extract %slice3A_192[0] : f32 from vector<1xf32>
        %add3A_194 = arith.addf %add3A_191, %squeeze3A_193 : f32
        %slice3A_195 = vector.extract_strided_slice %add3A_183 {offsets = [4], sizes = [1], strides = [1]} : vector<16xf32> to vector<1xf32>
        %squeeze3A_196 = vector.extract %slice3A_195[0] : f32 from vector<1xf32>
        %add3A_197 = arith.addf %add3A_194, %squeeze3A_196 : f32
        %slice3A_198 = vector.extract_strided_slice %add3A_183 {offsets = [5], sizes = [1], strides = [1]} : vector<16xf32> to vector<1xf32>
        %squeeze3A_199 = vector.extract %slice3A_198[0] : f32 from vector<1xf32>
        %add3A_200 = arith.addf %add3A_197, %squeeze3A_199 : f32
        %slice3A_201 = vector.extract_strided_slice %add3A_183 {offsets = [6], sizes = [1], strides = [1]} : vector<16xf32> to vector<1xf32>
        %squeeze3A_202 = vector.extract %slice3A_201[0] : f32 from vector<1xf32>
        %add3A_203 = arith.addf %add3A_200, %squeeze3A_202 : f32
        %slice3A_204 = vector.extract_strided_slice %add3A_183 {offsets = [7], sizes = [1], strides = [1]} : vector<16xf32> to vector<1xf32>
        %squeeze3A_205 = vector.extract %slice3A_204[0] : f32 from vector<1xf32>
        %add3A_206 = arith.addf %add3A_203, %squeeze3A_205 : f32
        %slice3A_207 = vector.extract_strided_slice %add3A_183 {offsets = [8], sizes = [1], strides = [1]} : vector<16xf32> to vector<1xf32>
        %squeeze3A_208 = vector.extract %slice3A_207[0] : f32 from vector<1xf32>
        %add3A_209 = arith.addf %add3A_206, %squeeze3A_208 : f32
        %slice3A_210 = vector.extract_strided_slice %add3A_183 {offsets = [9], sizes = [1], strides = [1]} : vector<16xf32> to vector<1xf32>
        %squeeze3A_211 = vector.extract %slice3A_210[0] : f32 from vector<1xf32>
        %add3A_212 = arith.addf %add3A_209, %squeeze3A_211 : f32
        %slice3A_213 = vector.extract_strided_slice %add3A_183 {offsets = [10], sizes = [1], strides = [1]} : vector<16xf32> to vector<1xf32>
        %squeeze3A_214 = vector.extract %slice3A_213[0] : f32 from vector<1xf32>
        %add3A_215 = arith.addf %add3A_212, %squeeze3A_214 : f32
        %slice3A_216 = vector.extract_strided_slice %add3A_183 {offsets = [11], sizes = [1], strides = [1]} : vector<16xf32> to vector<1xf32>
        %squeeze3A_217 = vector.extract %slice3A_216[0] : f32 from vector<1xf32>
        %add3A_218 = arith.addf %add3A_215, %squeeze3A_217 : f32
        %slice3A_219 = vector.extract_strided_slice %add3A_183 {offsets = [12], sizes = [1], strides = [1]} : vector<16xf32> to vector<1xf32>
        %squeeze3A_220 = vector.extract %slice3A_219[0] : f32 from vector<1xf32>
        %add3A_221 = arith.addf %add3A_218, %squeeze3A_220 : f32
        %slice3A_222 = vector.extract_strided_slice %add3A_183 {offsets = [13], sizes = [1], strides = [1]} : vector<16xf32> to vector<1xf32>
        %squeeze3A_223 = vector.extract %slice3A_222[0] : f32 from vector<1xf32>
        %add3A_224 = arith.addf %add3A_221, %squeeze3A_223 : f32
        %slice3A_225 = vector.extract_strided_slice %add3A_183 {offsets = [14], sizes = [1], strides = [1]} : vector<16xf32> to vector<1xf32>
        %squeeze3A_226 = vector.extract %slice3A_225[0] : f32 from vector<1xf32>
        %add3A_227 = arith.addf %add3A_224, %squeeze3A_226 : f32
        %slice3A_228 = vector.extract_strided_slice %add3A_183 {offsets = [15], sizes = [1], strides = [1]} : vector<16xf32> to vector<1xf32>
        %squeeze3A_229 = vector.extract %slice3A_228[0] : f32 from vector<1xf32>
        %add3A_230 = arith.addf %add3A_227, %squeeze3A_229 : f32
        %broadcast_in_dim3A_231 = vector.broadcast %add3A_230 : f32 to vector<16xf32>
        %max3A = arith.constant 9.99999996E-13 : f32
        %max3A_232 = vector.broadcast %max3A : f32 to vector<16xf32>
        %max3A_233 = arith.maximumf %broadcast_in_dim3A_231, %max3A_232 : vector<16xf32>
        %bitcast_convert_type3A = tpu.bitcast %max3A_233 : vector<16xf32> -> vector<16xi32>
        %shift_right_arithmetic3A = arith.constant 1 : i32
        %shift_right_arithmetic3A_234 = vector.broadcast %shift_right_arithmetic3A : i32 to vector<16xi32>
        %shift_right_arithmetic3A_235 = arith.shrsi %bitcast_convert_type3A, %shift_right_arithmetic3A_234 : vector<16xi32>
        %sub3A_236 = arith.constant 1597463007 : i32
        %sub3A_237 = vector.broadcast %sub3A_236 : i32 to vector<16xi32>
        %sub3A_238 = arith.subi %sub3A_237, %shift_right_arithmetic3A_235 : vector<16xi32>
        %bitcast_convert_type3A_239 = tpu.bitcast %sub3A_238 : vector<16xi32> -> vector<16xf32>
        %mul3A_240 = arith.constant 5.000000e-01 : f32
        %mul3A_241 = vector.broadcast %mul3A_240 : f32 to vector<16xf32>
        %mul3A_242 = arith.mulf %mul3A_241, %max3A_233 : vector<16xf32>
        %mul3A_243 = arith.mulf %mul3A_242, %bitcast_convert_type3A_239 : vector<16xf32>
        %mul3A_244 = arith.mulf %mul3A_243, %bitcast_convert_type3A_239 : vector<16xf32>
        %sub3A_245 = arith.constant 1.500000e+00 : f32
        %sub3A_246 = vector.broadcast %sub3A_245 : f32 to vector<16xf32>
        %sub3A_247 = arith.subf %sub3A_246, %mul3A_244 : vector<16xf32>
        %mul3A_248 = arith.mulf %bitcast_convert_type3A_239, %sub3A_247 : vector<16xf32>
        %mul3A_249 = arith.constant 5.000000e-01 : f32
        %mul3A_250 = vector.broadcast %mul3A_249 : f32 to vector<16xf32>
        %mul3A_251 = arith.mulf %mul3A_250, %max3A_233 : vector<16xf32>
        %mul3A_252 = arith.mulf %mul3A_251, %mul3A_248 : vector<16xf32>
        %mul3A_253 = arith.mulf %mul3A_252, %mul3A_248 : vector<16xf32>
        %sub3A_254 = arith.constant 1.500000e+00 : f32
        %sub3A_255 = vector.broadcast %sub3A_254 : f32 to vector<16xf32>
        %sub3A_256 = arith.subf %sub3A_255, %mul3A_253 : vector<16xf32>
        %mul3A_257 = arith.mulf %mul3A_248, %sub3A_256 : vector<16xf32>
        %mul3A_258 = arith.constant 5.000000e-01 : f32
        %mul3A_259 = vector.broadcast %mul3A_258 : f32 to vector<16xf32>
        %mul3A_260 = arith.mulf %mul3A_259, %max3A_233 : vector<16xf32>
        %mul3A_261 = arith.mulf %mul3A_260, %mul3A_257 : vector<16xf32>
        %mul3A_262 = arith.mulf %mul3A_261, %mul3A_257 : vector<16xf32>
        %sub3A_263 = arith.constant 1.500000e+00 : f32
        %sub3A_264 = vector.broadcast %sub3A_263 : f32 to vector<16xf32>
        %sub3A_265 = arith.subf %sub3A_264, %mul3A_262 : vector<16xf32>
        %mul3A_266 = arith.mulf %mul3A_257, %sub3A_265 : vector<16xf32>
        %mul3A_267 = arith.constant 5.000000e-01 : f32
        %mul3A_268 = vector.broadcast %mul3A_267 : f32 to vector<16xf32>
        %mul3A_269 = arith.mulf %mul3A_268, %max3A_233 : vector<16xf32>
        %mul3A_270 = arith.mulf %mul3A_269, %mul3A_266 : vector<16xf32>
        %mul3A_271 = arith.mulf %mul3A_270, %mul3A_266 : vector<16xf32>
        %sub3A_272 = arith.constant 1.500000e+00 : f32
        %sub3A_273 = vector.broadcast %sub3A_272 : f32 to vector<16xf32>
        %sub3A_274 = arith.subf %sub3A_273, %mul3A_271 : vector<16xf32>
        %mul3A_275 = arith.mulf %mul3A_266, %sub3A_274 : vector<16xf32>
        %mul3A_276 = arith.mulf %max3A_233, %mul3A_275 : vector<16xf32>
        %max3A_277 = arith.constant 9.99999997E-7 : f32
        %max3A_278 = vector.broadcast %max3A_277 : f32 to vector<16xf32>
        %max3A_279 = arith.maximumf %mul3A_276, %max3A_278 : vector<16xf32>
        %div3A = arith.constant 1.000000e+00 : f32
        %div3A_280 = vector.broadcast %div3A : f32 to vector<16xf32>
        %div3A_281 = arith.divf %div3A_280, %max3A_279 : vector<16xf32>
        %mul3A_282 = arith.mulf %get3A_161, %div3A_281 : vector<16xf32>
        %add3A_283 = arith.constant 0 : i32
        %add3A_284 = arith.addi %mul3A_156, %add3A_283 : i32
        %swap3A_285 = arith.index_cast %add3A_284 : i32 to index
        %swap3A_286 = tpu.vector_load %arg9[%swap3A_285] {strides = array<i32>} : memref<32768xf32, #tpu.memory_space<vmem>>, vector<16xf32>,
        %swap3A_287 = vector.shape_cast %swap3A_286 : vector<16xf32> to vector<16xf32>
        %swap3A_288 = vector.shape_cast %mul3A_282 : vector<16xf32> to vector<16xf32>
        tpu.vector_store %arg9[%swap3A_285], %swap3A_288 {strides = array<i32>} : memref<32768xf32, #tpu.memory_space<vmem>>, vector<16xf32>,
        %mul3A_289 = arith.mulf %get3A_166, %div3A_281 : vector<16xf32>
        %add3A_290 = arith.constant 16 : i32
        %add3A_291 = arith.addi %mul3A_156, %add3A_290 : i32
        %swap3A_292 = arith.index_cast %add3A_291 : i32 to index
        %swap3A_293 = tpu.vector_load %arg9[%swap3A_292] {strides = array<i32>} : memref<32768xf32, #tpu.memory_space<vmem>>, vector<16xf32>,
        %swap3A_294 = vector.shape_cast %swap3A_293 : vector<16xf32> to vector<16xf32>
        %swap3A_295 = vector.shape_cast %mul3A_289 : vector<16xf32> to vector<16xf32>
        tpu.vector_store %arg9[%swap3A_292], %swap3A_295 {strides = array<i32>} : memref<32768xf32, #tpu.memory_space<vmem>>, vector<16xf32>,
        %mul3A_296 = arith.mulf %get3A_171, %div3A_281 : vector<16xf32>
        %add3A_297 = arith.constant 32 : i32
        %add3A_298 = arith.addi %mul3A_156, %add3A_297 : i32
        %swap3A_299 = arith.index_cast %add3A_298 : i32 to index
        %swap3A_300 = tpu.vector_load %arg9[%swap3A_299] {strides = array<i32>} : memref<32768xf32, #tpu.memory_space<vmem>>, vector<16xf32>,
        %swap3A_301 = vector.shape_cast %swap3A_300 : vector<16xf32> to vector<16xf32>
        %swap3A_302 = vector.shape_cast %mul3A_296 : vector<16xf32> to vector<16xf32>
        tpu.vector_store %arg9[%swap3A_299], %swap3A_302 {strides = array<i32>} : memref<32768xf32, #tpu.memory_space<vmem>>, vector<16xf32>,
        %mul3A_303 = arith.mulf %get3A_176, %div3A_281 : vector<16xf32>
        %add3A_304 = arith.constant 48 : i32
        %add3A_305 = arith.addi %mul3A_156, %add3A_304 : i32
        %swap3A_306 = arith.index_cast %add3A_305 : i32 to index
        %swap3A_307 = tpu.vector_load %arg9[%swap3A_306] {strides = array<i32>} : memref<32768xf32, #tpu.memory_space<vmem>>, vector<16xf32>,
        %swap3A_308 = vector.shape_cast %swap3A_307 : vector<16xf32> to vector<16xf32>
        %swap3A_309 = vector.shape_cast %mul3A_303 : vector<16xf32> to vector<16xf32>
        tpu.vector_store %arg9[%swap3A_306], %swap3A_309 {strides = array<i32>} : memref<32768xf32, #tpu.memory_space<vmem>>, vector<16xf32>,
      } else {
      }
      %slice3A_130 = vector.extract_strided_slice %select_n3A_42 {offsets = [13], sizes = [1], strides = [1]} : vector<16xi32> to vector<1xi32>
      %squeeze3A_131 = vector.extract %slice3A_130[0] : i32 from vector<1xi32>
      %ne3A_132 = arith.constant 0 : i32
      %ne3A_133 = arith.cmpi ne, %squeeze3A_131, %ne3A_132 : i32
      %convert_element_type3A_134 = arith.extui %ne3A_133 : i1 to i32
      %cond3A_135 = arith.constant 0 : i32
      %cond3A_136 = arith.cmpi ne, %convert_element_type3A_134, %cond3A_135 : i32
      scf.if %cond3A_136 {
        %mul3A_151 = arith.constant 16 : i32
        %mul3A_152 = arith.muli %scan3A_14, %mul3A_151 : i32
        %add3A_153 = arith.constant 13 : i32
        %add3A_154 = arith.addi %mul3A_152, %add3A_153 : i32
        %mul3A_155 = arith.constant 64 : i32
        %mul3A_156 = arith.muli %add3A_154, %mul3A_155 : i32
        %add3A_157 = arith.constant 0 : i32
        %add3A_158 = arith.addi %mul3A_156, %add3A_157 : i32
        %get3A_159 = arith.index_cast %add3A_158 : i32 to index
        %get3A_160 = tpu.vector_load %arg10[%get3A_159] {strides = array<i32>} : memref<32768xf32, #tpu.memory_space<vmem>>, vector<16xf32>,
        %get3A_161 = vector.shape_cast %get3A_160 : vector<16xf32> to vector<16xf32>
        %add3A_162 = arith.constant 16 : i32
        %add3A_163 = arith.addi %mul3A_156, %add3A_162 : i32
        %get3A_164 = arith.index_cast %add3A_163 : i32 to index
        %get3A_165 = tpu.vector_load %arg10[%get3A_164] {strides = array<i32>} : memref<32768xf32, #tpu.memory_space<vmem>>, vector<16xf32>,
        %get3A_166 = vector.shape_cast %get3A_165 : vector<16xf32> to vector<16xf32>
        %add3A_167 = arith.constant 32 : i32
        %add3A_168 = arith.addi %mul3A_156, %add3A_167 : i32
        %get3A_169 = arith.index_cast %add3A_168 : i32 to index
        %get3A_170 = tpu.vector_load %arg10[%get3A_169] {strides = array<i32>} : memref<32768xf32, #tpu.memory_space<vmem>>, vector<16xf32>,
        %get3A_171 = vector.shape_cast %get3A_170 : vector<16xf32> to vector<16xf32>
        %add3A_172 = arith.constant 48 : i32
        %add3A_173 = arith.addi %mul3A_156, %add3A_172 : i32
        %get3A_174 = arith.index_cast %add3A_173 : i32 to index
        %get3A_175 = tpu.vector_load %arg10[%get3A_174] {strides = array<i32>} : memref<32768xf32, #tpu.memory_space<vmem>>, vector<16xf32>,
        %get3A_176 = vector.shape_cast %get3A_175 : vector<16xf32> to vector<16xf32>
        %mul3A_177 = arith.mulf %get3A_161, %get3A_161 : vector<16xf32>
        %mul3A_178 = arith.mulf %get3A_166, %get3A_166 : vector<16xf32>
        %add3A_179 = arith.addf %mul3A_177, %mul3A_178 : vector<16xf32>
        %mul3A_180 = arith.mulf %get3A_171, %get3A_171 : vector<16xf32>
        %add3A_181 = arith.addf %add3A_179, %mul3A_180 : vector<16xf32>
        %mul3A_182 = arith.mulf %get3A_176, %get3A_176 : vector<16xf32>
        %add3A_183 = arith.addf %add3A_181, %mul3A_182 : vector<16xf32>
        %slice3A_184 = vector.extract_strided_slice %add3A_183 {offsets = [0], sizes = [1], strides = [1]} : vector<16xf32> to vector<1xf32>
        %squeeze3A_185 = vector.extract %slice3A_184[0] : f32 from vector<1xf32>
        %slice3A_186 = vector.extract_strided_slice %add3A_183 {offsets = [1], sizes = [1], strides = [1]} : vector<16xf32> to vector<1xf32>
        %squeeze3A_187 = vector.extract %slice3A_186[0] : f32 from vector<1xf32>
        %add3A_188 = arith.addf %squeeze3A_185, %squeeze3A_187 : f32
        %slice3A_189 = vector.extract_strided_slice %add3A_183 {offsets = [2], sizes = [1], strides = [1]} : vector<16xf32> to vector<1xf32>
        %squeeze3A_190 = vector.extract %slice3A_189[0] : f32 from vector<1xf32>
        %add3A_191 = arith.addf %add3A_188, %squeeze3A_190 : f32
        %slice3A_192 = vector.extract_strided_slice %add3A_183 {offsets = [3], sizes = [1], strides = [1]} : vector<16xf32> to vector<1xf32>
        %squeeze3A_193 = vector.extract %slice3A_192[0] : f32 from vector<1xf32>
        %add3A_194 = arith.addf %add3A_191, %squeeze3A_193 : f32
        %slice3A_195 = vector.extract_strided_slice %add3A_183 {offsets = [4], sizes = [1], strides = [1]} : vector<16xf32> to vector<1xf32>
        %squeeze3A_196 = vector.extract %slice3A_195[0] : f32 from vector<1xf32>
        %add3A_197 = arith.addf %add3A_194, %squeeze3A_196 : f32
        %slice3A_198 = vector.extract_strided_slice %add3A_183 {offsets = [5], sizes = [1], strides = [1]} : vector<16xf32> to vector<1xf32>
        %squeeze3A_199 = vector.extract %slice3A_198[0] : f32 from vector<1xf32>
        %add3A_200 = arith.addf %add3A_197, %squeeze3A_199 : f32
        %slice3A_201 = vector.extract_strided_slice %add3A_183 {offsets = [6], sizes = [1], strides = [1]} : vector<16xf32> to vector<1xf32>
        %squeeze3A_202 = vector.extract %slice3A_201[0] : f32 from vector<1xf32>
        %add3A_203 = arith.addf %add3A_200, %squeeze3A_202 : f32
        %slice3A_204 = vector.extract_strided_slice %add3A_183 {offsets = [7], sizes = [1], strides = [1]} : vector<16xf32> to vector<1xf32>
        %squeeze3A_205 = vector.extract %slice3A_204[0] : f32 from vector<1xf32>
        %add3A_206 = arith.addf %add3A_203, %squeeze3A_205 : f32
        %slice3A_207 = vector.extract_strided_slice %add3A_183 {offsets = [8], sizes = [1], strides = [1]} : vector<16xf32> to vector<1xf32>
        %squeeze3A_208 = vector.extract %slice3A_207[0] : f32 from vector<1xf32>
        %add3A_209 = arith.addf %add3A_206, %squeeze3A_208 : f32
        %slice3A_210 = vector.extract_strided_slice %add3A_183 {offsets = [9], sizes = [1], strides = [1]} : vector<16xf32> to vector<1xf32>
        %squeeze3A_211 = vector.extract %slice3A_210[0] : f32 from vector<1xf32>
        %add3A_212 = arith.addf %add3A_209, %squeeze3A_211 : f32
        %slice3A_213 = vector.extract_strided_slice %add3A_183 {offsets = [10], sizes = [1], strides = [1]} : vector<16xf32> to vector<1xf32>
        %squeeze3A_214 = vector.extract %slice3A_213[0] : f32 from vector<1xf32>
        %add3A_215 = arith.addf %add3A_212, %squeeze3A_214 : f32
        %slice3A_216 = vector.extract_strided_slice %add3A_183 {offsets = [11], sizes = [1], strides = [1]} : vector<16xf32> to vector<1xf32>
        %squeeze3A_217 = vector.extract %slice3A_216[0] : f32 from vector<1xf32>
        %add3A_218 = arith.addf %add3A_215, %squeeze3A_217 : f32
        %slice3A_219 = vector.extract_strided_slice %add3A_183 {offsets = [12], sizes = [1], strides = [1]} : vector<16xf32> to vector<1xf32>
        %squeeze3A_220 = vector.extract %slice3A_219[0] : f32 from vector<1xf32>
        %add3A_221 = arith.addf %add3A_218, %squeeze3A_220 : f32
        %slice3A_222 = vector.extract_strided_slice %add3A_183 {offsets = [13], sizes = [1], strides = [1]} : vector<16xf32> to vector<1xf32>
        %squeeze3A_223 = vector.extract %slice3A_222[0] : f32 from vector<1xf32>
        %add3A_224 = arith.addf %add3A_221, %squeeze3A_223 : f32
        %slice3A_225 = vector.extract_strided_slice %add3A_183 {offsets = [14], sizes = [1], strides = [1]} : vector<16xf32> to vector<1xf32>
        %squeeze3A_226 = vector.extract %slice3A_225[0] : f32 from vector<1xf32>
        %add3A_227 = arith.addf %add3A_224, %squeeze3A_226 : f32
        %slice3A_228 = vector.extract_strided_slice %add3A_183 {offsets = [15], sizes = [1], strides = [1]} : vector<16xf32> to vector<1xf32>
        %squeeze3A_229 = vector.extract %slice3A_228[0] : f32 from vector<1xf32>
        %add3A_230 = arith.addf %add3A_227, %squeeze3A_229 : f32
        %broadcast_in_dim3A_231 = vector.broadcast %add3A_230 : f32 to vector<16xf32>
        %max3A = arith.constant 9.99999996E-13 : f32
        %max3A_232 = vector.broadcast %max3A : f32 to vector<16xf32>
        %max3A_233 = arith.maximumf %broadcast_in_dim3A_231, %max3A_232 : vector<16xf32>
        %bitcast_convert_type3A = tpu.bitcast %max3A_233 : vector<16xf32> -> vector<16xi32>
        %shift_right_arithmetic3A = arith.constant 1 : i32
        %shift_right_arithmetic3A_234 = vector.broadcast %shift_right_arithmetic3A : i32 to vector<16xi32>
        %shift_right_arithmetic3A_235 = arith.shrsi %bitcast_convert_type3A, %shift_right_arithmetic3A_234 : vector<16xi32>
        %sub3A_236 = arith.constant 1597463007 : i32
        %sub3A_237 = vector.broadcast %sub3A_236 : i32 to vector<16xi32>
        %sub3A_238 = arith.subi %sub3A_237, %shift_right_arithmetic3A_235 : vector<16xi32>
        %bitcast_convert_type3A_239 = tpu.bitcast %sub3A_238 : vector<16xi32> -> vector<16xf32>
        %mul3A_240 = arith.constant 5.000000e-01 : f32
        %mul3A_241 = vector.broadcast %mul3A_240 : f32 to vector<16xf32>
        %mul3A_242 = arith.mulf %mul3A_241, %max3A_233 : vector<16xf32>
        %mul3A_243 = arith.mulf %mul3A_242, %bitcast_convert_type3A_239 : vector<16xf32>
        %mul3A_244 = arith.mulf %mul3A_243, %bitcast_convert_type3A_239 : vector<16xf32>
        %sub3A_245 = arith.constant 1.500000e+00 : f32
        %sub3A_246 = vector.broadcast %sub3A_245 : f32 to vector<16xf32>
        %sub3A_247 = arith.subf %sub3A_246, %mul3A_244 : vector<16xf32>
        %mul3A_248 = arith.mulf %bitcast_convert_type3A_239, %sub3A_247 : vector<16xf32>
        %mul3A_249 = arith.constant 5.000000e-01 : f32
        %mul3A_250 = vector.broadcast %mul3A_249 : f32 to vector<16xf32>
        %mul3A_251 = arith.mulf %mul3A_250, %max3A_233 : vector<16xf32>
        %mul3A_252 = arith.mulf %mul3A_251, %mul3A_248 : vector<16xf32>
        %mul3A_253 = arith.mulf %mul3A_252, %mul3A_248 : vector<16xf32>
        %sub3A_254 = arith.constant 1.500000e+00 : f32
        %sub3A_255 = vector.broadcast %sub3A_254 : f32 to vector<16xf32>
        %sub3A_256 = arith.subf %sub3A_255, %mul3A_253 : vector<16xf32>
        %mul3A_257 = arith.mulf %mul3A_248, %sub3A_256 : vector<16xf32>
        %mul3A_258 = arith.constant 5.000000e-01 : f32
        %mul3A_259 = vector.broadcast %mul3A_258 : f32 to vector<16xf32>
        %mul3A_260 = arith.mulf %mul3A_259, %max3A_233 : vector<16xf32>
        %mul3A_261 = arith.mulf %mul3A_260, %mul3A_257 : vector<16xf32>
        %mul3A_262 = arith.mulf %mul3A_261, %mul3A_257 : vector<16xf32>
        %sub3A_263 = arith.constant 1.500000e+00 : f32
        %sub3A_264 = vector.broadcast %sub3A_263 : f32 to vector<16xf32>
        %sub3A_265 = arith.subf %sub3A_264, %mul3A_262 : vector<16xf32>
        %mul3A_266 = arith.mulf %mul3A_257, %sub3A_265 : vector<16xf32>
        %mul3A_267 = arith.constant 5.000000e-01 : f32
        %mul3A_268 = vector.broadcast %mul3A_267 : f32 to vector<16xf32>
        %mul3A_269 = arith.mulf %mul3A_268, %max3A_233 : vector<16xf32>
        %mul3A_270 = arith.mulf %mul3A_269, %mul3A_266 : vector<16xf32>
        %mul3A_271 = arith.mulf %mul3A_270, %mul3A_266 : vector<16xf32>
        %sub3A_272 = arith.constant 1.500000e+00 : f32
        %sub3A_273 = vector.broadcast %sub3A_272 : f32 to vector<16xf32>
        %sub3A_274 = arith.subf %sub3A_273, %mul3A_271 : vector<16xf32>
        %mul3A_275 = arith.mulf %mul3A_266, %sub3A_274 : vector<16xf32>
        %mul3A_276 = arith.mulf %max3A_233, %mul3A_275 : vector<16xf32>
        %max3A_277 = arith.constant 9.99999997E-7 : f32
        %max3A_278 = vector.broadcast %max3A_277 : f32 to vector<16xf32>
        %max3A_279 = arith.maximumf %mul3A_276, %max3A_278 : vector<16xf32>
        %div3A = arith.constant 1.000000e+00 : f32
        %div3A_280 = vector.broadcast %div3A : f32 to vector<16xf32>
        %div3A_281 = arith.divf %div3A_280, %max3A_279 : vector<16xf32>
        %mul3A_282 = arith.mulf %get3A_161, %div3A_281 : vector<16xf32>
        %add3A_283 = arith.constant 0 : i32
        %add3A_284 = arith.addi %mul3A_156, %add3A_283 : i32
        %swap3A_285 = arith.index_cast %add3A_284 : i32 to index
        %swap3A_286 = tpu.vector_load %arg9[%swap3A_285] {strides = array<i32>} : memref<32768xf32, #tpu.memory_space<vmem>>, vector<16xf32>,
        %swap3A_287 = vector.shape_cast %swap3A_286 : vector<16xf32> to vector<16xf32>
        %swap3A_288 = vector.shape_cast %mul3A_282 : vector<16xf32> to vector<16xf32>
        tpu.vector_store %arg9[%swap3A_285], %swap3A_288 {strides = array<i32>} : memref<32768xf32, #tpu.memory_space<vmem>>, vector<16xf32>,
        %mul3A_289 = arith.mulf %get3A_166, %div3A_281 : vector<16xf32>
        %add3A_290 = arith.constant 16 : i32
        %add3A_291 = arith.addi %mul3A_156, %add3A_290 : i32
        %swap3A_292 = arith.index_cast %add3A_291 : i32 to index
        %swap3A_293 = tpu.vector_load %arg9[%swap3A_292] {strides = array<i32>} : memref<32768xf32, #tpu.memory_space<vmem>>, vector<16xf32>,
        %swap3A_294 = vector.shape_cast %swap3A_293 : vector<16xf32> to vector<16xf32>
        %swap3A_295 = vector.shape_cast %mul3A_289 : vector<16xf32> to vector<16xf32>
        tpu.vector_store %arg9[%swap3A_292], %swap3A_295 {strides = array<i32>} : memref<32768xf32, #tpu.memory_space<vmem>>, vector<16xf32>,
        %mul3A_296 = arith.mulf %get3A_171, %div3A_281 : vector<16xf32>
        %add3A_297 = arith.constant 32 : i32
        %add3A_298 = arith.addi %mul3A_156, %add3A_297 : i32
        %swap3A_299 = arith.index_cast %add3A_298 : i32 to index
        %swap3A_300 = tpu.vector_load %arg9[%swap3A_299] {strides = array<i32>} : memref<32768xf32, #tpu.memory_space<vmem>>, vector<16xf32>,
        %swap3A_301 = vector.shape_cast %swap3A_300 : vector<16xf32> to vector<16xf32>
        %swap3A_302 = vector.shape_cast %mul3A_296 : vector<16xf32> to vector<16xf32>
        tpu.vector_store %arg9[%swap3A_299], %swap3A_302 {strides = array<i32>} : memref<32768xf32, #tpu.memory_space<vmem>>, vector<16xf32>,
        %mul3A_303 = arith.mulf %get3A_176, %div3A_281 : vector<16xf32>
        %add3A_304 = arith.constant 48 : i32
        %add3A_305 = arith.addi %mul3A_156, %add3A_304 : i32
        %swap3A_306 = arith.index_cast %add3A_305 : i32 to index
        %swap3A_307 = tpu.vector_load %arg9[%swap3A_306] {strides = array<i32>} : memref<32768xf32, #tpu.memory_space<vmem>>, vector<16xf32>,
        %swap3A_308 = vector.shape_cast %swap3A_307 : vector<16xf32> to vector<16xf32>
        %swap3A_309 = vector.shape_cast %mul3A_303 : vector<16xf32> to vector<16xf32>
        tpu.vector_store %arg9[%swap3A_306], %swap3A_309 {strides = array<i32>} : memref<32768xf32, #tpu.memory_space<vmem>>, vector<16xf32>,
      } else {
      }
      %slice3A_137 = vector.extract_strided_slice %select_n3A_42 {offsets = [14], sizes = [1], strides = [1]} : vector<16xi32> to vector<1xi32>
      %squeeze3A_138 = vector.extract %slice3A_137[0] : i32 from vector<1xi32>
      %ne3A_139 = arith.constant 0 : i32
      %ne3A_140 = arith.cmpi ne, %squeeze3A_138, %ne3A_139 : i32
      %convert_element_type3A_141 = arith.extui %ne3A_140 : i1 to i32
      %cond3A_142 = arith.constant 0 : i32
      %cond3A_143 = arith.cmpi ne, %convert_element_type3A_141, %cond3A_142 : i32
      scf.if %cond3A_143 {
        %mul3A_151 = arith.constant 16 : i32
        %mul3A_152 = arith.muli %scan3A_14, %mul3A_151 : i32
        %add3A_153 = arith.constant 14 : i32
        %add3A_154 = arith.addi %mul3A_152, %add3A_153 : i32
        %mul3A_155 = arith.constant 64 : i32
        %mul3A_156 = arith.muli %add3A_154, %mul3A_155 : i32
        %add3A_157 = arith.constant 0 : i32
        %add3A_158 = arith.addi %mul3A_156, %add3A_157 : i32
        %get3A_159 = arith.index_cast %add3A_158 : i32 to index
        %get3A_160 = tpu.vector_load %arg10[%get3A_159] {strides = array<i32>} : memref<32768xf32, #tpu.memory_space<vmem>>, vector<16xf32>,
        %get3A_161 = vector.shape_cast %get3A_160 : vector<16xf32> to vector<16xf32>
        %add3A_162 = arith.constant 16 : i32
        %add3A_163 = arith.addi %mul3A_156, %add3A_162 : i32
        %get3A_164 = arith.index_cast %add3A_163 : i32 to index
        %get3A_165 = tpu.vector_load %arg10[%get3A_164] {strides = array<i32>} : memref<32768xf32, #tpu.memory_space<vmem>>, vector<16xf32>,
        %get3A_166 = vector.shape_cast %get3A_165 : vector<16xf32> to vector<16xf32>
        %add3A_167 = arith.constant 32 : i32
        %add3A_168 = arith.addi %mul3A_156, %add3A_167 : i32
        %get3A_169 = arith.index_cast %add3A_168 : i32 to index
        %get3A_170 = tpu.vector_load %arg10[%get3A_169] {strides = array<i32>} : memref<32768xf32, #tpu.memory_space<vmem>>, vector<16xf32>,
        %get3A_171 = vector.shape_cast %get3A_170 : vector<16xf32> to vector<16xf32>
        %add3A_172 = arith.constant 48 : i32
        %add3A_173 = arith.addi %mul3A_156, %add3A_172 : i32
        %get3A_174 = arith.index_cast %add3A_173 : i32 to index
        %get3A_175 = tpu.vector_load %arg10[%get3A_174] {strides = array<i32>} : memref<32768xf32, #tpu.memory_space<vmem>>, vector<16xf32>,
        %get3A_176 = vector.shape_cast %get3A_175 : vector<16xf32> to vector<16xf32>
        %mul3A_177 = arith.mulf %get3A_161, %get3A_161 : vector<16xf32>
        %mul3A_178 = arith.mulf %get3A_166, %get3A_166 : vector<16xf32>
        %add3A_179 = arith.addf %mul3A_177, %mul3A_178 : vector<16xf32>
        %mul3A_180 = arith.mulf %get3A_171, %get3A_171 : vector<16xf32>
        %add3A_181 = arith.addf %add3A_179, %mul3A_180 : vector<16xf32>
        %mul3A_182 = arith.mulf %get3A_176, %get3A_176 : vector<16xf32>
        %add3A_183 = arith.addf %add3A_181, %mul3A_182 : vector<16xf32>
        %slice3A_184 = vector.extract_strided_slice %add3A_183 {offsets = [0], sizes = [1], strides = [1]} : vector<16xf32> to vector<1xf32>
        %squeeze3A_185 = vector.extract %slice3A_184[0] : f32 from vector<1xf32>
        %slice3A_186 = vector.extract_strided_slice %add3A_183 {offsets = [1], sizes = [1], strides = [1]} : vector<16xf32> to vector<1xf32>
        %squeeze3A_187 = vector.extract %slice3A_186[0] : f32 from vector<1xf32>
        %add3A_188 = arith.addf %squeeze3A_185, %squeeze3A_187 : f32
        %slice3A_189 = vector.extract_strided_slice %add3A_183 {offsets = [2], sizes = [1], strides = [1]} : vector<16xf32> to vector<1xf32>
        %squeeze3A_190 = vector.extract %slice3A_189[0] : f32 from vector<1xf32>
        %add3A_191 = arith.addf %add3A_188, %squeeze3A_190 : f32
        %slice3A_192 = vector.extract_strided_slice %add3A_183 {offsets = [3], sizes = [1], strides = [1]} : vector<16xf32> to vector<1xf32>
        %squeeze3A_193 = vector.extract %slice3A_192[0] : f32 from vector<1xf32>
        %add3A_194 = arith.addf %add3A_191, %squeeze3A_193 : f32
        %slice3A_195 = vector.extract_strided_slice %add3A_183 {offsets = [4], sizes = [1], strides = [1]} : vector<16xf32> to vector<1xf32>
        %squeeze3A_196 = vector.extract %slice3A_195[0] : f32 from vector<1xf32>
        %add3A_197 = arith.addf %add3A_194, %squeeze3A_196 : f32
        %slice3A_198 = vector.extract_strided_slice %add3A_183 {offsets = [5], sizes = [1], strides = [1]} : vector<16xf32> to vector<1xf32>
        %squeeze3A_199 = vector.extract %slice3A_198[0] : f32 from vector<1xf32>
        %add3A_200 = arith.addf %add3A_197, %squeeze3A_199 : f32
        %slice3A_201 = vector.extract_strided_slice %add3A_183 {offsets = [6], sizes = [1], strides = [1]} : vector<16xf32> to vector<1xf32>
        %squeeze3A_202 = vector.extract %slice3A_201[0] : f32 from vector<1xf32>
        %add3A_203 = arith.addf %add3A_200, %squeeze3A_202 : f32
        %slice3A_204 = vector.extract_strided_slice %add3A_183 {offsets = [7], sizes = [1], strides = [1]} : vector<16xf32> to vector<1xf32>
        %squeeze3A_205 = vector.extract %slice3A_204[0] : f32 from vector<1xf32>
        %add3A_206 = arith.addf %add3A_203, %squeeze3A_205 : f32
        %slice3A_207 = vector.extract_strided_slice %add3A_183 {offsets = [8], sizes = [1], strides = [1]} : vector<16xf32> to vector<1xf32>
        %squeeze3A_208 = vector.extract %slice3A_207[0] : f32 from vector<1xf32>
        %add3A_209 = arith.addf %add3A_206, %squeeze3A_208 : f32
        %slice3A_210 = vector.extract_strided_slice %add3A_183 {offsets = [9], sizes = [1], strides = [1]} : vector<16xf32> to vector<1xf32>
        %squeeze3A_211 = vector.extract %slice3A_210[0] : f32 from vector<1xf32>
        %add3A_212 = arith.addf %add3A_209, %squeeze3A_211 : f32
        %slice3A_213 = vector.extract_strided_slice %add3A_183 {offsets = [10], sizes = [1], strides = [1]} : vector<16xf32> to vector<1xf32>
        %squeeze3A_214 = vector.extract %slice3A_213[0] : f32 from vector<1xf32>
        %add3A_215 = arith.addf %add3A_212, %squeeze3A_214 : f32
        %slice3A_216 = vector.extract_strided_slice %add3A_183 {offsets = [11], sizes = [1], strides = [1]} : vector<16xf32> to vector<1xf32>
        %squeeze3A_217 = vector.extract %slice3A_216[0] : f32 from vector<1xf32>
        %add3A_218 = arith.addf %add3A_215, %squeeze3A_217 : f32
        %slice3A_219 = vector.extract_strided_slice %add3A_183 {offsets = [12], sizes = [1], strides = [1]} : vector<16xf32> to vector<1xf32>
        %squeeze3A_220 = vector.extract %slice3A_219[0] : f32 from vector<1xf32>
        %add3A_221 = arith.addf %add3A_218, %squeeze3A_220 : f32
        %slice3A_222 = vector.extract_strided_slice %add3A_183 {offsets = [13], sizes = [1], strides = [1]} : vector<16xf32> to vector<1xf32>
        %squeeze3A_223 = vector.extract %slice3A_222[0] : f32 from vector<1xf32>
        %add3A_224 = arith.addf %add3A_221, %squeeze3A_223 : f32
        %slice3A_225 = vector.extract_strided_slice %add3A_183 {offsets = [14], sizes = [1], strides = [1]} : vector<16xf32> to vector<1xf32>
        %squeeze3A_226 = vector.extract %slice3A_225[0] : f32 from vector<1xf32>
        %add3A_227 = arith.addf %add3A_224, %squeeze3A_226 : f32
        %slice3A_228 = vector.extract_strided_slice %add3A_183 {offsets = [15], sizes = [1], strides = [1]} : vector<16xf32> to vector<1xf32>
        %squeeze3A_229 = vector.extract %slice3A_228[0] : f32 from vector<1xf32>
        %add3A_230 = arith.addf %add3A_227, %squeeze3A_229 : f32
        %broadcast_in_dim3A_231 = vector.broadcast %add3A_230 : f32 to vector<16xf32>
        %max3A = arith.constant 9.99999996E-13 : f32
        %max3A_232 = vector.broadcast %max3A : f32 to vector<16xf32>
        %max3A_233 = arith.maximumf %broadcast_in_dim3A_231, %max3A_232 : vector<16xf32>
        %bitcast_convert_type3A = tpu.bitcast %max3A_233 : vector<16xf32> -> vector<16xi32>
        %shift_right_arithmetic3A = arith.constant 1 : i32
        %shift_right_arithmetic3A_234 = vector.broadcast %shift_right_arithmetic3A : i32 to vector<16xi32>
        %shift_right_arithmetic3A_235 = arith.shrsi %bitcast_convert_type3A, %shift_right_arithmetic3A_234 : vector<16xi32>
        %sub3A_236 = arith.constant 1597463007 : i32
        %sub3A_237 = vector.broadcast %sub3A_236 : i32 to vector<16xi32>
        %sub3A_238 = arith.subi %sub3A_237, %shift_right_arithmetic3A_235 : vector<16xi32>
        %bitcast_convert_type3A_239 = tpu.bitcast %sub3A_238 : vector<16xi32> -> vector<16xf32>
        %mul3A_240 = arith.constant 5.000000e-01 : f32
        %mul3A_241 = vector.broadcast %mul3A_240 : f32 to vector<16xf32>
        %mul3A_242 = arith.mulf %mul3A_241, %max3A_233 : vector<16xf32>
        %mul3A_243 = arith.mulf %mul3A_242, %bitcast_convert_type3A_239 : vector<16xf32>
        %mul3A_244 = arith.mulf %mul3A_243, %bitcast_convert_type3A_239 : vector<16xf32>
        %sub3A_245 = arith.constant 1.500000e+00 : f32
        %sub3A_246 = vector.broadcast %sub3A_245 : f32 to vector<16xf32>
        %sub3A_247 = arith.subf %sub3A_246, %mul3A_244 : vector<16xf32>
        %mul3A_248 = arith.mulf %bitcast_convert_type3A_239, %sub3A_247 : vector<16xf32>
        %mul3A_249 = arith.constant 5.000000e-01 : f32
        %mul3A_250 = vector.broadcast %mul3A_249 : f32 to vector<16xf32>
        %mul3A_251 = arith.mulf %mul3A_250, %max3A_233 : vector<16xf32>
        %mul3A_252 = arith.mulf %mul3A_251, %mul3A_248 : vector<16xf32>
        %mul3A_253 = arith.mulf %mul3A_252, %mul3A_248 : vector<16xf32>
        %sub3A_254 = arith.constant 1.500000e+00 : f32
        %sub3A_255 = vector.broadcast %sub3A_254 : f32 to vector<16xf32>
        %sub3A_256 = arith.subf %sub3A_255, %mul3A_253 : vector<16xf32>
        %mul3A_257 = arith.mulf %mul3A_248, %sub3A_256 : vector<16xf32>
        %mul3A_258 = arith.constant 5.000000e-01 : f32
        %mul3A_259 = vector.broadcast %mul3A_258 : f32 to vector<16xf32>
        %mul3A_260 = arith.mulf %mul3A_259, %max3A_233 : vector<16xf32>
        %mul3A_261 = arith.mulf %mul3A_260, %mul3A_257 : vector<16xf32>
        %mul3A_262 = arith.mulf %mul3A_261, %mul3A_257 : vector<16xf32>
        %sub3A_263 = arith.constant 1.500000e+00 : f32
        %sub3A_264 = vector.broadcast %sub3A_263 : f32 to vector<16xf32>
        %sub3A_265 = arith.subf %sub3A_264, %mul3A_262 : vector<16xf32>
        %mul3A_266 = arith.mulf %mul3A_257, %sub3A_265 : vector<16xf32>
        %mul3A_267 = arith.constant 5.000000e-01 : f32
        %mul3A_268 = vector.broadcast %mul3A_267 : f32 to vector<16xf32>
        %mul3A_269 = arith.mulf %mul3A_268, %max3A_233 : vector<16xf32>
        %mul3A_270 = arith.mulf %mul3A_269, %mul3A_266 : vector<16xf32>
        %mul3A_271 = arith.mulf %mul3A_270, %mul3A_266 : vector<16xf32>
        %sub3A_272 = arith.constant 1.500000e+00 : f32
        %sub3A_273 = vector.broadcast %sub3A_272 : f32 to vector<16xf32>
        %sub3A_274 = arith.subf %sub3A_273, %mul3A_271 : vector<16xf32>
        %mul3A_275 = arith.mulf %mul3A_266, %sub3A_274 : vector<16xf32>
        %mul3A_276 = arith.mulf %max3A_233, %mul3A_275 : vector<16xf32>
        %max3A_277 = arith.constant 9.99999997E-7 : f32
        %max3A_278 = vector.broadcast %max3A_277 : f32 to vector<16xf32>
        %max3A_279 = arith.maximumf %mul3A_276, %max3A_278 : vector<16xf32>
        %div3A = arith.constant 1.000000e+00 : f32
        %div3A_280 = vector.broadcast %div3A : f32 to vector<16xf32>
        %div3A_281 = arith.divf %div3A_280, %max3A_279 : vector<16xf32>
        %mul3A_282 = arith.mulf %get3A_161, %div3A_281 : vector<16xf32>
        %add3A_283 = arith.constant 0 : i32
        %add3A_284 = arith.addi %mul3A_156, %add3A_283 : i32
        %swap3A_285 = arith.index_cast %add3A_284 : i32 to index
        %swap3A_286 = tpu.vector_load %arg9[%swap3A_285] {strides = array<i32>} : memref<32768xf32, #tpu.memory_space<vmem>>, vector<16xf32>,
        %swap3A_287 = vector.shape_cast %swap3A_286 : vector<16xf32> to vector<16xf32>
        %swap3A_288 = vector.shape_cast %mul3A_282 : vector<16xf32> to vector<16xf32>
        tpu.vector_store %arg9[%swap3A_285], %swap3A_288 {strides = array<i32>} : memref<32768xf32, #tpu.memory_space<vmem>>, vector<16xf32>,
        %mul3A_289 = arith.mulf %get3A_166, %div3A_281 : vector<16xf32>
        %add3A_290 = arith.constant 16 : i32
        %add3A_291 = arith.addi %mul3A_156, %add3A_290 : i32
        %swap3A_292 = arith.index_cast %add3A_291 : i32 to index
        %swap3A_293 = tpu.vector_load %arg9[%swap3A_292] {strides = array<i32>} : memref<32768xf32, #tpu.memory_space<vmem>>, vector<16xf32>,
        %swap3A_294 = vector.shape_cast %swap3A_293 : vector<16xf32> to vector<16xf32>
        %swap3A_295 = vector.shape_cast %mul3A_289 : vector<16xf32> to vector<16xf32>
        tpu.vector_store %arg9[%swap3A_292], %swap3A_295 {strides = array<i32>} : memref<32768xf32, #tpu.memory_space<vmem>>, vector<16xf32>,
        %mul3A_296 = arith.mulf %get3A_171, %div3A_281 : vector<16xf32>
        %add3A_297 = arith.constant 32 : i32
        %add3A_298 = arith.addi %mul3A_156, %add3A_297 : i32
        %swap3A_299 = arith.index_cast %add3A_298 : i32 to index
        %swap3A_300 = tpu.vector_load %arg9[%swap3A_299] {strides = array<i32>} : memref<32768xf32, #tpu.memory_space<vmem>>, vector<16xf32>,
        %swap3A_301 = vector.shape_cast %swap3A_300 : vector<16xf32> to vector<16xf32>
        %swap3A_302 = vector.shape_cast %mul3A_296 : vector<16xf32> to vector<16xf32>
        tpu.vector_store %arg9[%swap3A_299], %swap3A_302 {strides = array<i32>} : memref<32768xf32, #tpu.memory_space<vmem>>, vector<16xf32>,
        %mul3A_303 = arith.mulf %get3A_176, %div3A_281 : vector<16xf32>
        %add3A_304 = arith.constant 48 : i32
        %add3A_305 = arith.addi %mul3A_156, %add3A_304 : i32
        %swap3A_306 = arith.index_cast %add3A_305 : i32 to index
        %swap3A_307 = tpu.vector_load %arg9[%swap3A_306] {strides = array<i32>} : memref<32768xf32, #tpu.memory_space<vmem>>, vector<16xf32>,
        %swap3A_308 = vector.shape_cast %swap3A_307 : vector<16xf32> to vector<16xf32>
        %swap3A_309 = vector.shape_cast %mul3A_303 : vector<16xf32> to vector<16xf32>
        tpu.vector_store %arg9[%swap3A_306], %swap3A_309 {strides = array<i32>} : memref<32768xf32, #tpu.memory_space<vmem>>, vector<16xf32>,
      } else {
      }
      %slice3A_144 = vector.extract_strided_slice %select_n3A_42 {offsets = [15], sizes = [1], strides = [1]} : vector<16xi32> to vector<1xi32>
      %squeeze3A_145 = vector.extract %slice3A_144[0] : i32 from vector<1xi32>
      %ne3A_146 = arith.constant 0 : i32
      %ne3A_147 = arith.cmpi ne, %squeeze3A_145, %ne3A_146 : i32
      %convert_element_type3A_148 = arith.extui %ne3A_147 : i1 to i32
      %cond3A_149 = arith.constant 0 : i32
      %cond3A_150 = arith.cmpi ne, %convert_element_type3A_148, %cond3A_149 : i32
      scf.if %cond3A_150 {
        %mul3A_151 = arith.constant 16 : i32
        %mul3A_152 = arith.muli %scan3A_14, %mul3A_151 : i32
        %add3A_153 = arith.constant 15 : i32
        %add3A_154 = arith.addi %mul3A_152, %add3A_153 : i32
        %mul3A_155 = arith.constant 64 : i32
        %mul3A_156 = arith.muli %add3A_154, %mul3A_155 : i32
        %add3A_157 = arith.constant 0 : i32
        %add3A_158 = arith.addi %mul3A_156, %add3A_157 : i32
        %get3A_159 = arith.index_cast %add3A_158 : i32 to index
        %get3A_160 = tpu.vector_load %arg10[%get3A_159] {strides = array<i32>} : memref<32768xf32, #tpu.memory_space<vmem>>, vector<16xf32>,
        %get3A_161 = vector.shape_cast %get3A_160 : vector<16xf32> to vector<16xf32>
        %add3A_162 = arith.constant 16 : i32
        %add3A_163 = arith.addi %mul3A_156, %add3A_162 : i32
        %get3A_164 = arith.index_cast %add3A_163 : i32 to index
        %get3A_165 = tpu.vector_load %arg10[%get3A_164] {strides = array<i32>} : memref<32768xf32, #tpu.memory_space<vmem>>, vector<16xf32>,
        %get3A_166 = vector.shape_cast %get3A_165 : vector<16xf32> to vector<16xf32>
        %add3A_167 = arith.constant 32 : i32
        %add3A_168 = arith.addi %mul3A_156, %add3A_167 : i32
        %get3A_169 = arith.index_cast %add3A_168 : i32 to index
        %get3A_170 = tpu.vector_load %arg10[%get3A_169] {strides = array<i32>} : memref<32768xf32, #tpu.memory_space<vmem>>, vector<16xf32>,
        %get3A_171 = vector.shape_cast %get3A_170 : vector<16xf32> to vector<16xf32>
        %add3A_172 = arith.constant 48 : i32
        %add3A_173 = arith.addi %mul3A_156, %add3A_172 : i32
        %get3A_174 = arith.index_cast %add3A_173 : i32 to index
        %get3A_175 = tpu.vector_load %arg10[%get3A_174] {strides = array<i32>} : memref<32768xf32, #tpu.memory_space<vmem>>, vector<16xf32>,
        %get3A_176 = vector.shape_cast %get3A_175 : vector<16xf32> to vector<16xf32>
        %mul3A_177 = arith.mulf %get3A_161, %get3A_161 : vector<16xf32>
        %mul3A_178 = arith.mulf %get3A_166, %get3A_166 : vector<16xf32>
        %add3A_179 = arith.addf %mul3A_177, %mul3A_178 : vector<16xf32>
        %mul3A_180 = arith.mulf %get3A_171, %get3A_171 : vector<16xf32>
        %add3A_181 = arith.addf %add3A_179, %mul3A_180 : vector<16xf32>
        %mul3A_182 = arith.mulf %get3A_176, %get3A_176 : vector<16xf32>
        %add3A_183 = arith.addf %add3A_181, %mul3A_182 : vector<16xf32>
        %slice3A_184 = vector.extract_strided_slice %add3A_183 {offsets = [0], sizes = [1], strides = [1]} : vector<16xf32> to vector<1xf32>
        %squeeze3A_185 = vector.extract %slice3A_184[0] : f32 from vector<1xf32>
        %slice3A_186 = vector.extract_strided_slice %add3A_183 {offsets = [1], sizes = [1], strides = [1]} : vector<16xf32> to vector<1xf32>
        %squeeze3A_187 = vector.extract %slice3A_186[0] : f32 from vector<1xf32>
        %add3A_188 = arith.addf %squeeze3A_185, %squeeze3A_187 : f32
        %slice3A_189 = vector.extract_strided_slice %add3A_183 {offsets = [2], sizes = [1], strides = [1]} : vector<16xf32> to vector<1xf32>
        %squeeze3A_190 = vector.extract %slice3A_189[0] : f32 from vector<1xf32>
        %add3A_191 = arith.addf %add3A_188, %squeeze3A_190 : f32
        %slice3A_192 = vector.extract_strided_slice %add3A_183 {offsets = [3], sizes = [1], strides = [1]} : vector<16xf32> to vector<1xf32>
        %squeeze3A_193 = vector.extract %slice3A_192[0] : f32 from vector<1xf32>
        %add3A_194 = arith.addf %add3A_191, %squeeze3A_193 : f32
        %slice3A_195 = vector.extract_strided_slice %add3A_183 {offsets = [4], sizes = [1], strides = [1]} : vector<16xf32> to vector<1xf32>
        %squeeze3A_196 = vector.extract %slice3A_195[0] : f32 from vector<1xf32>
        %add3A_197 = arith.addf %add3A_194, %squeeze3A_196 : f32
        %slice3A_198 = vector.extract_strided_slice %add3A_183 {offsets = [5], sizes = [1], strides = [1]} : vector<16xf32> to vector<1xf32>
        %squeeze3A_199 = vector.extract %slice3A_198[0] : f32 from vector<1xf32>
        %add3A_200 = arith.addf %add3A_197, %squeeze3A_199 : f32
        %slice3A_201 = vector.extract_strided_slice %add3A_183 {offsets = [6], sizes = [1], strides = [1]} : vector<16xf32> to vector<1xf32>
        %squeeze3A_202 = vector.extract %slice3A_201[0] : f32 from vector<1xf32>
        %add3A_203 = arith.addf %add3A_200, %squeeze3A_202 : f32
        %slice3A_204 = vector.extract_strided_slice %add3A_183 {offsets = [7], sizes = [1], strides = [1]} : vector<16xf32> to vector<1xf32>
        %squeeze3A_205 = vector.extract %slice3A_204[0] : f32 from vector<1xf32>
        %add3A_206 = arith.addf %add3A_203, %squeeze3A_205 : f32
        %slice3A_207 = vector.extract_strided_slice %add3A_183 {offsets = [8], sizes = [1], strides = [1]} : vector<16xf32> to vector<1xf32>
        %squeeze3A_208 = vector.extract %slice3A_207[0] : f32 from vector<1xf32>
        %add3A_209 = arith.addf %add3A_206, %squeeze3A_208 : f32
        %slice3A_210 = vector.extract_strided_slice %add3A_183 {offsets = [9], sizes = [1], strides = [1]} : vector<16xf32> to vector<1xf32>
        %squeeze3A_211 = vector.extract %slice3A_210[0] : f32 from vector<1xf32>
        %add3A_212 = arith.addf %add3A_209, %squeeze3A_211 : f32
        %slice3A_213 = vector.extract_strided_slice %add3A_183 {offsets = [10], sizes = [1], strides = [1]} : vector<16xf32> to vector<1xf32>
        %squeeze3A_214 = vector.extract %slice3A_213[0] : f32 from vector<1xf32>
        %add3A_215 = arith.addf %add3A_212, %squeeze3A_214 : f32
        %slice3A_216 = vector.extract_strided_slice %add3A_183 {offsets = [11], sizes = [1], strides = [1]} : vector<16xf32> to vector<1xf32>
        %squeeze3A_217 = vector.extract %slice3A_216[0] : f32 from vector<1xf32>
        %add3A_218 = arith.addf %add3A_215, %squeeze3A_217 : f32
        %slice3A_219 = vector.extract_strided_slice %add3A_183 {offsets = [12], sizes = [1], strides = [1]} : vector<16xf32> to vector<1xf32>
        %squeeze3A_220 = vector.extract %slice3A_219[0] : f32 from vector<1xf32>
        %add3A_221 = arith.addf %add3A_218, %squeeze3A_220 : f32
        %slice3A_222 = vector.extract_strided_slice %add3A_183 {offsets = [13], sizes = [1], strides = [1]} : vector<16xf32> to vector<1xf32>
        %squeeze3A_223 = vector.extract %slice3A_222[0] : f32 from vector<1xf32>
        %add3A_224 = arith.addf %add3A_221, %squeeze3A_223 : f32
        %slice3A_225 = vector.extract_strided_slice %add3A_183 {offsets = [14], sizes = [1], strides = [1]} : vector<16xf32> to vector<1xf32>
        %squeeze3A_226 = vector.extract %slice3A_225[0] : f32 from vector<1xf32>
        %add3A_227 = arith.addf %add3A_224, %squeeze3A_226 : f32
        %slice3A_228 = vector.extract_strided_slice %add3A_183 {offsets = [15], sizes = [1], strides = [1]} : vector<16xf32> to vector<1xf32>
        %squeeze3A_229 = vector.extract %slice3A_228[0] : f32 from vector<1xf32>
        %add3A_230 = arith.addf %add3A_227, %squeeze3A_229 : f32
        %broadcast_in_dim3A_231 = vector.broadcast %add3A_230 : f32 to vector<16xf32>
        %max3A = arith.constant 9.99999996E-13 : f32
        %max3A_232 = vector.broadcast %max3A : f32 to vector<16xf32>
        %max3A_233 = arith.maximumf %broadcast_in_dim3A_231, %max3A_232 : vector<16xf32>
        %bitcast_convert_type3A = tpu.bitcast %max3A_233 : vector<16xf32> -> vector<16xi32>
        %shift_right_arithmetic3A = arith.constant 1 : i32
        %shift_right_arithmetic3A_234 = vector.broadcast %shift_right_arithmetic3A : i32 to vector<16xi32>
        %shift_right_arithmetic3A_235 = arith.shrsi %bitcast_convert_type3A, %shift_right_arithmetic3A_234 : vector<16xi32>
        %sub3A_236 = arith.constant 1597463007 : i32
        %sub3A_237 = vector.broadcast %sub3A_236 : i32 to vector<16xi32>
        %sub3A_238 = arith.subi %sub3A_237, %shift_right_arithmetic3A_235 : vector<16xi32>
        %bitcast_convert_type3A_239 = tpu.bitcast %sub3A_238 : vector<16xi32> -> vector<16xf32>
        %mul3A_240 = arith.constant 5.000000e-01 : f32
        %mul3A_241 = vector.broadcast %mul3A_240 : f32 to vector<16xf32>
        %mul3A_242 = arith.mulf %mul3A_241, %max3A_233 : vector<16xf32>
        %mul3A_243 = arith.mulf %mul3A_242, %bitcast_convert_type3A_239 : vector<16xf32>
        %mul3A_244 = arith.mulf %mul3A_243, %bitcast_convert_type3A_239 : vector<16xf32>
        %sub3A_245 = arith.constant 1.500000e+00 : f32
        %sub3A_246 = vector.broadcast %sub3A_245 : f32 to vector<16xf32>
        %sub3A_247 = arith.subf %sub3A_246, %mul3A_244 : vector<16xf32>
        %mul3A_248 = arith.mulf %bitcast_convert_type3A_239, %sub3A_247 : vector<16xf32>
        %mul3A_249 = arith.constant 5.000000e-01 : f32
        %mul3A_250 = vector.broadcast %mul3A_249 : f32 to vector<16xf32>
        %mul3A_251 = arith.mulf %mul3A_250, %max3A_233 : vector<16xf32>
        %mul3A_252 = arith.mulf %mul3A_251, %mul3A_248 : vector<16xf32>
        %mul3A_253 = arith.mulf %mul3A_252, %mul3A_248 : vector<16xf32>
        %sub3A_254 = arith.constant 1.500000e+00 : f32
        %sub3A_255 = vector.broadcast %sub3A_254 : f32 to vector<16xf32>
        %sub3A_256 = arith.subf %sub3A_255, %mul3A_253 : vector<16xf32>
        %mul3A_257 = arith.mulf %mul3A_248, %sub3A_256 : vector<16xf32>
        %mul3A_258 = arith.constant 5.000000e-01 : f32
        %mul3A_259 = vector.broadcast %mul3A_258 : f32 to vector<16xf32>
        %mul3A_260 = arith.mulf %mul3A_259, %max3A_233 : vector<16xf32>
        %mul3A_261 = arith.mulf %mul3A_260, %mul3A_257 : vector<16xf32>
        %mul3A_262 = arith.mulf %mul3A_261, %mul3A_257 : vector<16xf32>
        %sub3A_263 = arith.constant 1.500000e+00 : f32
        %sub3A_264 = vector.broadcast %sub3A_263 : f32 to vector<16xf32>
        %sub3A_265 = arith.subf %sub3A_264, %mul3A_262 : vector<16xf32>
        %mul3A_266 = arith.mulf %mul3A_257, %sub3A_265 : vector<16xf32>
        %mul3A_267 = arith.constant 5.000000e-01 : f32
        %mul3A_268 = vector.broadcast %mul3A_267 : f32 to vector<16xf32>
        %mul3A_269 = arith.mulf %mul3A_268, %max3A_233 : vector<16xf32>
        %mul3A_270 = arith.mulf %mul3A_269, %mul3A_266 : vector<16xf32>
        %mul3A_271 = arith.mulf %mul3A_270, %mul3A_266 : vector<16xf32>
        %sub3A_272 = arith.constant 1.500000e+00 : f32
        %sub3A_273 = vector.broadcast %sub3A_272 : f32 to vector<16xf32>
        %sub3A_274 = arith.subf %sub3A_273, %mul3A_271 : vector<16xf32>
        %mul3A_275 = arith.mulf %mul3A_266, %sub3A_274 : vector<16xf32>
        %mul3A_276 = arith.mulf %max3A_233, %mul3A_275 : vector<16xf32>
        %max3A_277 = arith.constant 9.99999997E-7 : f32
        %max3A_278 = vector.broadcast %max3A_277 : f32 to vector<16xf32>
        %max3A_279 = arith.maximumf %mul3A_276, %max3A_278 : vector<16xf32>
        %div3A = arith.constant 1.000000e+00 : f32
        %div3A_280 = vector.broadcast %div3A : f32 to vector<16xf32>
        %div3A_281 = arith.divf %div3A_280, %max3A_279 : vector<16xf32>
        %mul3A_282 = arith.mulf %get3A_161, %div3A_281 : vector<16xf32>
        %add3A_283 = arith.constant 0 : i32
        %add3A_284 = arith.addi %mul3A_156, %add3A_283 : i32
        %swap3A_285 = arith.index_cast %add3A_284 : i32 to index
        %swap3A_286 = tpu.vector_load %arg9[%swap3A_285] {strides = array<i32>} : memref<32768xf32, #tpu.memory_space<vmem>>, vector<16xf32>,
        %swap3A_287 = vector.shape_cast %swap3A_286 : vector<16xf32> to vector<16xf32>
        %swap3A_288 = vector.shape_cast %mul3A_282 : vector<16xf32> to vector<16xf32>
        tpu.vector_store %arg9[%swap3A_285], %swap3A_288 {strides = array<i32>} : memref<32768xf32, #tpu.memory_space<vmem>>, vector<16xf32>,
        %mul3A_289 = arith.mulf %get3A_166, %div3A_281 : vector<16xf32>
        %add3A_290 = arith.constant 16 : i32
        %add3A_291 = arith.addi %mul3A_156, %add3A_290 : i32
        %swap3A_292 = arith.index_cast %add3A_291 : i32 to index
        %swap3A_293 = tpu.vector_load %arg9[%swap3A_292] {strides = array<i32>} : memref<32768xf32, #tpu.memory_space<vmem>>, vector<16xf32>,
        %swap3A_294 = vector.shape_cast %swap3A_293 : vector<16xf32> to vector<16xf32>
        %swap3A_295 = vector.shape_cast %mul3A_289 : vector<16xf32> to vector<16xf32>
        tpu.vector_store %arg9[%swap3A_292], %swap3A_295 {strides = array<i32>} : memref<32768xf32, #tpu.memory_space<vmem>>, vector<16xf32>,
        %mul3A_296 = arith.mulf %get3A_171, %div3A_281 : vector<16xf32>
        %add3A_297 = arith.constant 32 : i32
        %add3A_298 = arith.addi %mul3A_156, %add3A_297 : i32
        %swap3A_299 = arith.index_cast %add3A_298 : i32 to index
        %swap3A_300 = tpu.vector_load %arg9[%swap3A_299] {strides = array<i32>} : memref<32768xf32, #tpu.memory_space<vmem>>, vector<16xf32>,
        %swap3A_301 = vector.shape_cast %swap3A_300 : vector<16xf32> to vector<16xf32>
        %swap3A_302 = vector.shape_cast %mul3A_296 : vector<16xf32> to vector<16xf32>
        tpu.vector_store %arg9[%swap3A_299], %swap3A_302 {strides = array<i32>} : memref<32768xf32, #tpu.memory_space<vmem>>, vector<16xf32>,
        %mul3A_303 = arith.mulf %get3A_176, %div3A_281 : vector<16xf32>
        %add3A_304 = arith.constant 48 : i32
        %add3A_305 = arith.addi %mul3A_156, %add3A_304 : i32
        %swap3A_306 = arith.index_cast %add3A_305 : i32 to index
        %swap3A_307 = tpu.vector_load %arg9[%swap3A_306] {strides = array<i32>} : memref<32768xf32, #tpu.memory_space<vmem>>, vector<16xf32>,
        %swap3A_308 = vector.shape_cast %swap3A_307 : vector<16xf32> to vector<16xf32>
        %swap3A_309 = vector.shape_cast %mul3A_303 : vector<16xf32> to vector<16xf32>
        tpu.vector_store %arg9[%swap3A_306], %swap3A_309 {strides = array<i32>} : memref<32768xf32, #tpu.memory_space<vmem>>, vector<16xf32>,
      } else {
      }
    }
    %scan3A_11 = arith.constant 32 : i32
    %mul3A_12 = arith.constant 64 : i32
    %mul3A_13 = arith.muli %mul3A_2, %mul3A_12 : i32
    "tpu.region"() ({
      %run_scoped3A = tpu.sem_alloc : memref<!tpu.dma_semaphore, #tpu.memory_space<semaphore_mem>>
      %dma_start3A = tpu.memref_slice %arg7[%mul3A_13] : memref<1048576xf32, #tpu.memory_space<hbm>> -> memref<32768xf32, #tpu.memory_space<hbm>>
      %dma_start3A_14 = tpu.memref_slice %arg7[%mul3A_13] : memref<1048576xf32, #tpu.memory_space<hbm>> -> memref<32768xf32, #tpu.memory_space<hbm>>
      tpu.enqueue_dma source(%arg9 : memref<32768xf32, #tpu.memory_space<vmem>>) target(%dma_start3A_14 : memref<32768xf32, #tpu.memory_space<hbm>>) target_semaphore(%run_scoped3A : memref<!tpu.dma_semaphore, #tpu.memory_space<semaphore_mem>>)
      %dma_wait3A = tpu.memref_slice %arg7[%mul3A_13] : memref<1048576xf32, #tpu.memory_space<hbm>> -> memref<32768xf32, #tpu.memory_space<hbm>>
      %dma_wait3A_15 = tpu.memref_slice %arg7[%mul3A_13] : memref<1048576xf32, #tpu.memory_space<hbm>> -> memref<32768xf32, #tpu.memory_space<hbm>>
      tpu.wait_dma2 semaphore(%run_scoped3A : memref<!tpu.dma_semaphore, #tpu.memory_space<semaphore_mem>>) src(%arg9 : memref<32768xf32, #tpu.memory_space<vmem>>) dst(%dma_wait3A_15 : memref<32768xf32, #tpu.memory_space<hbm>>)
      tpu.yield
    }) : () -> ()
    "tpu.region"() ({
      %run_scoped3A = tpu.sem_alloc : memref<!tpu.dma_semaphore, #tpu.memory_space<semaphore_mem>>
      %dma_start3A = tpu.memref_slice %arg8[%mul3A_2] : memref<16384xi32, #tpu.memory_space<hbm>> -> memref<512xi32, #tpu.memory_space<hbm>>
      %dma_start3A_14 = tpu.memref_slice %arg8[%mul3A_2] : memref<16384xi32, #tpu.memory_space<hbm>> -> memref<512xi32, #tpu.memory_space<hbm>>
      tpu.enqueue_dma source(%arg14 : memref<512xi32, #tpu.memory_space<vmem>>) target(%dma_start3A_14 : memref<512xi32, #tpu.memory_space<hbm>>) target_semaphore(%run_scoped3A : memref<!tpu.dma_semaphore, #tpu.memory_space<semaphore_mem>>)
      %dma_wait3A = tpu.memref_slice %arg8[%mul3A_2] : memref<16384xi32, #tpu.memory_space<hbm>> -> memref<512xi32, #tpu.memory_space<hbm>>
      %dma_wait3A_15 = tpu.memref_slice %arg8[%mul3A_2] : memref<16384xi32, #tpu.memory_space<hbm>> -> memref<512xi32, #tpu.memory_space<hbm>>
      tpu.wait_dma2 semaphore(%run_scoped3A : memref<!tpu.dma_semaphore, #tpu.memory_space<semaphore_mem>>) src(%arg14 : memref<512xi32, #tpu.memory_space<vmem>>) dst(%dma_wait3A_15 : memref<512xi32, #tpu.memory_space<hbm>>)
      tpu.yield
    }) : () -> ()
    return
  }
}

module attributes {stable_mosaic.version = 14 : i64} {
  func.func @_tc_obs_body(%arg0: i32, %arg1: memref<4096x512xf32, #tpu.memory_space<vmem>>, %arg2: memref<512x64xf32, #tpu.memory_space<vmem>>, %arg3: memref<4096x64xf32, #tpu.memory_space<vmem>>) attributes {dimension_semantics = [#tpu.dimension_semantics<arbitrary>], iteration_bounds = array<i64: 4>, scalar_prefetch = 0 : i64, scratch_operands = 0 : i64, tpu.core_type = #tpu.core_type<tc>, window_params = [{transform_indices = @transform_0, window_bounds = array<i64: 4096, 512>}, {pipeline_mode = #tpu.pipeline_mode<synchronous>, transform_indices = @transform_1, window_bounds = array<i64: 512, 64>}, {transform_indices = @transform_2, window_bounds = array<i64: 4096, 64>}]} {
    %get3A = arith.constant 0 : index
    %get3A_0 = arith.constant 0 : index
    %get3A_1 = vector.load %arg1[%get3A, %get3A_0] : memref<4096x512xf32, #tpu.memory_space<vmem>>, vector<4096x512xf32>
    %get3A_2 = arith.constant 0 : index
    %get3A_3 = arith.constant 0 : index
    %get3A_4 = vector.load %arg2[%get3A_2, %get3A_3] : memref<512x64xf32, #tpu.memory_space<vmem>>, vector<512x64xf32>
    %dot_general3A = arith.constant dense<0.000000e+00> : vector<4096x64xf32>
    %dot_general3A_5 = tpu.matmul %get3A_1, %get3A_4, %dot_general3A {dimension_numbers = #tpu.dot_dimension_numbers<[1], [0], [0], [1], [0, 0, 1, 1], [], []>, transpose_lhs_hint = false} : vector<4096x512xf32>, vector<512x64xf32>, vector<4096x64xf32> -> vector<4096x64xf32>
    %swap3A = arith.constant 0 : index
    %swap3A_6 = arith.constant 0 : index
    %swap3A_7 = vector.load %arg3[%swap3A, %swap3A_6] : memref<4096x64xf32, #tpu.memory_space<vmem>>, vector<4096x64xf32>
    tpu.vector_store %arg3[%swap3A, %swap3A_6], %dot_general3A_5 {strides = array<i32>} : memref<4096x64xf32, #tpu.memory_space<vmem>>, vector<4096x64xf32>,
    return
  }
  func.func @transform_0(%arg0: i32) -> (i32, i32) {
    %c0_i32 = arith.constant 0 : i32
    %c0_i32_0 = arith.constant 0 : i32
    return %arg0, %c0_i32 : i32, i32
  }
  func.func @transform_1(%arg0: i32) -> (i32, i32) {
    %c0_i32 = arith.constant 0 : i32
    %c0_i32_0 = arith.constant 0 : i32
    %c0_i32_1 = arith.constant 0 : i32
    return %c0_i32, %c0_i32_0 : i32, i32
  }
  func.func @transform_2(%arg0: i32) -> (i32, i32) {
    %c0_i32 = arith.constant 0 : i32
    %c0_i32_0 = arith.constant 0 : i32
    return %arg0, %c0_i32 : i32, i32
  }
}

module attributes {stable_mosaic.version = 14 : i64} {
  func.func @_tc_fin_body(%arg0: i32, %arg1: memref<4096x64xf32, #tpu.memory_space<vmem>>, %arg2: memref<4096x64xf32, #tpu.memory_space<vmem>>, %arg3: memref<64x64xf32, #tpu.memory_space<vmem>>, %arg4: memref<1x64xf32, #tpu.memory_space<vmem>>, %arg5: memref<4096x64xf32, #tpu.memory_space<vmem>>) attributes {dimension_semantics = [#tpu.dimension_semantics<arbitrary>], iteration_bounds = array<i64: 4>, scalar_prefetch = 0 : i64, scratch_operands = 0 : i64, tpu.core_type = #tpu.core_type<tc>, window_params = [{transform_indices = @transform_0, window_bounds = array<i64: 4096, 64>}, {transform_indices = @transform_1, window_bounds = array<i64: 4096, 64>}, {pipeline_mode = #tpu.pipeline_mode<synchronous>, transform_indices = @transform_2, window_bounds = array<i64: 64, 64>}, {pipeline_mode = #tpu.pipeline_mode<synchronous>, transform_indices = @transform_3, window_bounds = array<i64: 1, 64>}, {transform_indices = @transform_4, window_bounds = array<i64: 4096, 64>}]} {
    %get3A = arith.constant 0 : index
    %get3A_0 = arith.constant 0 : index
    %get3A_1 = vector.load %arg1[%get3A, %get3A_0] : memref<4096x64xf32, #tpu.memory_space<vmem>>, vector<4096x64xf32>
    %get3A_2 = arith.constant 0 : index
    %get3A_3 = arith.constant 0 : index
    %get3A_4 = vector.load %arg2[%get3A_2, %get3A_3] : memref<4096x64xf32, #tpu.memory_space<vmem>>, vector<4096x64xf32>
    %get3A_5 = arith.constant 0 : index
    %get3A_6 = arith.constant 0 : index
    %get3A_7 = vector.load %arg3[%get3A_5, %get3A_6] : memref<64x64xf32, #tpu.memory_space<vmem>>, vector<64x64xf32>
    %dot_general3A = arith.constant dense<0.000000e+00> : vector<4096x64xf32>
    %dot_general3A_8 = tpu.matmul %get3A_4, %get3A_7, %dot_general3A {dimension_numbers = #tpu.dot_dimension_numbers<[1], [0], [0], [1], [0, 0, 1, 1], [], []>, transpose_lhs_hint = false} : vector<4096x64xf32>, vector<64x64xf32>, vector<4096x64xf32> -> vector<4096x64xf32>
    %add3A = arith.addf %get3A_1, %dot_general3A_8 : vector<4096x64xf32>
    %get3A_9 = arith.constant 0 : index
    %get3A_10 = arith.constant 0 : index
    %get3A_11 = vector.load %arg4[%get3A_9, %get3A_10] : memref<1x64xf32, #tpu.memory_space<vmem>>, vector<1x64xf32>
    %add3A_12 = vector.broadcast %get3A_11 : vector<1x64xf32> to vector<4096x64xf32>
    %add3A_13 = arith.addf %add3A, %add3A_12 : vector<4096x64xf32>
    %tanh3A = math.tanh %add3A_13 : vector<4096x64xf32>
    %swap3A = arith.constant 0 : index
    %swap3A_14 = arith.constant 0 : index
    %swap3A_15 = vector.load %arg5[%swap3A, %swap3A_14] : memref<4096x64xf32, #tpu.memory_space<vmem>>, vector<4096x64xf32>
    tpu.vector_store %arg5[%swap3A, %swap3A_14], %tanh3A {strides = array<i32>} : memref<4096x64xf32, #tpu.memory_space<vmem>>, vector<4096x64xf32>,
    return
  }
  func.func @transform_0(%arg0: i32) -> (i32, i32) {
    %c0_i32 = arith.constant 0 : i32
    %c0_i32_0 = arith.constant 0 : i32
    return %arg0, %c0_i32 : i32, i32
  }
  func.func @transform_1(%arg0: i32) -> (i32, i32) {
    %c0_i32 = arith.constant 0 : i32
    %c0_i32_0 = arith.constant 0 : i32
    return %arg0, %c0_i32 : i32, i32
  }
  func.func @transform_2(%arg0: i32) -> (i32, i32) {
    %c0_i32 = arith.constant 0 : i32
    %c0_i32_0 = arith.constant 0 : i32
    %c0_i32_1 = arith.constant 0 : i32
    return %c0_i32, %c0_i32_0 : i32, i32
  }
  func.func @transform_3(%arg0: i32) -> (i32, i32) {
    %c0_i32 = arith.constant 0 : i32
    %c0_i32_0 = arith.constant 0 : i32
    %c0_i32_1 = arith.constant 0 : i32
    return %c0_i32, %c0_i32_0 : i32, i32
  }
  func.func @transform_4(%arg0: i32) -> (i32, i32) {
    %c0_i32 = arith.constant 0 : i32
    %c0_i32_0 = arith.constant 0 : i32
    return %arg0, %c0_i32 : i32, i32
  }
}

</mosaic_0001>

<sc_bundles>
// kernel: kernel.5.cloned.1.call-start
scs
__scs_entry_jumppad:
0x0: {  	(pc) =	sbr.rel $0x88, $3  }
0x1: {  	(tag) =	ssettag $0x0;
	lr =	simm.s32 $0x1  }
0x2: {  	[smem:$0x3F99] =	sst lr;
	_ =	strace $0xD0000000  }
0x3: {  	_ = 	snop  }
0x4: {  	_ = 	snop  }
0x5: {  	_ = 	snop  }
0x6: {  	_ = 	snop  }
0x7: {  	_ = 	snop  }
__scs_overlays_trampoline_lowered:
0x8: {  	[smem:$0x3FA8] =	sst s0  }
0x9: {  	[smem:$0x3FA9] =	sst s1  }
0xa: {  	[smem:$0x3FAA] =	sst s2  }
0xb: {  	[smem:$0x3FAB] =	sst s3  }
0xc: {  	[smem:$0x3FAC] =	sst s4  }
0xd: {  	[smem:$0x3FAD] =	sst s5  }
0xe: {  	[smem:$0x3FAE] =	sst s6  }
0xf: {  	[smem:$0x3FAF] =	sst s7  }
0x10: {  	[smem:$0x3FB0] =	sst s8  }
0x11: {  	[smem:$0x3FB1] =	sst s9;
	s0 =	simm.s32 @!p0 $0x0  }
0x12: {  	s1 =	sld [smem:$0x3F97];
	s0 =	simm.s32 @p0 $0x1  }
0x13: {  	[smem:$0x3FB2] =	sst s0;
	s0 =	simm.s32 @!p1 $0x0  }
0x14: {  	s2 =	sld [smem:$0x3F96];
	s0 =	simm.s32 @p1 $0x1  }
0x15: {  	[smem:$0x3FB3] =	sst s0;
	s0 =	simm.s32 @!p2 $0x0  }
0x16: {  	s3 =	sld [smem:$0x3FDB];
	s0 =	simm.s32 @p2 $0x1  }
0x17: {  	s4 =	simm.s32 $0x1BF5;
	[smem:$0x3FB5] =	sst s0  }
0x18: {  	s0 =	sld [smem:$0x3F98];
	_ =	swait.ge [sflag:s4], $0x0  }
0x19: {  	s7 =	sld [smem:$0x3F99]  }
0x1a: {  	s8 =	sadd.s32 $0xFFFFE003, lr  }
0x1b: {  	s9 =	sadd.s32 $0xFFFFFEF7, lr;
	s5 =	simm.s32 $0xFFFFFFFF;
	p2 =	slt.u32 s8, $0xFFFFF086  }
0x1c: {  	p1 =	slt.u32 s9, $0xF7A;
	s5 =	simm.s32 @!p2 $0x0  }
0x1d: {  	s5 =	simm.s32 @p1 $0x1;
	p0 =	seq.s32 s7, s2  }
0x1e: {  	s7 =	smul.u32 @!p0 $0xF7A, s2;
	p2 =	seq.s32 @!p0 s5, $0x0  }
0x1f: {  	s9 =	smul.u32 $0xF7A, s1;
	s8 =	simm.s32 @!p0 $0x1BF5;
	p2 =	por !p2, p0  }
0x20: {  	[sflag:s8] =	ssyncset.s32 @!p0 $0xFFFFF086;
	s6 =	sadd.s32 @!p0 s3, s7;
	s7 =	simm.s32 @!p0 $0x108  }
0x21: {  	s3 =	sadd.s32 s3, s9;
	s6 =	sadd.s32 @!p0 $0x88, s6;
	s7 =	simm.s32 @p2 $0x1082  }
0x22: {  	[simem:s7], [sflag:s8] =	dma.local @!p0 [hbm:s6], $0xF7A  }
0x23: {  	s9 =	sor.u32 $0xD0000000, s2;
	s6 =	simm.s32 $0x108;
	_ =	swait.ge @!p0 [sflag:s8], $0x0  }
0x24: {  	s3 =	sadd.s32 $0x88, s3;
	s6 =	simm.s32 @!p1 $0x1082;
	[sflag:s4] =	ssyncset.s32 $0xFFFFF086  }
0x25: {  	[simem:s6], [sflag:s4] =	dma.local [hbm:s3], $0xF7A  }
0x26: {  	[smem:$0x3F99] =	sst s1;
	(tag) =	ssettag s2;
	_ =	strace s9  }
0x27: {  	s1 =	sld [smem:$0x3FA9]  }
0x28: {  	s2 =	sld [smem:$0x3FAA]  }
0x29: {  	s4 =	sld [smem:$0x3FAC]  }
0x2a: {  	p0 =	seq.s32 s5, $0x0;
	s5 =	sld [smem:$0x3FAD]  }
0x2b: {  	s6 =	sld [smem:$0x3FAE]  }
0x2c: {  	s7 =	sld [smem:$0x3FAF]  }
0x2d: {  	s3 =	simm.s32 $0x108;
	s8 =	sld [smem:$0x3FB0]  }
0x2e: {  	s3 =	simm.s32 @!p0 $0x1082;
	s9 =	sld [smem:$0x3FB1]  }
0x2f: {  	lr =	sadd.s32 s0, s3;
	s0 =	sld [smem:$0x3FA8]  }
0x30: {  	s3 =	sld [smem:$0x3FAB]  }
0x31: {  	[smem:$0x3FB4] =	sst s10  }
0x32: {  	s10 =	sld [smem:$0x3FB2];
	_ =	sdelay $0x3  }
0x33: {  	p0 =	seq.s32 s10, $0x1;
	s10 =	sld [smem:$0x3FB4];
	_ =	sdelay $0x3  }
0x34: {  	[smem:$0x3FB4] =	sst s10  }
0x35: {  	s10 =	sld [smem:$0x3FB3];
	_ =	sdelay $0x3  }
0x36: {  	p1 =	seq.s32 s10, $0x1;
	s10 =	sld [smem:$0x3FB4];
	_ =	sdelay $0x3  }
0x37: {  	[smem:$0x3FB4] =	sst s10  }
0x38: {  	s10 =	sld [smem:$0x3FB5]  }
0x39: {  	_ = 	snop;
	(pc) =	sbr.ind lr, $3  }
0x3a: {  	_ = 	snop  }
0x3b: {  	_ = 	snop  }
0x3c: {  	p2 =	seq.s32 s10, $0x1;
	s10 =	sld [smem:$0x3FB4]  }
0x3d: {  	_ =	shalt  }
0x3e: {  	_ =	shalt  }
0x3f: {  	_ =	shalt  }
0x40: {  	_ =	shalt  }
0x41: {  	_ =	shalt  }
0x42: {  	_ =	shalt  }
0x43: {  	_ =	shalt  }
0x44: {  	_ =	shalt  }
0x45: {  	_ =	shalt  }
0x46: {  	_ =	shalt  }
0x47: {  	_ =	shalt  }
0x48: {  	_ =	shalt  }
0x49: {  	_ =	shalt  }
0x4a: {  	_ =	shalt  }
0x4b: {  	_ =	shalt  }
0x4c: {  	_ =	shalt  }
0x4d: {  	_ =	shalt  }
0x4e: {  	_ =	shalt  }
0x4f: {  	_ =	shalt  }
0x50: {  	_ =	shalt  }
0x51: {  	_ =	shalt  }
0x52: {  	_ =	shalt  }
0x53: {  	_ =	shalt  }
0x54: {  	_ =	shalt  }
0x55: {  	_ =	shalt  }
0x56: {  	_ =	shalt  }
0x57: {  	_ =	shalt  }
0x58: {  	_ =	shalt  }
0x59: {  	_ =	shalt  }
0x5a: {  	_ =	shalt  }
0x5b: {  	_ =	shalt  }
0x5c: {  	_ =	shalt  }
0x5d: {  	_ =	shalt  }
0x5e: {  	_ =	shalt  }
0x5f: {  	_ =	shalt  }
0x60: {  	_ =	shalt  }
0x61: {  	_ =	shalt  }
0x62: {  	_ =	shalt  }
0x63: {  	_ =	shalt  }
0x64: {  	_ =	shalt  }
0x65: {  	_ =	shalt  }
0x66: {  	_ =	shalt  }
0x67: {  	_ =	shalt  }
0x68: {  	_ =	shalt  }
0x69: {  	_ =	shalt  }
0x6a: {  	_ =	shalt  }
0x6b: {  	_ =	shalt  }
0x6c: {  	_ =	shalt  }
0x6d: {  	_ =	shalt  }
0x6e: {  	_ =	shalt  }
0x6f: {  	_ =	shalt  }
0x70: {  	_ =	shalt  }
0x71: {  	_ =	shalt  }
0x72: {  	_ =	shalt  }
0x73: {  	_ =	shalt  }
0x74: {  	_ =	shalt  }
0x75: {  	_ =	shalt  }
0x76: {  	_ =	shalt  }
0x77: {  	_ =	shalt  }
0x78: {  	_ =	shalt  }
0x79: {  	_ =	shalt  }
0x7a: {  	_ =	shalt  }
0x7b: {  	_ =	shalt  }
0x7c: {  	_ =	shalt  }
0x7d: {  	_ =	shalt  }
0x7e: {  	_ =	shalt  }
0x7f: {  	_ =	shalt  }
0x80: {  	_ =	shalt  }
0x81: {  	_ =	shalt  }
0x82: {  	_ =	shalt  }
0x83: {  	_ =	shalt  }
0x84: {  	_ =	shalt  }
0x85: {  	_ =	shalt  }
0x86: {  	_ =	shalt  }
0x87: {  	_ =	shalt  }
.Lfunc_end0:
.L_simem_size_0:
called_computation_lowered:
.L_overlay_start_0:
0x88: {  	s2 =	sld [smem:$0x3FD9]  }
0x89: {  	s3 =	sld [smem:$0x3FFE];
	_ =	sdelay $0x1  }
0x8a: {  	s1 =	srdreg.scid  }
0x8b: {  	s0 =	sand.u32 $0x1, s1  }
0x8c: {  	s14 =	sshll.u32 s0, $0xA;
	s2 =	sadd.s32 s3, s2  }
0x8d: {  	s2 =	sadd.s32 s2, s14  }
0x8e: {  	[smem:$0x3FC0] =	sst s2  }
0x8f: {  	_ = 	snop  }
0x90: {  	s2 =	sld [smem:$0x3FD0];
	_ =	sdelay $0x1  }
0x91: {  	s15 =	sld [smem:$0x3FC4]  }
0x92: {  	s5 =	simm.s32 $0xA;
	s6 =	simm.s32 $0x10;
	s4 =	sld [smem:$0x3FC2]  }
0x93: {  	[smem:s6], [sflag:s5] =	dma.local [hbm:s2], $0x1  }
0x94: {  	_ =	swait.eq [sflag:s5], $0x1  }
0x95: {  	s16 =	sld [smem:$0x10];
	[sflag:s5] =	ssyncset.done $0x0  }
0x96: {  	s17 =	sld [smem:$0x11];
	[sflag:s5] =	ssyncadd.s32 $0xFFFFFFFF  }
0x97: {  	s18 =	sld [smem:$0x12];
	(tm) =	ssettm $0x1  }
0x98: {  	s7 =	sld [smem:$0x3FFB];
	_ =	sdelay $0x3  }
0x99: {  	_ =	strace s7  }
0x9a: {  	s7 =	sld [smem:$0x3FFC];
	_ =	sdelay $0x3  }
0x9b: {  	_ =	strace s7  }
0x9c: {  	s7 =	sld [smem:$0x3FFD];
	_ =	sdelay $0x3  }
0x9d: {  	_ =	strace s7  }
0x9e: {  	_ =	strace $0x8FFFFFFF  }
0x9f: {  	s19 =	sld [smem:$0x3FDB];
	_ =	sdelay $0x1  }
0xa0: {  	s8 =	simm.s32 $_scs_section_size  }
0xa1: {  	s9 =	simm.s32 $_size__tile_overlayer_lowered;
	s10 =	simm.s32 $_tile_overlayer_lowered  }
0xa2: {  	s22 =	simm.s32 $0x1BFF;
	s21 =	sshll.u32 s10, $0x1;
	s7 =	sadd.s32 s8, s19  }
0xa3: {  	s11 =	simm.s32 $0x0;
	s20 =	sshll.u32 s9, $0x1;
	s9 =	sadd.s32 s21, s7  }
0xa4: {  	[timem:s11], [sflag:s22] =	dma.local [hbm:s9], s20  }
0xa5: {  	_ =	swait.ge [sflag:s22], s20  }
0xa6: {  	s8 =	ssub.s32 $0x0, s20;
	[sflag:s22] =	ssyncset.done $0x0  }
0xa7: {  	[sflag:s22] =	ssyncadd.s32 s8;
	_ =	sdelay $0x1  }
0xa8: {  	s23 =	simm.s32 $0x1B8B  }
0xa9: {  	_ =	swait.ge [sflag:s23], $0x1  }
0xaa: {  	[sflag:s23] =	ssyncset.done $0x0  }
0xab: {  	s25 =	simm.s32 $0x1B8E;
	s24 =	sld [smem:$0x3FFE];
	[sflag:s23] =	ssyncadd.s32 $0xFFFFFFFF  }
0xac: {  	s26 =	simm.s32 $execute0_lowered;
	[smem:$0x3FD2] =	sst s25  }
0xad: {  	s9 =	sshll.u32 s26, $0x1;
	_ =	strace $0x80000046;
	[dreg:$0x1] =	wrdreg $0xFFFFFFFF  }
0xae: {  	s28 =	simm.s32 $_size_execute0_lowered;
	s7 =	sadd.s32 s7, s9;
	[dreg:$0x0] =	wrdreg $0x0  }
0xaf: {  	s9 =	sshll.u32 s28, $0x1;
	[dreg:$0x2] =	wrdreg s7  }
0xb0: {  	[dreg:$0x3] =	wrdreg s9  }
0xb1: {  	[dreg:$0x4] =	wrdreg $0xC0  }
0xb2: {  	_ =	task [dreg:s11], $0x5FFFF  }
0xb3: {  	[dreg:$0x1] =	wrdreg $0xFFFFFFFF  }
0xb4: {  	[dreg:$0x0] =	wrdreg $0x60  }
0xb5: {  	[dreg:$0x2] =	wrdreg s15  }
0xb6: {  	[dreg:$0x3] =	wrdreg s24  }
0xb7: {  	[dreg:$0x4] =	wrdreg s4  }
0xb8: {  	[dreg:$0x5] =	wrdreg s17  }
0xb9: {  	[dreg:$0x6] =	wrdreg s16  }
0xba: {  	[dreg:$0x7] =	wrdreg s18  }
0xbb: {  	[dreg:$0x8] =	wrdreg $0x9  }
0xbc: {  	_ =	task.clear_ibuf [dreg:s11], $0x9FFFF;
	_ =	strace $0x90000046  }
0xbd: {  	s29 =	simm.s32 $0x9;
	_ =	strace $0x80000048  }
0xbe: {  	_ =	swait.ge [sflag:s29], $0x1  }
0xbf: {  	[sflag:s29] =	ssyncadd.s32 $0xFFFFFFFF  }
0xc0: {  	_ =	strace $0x90000048  }
0xc1: {  	_ =	sfence  }
0xc2: {  	s30 =	sld [smem:$0x0];
	_ =	sdelay $0x2  }
0xc3: {  	s31 =	sshll.u32 s1, $0xD;
	s1 =	sshrl.u32 s1, $0x2  }
0xc4: {  	s3 =	sand.u32 $0x4000, s31;
	s1 =	sadd.s32 s1, s30  }
0xc5: {  	s0 =	sor.u32 s3, s0;
	s1 =	sshll.u32 s1, $0x11  }
0xc6: {  	s0 =	sor.u32 s1, s0  }
0xc7: {  	s0 =	sadd.s32 $0x8F2B, s0  }
0xc8: {  	[sflag:s0] =	ssyncadd.remote.s32 $0x1  }
0xc9: {  	_ =	sfence.sel $0xFFFF  }
0xca: {  	[dreg:$0x0] =	wrdreg $0xFFFFFFFF;
	(pc) =	sbr.abs _section_cstart, $3  }
0xcb: {  	[dreg:$0x1] =	wrdreg $0xFFFFFFFF  }
0xcc: {  	_ =	task.clear_ibuf [dreg:s11], $0x2FFFF;
	_ =	strace $0x9FFFFFFF  }
0xcd: {  	(tm) =	ssettm $0x7FFFFFFF  }
tec
execute0_lowered:
.L_overlay_start_1:
0x0: {  	(tag) =	ssettag $0x1  }
0x1: {  	s3 =	rddreg [dreg:$0x0]  }
0x2: {  	s4 =	rddreg [dreg:$0x1]  }
0x3: {  	s5 =	rddreg [dreg:$0x2]  }
0x4: {  	s6 =	rddreg [dreg:$0x3]  }
0x5: {  	s7 =	rddreg [dreg:$0x4]  }
0x6: {  	s9 =	rddreg [dreg:$0x5]  }
0x7: {  	s0 =	rddreg [dreg:$0x6];
	s2 =	simm.s32 $0x0  }
0x8: {  	s8 =	srdreg.scid;
	s1 =	stileid.u32;
	s15 =	simm.s32 $0x8000  }
0x9: {  	s16 =	simm.s32 $0x10600;
	s8 =	sand.u32 $0x1, s8;
	s10 =	sshll.u32 s1, $0x1  }
0xa: {  	s17 =	simm.s32 $0x0;
	[smem:$0x7FF] =	sst s2;
	s10 =	sor.u32 s8, s10  }
0xb: {  	_ =	strace $0x80000047;
	s8 =	ssub.s32 $0x2, s8;
	s11 =	sshll.u32 s10, $0x6  }
0xc: {  	s10 =	sshll.u32 s10, $0xC;
	s12 =	sshrl.u32 s8, $0x1;
	s13 =	sadd.s32 s11, s4  }
.Ltmp0:
0xd: {  	s14 =	sadd.s32 s10, s4;
	s12 =	ssub.s32 s8, s12;
	(pc) =	sbr.rel .LBB2_1-.Ltmp0, $4  }
0xe: {  	s3 =	sadd.s32 s3, s11;
	s5 =	sadd.s32 s5, s11;
	s6 =	sadd.s32 s6, s10  }
0xf: {  	s7 =	sadd.s32 s7, s10;
	s9 =	sadd.s32 s9, s11;
	s11 =	simm.s32 $0x10000  }
0x10: {  	s4 =	sadd.s32 $0x1600, s13;
	s8 =	sadd.s32 $0x1E00, s14;
	s10 =	smax.u32 s12, $0x1  }
0x11: {  	v0 =	vimm.s32 $0x0;
	s12 =	simm.s32 $0x1;
	s13 =	simm.s32 $0x10200;
	s14 =	simm.s32 $0x10400  }
.LBB2_35:
0x12: {  	[hbm4b:s8+s2] =	stream.linear.scatter [tilespmem:s2], [sflag:$0x1], $0x8000, $0x38;
	[tilespmem:$0x10800] =	vst v63  }
0x13: {  	s17 =	sadd.s32 $0x1, s17;
	_ =	swait.ge [sflag:s12], $0x8000  }
0x14: {  	p0 =	sne.s32 s17, s10;
	[sflag:s12] =	ssyncset.done $0x0  }
.Ltmp1:
0x15: {  	[sflag:s12] =	ssyncadd.s32 $0xFFFF8000;
	(pc) =	sbr.rel @!p0 .LBB2_36-.Ltmp1, $4  }
0x16: {  	[hbm4b:s9+s2] =	stream.linear.scatter [tilespmem:s16], [sflag:$0x1], $0x200, $0x38;
	[tilespmem:$0x10800] =	vst v63  }
0x17: {  	_ =	swait.ge [sflag:s12], $0x200  }
0x18: {  	[sflag:s12] =	ssyncset.done $0x0  }
0x19: {  	[sflag:s12] =	ssyncadd.s32 $0xFFFFFE00  }
.LBB2_1:
0x1a: {  	[tilespmem:s11], [sflag:$0x1] =	stream.linear.gather [hbm4b:s3+s2], $0x200, $0x38;
	[tilespmem:$0x10800] =	vst v63  }
0x1b: {  	_ =	swait.ge [sflag:s12], $0x200  }
0x1c: {  	[sflag:s12] =	ssyncset.done $0x0  }
0x1d: {  	[sflag:s12] =	ssyncadd.s32 $0xFFFFFE00  }
0x1e: {  	[tilespmem:s13], [sflag:$0x1] =	stream.linear.gather [hbm4b:s4+s2], $0x200, $0x38;
	[tilespmem:$0x10800] =	vst v63  }
0x1f: {  	_ =	swait.ge [sflag:s12], $0x200  }
0x20: {  	[sflag:s12] =	ssyncset.done $0x0  }
0x21: {  	[sflag:s12] =	ssyncadd.s32 $0xFFFFFE00  }
0x22: {  	[tilespmem:s14], [sflag:$0x1] =	stream.linear.gather [hbm4b:s5+s2], $0x200, $0x38;
	[tilespmem:$0x10800] =	vst v63  }
0x23: {  	_ =	swait.ge [sflag:s12], $0x200  }
0x24: {  	[sflag:s12] =	ssyncset.done $0x0  }
0x25: {  	[sflag:s12] =	ssyncadd.s32 $0xFFFFFE00  }
0x26: {  	[tilespmem:s2], [sflag:$0x1] =	stream.linear.gather [hbm4b:s6+s2], $0x8000, $0x38;
	[tilespmem:$0x10800] =	vst v63  }
0x27: {  	_ =	swait.ge [sflag:s12], $0x8000  }
0x28: {  	[sflag:s12] =	ssyncset.done $0x0  }
.Ltmp2:
0x29: {  	[sflag:s12] =	ssyncadd.s32 $0xFFFF8000;
	(pc) =	sbr.rel .LBB2_2-.Ltmp2, $4  }
0x2a: {  	[tilespmem:s15], [sflag:$0x1] =	stream.linear.gather [hbm4b:s7+s2], $0x8000, $0x38;
	[tilespmem:$0x10800] =	vst v63  }
0x2b: {  	_ =	swait.ge [sflag:s12], $0x8000  }
0x2c: {  	s18 =	simm.s32 $0x200;
	[sflag:s12] =	ssyncset.done $0x0  }
0x2d: {  	s19 =	simm.s32 $0x8200;
	s20 =	simm.s32 $0x0;
	[sflag:s12] =	ssyncadd.s32 $0xFFFF8000  }
.LBB2_34:
0x2e: {  	s20 =	sadd.s32 $0x40, s20  }
0x2f: {  	p0 =	sne.s32 s20, $0x800  }
.Ltmp3:
0x30: {  	_ = 	snop;
	(pc) =	sbr.rel @!p0 .LBB2_35-.Ltmp3, $2  }
0x31: {  	_ =	sdelay $0x2  }
0x32: {  	s18 =	sadd.s32 $0x400, s18;
	s19 =	sadd.s32 $0x400, s19  }
.LBB2_2:
0x33: {  	s21 =	sshra.s32 s20, $0x2  }
0x34: {  	v2 =	vld [tilespmem:s21+$0x10000]  }
0x35: {  	v1 =	vld [tilespmem:s21+$0x10200];
	_ =	sdelay $0x4  }
0x36: {  	vm0 =	vne.s32 v1, $0x0;
	vm1 =	vlt.s32 v2, $0x1  }
0x37: {  	vm0 =	vmor vm1, vm0  }
0x38: {  	v1 =	vsel vm0, $0x1, v0  }
0x39: {  	(v2sf) =	vpush v1, $0x0;
	_ =	sdelay $0xd  }
0x3a: {  	v3 =	vld [tilespmem:s21+$0x10400]  }
0x3b: {  	s22 =	spop (v2sf)  }
0x3c: {  	p0 =	seq.s32 s22, $0x0  }
.Ltmp4:
0x3d: {  	_ = 	snop;
	(pc) =	sbr.rel @p0 .LBB2_4-.Ltmp4, $4  }
0x3e: {  	_ = 	snop  }
0x3f: {  	v2 =	vsel vm0, v3, v2  }
0x40: {  	v2 =	vadd.s32 $0xFFFFFFFF, v2  }
0x41: {  	[tilespmem:s21+$0x10600] =	vst v2  }
0x42: {  	v2 =	vld [tilespmem:s19+$0xFFFFFE00]  }
0x43: {  	v3 =	vld [tilespmem:s19+$0xFFFFFE10];
	_ =	sdelay $0x1  }
0x44: {  	v4 =	vld [tilespmem:s19+$0xFFFFFE20];
	_ =	sdelay $0x1  }
0x45: {  	v5 =	vld [tilespmem:s19+$0xFFFFFE30]  }
0x46: {  	v6 =	vmul.f32 v2, v2;
	v7 =	vmul.f32 v3, v3;
	_ =	sdelay $0x1  }
0x47: {  	v60 =	vmul.f32 v4, v4;
	v6 =	vadd.f32 v7, v6;
	_ =	sdelay $0x1  }
0x48: {  	v61 =	vmul.f32 v5, v5;
	v6 =	vadd.f32 v60, v6;
	_ =	sdelay $0x1  }
0x49: {  	v6 =	vadd.f32 v61, v6;
	_ =	sdelay $0x1  }
0x4a: {  	(v2sf) =	vpush v6, $0x0  }
0x4b: {  	(v2sf) =	vpush v6, $0x1;
	_ =	sdelay $0x1  }
0x4c: {  	(v2sf) =	vpush v6, $0x2;
	_ =	sdelay $0x1  }
0x4d: {  	(v2sf) =	vpush v6, $0x3;
	_ =	sdelay $0x1  }
0x4e: {  	(v2sf) =	vpush v6, $0x4;
	_ =	sdelay $0x1  }
0x4f: {  	(v2sf) =	vpush v6, $0x5;
	_ =	sdelay $0x1  }
0x50: {  	(v2sf) =	vpush v6, $0x6;
	_ =	sdelay $0x1  }
0x51: {  	(v2sf) =	vpush v6, $0x7;
	_ =	sdelay $0x1  }
0x52: {  	s21 =	spop (v2sf);
	(v2sf) =	vpush v6, $0x8  }
0x53: {  	s22 =	spop (v2sf)  }
0x54: {  	(v2sf) =	vpush v6, $0x9;
	s21 =	sadd.f32 s22, s21  }
0x55: {  	s25 =	spop (v2sf)  }
0x56: {  	(v2sf) =	vpush v6, $0xA;
	s21 =	sadd.f32 s21, s25  }
0x57: {  	s26 =	spop (v2sf)  }
0x58: {  	(v2sf) =	vpush v6, $0xB;
	s21 =	sadd.f32 s21, s26  }
0x59: {  	s28 =	spop (v2sf)  }
0x5a: {  	(v2sf) =	vpush v6, $0xC;
	s21 =	sadd.f32 s21, s28  }
0x5b: {  	s29 =	spop (v2sf)  }
0x5c: {  	(v2sf) =	vpush v6, $0xD;
	s21 =	sadd.f32 s21, s29  }
0x5d: {  	s30 =	spop (v2sf)  }
0x5e: {  	(v2sf) =	vpush v6, $0xE;
	s21 =	sadd.f32 s21, s30  }
0x5f: {  	s31 =	spop (v2sf)  }
0x60: {  	(v2sf) =	vpush v6, $0xF;
	s21 =	sadd.f32 s21, s31  }
0x61: {  	s23 =	spop (v2sf)  }
0x62: {  	s21 =	sadd.f32 s21, s23  }
0x63: {  	s24 =	spop (v2sf)  }
0x64: {  	s21 =	sadd.f32 s21, s24  }
0x65: {  	s25 =	spop (v2sf)  }
0x66: {  	s21 =	sadd.f32 s21, s25  }
0x67: {  	s26 =	spop (v2sf)  }
0x68: {  	s21 =	sadd.f32 s21, s26  }
0x69: {  	s28 =	spop (v2sf)  }
0x6a: {  	s21 =	sadd.f32 s21, s28  }
0x6b: {  	s29 =	spop (v2sf)  }
0x6c: {  	s21 =	sadd.f32 s21, s29  }
0x6d: {  	s30 =	spop (v2sf)  }
0x6e: {  	s21 =	sadd.f32 s21, s30  }
0x6f: {  	s31 =	spop (v2sf)  }
0x70: {  	s21 =	sadd.f32 s21, s31;
	_ =	sdelay $0x1  }
0x71: {  	v62 =	vmov s21  }
0x72: {  	v6 =	vmax.f32 v62, $9.999999960e-13  }
0x73: {  	v6 =	vbroadcast v6, $0x0;
	_ =	sdelay $0x1  }
0x74: {  	v63 =	vshra.s32 v6, $0x1;
	v8 =	vmul.f32 $5.000000000e-01, v6  }
0x75: {  	v7 =	vsub.s32 $0x5F3759DF, v63  }
0x76: {  	v9 =	vmul.f32 v7, v8;
	_ =	sdelay $0x1  }
0x77: {  	v9 =	vmul.f32 v7, v9;
	_ =	sdelay $0x1  }
0x78: {  	v9 =	vsub.f32 $1.500000000e+00, v9;
	_ =	sdelay $0x1  }
0x79: {  	v7 =	vmul.f32 v7, v9;
	_ =	sdelay $0x1  }
0x7a: {  	v9 =	vmul.f32 v7, v8;
	_ =	sdelay $0x1  }
0x7b: {  	v9 =	vmul.f32 v9, v7;
	_ =	sdelay $0x1  }
0x7c: {  	v9 =	vsub.f32 $1.500000000e+00, v9;
	_ =	sdelay $0x1  }
0x7d: {  	v7 =	vmul.f32 v9, v7;
	_ =	sdelay $0x1  }
0x7e: {  	v9 =	vmul.f32 v7, v8;
	_ =	sdelay $0x1  }
0x7f: {  	v9 =	vmul.f32 v9, v7;
	_ =	sdelay $0x1  }
0x80: {  	v9 =	vsub.f32 $1.500000000e+00, v9;
	_ =	sdelay $0x1  }
0x81: {  	v7 =	vmul.f32 v9, v7;
	_ =	sdelay $0x1  }
0x82: {  	v8 =	vmul.f32 v7, v8;
	_ =	sdelay $0x1  }
0x83: {  	v8 =	vmul.f32 v8, v7;
	_ =	sdelay $0x1  }
0x84: {  	v8 =	vsub.f32 $1.500000000e+00, v8;
	_ =	sdelay $0x1  }
0x85: {  	v7 =	vmul.f32 v8, v7;
	_ =	sdelay $0x1  }
0x86: {  	v6 =	vmul.f32 v7, v6;
	_ =	sdelay $0x1  }
0x87: {  	v6 =	vmax.f32 v6, $9.999999970e-07  }
0x88: {  	(erf) = vrcp.f32 v6;
	_ =	sdelay $0x8  }
0x89: {  	v6 =	vpop (erf)  }
0x8a: {  	v2 =	vmul.f32 v6, v2  }
0x8b: {  	v3 =	vmul.f32 v6, v3  }
0x8c: {  	[tilespmem:s18+$0xFFFFFE00] =	vst v2;
	v2 =	vmul.f32 v6, v4  }
0x8d: {  	[tilespmem:s18+$0xFFFFFE10] =	vst v3;
	v3 =	vmul.f32 v6, v5  }
0x8e: {  	[tilespmem:s18+$0xFFFFFE20] =	vst v2  }
0x8f: {  	[tilespmem:s18+$0xFFFFFE30] =	vst v3  }
.LBB2_4:
0x90: {  	(v2sf) =	vpush v1, $0x1;
	_ =	sdelay $0xe  }
0x91: {  	s21 =	spop (v2sf)  }
0x92: {  	p0 =	seq.s32 s21, $0x0  }
.Ltmp5:
0x93: {  	_ = 	snop;
	(pc) =	sbr.rel @p0 .LBB2_6-.Ltmp5, $1  }
0x94: {  	_ =	sdelay $0x3  }
0x95: {  	v2 =	vld [tilespmem:s19+$0xFFFFFE40]  }
0x96: {  	v3 =	vld [tilespmem:s19+$0xFFFFFE50];
	_ =	sdelay $0x1  }
0x97: {  	v4 =	vld [tilespmem:s19+$0xFFFFFE60];
	_ =	sdelay $0x1  }
0x98: {  	v5 =	vld [tilespmem:s19+$0xFFFFFE70]  }
0x99: {  	v6 =	vmul.f32 v2, v2;
	v7 =	vmul.f32 v3, v3;
	_ =	sdelay $0x1  }
0x9a: {  	v60 =	vmul.f32 v4, v4;
	v6 =	vadd.f32 v7, v6;
	_ =	sdelay $0x1  }
0x9b: {  	v61 =	vmul.f32 v5, v5;
	v6 =	vadd.f32 v60, v6;
	_ =	sdelay $0x1  }
0x9c: {  	v6 =	vadd.f32 v61, v6;
	_ =	sdelay $0x1  }
0x9d: {  	(v2sf) =	vpush v6, $0x0  }
0x9e: {  	(v2sf) =	vpush v6, $0x1;
	_ =	sdelay $0x1  }
0x9f: {  	(v2sf) =	vpush v6, $0x2;
	_ =	sdelay $0x1  }
0xa0: {  	(v2sf) =	vpush v6, $0x3;
	_ =	sdelay $0x1  }
0xa1: {  	(v2sf) =	vpush v6, $0x4;
	_ =	sdelay $0x1  }
0xa2: {  	(v2sf) =	vpush v6, $0x5;
	_ =	sdelay $0x1  }
0xa3: {  	(v2sf) =	vpush v6, $0x6;
	_ =	sdelay $0x1  }
0xa4: {  	(v2sf) =	vpush v6, $0x7;
	_ =	sdelay $0x1  }
0xa5: {  	s21 =	spop (v2sf);
	(v2sf) =	vpush v6, $0x8  }
0xa6: {  	s22 =	spop (v2sf)  }
0xa7: {  	(v2sf) =	vpush v6, $0x9;
	s21 =	sadd.f32 s22, s21  }
0xa8: {  	s25 =	spop (v2sf)  }
0xa9: {  	(v2sf) =	vpush v6, $0xA;
	s21 =	sadd.f32 s21, s25  }
0xaa: {  	s26 =	spop (v2sf)  }
0xab: {  	(v2sf) =	vpush v6, $0xB;
	s21 =	sadd.f32 s21, s26  }
0xac: {  	s28 =	spop (v2sf)  }
0xad: {  	(v2sf) =	vpush v6, $0xC;
	s21 =	sadd.f32 s21, s28  }
0xae: {  	s29 =	spop (v2sf)  }
0xaf: {  	(v2sf) =	vpush v6, $0xD;
	s21 =	sadd.f32 s21, s29  }
0xb0: {  	s30 =	spop (v2sf)  }
0xb1: {  	(v2sf) =	vpush v6, $0xE;
	s21 =	sadd.f32 s21, s30  }
0xb2: {  	s31 =	spop (v2sf)  }
0xb3: {  	(v2sf) =	vpush v6, $0xF;
	s21 =	sadd.f32 s21, s31  }
0xb4: {  	s23 =	spop (v2sf)  }
0xb5: {  	s21 =	sadd.f32 s21, s23  }
0xb6: {  	s24 =	spop (v2sf)  }
0xb7: {  	s21 =	sadd.f32 s21, s24  }
0xb8: {  	s25 =	spop (v2sf)  }
0xb9: {  	s21 =	sadd.f32 s21, s25  }
0xba: {  	s26 =	spop (v2sf)  }
0xbb: {  	s21 =	sadd.f32 s21, s26  }
0xbc: {  	s28 =	spop (v2sf)  }
0xbd: {  	s21 =	sadd.f32 s21, s28  }
0xbe: {  	s29 =	spop (v2sf)  }
0xbf: {  	s21 =	sadd.f32 s21, s29  }
0xc0: {  	s30 =	spop (v2sf)  }
0xc1: {  	s21 =	sadd.f32 s21, s30  }
0xc2: {  	s31 =	spop (v2sf)  }
0xc3: {  	s21 =	sadd.f32 s21, s31;
	_ =	sdelay $0x1  }
0xc4: {  	v62 =	vmov s21  }
0xc5: {  	v6 =	vmax.f32 v62, $9.999999960e-13  }
0xc6: {  	v6 =	vbroadcast v6, $0x0;
	_ =	sdelay $0x1  }
0xc7: {  	v63 =	vshra.s32 v6, $0x1;
	v8 =	vmul.f32 $5.000000000e-01, v6  }
0xc8: {  	v7 =	vsub.s32 $0x5F3759DF, v63  }
0xc9: {  	v9 =	vmul.f32 v7, v8;
	_ =	sdelay $0x1  }
0xca: {  	v9 =	vmul.f32 v7, v9;
	_ =	sdelay $0x1  }
0xcb: {  	v9 =	vsub.f32 $1.500000000e+00, v9;
	_ =	sdelay $0x1  }
0xcc: {  	v7 =	vmul.f32 v7, v9;
	_ =	sdelay $0x1  }
0xcd: {  	v9 =	vmul.f32 v7, v8;
	_ =	sdelay $0x1  }
0xce: {  	v9 =	vmul.f32 v9, v7;
	_ =	sdelay $0x1  }
0xcf: {  	v9 =	vsub.f32 $1.500000000e+00, v9;
	_ =	sdelay $0x1  }
0xd0: {  	v7 =	vmul.f32 v9, v7;
	_ =	sdelay $0x1  }
0xd1: {  	v9 =	vmul.f32 v7, v8;
	_ =	sdelay $0x1  }
0xd2: {  	v9 =	vmul.f32 v9, v7;
	_ =	sdelay $0x1  }
0xd3: {  	v9 =	vsub.f32 $1.500000000e+00, v9;
	_ =	sdelay $0x1  }
0xd4: {  	v7 =	vmul.f32 v9, v7;
	_ =	sdelay $0x1  }
0xd5: {  	v8 =	vmul.f32 v7, v8;
	_ =	sdelay $0x1  }
0xd6: {  	v8 =	vmul.f32 v8, v7;
	_ =	sdelay $0x1  }
0xd7: {  	v8 =	vsub.f32 $1.500000000e+00, v8;
	_ =	sdelay $0x1  }
0xd8: {  	v7 =	vmul.f32 v8, v7;
	_ =	sdelay $0x1  }
0xd9: {  	v6 =	vmul.f32 v7, v6;
	_ =	sdelay $0x1  }
0xda: {  	v6 =	vmax.f32 v6, $9.999999970e-07  }
0xdb: {  	(erf) = vrcp.f32 v6;
	_ =	sdelay $0x8  }
0xdc: {  	v6 =	vpop (erf)  }
0xdd: {  	v2 =	vmul.f32 v6, v2  }
0xde: {  	v3 =	vmul.f32 v6, v3  }
0xdf: {  	[tilespmem:s18+$0xFFFFFE40] =	vst v2;
	v2 =	vmul.f32 v6, v4  }
0xe0: {  	[tilespmem:s18+$0xFFFFFE50] =	vst v3;
	v3 =	vmul.f32 v6, v5  }
0xe1: {  	[tilespmem:s18+$0xFFFFFE60] =	vst v2  }
0xe2: {  	[tilespmem:s18+$0xFFFFFE70] =	vst v3  }
.LBB2_6:
0xe3: {  	(v2sf) =	vpush v1, $0x2;
	_ =	sdelay $0xe  }
0xe4: {  	s21 =	spop (v2sf)  }
0xe5: {  	p0 =	seq.s32 s21, $0x0  }
.Ltmp6:
0xe6: {  	_ = 	snop;
	(pc) =	sbr.rel @p0 .LBB2_8-.Ltmp6, $1  }
0xe7: {  	_ =	sdelay $0x3  }
0xe8: {  	v2 =	vld [tilespmem:s19+$0xFFFFFE80]  }
0xe9: {  	v3 =	vld [tilespmem:s19+$0xFFFFFE90];
	_ =	sdelay $0x1  }
0xea: {  	v4 =	vld [tilespmem:s19+$0xFFFFFEA0];
	_ =	sdelay $0x1  }
0xeb: {  	v5 =	vld [tilespmem:s19+$0xFFFFFEB0]  }
0xec: {  	v6 =	vmul.f32 v2, v2;
	v7 =	vmul.f32 v3, v3;
	_ =	sdelay $0x1  }
0xed: {  	v60 =	vmul.f32 v4, v4;
	v6 =	vadd.f32 v7, v6;
	_ =	sdelay $0x1  }
0xee: {  	v61 =	vmul.f32 v5, v5;
	v6 =	vadd.f32 v60, v6;
	_ =	sdelay $0x1  }
0xef: {  	v6 =	vadd.f32 v61, v6;
	_ =	sdelay $0x1  }
0xf0: {  	(v2sf) =	vpush v6, $0x0  }
0xf1: {  	(v2sf) =	vpush v6, $0x1;
	_ =	sdelay $0x1  }
0xf2: {  	(v2sf) =	vpush v6, $0x2;
	_ =	sdelay $0x1  }
0xf3: {  	(v2sf) =	vpush v6, $0x3;
	_ =	sdelay $0x1  }
0xf4: {  	(v2sf) =	vpush v6, $0x4;
	_ =	sdelay $0x1  }
0xf5: {  	(v2sf) =	vpush v6, $0x5;
	_ =	sdelay $0x1  }
0xf6: {  	(v2sf) =	vpush v6, $0x6;
	_ =	sdelay $0x1  }
0xf7: {  	(v2sf) =	vpush v6, $0x7;
	_ =	sdelay $0x1  }
0xf8: {  	s21 =	spop (v2sf);
	(v2sf) =	vpush v6, $0x8  }
0xf9: {  	s22 =	spop (v2sf)  }
0xfa: {  	(v2sf) =	vpush v6, $0x9;
	s21 =	sadd.f32 s22, s21  }
0xfb: {  	s25 =	spop (v2sf)  }
0xfc: {  	(v2sf) =	vpush v6, $0xA;
	s21 =	sadd.f32 s21, s25  }
0xfd: {  	s26 =	spop (v2sf)  }
0xfe: {  	(v2sf) =	vpush v6, $0xB;
	s21 =	sadd.f32 s21, s26  }
0xff: {  	s28 =	spop (v2sf)  }
0x100: {  	(v2sf) =	vpush v6, $0xC;
	s21 =	sadd.f32 s21, s28  }
0x101: {  	s29 =	spop (v2sf)  }
0x102: {  	(v2sf) =	vpush v6, $0xD;
	s21 =	sadd.f32 s21, s29  }
0x103: {  	s30 =	spop (v2sf)  }
0x104: {  	(v2sf) =	vpush v6, $0xE;
	s21 =	sadd.f32 s21, s30  }
0x105: {  	s31 =	spop (v2sf)  }
0x106: {  	(v2sf) =	vpush v6, $0xF;
	s21 =	sadd.f32 s21, s31  }
0x107: {  	s23 =	spop (v2sf)  }
0x108: {  	s21 =	sadd.f32 s21, s23  }
0x109: {  	s24 =	spop (v2sf)  }
0x10a: {  	s21 =	sadd.f32 s21, s24  }
0x10b: {  	s25 =	spop (v2sf)  }
0x10c: {  	s21 =	sadd.f32 s21, s25  }
0x10d: {  	s26 =	spop (v2sf)  }
0x10e: {  	s21 =	sadd.f32 s21, s26  }
0x10f: {  	s28 =	spop (v2sf)  }
0x110: {  	s21 =	sadd.f32 s21, s28  }
0x111: {  	s29 =	spop (v2sf)  }
0x112: {  	s21 =	sadd.f32 s21, s29  }
0x113: {  	s30 =	spop (v2sf)  }
0x114: {  	s21 =	sadd.f32 s21, s30  }
0x115: {  	s31 =	spop (v2sf)  }
0x116: {  	s21 =	sadd.f32 s21, s31;
	_ =	sdelay $0x1  }
0x117: {  	v62 =	vmov s21  }
0x118: {  	v6 =	vmax.f32 v62, $9.999999960e-13  }
0x119: {  	v6 =	vbroadcast v6, $0x0;
	_ =	sdelay $0x1  }
0x11a: {  	v63 =	vshra.s32 v6, $0x1;
	v8 =	vmul.f32 $5.000000000e-01, v6  }
0x11b: {  	v7 =	vsub.s32 $0x5F3759DF, v63  }
0x11c: {  	v9 =	vmul.f32 v7, v8;
	_ =	sdelay $0x1  }
0x11d: {  	v9 =	vmul.f32 v7, v9;
	_ =	sdelay $0x1  }
0x11e: {  	v9 =	vsub.f32 $1.500000000e+00, v9;
	_ =	sdelay $0x1  }
0x11f: {  	v7 =	vmul.f32 v7, v9;
	_ =	sdelay $0x1  }
0x120: {  	v9 =	vmul.f32 v7, v8;
	_ =	sdelay $0x1  }
0x121: {  	v9 =	vmul.f32 v9, v7;
	_ =	sdelay $0x1  }
0x122: {  	v9 =	vsub.f32 $1.500000000e+00, v9;
	_ =	sdelay $0x1  }
0x123: {  	v7 =	vmul.f32 v9, v7;
	_ =	sdelay $0x1  }
0x124: {  	v9 =	vmul.f32 v7, v8;
	_ =	sdelay $0x1  }
0x125: {  	v9 =	vmul.f32 v9, v7;
	_ =	sdelay $0x1  }
0x126: {  	v9 =	vsub.f32 $1.500000000e+00, v9;
	_ =	sdelay $0x1  }
0x127: {  	v7 =	vmul.f32 v9, v7;
	_ =	sdelay $0x1  }
0x128: {  	v8 =	vmul.f32 v7, v8;
	_ =	sdelay $0x1  }
0x129: {  	v8 =	vmul.f32 v8, v7;
	_ =	sdelay $0x1  }
0x12a: {  	v8 =	vsub.f32 $1.500000000e+00, v8;
	_ =	sdelay $0x1  }
0x12b: {  	v7 =	vmul.f32 v8, v7;
	_ =	sdelay $0x1  }
0x12c: {  	v6 =	vmul.f32 v7, v6;
	_ =	sdelay $0x1  }
0x12d: {  	v6 =	vmax.f32 v6, $9.999999970e-07  }
0x12e: {  	(erf) = vrcp.f32 v6;
	_ =	sdelay $0x8  }
0x12f: {  	v6 =	vpop (erf)  }
0x130: {  	v2 =	vmul.f32 v6, v2  }
0x131: {  	v3 =	vmul.f32 v6, v3  }
0x132: {  	[tilespmem:s18+$0xFFFFFE80] =	vst v2;
	v2 =	vmul.f32 v6, v4  }
0x133: {  	[tilespmem:s18+$0xFFFFFE90] =	vst v3;
	v3 =	vmul.f32 v6, v5  }
0x134: {  	[tilespmem:s18+$0xFFFFFEA0] =	vst v2  }
0x135: {  	[tilespmem:s18+$0xFFFFFEB0] =	vst v3  }
.LBB2_8:
0x136: {  	(v2sf) =	vpush v1, $0x3;
	_ =	sdelay $0xe  }
0x137: {  	s21 =	spop (v2sf)  }
0x138: {  	p0 =	seq.s32 s21, $0x0  }
.Ltmp7:
0x139: {  	_ = 	snop;
	(pc) =	sbr.rel @p0 .LBB2_10-.Ltmp7, $1  }
0x13a: {  	_ =	sdelay $0x3  }
0x13b: {  	v2 =	vld [tilespmem:s19+$0xFFFFFEC0]  }
0x13c: {  	v3 =	vld [tilespmem:s19+$0xFFFFFED0];
	_ =	sdelay $0x1  }
0x13d: {  	v4 =	vld [tilespmem:s19+$0xFFFFFEE0];
	_ =	sdelay $0x1  }
0x13e: {  	v5 =	vld [tilespmem:s19+$0xFFFFFEF0]  }
0x13f: {  	v6 =	vmul.f32 v2, v2;
	v7 =	vmul.f32 v3, v3;
	_ =	sdelay $0x1  }
0x140: {  	v60 =	vmul.f32 v4, v4;
	v6 =	vadd.f32 v7, v6;
	_ =	sdelay $0x1  }
0x141: {  	v61 =	vmul.f32 v5, v5;
	v6 =	vadd.f32 v60, v6;
	_ =	sdelay $0x1  }
0x142: {  	v6 =	vadd.f32 v61, v6;
	_ =	sdelay $0x1  }
0x143: {  	(v2sf) =	vpush v6, $0x0  }
0x144: {  	(v2sf) =	vpush v6, $0x1;
	_ =	sdelay $0x1  }
0x145: {  	(v2sf) =	vpush v6, $0x2;
	_ =	sdelay $0x1  }
0x146: {  	(v2sf) =	vpush v6, $0x3;
	_ =	sdelay $0x1  }
0x147: {  	(v2sf) =	vpush v6, $0x4;
	_ =	sdelay $0x1  }
0x148: {  	(v2sf) =	vpush v6, $0x5;
	_ =	sdelay $0x1  }
0x149: {  	(v2sf) =	vpush v6, $0x6;
	_ =	sdelay $0x1  }
0x14a: {  	(v2sf) =	vpush v6, $0x7;
	_ =	sdelay $0x1  }
0x14b: {  	s21 =	spop (v2sf);
	(v2sf) =	vpush v6, $0x8  }
0x14c: {  	s22 =	spop (v2sf)  }
0x14d: {  	(v2sf) =	vpush v6, $0x9;
	s21 =	sadd.f32 s22, s21  }
0x14e: {  	s25 =	spop (v2sf)  }
0x14f: {  	(v2sf) =	vpush v6, $0xA;
	s21 =	sadd.f32 s21, s25  }
0x150: {  	s26 =	spop (v2sf)  }
0x151: {  	(v2sf) =	vpush v6, $0xB;
	s21 =	sadd.f32 s21, s26  }
0x152: {  	s28 =	spop (v2sf)  }
0x153: {  	(v2sf) =	vpush v6, $0xC;
	s21 =	sadd.f32 s21, s28  }
0x154: {  	s29 =	spop (v2sf)  }
0x155: {  	(v2sf) =	vpush v6, $0xD;
	s21 =	sadd.f32 s21, s29  }
0x156: {  	s30 =	spop (v2sf)  }
0x157: {  	(v2sf) =	vpush v6, $0xE;
	s21 =	sadd.f32 s21, s30  }
0x158: {  	s31 =	spop (v2sf)  }
0x159: {  	(v2sf) =	vpush v6, $0xF;
	s21 =	sadd.f32 s21, s31  }
0x15a: {  	s23 =	spop (v2sf)  }
0x15b: {  	s21 =	sadd.f32 s21, s23  }
0x15c: {  	s24 =	spop (v2sf)  }
0x15d: {  	s21 =	sadd.f32 s21, s24  }
0x15e: {  	s25 =	spop (v2sf)  }
0x15f: {  	s21 =	sadd.f32 s21, s25  }
0x160: {  	s26 =	spop (v2sf)  }
0x161: {  	s21 =	sadd.f32 s21, s26  }
0x162: {  	s28 =	spop (v2sf)  }
0x163: {  	s21 =	sadd.f32 s21, s28  }
0x164: {  	s29 =	spop (v2sf)  }
0x165: {  	s21 =	sadd.f32 s21, s29  }
0x166: {  	s30 =	spop (v2sf)  }
0x167: {  	s21 =	sadd.f32 s21, s30  }
0x168: {  	s31 =	spop (v2sf)  }
0x169: {  	s21 =	sadd.f32 s21, s31;
	_ =	sdelay $0x1  }
0x16a: {  	v62 =	vmov s21  }
0x16b: {  	v6 =	vmax.f32 v62, $9.999999960e-13  }
0x16c: {  	v6 =	vbroadcast v6, $0x0;
	_ =	sdelay $0x1  }
0x16d: {  	v63 =	vshra.s32 v6, $0x1;
	v8 =	vmul.f32 $5.000000000e-01, v6  }
0x16e: {  	v7 =	vsub.s32 $0x5F3759DF, v63  }
0x16f: {  	v9 =	vmul.f32 v7, v8;
	_ =	sdelay $0x1  }
0x170: {  	v9 =	vmul.f32 v7, v9;
	_ =	sdelay $0x1  }
0x171: {  	v9 =	vsub.f32 $1.500000000e+00, v9;
	_ =	sdelay $0x1  }
0x172: {  	v7 =	vmul.f32 v7, v9;
	_ =	sdelay $0x1  }
0x173: {  	v9 =	vmul.f32 v7, v8;
	_ =	sdelay $0x1  }
0x174: {  	v9 =	vmul.f32 v9, v7;
	_ =	sdelay $0x1  }
0x175: {  	v9 =	vsub.f32 $1.500000000e+00, v9;
	_ =	sdelay $0x1  }
0x176: {  	v7 =	vmul.f32 v9, v7;
	_ =	sdelay $0x1  }
0x177: {  	v9 =	vmul.f32 v7, v8;
	_ =	sdelay $0x1  }
0x178: {  	v9 =	vmul.f32 v9, v7;
	_ =	sdelay $0x1  }
0x179: {  	v9 =	vsub.f32 $1.500000000e+00, v9;
	_ =	sdelay $0x1  }
0x17a: {  	v7 =	vmul.f32 v9, v7;
	_ =	sdelay $0x1  }
0x17b: {  	v8 =	vmul.f32 v7, v8;
	_ =	sdelay $0x1  }
0x17c: {  	v8 =	vmul.f32 v8, v7;
	_ =	sdelay $0x1  }
0x17d: {  	v8 =	vsub.f32 $1.500000000e+00, v8;
	_ =	sdelay $0x1  }
0x17e: {  	v7 =	vmul.f32 v8, v7;
	_ =	sdelay $0x1  }
0x17f: {  	v6 =	vmul.f32 v7, v6;
	_ =	sdelay $0x1  }
0x180: {  	v6 =	vmax.f32 v6, $9.999999970e-07  }
0x181: {  	(erf) = vrcp.f32 v6;
	_ =	sdelay $0x8  }
0x182: {  	v6 =	vpop (erf)  }
0x183: {  	v2 =	vmul.f32 v6, v2  }
0x184: {  	v3 =	vmul.f32 v6, v3  }
0x185: {  	[tilespmem:s18+$0xFFFFFEC0] =	vst v2;
	v2 =	vmul.f32 v6, v4  }
0x186: {  	[tilespmem:s18+$0xFFFFFED0] =	vst v3;
	v3 =	vmul.f32 v6, v5  }
0x187: {  	[tilespmem:s18+$0xFFFFFEE0] =	vst v2  }
0x188: {  	[tilespmem:s18+$0xFFFFFEF0] =	vst v3  }
.LBB2_10:
0x189: {  	(v2sf) =	vpush v1, $0x4;
	_ =	sdelay $0xe  }
0x18a: {  	s21 =	spop (v2sf)  }
0x18b: {  	p0 =	seq.s32 s21, $0x0  }
.Ltmp8:
0x18c: {  	_ = 	snop;
	(pc) =	sbr.rel @p0 .LBB2_12-.Ltmp8, $1  }
0x18d: {  	_ =	sdelay $0x3  }
0x18e: {  	v2 =	vld [tilespmem:s19+$0xFFFFFF00]  }
0x18f: {  	v3 =	vld [tilespmem:s19+$0xFFFFFF10];
	_ =	sdelay $0x1  }
0x190: {  	v4 =	vld [tilespmem:s19+$0xFFFFFF20];
	_ =	sdelay $0x1  }
0x191: {  	v5 =	vld [tilespmem:s19+$0xFFFFFF30]  }
0x192: {  	v6 =	vmul.f32 v2, v2;
	v7 =	vmul.f32 v3, v3;
	_ =	sdelay $0x1  }
0x193: {  	v60 =	vmul.f32 v4, v4;
	v6 =	vadd.f32 v7, v6;
	_ =	sdelay $0x1  }
0x194: {  	v61 =	vmul.f32 v5, v5;
	v6 =	vadd.f32 v60, v6;
	_ =	sdelay $0x1  }
0x195: {  	v6 =	vadd.f32 v61, v6;
	_ =	sdelay $0x1  }
0x196: {  	(v2sf) =	vpush v6, $0x0  }
0x197: {  	(v2sf) =	vpush v6, $0x1;
	_ =	sdelay $0x1  }
0x198: {  	(v2sf) =	vpush v6, $0x2;
	_ =	sdelay $0x1  }
0x199: {  	(v2sf) =	vpush v6, $0x3;
	_ =	sdelay $0x1  }
0x19a: {  	(v2sf) =	vpush v6, $0x4;
	_ =	sdelay $0x1  }
0x19b: {  	(v2sf) =	vpush v6, $0x5;
	_ =	sdelay $0x1  }
0x19c: {  	(v2sf) =	vpush v6, $0x6;
	_ =	sdelay $0x1  }
0x19d: {  	(v2sf) =	vpush v6, $0x7;
	_ =	sdelay $0x1  }
0x19e: {  	s21 =	spop (v2sf);
	(v2sf) =	vpush v6, $0x8  }
0x19f: {  	s22 =	spop (v2sf)  }
0x1a0: {  	(v2sf) =	vpush v6, $0x9;
	s21 =	sadd.f32 s22, s21  }
0x1a1: {  	s25 =	spop (v2sf)  }
0x1a2: {  	(v2sf) =	vpush v6, $0xA;
	s21 =	sadd.f32 s21, s25  }
0x1a3: {  	s26 =	spop (v2sf)  }
0x1a4: {  	(v2sf) =	vpush v6, $0xB;
	s21 =	sadd.f32 s21, s26  }
0x1a5: {  	s28 =	spop (v2sf)  }
0x1a6: {  	(v2sf) =	vpush v6, $0xC;
	s21 =	sadd.f32 s21, s28  }
0x1a7: {  	s29 =	spop (v2sf)  }
0x1a8: {  	(v2sf) =	vpush v6, $0xD;
	s21 =	sadd.f32 s21, s29  }
0x1a9: {  	s30 =	spop (v2sf)  }
0x1aa: {  	(v2sf) =	vpush v6, $0xE;
	s21 =	sadd.f32 s21, s30  }
0x1ab: {  	s31 =	spop (v2sf)  }
0x1ac: {  	(v2sf) =	vpush v6, $0xF;
	s21 =	sadd.f32 s21, s31  }
0x1ad: {  	s23 =	spop (v2sf)  }
0x1ae: {  	s21 =	sadd.f32 s21, s23  }
0x1af: {  	s24 =	spop (v2sf)  }
0x1b0: {  	s21 =	sadd.f32 s21, s24  }
0x1b1: {  	s25 =	spop (v2sf)  }
0x1b2: {  	s21 =	sadd.f32 s21, s25  }
0x1b3: {  	s26 =	spop (v2sf)  }
0x1b4: {  	s21 =	sadd.f32 s21, s26  }
0x1b5: {  	s28 =	spop (v2sf)  }
0x1b6: {  	s21 =	sadd.f32 s21, s28  }
0x1b7: {  	s29 =	spop (v2sf)  }
0x1b8: {  	s21 =	sadd.f32 s21, s29  }
0x1b9: {  	s30 =	spop (v2sf)  }
0x1ba: {  	s21 =	sadd.f32 s21, s30  }
0x1bb: {  	s31 =	spop (v2sf)  }
0x1bc: {  	s21 =	sadd.f32 s21, s31;
	_ =	sdelay $0x1  }
0x1bd: {  	v62 =	vmov s21  }
0x1be: {  	v6 =	vmax.f32 v62, $9.999999960e-13  }
0x1bf: {  	v6 =	vbroadcast v6, $0x0;
	_ =	sdelay $0x1  }
0x1c0: {  	v63 =	vshra.s32 v6, $0x1;
	v8 =	vmul.f32 $5.000000000e-01, v6  }
0x1c1: {  	v7 =	vsub.s32 $0x5F3759DF, v63  }
0x1c2: {  	v9 =	vmul.f32 v7, v8;
	_ =	sdelay $0x1  }
0x1c3: {  	v9 =	vmul.f32 v7, v9;
	_ =	sdelay $0x1  }
0x1c4: {  	v9 =	vsub.f32 $1.500000000e+00, v9;
	_ =	sdelay $0x1  }
0x1c5: {  	v7 =	vmul.f32 v7, v9;
	_ =	sdelay $0x1  }
0x1c6: {  	v9 =	vmul.f32 v7, v8;
	_ =	sdelay $0x1  }
0x1c7: {  	v9 =	vmul.f32 v9, v7;
	_ =	sdelay $0x1  }
0x1c8: {  	v9 =	vsub.f32 $1.500000000e+00, v9;
	_ =	sdelay $0x1  }
0x1c9: {  	v7 =	vmul.f32 v9, v7;
	_ =	sdelay $0x1  }
0x1ca: {  	v9 =	vmul.f32 v7, v8;
	_ =	sdelay $0x1  }
0x1cb: {  	v9 =	vmul.f32 v9, v7;
	_ =	sdelay $0x1  }
0x1cc: {  	v9 =	vsub.f32 $1.500000000e+00, v9;
	_ =	sdelay $0x1  }
0x1cd: {  	v7 =	vmul.f32 v9, v7;
	_ =	sdelay $0x1  }
0x1ce: {  	v8 =	vmul.f32 v7, v8;
	_ =	sdelay $0x1  }
0x1cf: {  	v8 =	vmul.f32 v8, v7;
	_ =	sdelay $0x1  }
0x1d0: {  	v8 =	vsub.f32 $1.500000000e+00, v8;
	_ =	sdelay $0x1  }
0x1d1: {  	v7 =	vmul.f32 v8, v7;
	_ =	sdelay $0x1  }
0x1d2: {  	v6 =	vmul.f32 v7, v6;
	_ =	sdelay $0x1  }
0x1d3: {  	v6 =	vmax.f32 v6, $9.999999970e-07  }
0x1d4: {  	(erf) = vrcp.f32 v6;
	_ =	sdelay $0x8  }
0x1d5: {  	v6 =	vpop (erf)  }
0x1d6: {  	v2 =	vmul.f32 v6, v2  }
0x1d7: {  	v3 =	vmul.f32 v6, v3  }
0x1d8: {  	[tilespmem:s18+$0xFFFFFF00] =	vst v2;
	v2 =	vmul.f32 v6, v4  }
0x1d9: {  	[tilespmem:s18+$0xFFFFFF10] =	vst v3;
	v3 =	vmul.f32 v6, v5  }
0x1da: {  	[tilespmem:s18+$0xFFFFFF20] =	vst v2  }
0x1db: {  	[tilespmem:s18+$0xFFFFFF30] =	vst v3  }
.LBB2_12:
0x1dc: {  	(v2sf) =	vpush v1, $0x5;
	_ =	sdelay $0xe  }
0x1dd: {  	s21 =	spop (v2sf)  }
0x1de: {  	p0 =	seq.s32 s21, $0x0  }
.Ltmp9:
0x1df: {  	_ = 	snop;
	(pc) =	sbr.rel @p0 .LBB2_14-.Ltmp9, $1  }
0x1e0: {  	_ =	sdelay $0x3  }
0x1e1: {  	v2 =	vld [tilespmem:s19+$0xFFFFFF40]  }
0x1e2: {  	v3 =	vld [tilespmem:s19+$0xFFFFFF50];
	_ =	sdelay $0x1  }
0x1e3: {  	v4 =	vld [tilespmem:s19+$0xFFFFFF60];
	_ =	sdelay $0x1  }
0x1e4: {  	v5 =	vld [tilespmem:s19+$0xFFFFFF70]  }
0x1e5: {  	v6 =	vmul.f32 v2, v2;
	v7 =	vmul.f32 v3, v3;
	_ =	sdelay $0x1  }
0x1e6: {  	v60 =	vmul.f32 v4, v4;
	v6 =	vadd.f32 v7, v6;
	_ =	sdelay $0x1  }
0x1e7: {  	v61 =	vmul.f32 v5, v5;
	v6 =	vadd.f32 v60, v6;
	_ =	sdelay $0x1  }
0x1e8: {  	v6 =	vadd.f32 v61, v6;
	_ =	sdelay $0x1  }
0x1e9: {  	(v2sf) =	vpush v6, $0x0  }
0x1ea: {  	(v2sf) =	vpush v6, $0x1;
	_ =	sdelay $0x1  }
0x1eb: {  	(v2sf) =	vpush v6, $0x2;
	_ =	sdelay $0x1  }
0x1ec: {  	(v2sf) =	vpush v6, $0x3;
	_ =	sdelay $0x1  }
0x1ed: {  	(v2sf) =	vpush v6, $0x4;
	_ =	sdelay $0x1  }
0x1ee: {  	(v2sf) =	vpush v6, $0x5;
	_ =	sdelay $0x1  }
0x1ef: {  	(v2sf) =	vpush v6, $0x6;
	_ =	sdelay $0x1  }
0x1f0: {  	(v2sf) =	vpush v6, $0x7;
	_ =	sdelay $0x1  }
0x1f1: {  	s21 =	spop (v2sf);
	(v2sf) =	vpush v6, $0x8  }
0x1f2: {  	s22 =	spop (v2sf)  }
0x1f3: {  	(v2sf) =	vpush v6, $0x9;
	s21 =	sadd.f32 s22, s21  }
0x1f4: {  	s25 =	spop (v2sf)  }
0x1f5: {  	(v2sf) =	vpush v6, $0xA;
	s21 =	sadd.f32 s21, s25  }
0x1f6: {  	s26 =	spop (v2sf)  }
0x1f7: {  	(v2sf) =	vpush v6, $0xB;
	s21 =	sadd.f32 s21, s26  }
0x1f8: {  	s28 =	spop (v2sf)  }
0x1f9: {  	(v2sf) =	vpush v6, $0xC;
	s21 =	sadd.f32 s21, s28  }
0x1fa: {  	s29 =	spop (v2sf)  }
0x1fb: {  	(v2sf) =	vpush v6, $0xD;
	s21 =	sadd.f32 s21, s29  }
0x1fc: {  	s30 =	spop (v2sf)  }
0x1fd: {  	(v2sf) =	vpush v6, $0xE;
	s21 =	sadd.f32 s21, s30  }
0x1fe: {  	s31 =	spop (v2sf)  }
0x1ff: {  	(v2sf) =	vpush v6, $0xF;
	s21 =	sadd.f32 s21, s31  }
0x200: {  	s23 =	spop (v2sf)  }
0x201: {  	s21 =	sadd.f32 s21, s23  }
0x202: {  	s24 =	spop (v2sf)  }
0x203: {  	s21 =	sadd.f32 s21, s24  }
0x204: {  	s25 =	spop (v2sf)  }
0x205: {  	s21 =	sadd.f32 s21, s25  }
0x206: {  	s26 =	spop (v2sf)  }
0x207: {  	s21 =	sadd.f32 s21, s26  }
0x208: {  	s28 =	spop (v2sf)  }
0x209: {  	s21 =	sadd.f32 s21, s28  }
0x20a: {  	s29 =	spop (v2sf)  }
0x20b: {  	s21 =	sadd.f32 s21, s29  }
0x20c: {  	s30 =	spop (v2sf)  }
0x20d: {  	s21 =	sadd.f32 s21, s30  }
0x20e: {  	s31 =	spop (v2sf)  }
0x20f: {  	s21 =	sadd.f32 s21, s31;
	_ =	sdelay $0x1  }
0x210: {  	v62 =	vmov s21  }
0x211: {  	v6 =	vmax.f32 v62, $9.999999960e-13  }
0x212: {  	v6 =	vbroadcast v6, $0x0;
	_ =	sdelay $0x1  }
0x213: {  	v63 =	vshra.s32 v6, $0x1;
	v8 =	vmul.f32 $5.000000000e-01, v6  }
0x214: {  	v7 =	vsub.s32 $0x5F3759DF, v63  }
0x215: {  	v9 =	vmul.f32 v7, v8;
	_ =	sdelay $0x1  }
0x216: {  	v9 =	vmul.f32 v7, v9;
	_ =	sdelay $0x1  }
0x217: {  	v9 =	vsub.f32 $1.500000000e+00, v9;
	_ =	sdelay $0x1  }
0x218: {  	v7 =	vmul.f32 v7, v9;
	_ =	sdelay $0x1  }
0x219: {  	v9 =	vmul.f32 v7, v8;
	_ =	sdelay $0x1  }
0x21a: {  	v9 =	vmul.f32 v9, v7;
	_ =	sdelay $0x1  }
0x21b: {  	v9 =	vsub.f32 $1.500000000e+00, v9;
	_ =	sdelay $0x1  }
0x21c: {  	v7 =	vmul.f32 v9, v7;
	_ =	sdelay $0x1  }
0x21d: {  	v9 =	vmul.f32 v7, v8;
	_ =	sdelay $0x1  }
0x21e: {  	v9 =	vmul.f32 v9, v7;
	_ =	sdelay $0x1  }
0x21f: {  	v9 =	vsub.f32 $1.500000000e+00, v9;
	_ =	sdelay $0x1  }
0x220: {  	v7 =	vmul.f32 v9, v7;
	_ =	sdelay $0x1  }
0x221: {  	v8 =	vmul.f32 v7, v8;
	_ =	sdelay $0x1  }
0x222: {  	v8 =	vmul.f32 v8, v7;
	_ =	sdelay $0x1  }
0x223: {  	v8 =	vsub.f32 $1.500000000e+00, v8;
	_ =	sdelay $0x1  }
0x224: {  	v7 =	vmul.f32 v8, v7;
	_ =	sdelay $0x1  }
0x225: {  	v6 =	vmul.f32 v7, v6;
	_ =	sdelay $0x1  }
0x226: {  	v6 =	vmax.f32 v6, $9.999999970e-07  }
0x227: {  	(erf) = vrcp.f32 v6;
	_ =	sdelay $0x8  }
0x228: {  	v6 =	vpop (erf)  }
0x229: {  	v2 =	vmul.f32 v6, v2  }
0x22a: {  	v3 =	vmul.f32 v6, v3  }
0x22b: {  	[tilespmem:s18+$0xFFFFFF40] =	vst v2;
	v2 =	vmul.f32 v6, v4  }
0x22c: {  	[tilespmem:s18+$0xFFFFFF50] =	vst v3;
	v3 =	vmul.f32 v6, v5  }
0x22d: {  	[tilespmem:s18+$0xFFFFFF60] =	vst v2  }
0x22e: {  	[tilespmem:s18+$0xFFFFFF70] =	vst v3  }
.LBB2_14:
0x22f: {  	(v2sf) =	vpush v1, $0x6;
	_ =	sdelay $0xe  }
0x230: {  	s21 =	spop (v2sf)  }
0x231: {  	p0 =	seq.s32 s21, $0x0  }
.Ltmp10:
0x232: {  	_ = 	snop;
	(pc) =	sbr.rel @p0 .LBB2_16-.Ltmp10, $1  }
0x233: {  	_ =	sdelay $0x3  }
0x234: {  	v2 =	vld [tilespmem:s19+$0xFFFFFF80]  }
0x235: {  	v3 =	vld [tilespmem:s19+$0xFFFFFF90];
	_ =	sdelay $0x1  }
0x236: {  	v4 =	vld [tilespmem:s19+$0xFFFFFFA0];
	_ =	sdelay $0x1  }
0x237: {  	v5 =	vld [tilespmem:s19+$0xFFFFFFB0]  }
0x238: {  	v6 =	vmul.f32 v2, v2;
	v7 =	vmul.f32 v3, v3;
	_ =	sdelay $0x1  }
0x239: {  	v60 =	vmul.f32 v4, v4;
	v6 =	vadd.f32 v7, v6;
	_ =	sdelay $0x1  }
0x23a: {  	v61 =	vmul.f32 v5, v5;
	v6 =	vadd.f32 v60, v6;
	_ =	sdelay $0x1  }
0x23b: {  	v6 =	vadd.f32 v61, v6;
	_ =	sdelay $0x1  }
0x23c: {  	(v2sf) =	vpush v6, $0x0  }
0x23d: {  	(v2sf) =	vpush v6, $0x1;
	_ =	sdelay $0x1  }
0x23e: {  	(v2sf) =	vpush v6, $0x2;
	_ =	sdelay $0x1  }
0x23f: {  	(v2sf) =	vpush v6, $0x3;
	_ =	sdelay $0x1  }
0x240: {  	(v2sf) =	vpush v6, $0x4;
	_ =	sdelay $0x1  }
0x241: {  	(v2sf) =	vpush v6, $0x5;
	_ =	sdelay $0x1  }
0x242: {  	(v2sf) =	vpush v6, $0x6;
	_ =	sdelay $0x1  }
0x243: {  	(v2sf) =	vpush v6, $0x7;
	_ =	sdelay $0x1  }
0x244: {  	s21 =	spop (v2sf);
	(v2sf) =	vpush v6, $0x8  }
0x245: {  	s22 =	spop (v2sf)  }
0x246: {  	(v2sf) =	vpush v6, $0x9;
	s21 =	sadd.f32 s22, s21  }
0x247: {  	s25 =	spop (v2sf)  }
0x248: {  	(v2sf) =	vpush v6, $0xA;
	s21 =	sadd.f32 s21, s25  }
0x249: {  	s26 =	spop (v2sf)  }
0x24a: {  	(v2sf) =	vpush v6, $0xB;
	s21 =	sadd.f32 s21, s26  }
0x24b: {  	s28 =	spop (v2sf)  }
0x24c: {  	(v2sf) =	vpush v6, $0xC;
	s21 =	sadd.f32 s21, s28  }
0x24d: {  	s29 =	spop (v2sf)  }
0x24e: {  	(v2sf) =	vpush v6, $0xD;
	s21 =	sadd.f32 s21, s29  }
0x24f: {  	s30 =	spop (v2sf)  }
0x250: {  	(v2sf) =	vpush v6, $0xE;
	s21 =	sadd.f32 s21, s30  }
0x251: {  	s31 =	spop (v2sf)  }
0x252: {  	(v2sf) =	vpush v6, $0xF;
	s21 =	sadd.f32 s21, s31  }
0x253: {  	s23 =	spop (v2sf)  }
0x254: {  	s21 =	sadd.f32 s21, s23  }
0x255: {  	s24 =	spop (v2sf)  }
0x256: {  	s21 =	sadd.f32 s21, s24  }
0x257: {  	s25 =	spop (v2sf)  }
0x258: {  	s21 =	sadd.f32 s21, s25  }
0x259: {  	s26 =	spop (v2sf)  }
0x25a: {  	s21 =	sadd.f32 s21, s26  }
0x25b: {  	s28 =	spop (v2sf)  }
0x25c: {  	s21 =	sadd.f32 s21, s28  }
0x25d: {  	s29 =	spop (v2sf)  }
0x25e: {  	s21 =	sadd.f32 s21, s29  }
0x25f: {  	s30 =	spop (v2sf)  }
0x260: {  	s21 =	sadd.f32 s21, s30  }
0x261: {  	s31 =	spop (v2sf)  }
0x262: {  	s21 =	sadd.f32 s21, s31;
	_ =	sdelay $0x1  }
0x263: {  	v62 =	vmov s21  }
0x264: {  	v6 =	vmax.f32 v62, $9.999999960e-13  }
0x265: {  	v6 =	vbroadcast v6, $0x0;
	_ =	sdelay $0x1  }
0x266: {  	v63 =	vshra.s32 v6, $0x1;
	v8 =	vmul.f32 $5.000000000e-01, v6  }
0x267: {  	v7 =	vsub.s32 $0x5F3759DF, v63  }
0x268: {  	v9 =	vmul.f32 v7, v8;
	_ =	sdelay $0x1  }
0x269: {  	v9 =	vmul.f32 v7, v9;
	_ =	sdelay $0x1  }
0x26a: {  	v9 =	vsub.f32 $1.500000000e+00, v9;
	_ =	sdelay $0x1  }
0x26b: {  	v7 =	vmul.f32 v7, v9;
	_ =	sdelay $0x1  }
0x26c: {  	v9 =	vmul.f32 v7, v8;
	_ =	sdelay $0x1  }
0x26d: {  	v9 =	vmul.f32 v9, v7;
	_ =	sdelay $0x1  }
0x26e: {  	v9 =	vsub.f32 $1.500000000e+00, v9;
	_ =	sdelay $0x1  }
0x26f: {  	v7 =	vmul.f32 v9, v7;
	_ =	sdelay $0x1  }
0x270: {  	v9 =	vmul.f32 v7, v8;
	_ =	sdelay $0x1  }
0x271: {  	v9 =	vmul.f32 v9, v7;
	_ =	sdelay $0x1  }
0x272: {  	v9 =	vsub.f32 $1.500000000e+00, v9;
	_ =	sdelay $0x1  }
0x273: {  	v7 =	vmul.f32 v9, v7;
	_ =	sdelay $0x1  }
0x274: {  	v8 =	vmul.f32 v7, v8;
	_ =	sdelay $0x1  }
0x275: {  	v8 =	vmul.f32 v8, v7;
	_ =	sdelay $0x1  }
0x276: {  	v8 =	vsub.f32 $1.500000000e+00, v8;
	_ =	sdelay $0x1  }
0x277: {  	v7 =	vmul.f32 v8, v7;
	_ =	sdelay $0x1  }
0x278: {  	v6 =	vmul.f32 v7, v6;
	_ =	sdelay $0x1  }
0x279: {  	v6 =	vmax.f32 v6, $9.999999970e-07  }
0x27a: {  	(erf) = vrcp.f32 v6;
	_ =	sdelay $0x8  }
0x27b: {  	v6 =	vpop (erf)  }
0x27c: {  	v2 =	vmul.f32 v6, v2  }
0x27d: {  	v3 =	vmul.f32 v6, v3  }
0x27e: {  	[tilespmem:s18+$0xFFFFFF80] =	vst v2;
	v2 =	vmul.f32 v6, v4  }
0x27f: {  	[tilespmem:s18+$0xFFFFFF90] =	vst v3;
	v3 =	vmul.f32 v6, v5  }
0x280: {  	[tilespmem:s18+$0xFFFFFFA0] =	vst v2  }
0x281: {  	[tilespmem:s18+$0xFFFFFFB0] =	vst v3  }
.LBB2_16:
0x282: {  	(v2sf) =	vpush v1, $0x7;
	_ =	sdelay $0xe  }
0x283: {  	s21 =	spop (v2sf)  }
0x284: {  	p0 =	seq.s32 s21, $0x0  }
.Ltmp11:
0x285: {  	_ = 	snop;
	(pc) =	sbr.rel @p0 .LBB2_18-.Ltmp11, $1  }
0x286: {  	_ =	sdelay $0x3  }
0x287: {  	v2 =	vld [tilespmem:s19+$0xFFFFFFC0]  }
0x288: {  	v3 =	vld [tilespmem:s19+$0xFFFFFFD0];
	_ =	sdelay $0x1  }
0x289: {  	v4 =	vld [tilespmem:s19+$0xFFFFFFE0];
	_ =	sdelay $0x1  }
0x28a: {  	v5 =	vld [tilespmem:s19+$0xFFFFFFF0]  }
0x28b: {  	v6 =	vmul.f32 v2, v2;
	v7 =	vmul.f32 v3, v3;
	_ =	sdelay $0x1  }
0x28c: {  	v60 =	vmul.f32 v4, v4;
	v6 =	vadd.f32 v7, v6;
	_ =	sdelay $0x1  }
0x28d: {  	v61 =	vmul.f32 v5, v5;
	v6 =	vadd.f32 v60, v6;
	_ =	sdelay $0x1  }
0x28e: {  	v6 =	vadd.f32 v61, v6;
	_ =	sdelay $0x1  }
0x28f: {  	(v2sf) =	vpush v6, $0x0  }
0x290: {  	(v2sf) =	vpush v6, $0x1;
	_ =	sdelay $0x1  }
0x291: {  	(v2sf) =	vpush v6, $0x2;
	_ =	sdelay $0x1  }
0x292: {  	(v2sf) =	vpush v6, $0x3;
	_ =	sdelay $0x1  }
0x293: {  	(v2sf) =	vpush v6, $0x4;
	_ =	sdelay $0x1  }
0x294: {  	(v2sf) =	vpush v6, $0x5;
	_ =	sdelay $0x1  }
0x295: {  	(v2sf) =	vpush v6, $0x6;
	_ =	sdelay $0x1  }
0x296: {  	(v2sf) =	vpush v6, $0x7;
	_ =	sdelay $0x1  }
0x297: {  	s21 =	spop (v2sf);
	(v2sf) =	vpush v6, $0x8  }
0x298: {  	s22 =	spop (v2sf)  }
0x299: {  	(v2sf) =	vpush v6, $0x9;
	s21 =	sadd.f32 s22, s21  }
0x29a: {  	s25 =	spop (v2sf)  }
0x29b: {  	(v2sf) =	vpush v6, $0xA;
	s21 =	sadd.f32 s21, s25  }
0x29c: {  	s26 =	spop (v2sf)  }
0x29d: {  	(v2sf) =	vpush v6, $0xB;
	s21 =	sadd.f32 s21, s26  }
0x29e: {  	s28 =	spop (v2sf)  }
0x29f: {  	(v2sf) =	vpush v6, $0xC;
	s21 =	sadd.f32 s21, s28  }
0x2a0: {  	s29 =	spop (v2sf)  }
0x2a1: {  	(v2sf) =	vpush v6, $0xD;
	s21 =	sadd.f32 s21, s29  }
0x2a2: {  	s30 =	spop (v2sf)  }
0x2a3: {  	(v2sf) =	vpush v6, $0xE;
	s21 =	sadd.f32 s21, s30  }
0x2a4: {  	s31 =	spop (v2sf)  }
0x2a5: {  	(v2sf) =	vpush v6, $0xF;
	s21 =	sadd.f32 s21, s31  }
0x2a6: {  	s23 =	spop (v2sf)  }
0x2a7: {  	s21 =	sadd.f32 s21, s23  }
0x2a8: {  	s24 =	spop (v2sf)  }
0x2a9: {  	s21 =	sadd.f32 s21, s24  }
0x2aa: {  	s25 =	spop (v2sf)  }
0x2ab: {  	s21 =	sadd.f32 s21, s25  }
0x2ac: {  	s26 =	spop (v2sf)  }
0x2ad: {  	s21 =	sadd.f32 s21, s26  }
0x2ae: {  	s28 =	spop (v2sf)  }
0x2af: {  	s21 =	sadd.f32 s21, s28  }
0x2b0: {  	s29 =	spop (v2sf)  }
0x2b1: {  	s21 =	sadd.f32 s21, s29  }
0x2b2: {  	s30 =	spop (v2sf)  }
0x2b3: {  	s21 =	sadd.f32 s21, s30  }
0x2b4: {  	s31 =	spop (v2sf)  }
0x2b5: {  	s21 =	sadd.f32 s21, s31;
	_ =	sdelay $0x1  }
0x2b6: {  	v62 =	vmov s21  }
0x2b7: {  	v6 =	vmax.f32 v62, $9.999999960e-13  }
0x2b8: {  	v6 =	vbroadcast v6, $0x0;
	_ =	sdelay $0x1  }
0x2b9: {  	v63 =	vshra.s32 v6, $0x1;
	v8 =	vmul.f32 $5.000000000e-01, v6  }
0x2ba: {  	v7 =	vsub.s32 $0x5F3759DF, v63  }
0x2bb: {  	v9 =	vmul.f32 v7, v8;
	_ =	sdelay $0x1  }
0x2bc: {  	v9 =	vmul.f32 v7, v9;
	_ =	sdelay $0x1  }
0x2bd: {  	v9 =	vsub.f32 $1.500000000e+00, v9;
	_ =	sdelay $0x1  }
0x2be: {  	v7 =	vmul.f32 v7, v9;
	_ =	sdelay $0x1  }
0x2bf: {  	v9 =	vmul.f32 v7, v8;
	_ =	sdelay $0x1  }
0x2c0: {  	v9 =	vmul.f32 v9, v7;
	_ =	sdelay $0x1  }
0x2c1: {  	v9 =	vsub.f32 $1.500000000e+00, v9;
	_ =	sdelay $0x1  }
0x2c2: {  	v7 =	vmul.f32 v9, v7;
	_ =	sdelay $0x1  }
0x2c3: {  	v9 =	vmul.f32 v7, v8;
	_ =	sdelay $0x1  }
0x2c4: {  	v9 =	vmul.f32 v9, v7;
	_ =	sdelay $0x1  }
0x2c5: {  	v9 =	vsub.f32 $1.500000000e+00, v9;
	_ =	sdelay $0x1  }
0x2c6: {  	v7 =	vmul.f32 v9, v7;
	_ =	sdelay $0x1  }
0x2c7: {  	v8 =	vmul.f32 v7, v8;
	_ =	sdelay $0x1  }
0x2c8: {  	v8 =	vmul.f32 v8, v7;
	_ =	sdelay $0x1  }
0x2c9: {  	v8 =	vsub.f32 $1.500000000e+00, v8;
	_ =	sdelay $0x1  }
0x2ca: {  	v7 =	vmul.f32 v8, v7;
	_ =	sdelay $0x1  }
0x2cb: {  	v6 =	vmul.f32 v7, v6;
	_ =	sdelay $0x1  }
0x2cc: {  	v6 =	vmax.f32 v6, $9.999999970e-07  }
0x2cd: {  	(erf) = vrcp.f32 v6;
	_ =	sdelay $0x8  }
0x2ce: {  	v6 =	vpop (erf)  }
0x2cf: {  	v2 =	vmul.f32 v6, v2  }
0x2d0: {  	v3 =	vmul.f32 v6, v3  }
0x2d1: {  	[tilespmem:s18+$0xFFFFFFC0] =	vst v2;
	v2 =	vmul.f32 v6, v4  }
0x2d2: {  	[tilespmem:s18+$0xFFFFFFD0] =	vst v3;
	v3 =	vmul.f32 v6, v5  }
0x2d3: {  	[tilespmem:s18+$0xFFFFFFE0] =	vst v2  }
0x2d4: {  	[tilespmem:s18+$0xFFFFFFF0] =	vst v3  }
.LBB2_18:
0x2d5: {  	(v2sf) =	vpush v1, $0x8;
	_ =	sdelay $0xe  }
0x2d6: {  	s21 =	spop (v2sf)  }
0x2d7: {  	p0 =	seq.s32 s21, $0x0  }
.Ltmp12:
0x2d8: {  	_ = 	snop;
	(pc) =	sbr.rel @p0 .LBB2_20-.Ltmp12, $1  }
0x2d9: {  	_ =	sdelay $0x3  }
0x2da: {  	v2 =	vld [tilespmem:s19+$0x0]  }
0x2db: {  	v3 =	vld [tilespmem:s19+$0x10];
	_ =	sdelay $0x1  }
0x2dc: {  	v4 =	vld [tilespmem:s19+$0x20];
	_ =	sdelay $0x1  }
0x2dd: {  	v5 =	vld [tilespmem:s19+$0x30]  }
0x2de: {  	v6 =	vmul.f32 v2, v2;
	v7 =	vmul.f32 v3, v3;
	_ =	sdelay $0x1  }
0x2df: {  	v60 =	vmul.f32 v4, v4;
	v6 =	vadd.f32 v7, v6;
	_ =	sdelay $0x1  }
0x2e0: {  	v61 =	vmul.f32 v5, v5;
	v6 =	vadd.f32 v60, v6;
	_ =	sdelay $0x1  }
0x2e1: {  	v6 =	vadd.f32 v61, v6;
	_ =	sdelay $0x1  }
0x2e2: {  	(v2sf) =	vpush v6, $0x0  }
0x2e3: {  	(v2sf) =	vpush v6, $0x1;
	_ =	sdelay $0x1  }
0x2e4: {  	(v2sf) =	vpush v6, $0x2;
	_ =	sdelay $0x1  }
0x2e5: {  	(v2sf) =	vpush v6, $0x3;
	_ =	sdelay $0x1  }
0x2e6: {  	(v2sf) =	vpush v6, $0x4;
	_ =	sdelay $0x1  }
0x2e7: {  	(v2sf) =	vpush v6, $0x5;
	_ =	sdelay $0x1  }
0x2e8: {  	(v2sf) =	vpush v6, $0x6;
	_ =	sdelay $0x1  }
0x2e9: {  	(v2sf) =	vpush v6, $0x7;
	_ =	sdelay $0x1  }
0x2ea: {  	s21 =	spop (v2sf);
	(v2sf) =	vpush v6, $0x8  }
0x2eb: {  	s22 =	spop (v2sf)  }
0x2ec: {  	(v2sf) =	vpush v6, $0x9;
	s21 =	sadd.f32 s22, s21  }
0x2ed: {  	s25 =	spop (v2sf)  }
0x2ee: {  	(v2sf) =	vpush v6, $0xA;
	s21 =	sadd.f32 s21, s25  }
0x2ef: {  	s26 =	spop (v2sf)  }
0x2f0: {  	(v2sf) =	vpush v6, $0xB;
	s21 =	sadd.f32 s21, s26  }
0x2f1: {  	s28 =	spop (v2sf)  }
0x2f2: {  	(v2sf) =	vpush v6, $0xC;
	s21 =	sadd.f32 s21, s28  }
0x2f3: {  	s29 =	spop (v2sf)  }
0x2f4: {  	(v2sf) =	vpush v6, $0xD;
	s21 =	sadd.f32 s21, s29  }
0x2f5: {  	s30 =	spop (v2sf)  }
0x2f6: {  	(v2sf) =	vpush v6, $0xE;
	s21 =	sadd.f32 s21, s30  }
0x2f7: {  	s31 =	spop (v2sf)  }
0x2f8: {  	(v2sf) =	vpush v6, $0xF;
	s21 =	sadd.f32 s21, s31  }
0x2f9: {  	s23 =	spop (v2sf)  }
0x2fa: {  	s21 =	sadd.f32 s21, s23  }
0x2fb: {  	s24 =	spop (v2sf)  }
0x2fc: {  	s21 =	sadd.f32 s21, s24  }
0x2fd: {  	s25 =	spop (v2sf)  }
0x2fe: {  	s21 =	sadd.f32 s21, s25  }
0x2ff: {  	s26 =	spop (v2sf)  }
0x300: {  	s21 =	sadd.f32 s21, s26  }
0x301: {  	s28 =	spop (v2sf)  }
0x302: {  	s21 =	sadd.f32 s21, s28  }
0x303: {  	s29 =	spop (v2sf)  }
0x304: {  	s21 =	sadd.f32 s21, s29  }
0x305: {  	s30 =	spop (v2sf)  }
0x306: {  	s21 =	sadd.f32 s21, s30  }
0x307: {  	s31 =	spop (v2sf)  }
0x308: {  	s21 =	sadd.f32 s21, s31;
	_ =	sdelay $0x1  }
0x309: {  	v62 =	vmov s21  }
0x30a: {  	v6 =	vmax.f32 v62, $9.999999960e-13  }
0x30b: {  	v6 =	vbroadcast v6, $0x0;
	_ =	sdelay $0x1  }
0x30c: {  	v63 =	vshra.s32 v6, $0x1;
	v8 =	vmul.f32 $5.000000000e-01, v6  }
0x30d: {  	v7 =	vsub.s32 $0x5F3759DF, v63  }
0x30e: {  	v9 =	vmul.f32 v7, v8;
	_ =	sdelay $0x1  }
0x30f: {  	v9 =	vmul.f32 v7, v9;
	_ =	sdelay $0x1  }
0x310: {  	v9 =	vsub.f32 $1.500000000e+00, v9;
	_ =	sdelay $0x1  }
0x311: {  	v7 =	vmul.f32 v7, v9;
	_ =	sdelay $0x1  }
0x312: {  	v9 =	vmul.f32 v7, v8;
	_ =	sdelay $0x1  }
0x313: {  	v9 =	vmul.f32 v9, v7;
	_ =	sdelay $0x1  }
0x314: {  	v9 =	vsub.f32 $1.500000000e+00, v9;
	_ =	sdelay $0x1  }
0x315: {  	v7 =	vmul.f32 v9, v7;
	_ =	sdelay $0x1  }
0x316: {  	v9 =	vmul.f32 v7, v8;
	_ =	sdelay $0x1  }
0x317: {  	v9 =	vmul.f32 v9, v7;
	_ =	sdelay $0x1  }
0x318: {  	v9 =	vsub.f32 $1.500000000e+00, v9;
	_ =	sdelay $0x1  }
0x319: {  	v7 =	vmul.f32 v9, v7;
	_ =	sdelay $0x1  }
0x31a: {  	v8 =	vmul.f32 v7, v8;
	_ =	sdelay $0x1  }
0x31b: {  	v8 =	vmul.f32 v8, v7;
	_ =	sdelay $0x1  }
0x31c: {  	v8 =	vsub.f32 $1.500000000e+00, v8;
	_ =	sdelay $0x1  }
0x31d: {  	v7 =	vmul.f32 v8, v7;
	_ =	sdelay $0x1  }
0x31e: {  	v6 =	vmul.f32 v7, v6;
	_ =	sdelay $0x1  }
0x31f: {  	v6 =	vmax.f32 v6, $9.999999970e-07  }
0x320: {  	(erf) = vrcp.f32 v6;
	_ =	sdelay $0x8  }
0x321: {  	v6 =	vpop (erf)  }
0x322: {  	v2 =	vmul.f32 v6, v2  }
0x323: {  	v3 =	vmul.f32 v6, v3  }
0x324: {  	[tilespmem:s18+$0x0] =	vst v2;
	v2 =	vmul.f32 v6, v4  }
0x325: {  	[tilespmem:s18+$0x10] =	vst v3;
	v3 =	vmul.f32 v6, v5  }
0x326: {  	[tilespmem:s18+$0x20] =	vst v2  }
0x327: {  	[tilespmem:s18+$0x30] =	vst v3  }
.LBB2_20:
0x328: {  	(v2sf) =	vpush v1, $0x9;
	_ =	sdelay $0xe  }
0x329: {  	s21 =	spop (v2sf)  }
0x32a: {  	p0 =	seq.s32 s21, $0x0  }
.Ltmp13:
0x32b: {  	_ = 	snop;
	(pc) =	sbr.rel @p0 .LBB2_22-.Ltmp13, $1  }
0x32c: {  	_ =	sdelay $0x3  }
0x32d: {  	v2 =	vld [tilespmem:s19+$0x40]  }
0x32e: {  	v3 =	vld [tilespmem:s19+$0x50];
	_ =	sdelay $0x1  }
0x32f: {  	v4 =	vld [tilespmem:s19+$0x60];
	_ =	sdelay $0x1  }
0x330: {  	v5 =	vld [tilespmem:s19+$0x70]  }
0x331: {  	v6 =	vmul.f32 v2, v2;
	v7 =	vmul.f32 v3, v3;
	_ =	sdelay $0x1  }
0x332: {  	v60 =	vmul.f32 v4, v4;
	v6 =	vadd.f32 v7, v6;
	_ =	sdelay $0x1  }
0x333: {  	v61 =	vmul.f32 v5, v5;
	v6 =	vadd.f32 v60, v6;
	_ =	sdelay $0x1  }
0x334: {  	v6 =	vadd.f32 v61, v6;
	_ =	sdelay $0x1  }
0x335: {  	(v2sf) =	vpush v6, $0x0  }
0x336: {  	(v2sf) =	vpush v6, $0x1;
	_ =	sdelay $0x1  }
0x337: {  	(v2sf) =	vpush v6, $0x2;
	_ =	sdelay $0x1  }
0x338: {  	(v2sf) =	vpush v6, $0x3;
	_ =	sdelay $0x1  }
0x339: {  	(v2sf) =	vpush v6, $0x4;
	_ =	sdelay $0x1  }
0x33a: {  	(v2sf) =	vpush v6, $0x5;
	_ =	sdelay $0x1  }
0x33b: {  	(v2sf) =	vpush v6, $0x6;
	_ =	sdelay $0x1  }
0x33c: {  	(v2sf) =	vpush v6, $0x7;
	_ =	sdelay $0x1  }
0x33d: {  	s21 =	spop (v2sf);
	(v2sf) =	vpush v6, $0x8  }
0x33e: {  	s22 =	spop (v2sf)  }
0x33f: {  	(v2sf) =	vpush v6, $0x9;
	s21 =	sadd.f32 s22, s21  }
0x340: {  	s25 =	spop (v2sf)  }
0x341: {  	(v2sf) =	vpush v6, $0xA;
	s21 =	sadd.f32 s21, s25  }
0x342: {  	s26 =	spop (v2sf)  }
0x343: {  	(v2sf) =	vpush v6, $0xB;
	s21 =	sadd.f32 s21, s26  }
0x344: {  	s28 =	spop (v2sf)  }
0x345: {  	(v2sf) =	vpush v6, $0xC;
	s21 =	sadd.f32 s21, s28  }
0x346: {  	s29 =	spop (v2sf)  }
0x347: {  	(v2sf) =	vpush v6, $0xD;
	s21 =	sadd.f32 s21, s29  }
0x348: {  	s30 =	spop (v2sf)  }
0x349: {  	(v2sf) =	vpush v6, $0xE;
	s21 =	sadd.f32 s21, s30  }
0x34a: {  	s31 =	spop (v2sf)  }
0x34b: {  	(v2sf) =	vpush v6, $0xF;
	s21 =	sadd.f32 s21, s31  }
0x34c: {  	s23 =	spop (v2sf)  }
0x34d: {  	s21 =	sadd.f32 s21, s23  }
0x34e: {  	s24 =	spop (v2sf)  }
0x34f: {  	s21 =	sadd.f32 s21, s24  }
0x350: {  	s25 =	spop (v2sf)  }
0x351: {  	s21 =	sadd.f32 s21, s25  }
0x352: {  	s26 =	spop (v2sf)  }
0x353: {  	s21 =	sadd.f32 s21, s26  }
0x354: {  	s28 =	spop (v2sf)  }
0x355: {  	s21 =	sadd.f32 s21, s28  }
0x356: {  	s29 =	spop (v2sf)  }
0x357: {  	s21 =	sadd.f32 s21, s29  }
0x358: {  	s30 =	spop (v2sf)  }
0x359: {  	s21 =	sadd.f32 s21, s30  }
0x35a: {  	s31 =	spop (v2sf)  }
0x35b: {  	s21 =	sadd.f32 s21, s31;
	_ =	sdelay $0x1  }
0x35c: {  	v62 =	vmov s21  }
0x35d: {  	v6 =	vmax.f32 v62, $9.999999960e-13  }
0x35e: {  	v6 =	vbroadcast v6, $0x0;
	_ =	sdelay $0x1  }
0x35f: {  	v63 =	vshra.s32 v6, $0x1;
	v8 =	vmul.f32 $5.000000000e-01, v6  }
0x360: {  	v7 =	vsub.s32 $0x5F3759DF, v63  }
0x361: {  	v9 =	vmul.f32 v7, v8;
	_ =	sdelay $0x1  }
0x362: {  	v9 =	vmul.f32 v7, v9;
	_ =	sdelay $0x1  }
0x363: {  	v9 =	vsub.f32 $1.500000000e+00, v9;
	_ =	sdelay $0x1  }
0x364: {  	v7 =	vmul.f32 v7, v9;
	_ =	sdelay $0x1  }
0x365: {  	v9 =	vmul.f32 v7, v8;
	_ =	sdelay $0x1  }
0x366: {  	v9 =	vmul.f32 v9, v7;
	_ =	sdelay $0x1  }
0x367: {  	v9 =	vsub.f32 $1.500000000e+00, v9;
	_ =	sdelay $0x1  }
0x368: {  	v7 =	vmul.f32 v9, v7;
	_ =	sdelay $0x1  }
0x369: {  	v9 =	vmul.f32 v7, v8;
	_ =	sdelay $0x1  }
0x36a: {  	v9 =	vmul.f32 v9, v7;
	_ =	sdelay $0x1  }
0x36b: {  	v9 =	vsub.f32 $1.500000000e+00, v9;
	_ =	sdelay $0x1  }
0x36c: {  	v7 =	vmul.f32 v9, v7;
	_ =	sdelay $0x1  }
0x36d: {  	v8 =	vmul.f32 v7, v8;
	_ =	sdelay $0x1  }
0x36e: {  	v8 =	vmul.f32 v8, v7;
	_ =	sdelay $0x1  }
0x36f: {  	v8 =	vsub.f32 $1.500000000e+00, v8;
	_ =	sdelay $0x1  }
0x370: {  	v7 =	vmul.f32 v8, v7;
	_ =	sdelay $0x1  }
0x371: {  	v6 =	vmul.f32 v7, v6;
	_ =	sdelay $0x1  }
0x372: {  	v6 =	vmax.f32 v6, $9.999999970e-07  }
0x373: {  	(erf) = vrcp.f32 v6;
	_ =	sdelay $0x8  }
0x374: {  	v6 =	vpop (erf)  }
0x375: {  	v2 =	vmul.f32 v6, v2  }
0x376: {  	v3 =	vmul.f32 v6, v3  }
0x377: {  	[tilespmem:s18+$0x40] =	vst v2;
	v2 =	vmul.f32 v6, v4  }
0x378: {  	[tilespmem:s18+$0x50] =	vst v3;
	v3 =	vmul.f32 v6, v5  }
0x379: {  	[tilespmem:s18+$0x60] =	vst v2  }
0x37a: {  	[tilespmem:s18+$0x70] =	vst v3  }
.LBB2_22:
0x37b: {  	(v2sf) =	vpush v1, $0xA;
	_ =	sdelay $0xe  }
0x37c: {  	s21 =	spop (v2sf)  }
0x37d: {  	p0 =	seq.s32 s21, $0x0  }
.Ltmp14:
0x37e: {  	_ = 	snop;
	(pc) =	sbr.rel @p0 .LBB2_24-.Ltmp14, $1  }
0x37f: {  	_ =	sdelay $0x3  }
0x380: {  	v2 =	vld [tilespmem:s19+$0x80]  }
0x381: {  	v3 =	vld [tilespmem:s19+$0x90];
	_ =	sdelay $0x1  }
0x382: {  	v4 =	vld [tilespmem:s19+$0xA0];
	_ =	sdelay $0x1  }
0x383: {  	v5 =	vld [tilespmem:s19+$0xB0]  }
0x384: {  	v6 =	vmul.f32 v2, v2;
	v7 =	vmul.f32 v3, v3;
	_ =	sdelay $0x1  }
0x385: {  	v60 =	vmul.f32 v4, v4;
	v6 =	vadd.f32 v7, v6;
	_ =	sdelay $0x1  }
0x386: {  	v61 =	vmul.f32 v5, v5;
	v6 =	vadd.f32 v60, v6;
	_ =	sdelay $0x1  }
0x387: {  	v6 =	vadd.f32 v61, v6;
	_ =	sdelay $0x1  }
0x388: {  	(v2sf) =	vpush v6, $0x0  }
0x389: {  	(v2sf) =	vpush v6, $0x1;
	_ =	sdelay $0x1  }
0x38a: {  	(v2sf) =	vpush v6, $0x2;
	_ =	sdelay $0x1  }
0x38b: {  	(v2sf) =	vpush v6, $0x3;
	_ =	sdelay $0x1  }
0x38c: {  	(v2sf) =	vpush v6, $0x4;
	_ =	sdelay $0x1  }
0x38d: {  	(v2sf) =	vpush v6, $0x5;
	_ =	sdelay $0x1  }
0x38e: {  	(v2sf) =	vpush v6, $0x6;
	_ =	sdelay $0x1  }
0x38f: {  	(v2sf) =	vpush v6, $0x7;
	_ =	sdelay $0x1  }
0x390: {  	s21 =	spop (v2sf);
	(v2sf) =	vpush v6, $0x8  }
0x391: {  	s22 =	spop (v2sf)  }
0x392: {  	(v2sf) =	vpush v6, $0x9;
	s21 =	sadd.f32 s22, s21  }
0x393: {  	s25 =	spop (v2sf)  }
0x394: {  	(v2sf) =	vpush v6, $0xA;
	s21 =	sadd.f32 s21, s25  }
0x395: {  	s26 =	spop (v2sf)  }
0x396: {  	(v2sf) =	vpush v6, $0xB;
	s21 =	sadd.f32 s21, s26  }
0x397: {  	s28 =	spop (v2sf)  }
0x398: {  	(v2sf) =	vpush v6, $0xC;
	s21 =	sadd.f32 s21, s28  }
0x399: {  	s29 =	spop (v2sf)  }
0x39a: {  	(v2sf) =	vpush v6, $0xD;
	s21 =	sadd.f32 s21, s29  }
0x39b: {  	s30 =	spop (v2sf)  }
0x39c: {  	(v2sf) =	vpush v6, $0xE;
	s21 =	sadd.f32 s21, s30  }
0x39d: {  	s31 =	spop (v2sf)  }
0x39e: {  	(v2sf) =	vpush v6, $0xF;
	s21 =	sadd.f32 s21, s31  }
0x39f: {  	s23 =	spop (v2sf)  }
0x3a0: {  	s21 =	sadd.f32 s21, s23  }
0x3a1: {  	s24 =	spop (v2sf)  }
0x3a2: {  	s21 =	sadd.f32 s21, s24  }
0x3a3: {  	s25 =	spop (v2sf)  }
0x3a4: {  	s21 =	sadd.f32 s21, s25  }
0x3a5: {  	s26 =	spop (v2sf)  }
0x3a6: {  	s21 =	sadd.f32 s21, s26  }
0x3a7: {  	s28 =	spop (v2sf)  }
0x3a8: {  	s21 =	sadd.f32 s21, s28  }
0x3a9: {  	s29 =	spop (v2sf)  }
0x3aa: {  	s21 =	sadd.f32 s21, s29  }
0x3ab: {  	s30 =	spop (v2sf)  }
0x3ac: {  	s21 =	sadd.f32 s21, s30  }
0x3ad: {  	s31 =	spop (v2sf)  }
0x3ae: {  	s21 =	sadd.f32 s21, s31;
	_ =	sdelay $0x1  }
0x3af: {  	v62 =	vmov s21  }
0x3b0: {  	v6 =	vmax.f32 v62, $9.999999960e-13  }
0x3b1: {  	v6 =	vbroadcast v6, $0x0;
	_ =	sdelay $0x1  }
0x3b2: {  	v63 =	vshra.s32 v6, $0x1;
	v8 =	vmul.f32 $5.000000000e-01, v6  }
0x3b3: {  	v7 =	vsub.s32 $0x5F3759DF, v63  }
0x3b4: {  	v9 =	vmul.f32 v7, v8;
	_ =	sdelay $0x1  }
0x3b5: {  	v9 =	vmul.f32 v7, v9;
	_ =	sdelay $0x1  }
0x3b6: {  	v9 =	vsub.f32 $1.500000000e+00, v9;
	_ =	sdelay $0x1  }
0x3b7: {  	v7 =	vmul.f32 v7, v9;
	_ =	sdelay $0x1  }
0x3b8: {  	v9 =	vmul.f32 v7, v8;
	_ =	sdelay $0x1  }
0x3b9: {  	v9 =	vmul.f32 v9, v7;
	_ =	sdelay $0x1  }
0x3ba: {  	v9 =	vsub.f32 $1.500000000e+00, v9;
	_ =	sdelay $0x1  }
0x3bb: {  	v7 =	vmul.f32 v9, v7;
	_ =	sdelay $0x1  }
0x3bc: {  	v9 =	vmul.f32 v7, v8;
	_ =	sdelay $0x1  }
0x3bd: {  	v9 =	vmul.f32 v9, v7;
	_ =	sdelay $0x1  }
0x3be: {  	v9 =	vsub.f32 $1.500000000e+00, v9;
	_ =	sdelay $0x1  }
0x3bf: {  	v7 =	vmul.f32 v9, v7;
	_ =	sdelay $0x1  }
0x3c0: {  	v8 =	vmul.f32 v7, v8;
	_ =	sdelay $0x1  }
0x3c1: {  	v8 =	vmul.f32 v8, v7;
	_ =	sdelay $0x1  }
0x3c2: {  	v8 =	vsub.f32 $1.500000000e+00, v8;
	_ =	sdelay $0x1  }
0x3c3: {  	v7 =	vmul.f32 v8, v7;
	_ =	sdelay $0x1  }
0x3c4: {  	v6 =	vmul.f32 v7, v6;
	_ =	sdelay $0x1  }
0x3c5: {  	v6 =	vmax.f32 v6, $9.999999970e-07  }
0x3c6: {  	(erf) = vrcp.f32 v6;
	_ =	sdelay $0x8  }
0x3c7: {  	v6 =	vpop (erf)  }
0x3c8: {  	v2 =	vmul.f32 v6, v2  }
0x3c9: {  	v3 =	vmul.f32 v6, v3  }
0x3ca: {  	[tilespmem:s18+$0x80] =	vst v2;
	v2 =	vmul.f32 v6, v4  }
0x3cb: {  	[tilespmem:s18+$0x90] =	vst v3;
	v3 =	vmul.f32 v6, v5  }
0x3cc: {  	[tilespmem:s18+$0xA0] =	vst v2  }
0x3cd: {  	[tilespmem:s18+$0xB0] =	vst v3  }
.LBB2_24:
0x3ce: {  	(v2sf) =	vpush v1, $0xB;
	_ =	sdelay $0xe  }
0x3cf: {  	s21 =	spop (v2sf)  }
0x3d0: {  	p0 =	seq.s32 s21, $0x0  }
.Ltmp15:
0x3d1: {  	_ = 	snop;
	(pc) =	sbr.rel @p0 .LBB2_26-.Ltmp15, $1  }
0x3d2: {  	_ =	sdelay $0x3  }
0x3d3: {  	v2 =	vld [tilespmem:s19+$0xC0]  }
0x3d4: {  	v3 =	vld [tilespmem:s19+$0xD0];
	_ =	sdelay $0x1  }
0x3d5: {  	v4 =	vld [tilespmem:s19+$0xE0];
	_ =	sdelay $0x1  }
0x3d6: {  	v5 =	vld [tilespmem:s19+$0xF0]  }
0x3d7: {  	v6 =	vmul.f32 v2, v2;
	v7 =	vmul.f32 v3, v3;
	_ =	sdelay $0x1  }
0x3d8: {  	v60 =	vmul.f32 v4, v4;
	v6 =	vadd.f32 v7, v6;
	_ =	sdelay $0x1  }
0x3d9: {  	v61 =	vmul.f32 v5, v5;
	v6 =	vadd.f32 v60, v6;
	_ =	sdelay $0x1  }
0x3da: {  	v6 =	vadd.f32 v61, v6;
	_ =	sdelay $0x1  }
0x3db: {  	(v2sf) =	vpush v6, $0x0  }
0x3dc: {  	(v2sf) =	vpush v6, $0x1;
	_ =	sdelay $0x1  }
0x3dd: {  	(v2sf) =	vpush v6, $0x2;
	_ =	sdelay $0x1  }
0x3de: {  	(v2sf) =	vpush v6, $0x3;
	_ =	sdelay $0x1  }
0x3df: {  	(v2sf) =	vpush v6, $0x4;
	_ =	sdelay $0x1  }
0x3e0: {  	(v2sf) =	vpush v6, $0x5;
	_ =	sdelay $0x1  }
0x3e1: {  	(v2sf) =	vpush v6, $0x6;
	_ =	sdelay $0x1  }
0x3e2: {  	(v2sf) =	vpush v6, $0x7;
	_ =	sdelay $0x1  }
0x3e3: {  	s21 =	spop (v2sf);
	(v2sf) =	vpush v6, $0x8  }
0x3e4: {  	s22 =	spop (v2sf)  }
0x3e5: {  	(v2sf) =	vpush v6, $0x9;
	s21 =	sadd.f32 s22, s21  }
0x3e6: {  	s25 =	spop (v2sf)  }
0x3e7: {  	(v2sf) =	vpush v6, $0xA;
	s21 =	sadd.f32 s21, s25  }
0x3e8: {  	s26 =	spop (v2sf)  }
0x3e9: {  	(v2sf) =	vpush v6, $0xB;
	s21 =	sadd.f32 s21, s26  }
0x3ea: {  	s28 =	spop (v2sf)  }
0x3eb: {  	(v2sf) =	vpush v6, $0xC;
	s21 =	sadd.f32 s21, s28  }
0x3ec: {  	s29 =	spop (v2sf)  }
0x3ed: {  	(v2sf) =	vpush v6, $0xD;
	s21 =	sadd.f32 s21, s29  }
0x3ee: {  	s30 =	spop (v2sf)  }
0x3ef: {  	(v2sf) =	vpush v6, $0xE;
	s21 =	sadd.f32 s21, s30  }
0x3f0: {  	s31 =	spop (v2sf)  }
0x3f1: {  	(v2sf) =	vpush v6, $0xF;
	s21 =	sadd.f32 s21, s31  }
0x3f2: {  	s23 =	spop (v2sf)  }
0x3f3: {  	s21 =	sadd.f32 s21, s23  }
0x3f4: {  	s24 =	spop (v2sf)  }
0x3f5: {  	s21 =	sadd.f32 s21, s24  }
0x3f6: {  	s25 =	spop (v2sf)  }
0x3f7: {  	s21 =	sadd.f32 s21, s25  }
0x3f8: {  	s26 =	spop (v2sf)  }
0x3f9: {  	s21 =	sadd.f32 s21, s26  }
0x3fa: {  	s28 =	spop (v2sf)  }
0x3fb: {  	s21 =	sadd.f32 s21, s28  }
0x3fc: {  	s29 =	spop (v2sf)  }
0x3fd: {  	s21 =	sadd.f32 s21, s29  }
0x3fe: {  	s30 =	spop (v2sf)  }
0x3ff: {  	s21 =	sadd.f32 s21, s30  }
0x400: {  	s31 =	spop (v2sf)  }
0x401: {  	s21 =	sadd.f32 s21, s31;
	_ =	sdelay $0x1  }
0x402: {  	v62 =	vmov s21  }
0x403: {  	v6 =	vmax.f32 v62, $9.999999960e-13  }
0x404: {  	v6 =	vbroadcast v6, $0x0;
	_ =	sdelay $0x1  }
0x405: {  	v63 =	vshra.s32 v6, $0x1;
	v8 =	vmul.f32 $5.000000000e-01, v6  }
0x406: {  	v7 =	vsub.s32 $0x5F3759DF, v63  }
0x407: {  	v9 =	vmul.f32 v7, v8;
	_ =	sdelay $0x1  }
0x408: {  	v9 =	vmul.f32 v7, v9;
	_ =	sdelay $0x1  }
0x409: {  	v9 =	vsub.f32 $1.500000000e+00, v9;
	_ =	sdelay $0x1  }
0x40a: {  	v7 =	vmul.f32 v7, v9;
	_ =	sdelay $0x1  }
0x40b: {  	v9 =	vmul.f32 v7, v8;
	_ =	sdelay $0x1  }
0x40c: {  	v9 =	vmul.f32 v9, v7;
	_ =	sdelay $0x1  }
0x40d: {  	v9 =	vsub.f32 $1.500000000e+00, v9;
	_ =	sdelay $0x1  }
0x40e: {  	v7 =	vmul.f32 v9, v7;
	_ =	sdelay $0x1  }
0x40f: {  	v9 =	vmul.f32 v7, v8;
	_ =	sdelay $0x1  }
0x410: {  	v9 =	vmul.f32 v9, v7;
	_ =	sdelay $0x1  }
0x411: {  	v9 =	vsub.f32 $1.500000000e+00, v9;
	_ =	sdelay $0x1  }
0x412: {  	v7 =	vmul.f32 v9, v7;
	_ =	sdelay $0x1  }
0x413: {  	v8 =	vmul.f32 v7, v8;
	_ =	sdelay $0x1  }
0x414: {  	v8 =	vmul.f32 v8, v7;
	_ =	sdelay $0x1  }
0x415: {  	v8 =	vsub.f32 $1.500000000e+00, v8;
	_ =	sdelay $0x1  }
0x416: {  	v7 =	vmul.f32 v8, v7;
	_ =	sdelay $0x1  }
0x417: {  	v6 =	vmul.f32 v7, v6;
	_ =	sdelay $0x1  }
0x418: {  	v6 =	vmax.f32 v6, $9.999999970e-07  }
0x419: {  	(erf) = vrcp.f32 v6;
	_ =	sdelay $0x8  }
0x41a: {  	v6 =	vpop (erf)  }
0x41b: {  	v2 =	vmul.f32 v6, v2  }
0x41c: {  	v3 =	vmul.f32 v6, v3  }
0x41d: {  	[tilespmem:s18+$0xC0] =	vst v2;
	v2 =	vmul.f32 v6, v4  }
0x41e: {  	[tilespmem:s18+$0xD0] =	vst v3;
	v3 =	vmul.f32 v6, v5  }
0x41f: {  	[tilespmem:s18+$0xE0] =	vst v2  }
0x420: {  	[tilespmem:s18+$0xF0] =	vst v3  }
.LBB2_26:
0x421: {  	(v2sf) =	vpush v1, $0xC;
	_ =	sdelay $0xe  }
0x422: {  	s21 =	spop (v2sf)  }
0x423: {  	p0 =	seq.s32 s21, $0x0  }
.Ltmp16:
0x424: {  	_ = 	snop;
	(pc) =	sbr.rel @p0 .LBB2_28-.Ltmp16, $1  }
0x425: {  	_ =	sdelay $0x3  }
0x426: {  	v2 =	vld [tilespmem:s19+$0x100]  }
0x427: {  	v3 =	vld [tilespmem:s19+$0x110];
	_ =	sdelay $0x1  }
0x428: {  	v4 =	vld [tilespmem:s19+$0x120];
	_ =	sdelay $0x1  }
0x429: {  	v5 =	vld [tilespmem:s19+$0x130]  }
0x42a: {  	v6 =	vmul.f32 v2, v2;
	v7 =	vmul.f32 v3, v3;
	_ =	sdelay $0x1  }
0x42b: {  	v60 =	vmul.f32 v4, v4;
	v6 =	vadd.f32 v7, v6;
	_ =	sdelay $0x1  }
0x42c: {  	v61 =	vmul.f32 v5, v5;
	v6 =	vadd.f32 v60, v6;
	_ =	sdelay $0x1  }
0x42d: {  	v6 =	vadd.f32 v61, v6;
	_ =	sdelay $0x1  }
0x42e: {  	(v2sf) =	vpush v6, $0x0  }
0x42f: {  	(v2sf) =	vpush v6, $0x1;
	_ =	sdelay $0x1  }
0x430: {  	(v2sf) =	vpush v6, $0x2;
	_ =	sdelay $0x1  }
0x431: {  	(v2sf) =	vpush v6, $0x3;
	_ =	sdelay $0x1  }
0x432: {  	(v2sf) =	vpush v6, $0x4;
	_ =	sdelay $0x1  }
0x433: {  	(v2sf) =	vpush v6, $0x5;
	_ =	sdelay $0x1  }
0x434: {  	(v2sf) =	vpush v6, $0x6;
	_ =	sdelay $0x1  }
0x435: {  	(v2sf) =	vpush v6, $0x7;
	_ =	sdelay $0x1  }
0x436: {  	s21 =	spop (v2sf);
	(v2sf) =	vpush v6, $0x8  }
0x437: {  	s22 =	spop (v2sf)  }
0x438: {  	(v2sf) =	vpush v6, $0x9;
	s21 =	sadd.f32 s22, s21  }
0x439: {  	s25 =	spop (v2sf)  }
0x43a: {  	(v2sf) =	vpush v6, $0xA;
	s21 =	sadd.f32 s21, s25  }
0x43b: {  	s26 =	spop (v2sf)  }
0x43c: {  	(v2sf) =	vpush v6, $0xB;
	s21 =	sadd.f32 s21, s26  }
0x43d: {  	s28 =	spop (v2sf)  }
0x43e: {  	(v2sf) =	vpush v6, $0xC;
	s21 =	sadd.f32 s21, s28  }
0x43f: {  	s29 =	spop (v2sf)  }
0x440: {  	(v2sf) =	vpush v6, $0xD;
	s21 =	sadd.f32 s21, s29  }
0x441: {  	s30 =	spop (v2sf)  }
0x442: {  	(v2sf) =	vpush v6, $0xE;
	s21 =	sadd.f32 s21, s30  }
0x443: {  	s31 =	spop (v2sf)  }
0x444: {  	(v2sf) =	vpush v6, $0xF;
	s21 =	sadd.f32 s21, s31  }
0x445: {  	s23 =	spop (v2sf)  }
0x446: {  	s21 =	sadd.f32 s21, s23  }
0x447: {  	s24 =	spop (v2sf)  }
0x448: {  	s21 =	sadd.f32 s21, s24  }
0x449: {  	s25 =	spop (v2sf)  }
0x44a: {  	s21 =	sadd.f32 s21, s25  }
0x44b: {  	s26 =	spop (v2sf)  }
0x44c: {  	s21 =	sadd.f32 s21, s26  }
0x44d: {  	s28 =	spop (v2sf)  }
0x44e: {  	s21 =	sadd.f32 s21, s28  }
0x44f: {  	s29 =	spop (v2sf)  }
0x450: {  	s21 =	sadd.f32 s21, s29  }
0x451: {  	s30 =	spop (v2sf)  }
0x452: {  	s21 =	sadd.f32 s21, s30  }
0x453: {  	s31 =	spop (v2sf)  }
0x454: {  	s21 =	sadd.f32 s21, s31;
	_ =	sdelay $0x1  }
0x455: {  	v62 =	vmov s21  }
0x456: {  	v6 =	vmax.f32 v62, $9.999999960e-13  }
0x457: {  	v6 =	vbroadcast v6, $0x0;
	_ =	sdelay $0x1  }
0x458: {  	v63 =	vshra.s32 v6, $0x1;
	v8 =	vmul.f32 $5.000000000e-01, v6  }
0x459: {  	v7 =	vsub.s32 $0x5F3759DF, v63  }
0x45a: {  	v9 =	vmul.f32 v7, v8;
	_ =	sdelay $0x1  }
0x45b: {  	v9 =	vmul.f32 v7, v9;
	_ =	sdelay $0x1  }
0x45c: {  	v9 =	vsub.f32 $1.500000000e+00, v9;
	_ =	sdelay $0x1  }
0x45d: {  	v7 =	vmul.f32 v7, v9;
	_ =	sdelay $0x1  }
0x45e: {  	v9 =	vmul.f32 v7, v8;
	_ =	sdelay $0x1  }
0x45f: {  	v9 =	vmul.f32 v9, v7;
	_ =	sdelay $0x1  }
0x460: {  	v9 =	vsub.f32 $1.500000000e+00, v9;
	_ =	sdelay $0x1  }
0x461: {  	v7 =	vmul.f32 v9, v7;
	_ =	sdelay $0x1  }
0x462: {  	v9 =	vmul.f32 v7, v8;
	_ =	sdelay $0x1  }
0x463: {  	v9 =	vmul.f32 v9, v7;
	_ =	sdelay $0x1  }
0x464: {  	v9 =	vsub.f32 $1.500000000e+00, v9;
	_ =	sdelay $0x1  }
0x465: {  	v7 =	vmul.f32 v9, v7;
	_ =	sdelay $0x1  }
0x466: {  	v8 =	vmul.f32 v7, v8;
	_ =	sdelay $0x1  }
0x467: {  	v8 =	vmul.f32 v8, v7;
	_ =	sdelay $0x1  }
0x468: {  	v8 =	vsub.f32 $1.500000000e+00, v8;
	_ =	sdelay $0x1  }
0x469: {  	v7 =	vmul.f32 v8, v7;
	_ =	sdelay $0x1  }
0x46a: {  	v6 =	vmul.f32 v7, v6;
	_ =	sdelay $0x1  }
0x46b: {  	v6 =	vmax.f32 v6, $9.999999970e-07  }
0x46c: {  	(erf) = vrcp.f32 v6;
	_ =	sdelay $0x8  }
0x46d: {  	v6 =	vpop (erf)  }
0x46e: {  	v2 =	vmul.f32 v6, v2  }
0x46f: {  	v3 =	vmul.f32 v6, v3  }
0x470: {  	[tilespmem:s18+$0x100] =	vst v2;
	v2 =	vmul.f32 v6, v4  }
0x471: {  	[tilespmem:s18+$0x110] =	vst v3;
	v3 =	vmul.f32 v6, v5  }
0x472: {  	[tilespmem:s18+$0x120] =	vst v2  }
0x473: {  	[tilespmem:s18+$0x130] =	vst v3  }
.LBB2_28:
0x474: {  	(v2sf) =	vpush v1, $0xD;
	_ =	sdelay $0xe  }
0x475: {  	s21 =	spop (v2sf)  }
0x476: {  	p0 =	seq.s32 s21, $0x0  }
.Ltmp17:
0x477: {  	_ = 	snop;
	(pc) =	sbr.rel @p0 .LBB2_30-.Ltmp17, $1  }
0x478: {  	_ =	sdelay $0x3  }
0x479: {  	v2 =	vld [tilespmem:s19+$0x140]  }
0x47a: {  	v3 =	vld [tilespmem:s19+$0x150];
	_ =	sdelay $0x1  }
0x47b: {  	v4 =	vld [tilespmem:s19+$0x160];
	_ =	sdelay $0x1  }
0x47c: {  	v5 =	vld [tilespmem:s19+$0x170]  }
0x47d: {  	v6 =	vmul.f32 v2, v2;
	v7 =	vmul.f32 v3, v3;
	_ =	sdelay $0x1  }
0x47e: {  	v60 =	vmul.f32 v4, v4;
	v6 =	vadd.f32 v7, v6;
	_ =	sdelay $0x1  }
0x47f: {  	v61 =	vmul.f32 v5, v5;
	v6 =	vadd.f32 v60, v6;
	_ =	sdelay $0x1  }
0x480: {  	v6 =	vadd.f32 v61, v6;
	_ =	sdelay $0x1  }
0x481: {  	(v2sf) =	vpush v6, $0x0  }
0x482: {  	(v2sf) =	vpush v6, $0x1;
	_ =	sdelay $0x1  }
0x483: {  	(v2sf) =	vpush v6, $0x2;
	_ =	sdelay $0x1  }
0x484: {  	(v2sf) =	vpush v6, $0x3;
	_ =	sdelay $0x1  }
0x485: {  	(v2sf) =	vpush v6, $0x4;
	_ =	sdelay $0x1  }
0x486: {  	(v2sf) =	vpush v6, $0x5;
	_ =	sdelay $0x1  }
0x487: {  	(v2sf) =	vpush v6, $0x6;
	_ =	sdelay $0x1  }
0x488: {  	(v2sf) =	vpush v6, $0x7;
	_ =	sdelay $0x1  }
0x489: {  	s21 =	spop (v2sf);
	(v2sf) =	vpush v6, $0x8  }
0x48a: {  	s22 =	spop (v2sf)  }
0x48b: {  	(v2sf) =	vpush v6, $0x9;
	s21 =	sadd.f32 s22, s21  }
0x48c: {  	s25 =	spop (v2sf)  }
0x48d: {  	(v2sf) =	vpush v6, $0xA;
	s21 =	sadd.f32 s21, s25  }
0x48e: {  	s26 =	spop (v2sf)  }
0x48f: {  	(v2sf) =	vpush v6, $0xB;
	s21 =	sadd.f32 s21, s26  }
0x490: {  	s28 =	spop (v2sf)  }
0x491: {  	(v2sf) =	vpush v6, $0xC;
	s21 =	sadd.f32 s21, s28  }
0x492: {  	s29 =	spop (v2sf)  }
0x493: {  	(v2sf) =	vpush v6, $0xD;
	s21 =	sadd.f32 s21, s29  }
0x494: {  	s30 =	spop (v2sf)  }
0x495: {  	(v2sf) =	vpush v6, $0xE;
	s21 =	sadd.f32 s21, s30  }
0x496: {  	s31 =	spop (v2sf)  }
0x497: {  	(v2sf) =	vpush v6, $0xF;
	s21 =	sadd.f32 s21, s31  }
0x498: {  	s23 =	spop (v2sf)  }
0x499: {  	s21 =	sadd.f32 s21, s23  }
0x49a: {  	s24 =	spop (v2sf)  }
0x49b: {  	s21 =	sadd.f32 s21, s24  }
0x49c: {  	s25 =	spop (v2sf)  }
0x49d: {  	s21 =	sadd.f32 s21, s25  }
0x49e: {  	s26 =	spop (v2sf)  }
0x49f: {  	s21 =	sadd.f32 s21, s26  }
0x4a0: {  	s28 =	spop (v2sf)  }
0x4a1: {  	s21 =	sadd.f32 s21, s28  }
0x4a2: {  	s29 =	spop (v2sf)  }
0x4a3: {  	s21 =	sadd.f32 s21, s29  }
0x4a4: {  	s30 =	spop (v2sf)  }
0x4a5: {  	s21 =	sadd.f32 s21, s30  }
0x4a6: {  	s31 =	spop (v2sf)  }
0x4a7: {  	s21 =	sadd.f32 s21, s31;
	_ =	sdelay $0x1  }
0x4a8: {  	v62 =	vmov s21  }
0x4a9: {  	v6 =	vmax.f32 v62, $9.999999960e-13  }
0x4aa: {  	v6 =	vbroadcast v6, $0x0;
	_ =	sdelay $0x1  }
0x4ab: {  	v63 =	vshra.s32 v6, $0x1;
	v8 =	vmul.f32 $5.000000000e-01, v6  }
0x4ac: {  	v7 =	vsub.s32 $0x5F3759DF, v63  }
0x4ad: {  	v9 =	vmul.f32 v7, v8;
	_ =	sdelay $0x1  }
0x4ae: {  	v9 =	vmul.f32 v7, v9;
	_ =	sdelay $0x1  }
0x4af: {  	v9 =	vsub.f32 $1.500000000e+00, v9;
	_ =	sdelay $0x1  }
0x4b0: {  	v7 =	vmul.f32 v7, v9;
	_ =	sdelay $0x1  }
0x4b1: {  	v9 =	vmul.f32 v7, v8;
	_ =	sdelay $0x1  }
0x4b2: {  	v9 =	vmul.f32 v9, v7;
	_ =	sdelay $0x1  }
0x4b3: {  	v9 =	vsub.f32 $1.500000000e+00, v9;
	_ =	sdelay $0x1  }
0x4b4: {  	v7 =	vmul.f32 v9, v7;
	_ =	sdelay $0x1  }
0x4b5: {  	v9 =	vmul.f32 v7, v8;
	_ =	sdelay $0x1  }
0x4b6: {  	v9 =	vmul.f32 v9, v7;
	_ =	sdelay $0x1  }
0x4b7: {  	v9 =	vsub.f32 $1.500000000e+00, v9;
	_ =	sdelay $0x1  }
0x4b8: {  	v7 =	vmul.f32 v9, v7;
	_ =	sdelay $0x1  }
0x4b9: {  	v8 =	vmul.f32 v7, v8;
	_ =	sdelay $0x1  }
0x4ba: {  	v8 =	vmul.f32 v8, v7;
	_ =	sdelay $0x1  }
0x4bb: {  	v8 =	vsub.f32 $1.500000000e+00, v8;
	_ =	sdelay $0x1  }
0x4bc: {  	v7 =	vmul.f32 v8, v7;
	_ =	sdelay $0x1  }
0x4bd: {  	v6 =	vmul.f32 v7, v6;
	_ =	sdelay $0x1  }
0x4be: {  	v6 =	vmax.f32 v6, $9.999999970e-07  }
0x4bf: {  	(erf) = vrcp.f32 v6;
	_ =	sdelay $0x8  }
0x4c0: {  	v6 =	vpop (erf)  }
0x4c1: {  	v2 =	vmul.f32 v6, v2  }
0x4c2: {  	v3 =	vmul.f32 v6, v3  }
0x4c3: {  	[tilespmem:s18+$0x140] =	vst v2;
	v2 =	vmul.f32 v6, v4  }
0x4c4: {  	[tilespmem:s18+$0x150] =	vst v3;
	v3 =	vmul.f32 v6, v5  }
0x4c5: {  	[tilespmem:s18+$0x160] =	vst v2  }
0x4c6: {  	[tilespmem:s18+$0x170] =	vst v3  }
.LBB2_30:
0x4c7: {  	(v2sf) =	vpush v1, $0xE;
	_ =	sdelay $0xe  }
0x4c8: {  	s21 =	spop (v2sf)  }
0x4c9: {  	p0 =	seq.s32 s21, $0x0  }
.Ltmp18:
0x4ca: {  	_ = 	snop;
	(pc) =	sbr.rel @p0 .LBB2_32-.Ltmp18, $1  }
0x4cb: {  	_ =	sdelay $0x3  }
0x4cc: {  	v2 =	vld [tilespmem:s19+$0x180]  }
0x4cd: {  	v3 =	vld [tilespmem:s19+$0x190];
	_ =	sdelay $0x1  }
0x4ce: {  	v4 =	vld [tilespmem:s19+$0x1A0];
	_ =	sdelay $0x1  }
0x4cf: {  	v5 =	vld [tilespmem:s19+$0x1B0]  }
0x4d0: {  	v6 =	vmul.f32 v2, v2;
	v7 =	vmul.f32 v3, v3;
	_ =	sdelay $0x1  }
0x4d1: {  	v60 =	vmul.f32 v4, v4;
	v6 =	vadd.f32 v7, v6;
	_ =	sdelay $0x1  }
0x4d2: {  	v61 =	vmul.f32 v5, v5;
	v6 =	vadd.f32 v60, v6;
	_ =	sdelay $0x1  }
0x4d3: {  	v6 =	vadd.f32 v61, v6;
	_ =	sdelay $0x1  }
0x4d4: {  	(v2sf) =	vpush v6, $0x0  }
0x4d5: {  	(v2sf) =	vpush v6, $0x1;
	_ =	sdelay $0x1  }
0x4d6: {  	(v2sf) =	vpush v6, $0x2;
	_ =	sdelay $0x1  }
0x4d7: {  	(v2sf) =	vpush v6, $0x3;
	_ =	sdelay $0x1  }
0x4d8: {  	(v2sf) =	vpush v6, $0x4;
	_ =	sdelay $0x1  }
0x4d9: {  	(v2sf) =	vpush v6, $0x5;
	_ =	sdelay $0x1  }
0x4da: {  	(v2sf) =	vpush v6, $0x6;
	_ =	sdelay $0x1  }
0x4db: {  	(v2sf) =	vpush v6, $0x7;
	_ =	sdelay $0x1  }
0x4dc: {  	s21 =	spop (v2sf);
	(v2sf) =	vpush v6, $0x8  }
0x4dd: {  	s22 =	spop (v2sf)  }
0x4de: {  	(v2sf) =	vpush v6, $0x9;
	s21 =	sadd.f32 s22, s21  }
0x4df: {  	s25 =	spop (v2sf)  }
0x4e0: {  	(v2sf) =	vpush v6, $0xA;
	s21 =	sadd.f32 s21, s25  }
0x4e1: {  	s26 =	spop (v2sf)  }
0x4e2: {  	(v2sf) =	vpush v6, $0xB;
	s21 =	sadd.f32 s21, s26  }
0x4e3: {  	s28 =	spop (v2sf)  }
0x4e4: {  	(v2sf) =	vpush v6, $0xC;
	s21 =	sadd.f32 s21, s28  }
0x4e5: {  	s29 =	spop (v2sf)  }
0x4e6: {  	(v2sf) =	vpush v6, $0xD;
	s21 =	sadd.f32 s21, s29  }
0x4e7: {  	s30 =	spop (v2sf)  }
0x4e8: {  	(v2sf) =	vpush v6, $0xE;
	s21 =	sadd.f32 s21, s30  }
0x4e9: {  	s31 =	spop (v2sf)  }
0x4ea: {  	(v2sf) =	vpush v6, $0xF;
	s21 =	sadd.f32 s21, s31  }
0x4eb: {  	s23 =	spop (v2sf)  }
0x4ec: {  	s21 =	sadd.f32 s21, s23  }
0x4ed: {  	s24 =	spop (v2sf)  }
0x4ee: {  	s21 =	sadd.f32 s21, s24  }
0x4ef: {  	s25 =	spop (v2sf)  }
0x4f0: {  	s21 =	sadd.f32 s21, s25  }
0x4f1: {  	s26 =	spop (v2sf)  }
0x4f2: {  	s21 =	sadd.f32 s21, s26  }
0x4f3: {  	s28 =	spop (v2sf)  }
0x4f4: {  	s21 =	sadd.f32 s21, s28  }
0x4f5: {  	s29 =	spop (v2sf)  }
0x4f6: {  	s21 =	sadd.f32 s21, s29  }
0x4f7: {  	s30 =	spop (v2sf)  }
0x4f8: {  	s21 =	sadd.f32 s21, s30  }
0x4f9: {  	s31 =	spop (v2sf)  }
0x4fa: {  	s21 =	sadd.f32 s21, s31;
	_ =	sdelay $0x1  }
0x4fb: {  	v62 =	vmov s21  }
0x4fc: {  	v6 =	vmax.f32 v62, $9.999999960e-13  }
0x4fd: {  	v6 =	vbroadcast v6, $0x0;
	_ =	sdelay $0x1  }
0x4fe: {  	v63 =	vshra.s32 v6, $0x1;
	v8 =	vmul.f32 $5.000000000e-01, v6  }
0x4ff: {  	v7 =	vsub.s32 $0x5F3759DF, v63  }
0x500: {  	v9 =	vmul.f32 v7, v8;
	_ =	sdelay $0x1  }
0x501: {  	v9 =	vmul.f32 v7, v9;
	_ =	sdelay $0x1  }
0x502: {  	v9 =	vsub.f32 $1.500000000e+00, v9;
	_ =	sdelay $0x1  }
0x503: {  	v7 =	vmul.f32 v7, v9;
	_ =	sdelay $0x1  }
0x504: {  	v9 =	vmul.f32 v7, v8;
	_ =	sdelay $0x1  }
0x505: {  	v9 =	vmul.f32 v9, v7;
	_ =	sdelay $0x1  }
0x506: {  	v9 =	vsub.f32 $1.500000000e+00, v9;
	_ =	sdelay $0x1  }
0x507: {  	v7 =	vmul.f32 v9, v7;
	_ =	sdelay $0x1  }
0x508: {  	v9 =	vmul.f32 v7, v8;
	_ =	sdelay $0x1  }
0x509: {  	v9 =	vmul.f32 v9, v7;
	_ =	sdelay $0x1  }
0x50a: {  	v9 =	vsub.f32 $1.500000000e+00, v9;
	_ =	sdelay $0x1  }
0x50b: {  	v7 =	vmul.f32 v9, v7;
	_ =	sdelay $0x1  }
0x50c: {  	v8 =	vmul.f32 v7, v8;
	_ =	sdelay $0x1  }
0x50d: {  	v8 =	vmul.f32 v8, v7;
	_ =	sdelay $0x1  }
0x50e: {  	v8 =	vsub.f32 $1.500000000e+00, v8;
	_ =	sdelay $0x1  }
0x50f: {  	v7 =	vmul.f32 v8, v7;
	_ =	sdelay $0x1  }
0x510: {  	v6 =	vmul.f32 v7, v6;
	_ =	sdelay $0x1  }
0x511: {  	v6 =	vmax.f32 v6, $9.999999970e-07  }
0x512: {  	(erf) = vrcp.f32 v6;
	_ =	sdelay $0x8  }
0x513: {  	v6 =	vpop (erf)  }
0x514: {  	v2 =	vmul.f32 v6, v2  }
0x515: {  	v3 =	vmul.f32 v6, v3  }
0x516: {  	[tilespmem:s18+$0x180] =	vst v2;
	v2 =	vmul.f32 v6, v4  }
0x517: {  	[tilespmem:s18+$0x190] =	vst v3;
	v3 =	vmul.f32 v6, v5  }
0x518: {  	[tilespmem:s18+$0x1A0] =	vst v2  }
0x519: {  	[tilespmem:s18+$0x1B0] =	vst v3  }
.LBB2_32:
0x51a: {  	(v2sf) =	vpush v1, $0xF;
	_ =	sdelay $0xe  }
0x51b: {  	s21 =	spop (v2sf)  }
0x51c: {  	p0 =	seq.s32 s21, $0x0  }
.Ltmp19:
0x51d: {  	_ = 	snop;
	(pc) =	sbr.rel @p0 .LBB2_34-.Ltmp19, $1  }
0x51e: {  	_ =	sdelay $0x3  }
0x51f: {  	v1 =	vld [tilespmem:s19+$0x1C0]  }
0x520: {  	v2 =	vld [tilespmem:s19+$0x1D0];
	_ =	sdelay $0x1  }
0x521: {  	v3 =	vld [tilespmem:s19+$0x1E0];
	_ =	sdelay $0x1  }
0x522: {  	v4 =	vld [tilespmem:s19+$0x1F0]  }
0x523: {  	v5 =	vmul.f32 v1, v1;
	v6 =	vmul.f32 v2, v2;
	_ =	sdelay $0x1  }
0x524: {  	v60 =	vmul.f32 v3, v3;
	v5 =	vadd.f32 v6, v5;
	_ =	sdelay $0x1  }
0x525: {  	v61 =	vmul.f32 v4, v4;
	v5 =	vadd.f32 v60, v5;
	_ =	sdelay $0x1  }
0x526: {  	v5 =	vadd.f32 v61, v5;
	_ =	sdelay $0x1  }
0x527: {  	(v2sf) =	vpush v5, $0x0  }
0x528: {  	(v2sf) =	vpush v5, $0x1;
	_ =	sdelay $0x1  }
0x529: {  	(v2sf) =	vpush v5, $0x2;
	_ =	sdelay $0x1  }
0x52a: {  	(v2sf) =	vpush v5, $0x3;
	_ =	sdelay $0x1  }
0x52b: {  	(v2sf) =	vpush v5, $0x4;
	_ =	sdelay $0x1  }
0x52c: {  	(v2sf) =	vpush v5, $0x5;
	_ =	sdelay $0x1  }
0x52d: {  	(v2sf) =	vpush v5, $0x6;
	_ =	sdelay $0x1  }
0x52e: {  	(v2sf) =	vpush v5, $0x7;
	_ =	sdelay $0x1  }
0x52f: {  	s21 =	spop (v2sf);
	(v2sf) =	vpush v5, $0x8  }
0x530: {  	s22 =	spop (v2sf)  }
0x531: {  	(v2sf) =	vpush v5, $0x9;
	s21 =	sadd.f32 s22, s21  }
0x532: {  	s25 =	spop (v2sf)  }
0x533: {  	(v2sf) =	vpush v5, $0xA;
	s21 =	sadd.f32 s21, s25  }
0x534: {  	s26 =	spop (v2sf)  }
0x535: {  	(v2sf) =	vpush v5, $0xB;
	s21 =	sadd.f32 s21, s26  }
0x536: {  	s28 =	spop (v2sf)  }
0x537: {  	(v2sf) =	vpush v5, $0xC;
	s21 =	sadd.f32 s21, s28  }
0x538: {  	s29 =	spop (v2sf)  }
0x539: {  	(v2sf) =	vpush v5, $0xD;
	s21 =	sadd.f32 s21, s29  }
0x53a: {  	s30 =	spop (v2sf)  }
0x53b: {  	(v2sf) =	vpush v5, $0xE;
	s21 =	sadd.f32 s21, s30  }
0x53c: {  	s31 =	spop (v2sf)  }
0x53d: {  	(v2sf) =	vpush v5, $0xF;
	s21 =	sadd.f32 s21, s31  }
0x53e: {  	s23 =	spop (v2sf)  }
0x53f: {  	s21 =	sadd.f32 s21, s23  }
0x540: {  	s24 =	spop (v2sf)  }
0x541: {  	s21 =	sadd.f32 s21, s24  }
0x542: {  	s25 =	spop (v2sf)  }
0x543: {  	s21 =	sadd.f32 s21, s25  }
0x544: {  	s26 =	spop (v2sf)  }
0x545: {  	s21 =	sadd.f32 s21, s26  }
0x546: {  	s28 =	spop (v2sf)  }
0x547: {  	s21 =	sadd.f32 s21, s28  }
0x548: {  	s29 =	spop (v2sf)  }
0x549: {  	s21 =	sadd.f32 s21, s29  }
0x54a: {  	s30 =	spop (v2sf)  }
0x54b: {  	s21 =	sadd.f32 s21, s30  }
0x54c: {  	s31 =	spop (v2sf)  }
0x54d: {  	s21 =	sadd.f32 s21, s31;
	_ =	sdelay $0x1  }
0x54e: {  	v62 =	vmov s21  }
0x54f: {  	v5 =	vmax.f32 v62, $9.999999960e-13  }
0x550: {  	v5 =	vbroadcast v5, $0x0;
	_ =	sdelay $0x1  }
0x551: {  	v63 =	vshra.s32 v5, $0x1;
	v7 =	vmul.f32 $5.000000000e-01, v5  }
0x552: {  	v6 =	vsub.s32 $0x5F3759DF, v63  }
0x553: {  	v8 =	vmul.f32 v6, v7;
	_ =	sdelay $0x1  }
0x554: {  	v8 =	vmul.f32 v6, v8;
	_ =	sdelay $0x1  }
0x555: {  	v8 =	vsub.f32 $1.500000000e+00, v8;
	_ =	sdelay $0x1  }
0x556: {  	v6 =	vmul.f32 v6, v8;
	_ =	sdelay $0x1  }
0x557: {  	v8 =	vmul.f32 v6, v7;
	_ =	sdelay $0x1  }
0x558: {  	v8 =	vmul.f32 v8, v6;
	_ =	sdelay $0x1  }
0x559: {  	v8 =	vsub.f32 $1.500000000e+00, v8;
	_ =	sdelay $0x1  }
0x55a: {  	v6 =	vmul.f32 v8, v6;
	_ =	sdelay $0x1  }
0x55b: {  	v8 =	vmul.f32 v6, v7;
	_ =	sdelay $0x1  }
0x55c: {  	v8 =	vmul.f32 v8, v6;
	_ =	sdelay $0x1  }
0x55d: {  	v8 =	vsub.f32 $1.500000000e+00, v8;
	_ =	sdelay $0x1  }
0x55e: {  	v6 =	vmul.f32 v8, v6;
	_ =	sdelay $0x1  }
0x55f: {  	v7 =	vmul.f32 v6, v7;
	_ =	sdelay $0x1  }
0x560: {  	v7 =	vmul.f32 v7, v6;
	_ =	sdelay $0x1  }
0x561: {  	v7 =	vsub.f32 $1.500000000e+00, v7;
	_ =	sdelay $0x1  }
0x562: {  	v6 =	vmul.f32 v7, v6;
	_ =	sdelay $0x1  }
0x563: {  	v5 =	vmul.f32 v6, v5;
	_ =	sdelay $0x1  }
0x564: {  	v5 =	vmax.f32 v5, $9.999999970e-07  }
0x565: {  	(erf) = vrcp.f32 v5;
	_ =	sdelay $0x8  }
0x566: {  	v5 =	vpop (erf)  }
0x567: {  	v1 =	vmul.f32 v5, v1  }
.Ltmp20:
0x568: {  	v2 =	vmul.f32 v5, v2;
	(pc) =	sbr.rel .LBB2_34-.Ltmp20, $4  }
0x569: {  	[tilespmem:s18+$0x1C0] =	vst v1;
	v1 =	vmul.f32 v5, v3  }
0x56a: {  	[tilespmem:s18+$0x1D0] =	vst v2;
	v2 =	vmul.f32 v5, v4  }
0x56b: {  	[tilespmem:s18+$0x1E0] =	vst v1  }
0x56c: {  	[tilespmem:s18+$0x1F0] =	vst v2  }
.LBB2_36:
0x56d: {  	_ =	sfence.sel $0x180000  }
0x56e: {  	[bflag:$0x0] =	sbarrier.arrive $0xFFFF  }
0x56f: {  	p0 =	sne.s32 s1, $0x0;
	_ =	strace $0x90000047  }
0x570: {  	s0 =	sadd.s32 @!p0 $0x100000, s0;
	[bflag:$0x2] =	sbarrier.arrive $0xFFFF  }
0x571: {  	[sflag:s0] =	ssyncadd.tile.s32 @!p0 $0x1;
	_ =	shalt  }
.Lfunc_end2:
_tile_overlayer_lowered:
.L_overlay_start_2:
0x572: {  	(tag) =	ssettag $0x2  }
0x573: {  	s0 =	rddreg [dreg:$0x0];
	s2 =	stileid.u32  }
0x574: {  	s1 =	rddreg [dreg:$0x1];
	p0 =	sne.s32 s2, $0x0  }
0x575: {  	s3 =	rddreg [dreg:$0x2];
	[bflag:$0x3] =	sbarrier.arrive $0xFFFF;
	s2 =	simm.s32 @!p0 $0x1C01  }
0x576: {  	[timem:s3], [sflag:s2] =	dma.local @!p0 [hbm:s0], s1  }
0x577: {  	s0 =	simm.s32 @!p0 $0x1  }
0x578: {  	_ =	swait.ge @!p0 [sflag:s0], s1  }
0x579: {  	s1 =	ssub.s32 @!p0 $0x0, s1;
	[sflag:s0] =	ssyncset.done @!p0 $0x0  }
0x57a: {  	[sflag:s0] =	ssyncadd.s32 @!p0 s1  }
0x57b: {  	[bflag:$0x3] =	sbarrier.arrive $0xFFFF  }
0x57c: {  	_ =	shalt  }

</sc_bundles>
